<compile_context>
chip_gen: v7x
topology: tpu7x:2x2x1
jax: 0.10.2.dev20260603
libtpu: 0.0.44.dev20260713+nightly
codegen_flags: <defaults>
</compile_context>

<pallas_src>
import functools

import jax
import jax.numpy as jnp
from jax import lax
from jax.experimental import pallas as pl
from jax.experimental.pallas import tpu as pltpu
from jax.experimental.pallas import tpu_sc as plsc

N_NODES = 10000
FDIM = 128
N_CORES = 2
N_SUBCORES = 16
N_TILES = N_CORES * N_SUBCORES
N_PAD = 10240
ROWS_PER_TILE = N_PAD // N_SUBCORES
CH = 128
CHUNKS_PER_TILE = 80
E_REAL = 320000
REAL_ROWS = E_REAL // CH
E_PAD = N_TILES * CHUNKS_PER_TILE * CH
PAD_ROWS = E_PAD // CH - REAL_ROWS
NBUF = 2
NIBUF = 8


CHB = 1000
HCHUNKS = E_REAL // CHB // N_TILES


def _sc_degree(dst_big, ones_ch, zvec):
    mesh = plsc.VectorSubcoreMesh(core_axis_name="c", subcore_axis_name="s")

    @functools.partial(
        pl.kernel,
        out_type=jax.ShapeDtypeStruct((N_CORES, N_PAD), jnp.float32),
        mesh=mesh,
        scratch_types=(
            [pltpu.VMEM_SHARED((N_PAD,), jnp.float32)]
            + [pltpu.VMEM((1, CHB), jnp.int32) for _ in range(HCHUNKS)]
            + [pltpu.VMEM((CHB,), jnp.float32)]
            + [pltpu.SemaphoreType.DMA for _ in range(HCHUNKS)]
        ),
    )
    def deg_kernel(dst_hbm, ones_hbm, zvec_hbm, deg_out, deg_sh, *rest):
        di = rest[:HCHUNKS]
        ones_v = rest[HCHUNKS]
        sems = rest[HCHUNKS + 1:]
        cid = lax.axis_index("c")
        sid = lax.axis_index("s")
        wid = cid * N_SUBCORES + sid
        rbase = pl.multiple_of(sid * ROWS_PER_TILE, 8)
        for k in range(HCHUNKS):
            pltpu.make_async_copy(dst_hbm.at[wid * HCHUNKS + k],
                                  di[k].at[0], sems[k]).start()
        pltpu.sync_copy(zvec_hbm, deg_sh.at[pl.ds(rbase, ROWS_PER_TILE)])
        pltpu.sync_copy(ones_hbm, ones_v)
        plsc.subcore_barrier()
        for k in range(HCHUNKS):
            pltpu.make_async_copy(dst_hbm.at[0], di[k].at[0], sems[k]).wait()
            pltpu.sync_copy(ones_v, deg_sh.at[di[k].at[0]], add=True)

        plsc.subcore_barrier()
        pltpu.sync_copy(deg_sh.at[pl.ds(rbase, ROWS_PER_TILE)],
                        deg_out.at[cid, pl.ds(rbase, ROWS_PER_TILE)])

    return deg_kernel(dst_big, ones_ch, zvec)


def _sc_aggregate(src_rows, dst_rows, g, dinv_pad, zrow, zvec):
    mesh = plsc.VectorSubcoreMesh(core_axis_name="c", subcore_axis_name="s")

    @functools.partial(
        pl.kernel,
        out_type=(jax.ShapeDtypeStruct((N_CORES, N_PAD, FDIM), jnp.float32),
                  jax.ShapeDtypeStruct((N_CORES, N_PAD), jnp.float32)),
        mesh=mesh,
        scratch_types=(
            [pltpu.VMEM_SHARED((N_PAD, FDIM), jnp.float32),
             pltpu.VMEM_SHARED((N_PAD,), jnp.float32),
             pltpu.VMEM_SHARED((N_PAD,), jnp.float32)]
            + [pltpu.VMEM((1, CH), jnp.int32) for _ in range(2 * NIBUF)]
            + [pltpu.VMEM((CH, FDIM), jnp.float32) for _ in range(NBUF)]
            + [pltpu.VMEM((CH,), jnp.float32) for _ in range(NBUF)]
            + [pltpu.SemaphoreType.DMA for _ in range(2 * NIBUF + 2 * NBUF)]
        ),
    )
    def agg_kernel(src_hbm, dst_hbm, g_hbm, dinv_hbm, zrow_hbm, zvec_hbm,
                   acc_out, c_out, acc_sh, c_sh, dinv_sh, *bufs):
        sb = bufs[:NIBUF]
        db = bufs[NIBUF:2 * NIBUF]
        k = 2 * NIBUF
        rows = bufs[k:k + NBUF]
        vals = bufs[k + NBUF:k + 2 * NBUF]
        k += 2 * NBUF
        sem_s = bufs[k:k + NIBUF]
        sem_di = bufs[k + NIBUF:k + 2 * NIBUF]
        k += 2 * NIBUF
        sem_g = bufs[k:k + NBUF]
        sem_d = bufs[k + NBUF:k + 2 * NBUF]
        cid = lax.axis_index("c")
        sid = lax.axis_index("s")
        wid = cid * N_SUBCORES + sid
        rbase = pl.multiple_of(sid * ROWS_PER_TILE, 8)

        def fetch_idx(ch, j):
            r = wid * CHUNKS_PER_TILE + ch
            pltpu.make_async_copy(src_hbm.at[r], sb[j].at[0], sem_s[j]).start()
            pltpu.make_async_copy(dst_hbm.at[r], db[j].at[0], sem_di[j]).start()

        def wait_idx(j):
            pltpu.make_async_copy(src_hbm.at[0], sb[j].at[0], sem_s[j]).wait()
            pltpu.make_async_copy(dst_hbm.at[0], db[j].at[0], sem_di[j]).wait()

        def fetch_data(j, b):
            pltpu.make_async_copy(g_hbm.at[sb[j].at[0]], rows[b],
                                  sem_g[b]).start()
            pltpu.make_async_copy(dinv_sh.at[db[j].at[0]], vals[b],
                                  sem_d[b]).start()

        def consume(j, b):
            pltpu.make_async_copy(g_hbm.at[sb[j].at[0]], rows[b],
                                  sem_g[b]).wait()
            pltpu.sync_copy(rows[b], acc_sh.at[db[j].at[0]], add=True)
            pltpu.make_async_copy(dinv_sh.at[db[j].at[0]], vals[b],
                                  sem_d[b]).wait()
            pltpu.sync_copy(vals[b], c_sh.at[sb[j].at[0]], add=True)

        for j in range(NIBUF):
            fetch_idx(j, j)
        pltpu.sync_copy(zrow_hbm, acc_sh.at[pl.ds(rbase, ROWS_PER_TILE)])
        pltpu.sync_copy(zvec_hbm, c_sh.at[pl.ds(rbase, ROWS_PER_TILE)])
        pltpu.sync_copy(dinv_hbm.at[pl.ds(rbase, ROWS_PER_TILE)],
                        dinv_sh.at[pl.ds(rbase, ROWS_PER_TILE)])
        plsc.subcore_barrier()
        for b in range(NBUF):
            wait_idx(b)
            fetch_data(b, b)

        @pl.loop(0, CHUNKS_PER_TILE - NIBUF, step=NIBUF)
        def _(i):
            for b in range(NIBUF):
                j = b
                b2 = b % NBUF
                consume(j, b2)
                fetch_idx(i + b + NIBUF, j)
                jn = (b + NBUF) % NIBUF
                wait_idx(jn)
                fetch_data(jn, b2)

        for b in range(NIBUF):
            ch = CHUNKS_PER_TILE - NIBUF + b
            consume(b, b % NBUF)
            if ch + NBUF < CHUNKS_PER_TILE:
                jn = (b + NBUF) % NIBUF
                wait_idx(jn)
                fetch_data(jn, b % NBUF)

        plsc.subcore_barrier()
        pltpu.sync_copy(acc_sh.at[pl.ds(rbase, ROWS_PER_TILE)],
                        acc_out.at[cid, pl.ds(rbase, ROWS_PER_TILE)])
        pltpu.sync_copy(c_sh.at[pl.ds(rbase, ROWS_PER_TILE)],
                        c_out.at[cid, pl.ds(rbase, ROWS_PER_TILE)])

    return agg_kernel(src_rows, dst_rows, g, dinv_pad, zrow, zvec)


def _tc_matmul(x, W):
    BLK = 2000

    def body(x_ref, w_ref, o_ref):
        o_ref[...] = jnp.dot(x_ref[...], w_ref[...],
                             preferred_element_type=jnp.float32,
                             precision=lax.Precision.HIGHEST)

    return pl.pallas_call(
        body,
        grid=(N_NODES // BLK,),
        in_specs=[pl.BlockSpec((BLK, FDIM), lambda i: (i, 0)),
                  pl.BlockSpec((FDIM, FDIM), lambda i: (0, 0))],
        out_specs=pl.BlockSpec((BLK, FDIM), lambda i: (i, 0)),
        out_shape=jax.ShapeDtypeStruct((N_NODES, FDIM), jnp.float32),
    )(x, W)


def _tc_scale(h, degp):
    BLK = 2000

    def body(h_ref, deg_ref, g_ref, dinv_ref):
        deg = deg_ref[0] + deg_ref[1] + 1.0
        dinv = lax.rsqrt(deg)
        g_ref[...] = h_ref[...] * dinv
        dinv_ref[...] = dinv

    return pl.pallas_call(
        body,
        grid=(N_NODES // BLK,),
        in_specs=[pl.BlockSpec((BLK, FDIM), lambda i: (i, 0)),
                  pl.BlockSpec((2, BLK, 1), lambda i: (0, i, 0))],
        out_specs=[pl.BlockSpec((BLK, FDIM), lambda i: (i, 0)),
                   pl.BlockSpec((BLK, 1), lambda i: (i, 0))],
        out_shape=[jax.ShapeDtypeStruct((N_NODES, FDIM), jnp.float32),
                   jax.ShapeDtypeStruct((N_NODES, 1), jnp.float32)],
    )(h, degp.reshape(N_CORES, N_PAD, 1))


def _tc_final(accp, g, dinv2, cp, b1r, W2, b2r):
    BLK = 2000
    nb = N_NODES // BLK

    def body(acc_ref, g_ref, dinv_ref, c_ref, b1_ref, w2_ref, b2_ref,
             o_ref, v_ref):
        i = pl.program_id(0)

        @pl.when(i == 0)
        def _():
            v_ref[...] = jnp.zeros_like(v_ref)

        dinv = dinv_ref[...]
        agg = acc_ref[0] + acc_ref[1]
        h1 = jnp.maximum(dinv * (agg + g_ref[...]) + b1_ref[...], 0.0)
        w = dinv * (c_ref[0] + c_ref[1] + dinv)
        v_ref[...] += jnp.sum(w * h1, axis=0, keepdims=True)

        @pl.when(i == nb - 1)
        def _():
            o_ref[...] = (jnp.dot(v_ref[...], w2_ref[...],
                                  preferred_element_type=jnp.float32,
                                  precision=lax.Precision.HIGHEST)
                          * (1.0 / N_NODES) + b2_ref[...])

    return pl.pallas_call(
        body,
        grid=(nb,),
        in_specs=[pl.BlockSpec((2, BLK, FDIM), lambda i: (0, i, 0)),
                  pl.BlockSpec((BLK, FDIM), lambda i: (i, 0)),
                  pl.BlockSpec((BLK, 1), lambda i: (i, 0)),
                  pl.BlockSpec((2, BLK, 1), lambda i: (0, i, 0)),
                  pl.BlockSpec((1, FDIM), lambda i: (0, 0)),
                  pl.BlockSpec((FDIM, FDIM), lambda i: (0, 0)),
                  pl.BlockSpec((1, FDIM), lambda i: (0, 0))],
        out_specs=pl.BlockSpec((1, FDIM), lambda i: (0, 0)),
        out_shape=jax.ShapeDtypeStruct((1, FDIM), jnp.float32),
        scratch_shapes=[pltpu.VMEM((1, FDIM), jnp.float32)],
    )(accp, g, dinv2, cp.reshape(N_CORES, N_PAD, 1), b1r, W2, b2r)


def kernel(x, edge_index, W1, b1, W2, b2):
    src = edge_index[0].astype(jnp.int32)
    dst = edge_index[1].astype(jnp.int32)
    dst_big = dst.reshape(E_REAL // CHB, CHB)
    n_pad_e = PAD_ROWS * CH
    pad_src = (jnp.arange(n_pad_e, dtype=jnp.int32) * 131) % N_NODES
    pad_dst = N_NODES + (jnp.arange(n_pad_e, dtype=jnp.int32)
                         % (N_PAD - N_NODES))
    src_rows = jnp.concatenate([src, pad_src]).reshape(E_PAD // CH, CH)
    dst_rows = jnp.concatenate([dst, pad_dst]).reshape(E_PAD // CH, CH)
    ones_ch = jnp.ones((CHB,), jnp.float32)
    zvec = jnp.zeros((ROWS_PER_TILE,), jnp.float32)
    zrow = jnp.zeros((ROWS_PER_TILE, FDIM), jnp.float32)

    degp = _sc_degree(dst_big, ones_ch, zvec)
    h = _tc_matmul(x, W1)
    g, dinv2 = _tc_scale(h, degp)
    dinv_pad = jnp.concatenate(
        [dinv2.reshape(N_NODES),
         jnp.zeros((N_PAD - N_NODES,), jnp.float32)])
    accp, cp = _sc_aggregate(src_rows, dst_rows, g, dinv_pad, zrow, zvec)
    return _tc_final(accp, g, dinv2, cp,
                     b1.reshape(1, FDIM), W2, b2.reshape(1, FDIM))

# --- scband reference (transcript-rebuilt; emitter-appended) ---
"""Pipeline reference for scband-gcnencoder-89859305767430 (READ-ONLY COPY).

The authoritative reference and input builder live on the scoring server;
editing this copy changes nothing except your own understanding.
"""

import jax, jax.numpy as jnp
import numpy as np

N_NODES = 10000
N_EDGES = 320000
IN_DIM = 128
HIDDEN_DIM = 128


def setup_inputs(seed: int = 0) -> dict:
    key = jax.random.key(seed)
    k_x, k_e, k_w1, k_b1, k_w2, k_b2 = jax.random.split(key, 6)
    x = jax.random.normal(k_x, (N_NODES, IN_DIM), dtype=jnp.float32)
    edge_index = jax.random.randint(k_e, (2, N_EDGES), 0, N_NODES, dtype=jnp.int64)
    s1 = 1.0 / np.sqrt(IN_DIM)
    s2 = 1.0 / np.sqrt(HIDDEN_DIM)
    W1 = jax.random.uniform(k_w1, (IN_DIM, HIDDEN_DIM), dtype=jnp.float32, minval=-s1, maxval=s1)
    b1 = jax.random.uniform(k_b1, (HIDDEN_DIM,), dtype=jnp.float32, minval=-s1, maxval=s1)
    W2 = jax.random.uniform(k_w2, (HIDDEN_DIM, HIDDEN_DIM), dtype=jnp.float32, minval=-s2, maxval=s2)
    b2 = jax.random.uniform(k_b2, (HIDDEN_DIM,), dtype=jnp.float32, minval=-s2, maxval=s2)
    return {"x": x, "edge_index": edge_index, "W1": W1, "b1": b1, "W2": W2, "b2": b2}


def _gcn_conv(x, src, dst, W, b):
    # x: [N, d_in] -> [N, d_out]; symmetric-normalized GCN conv with self-loops
    n = x.shape[0]
    h = x @ W
    loop = jnp.arange(n, dtype=src.dtype)
    src2 = jnp.concatenate([src, loop])
    dst2 = jnp.concatenate([dst, loop])
    deg = jnp.zeros((n,), dtype=h.dtype).at[dst2].add(1.0)
    dinv = jnp.where(deg > 0, jax.lax.rsqrt(deg), 0.0)
    norm = dinv[src2] * dinv[dst2]
    msg = h[src2] * norm[:, None]
    out = jnp.zeros_like(h).at[dst2].add(msg)
    return out + b


def reference(x, edge_index, W1, b1, W2, b2):
    src = edge_index[0]
    dst = edge_index[1]
    h = jax.nn.relu(_gcn_conv(x, src, dst, W1, b1))
    h = _gcn_conv(h, src, dst, W2, b2)
    # batch is None -> mean over nodes, keepdim
    return jnp.mean(h, axis=0, keepdims=True)

if __name__ == "__main__":
    import jax
    _d = setup_inputs()
    print(jax.jit(kernel)(*tuple(_d.values())))

</pallas_src>

<mosaic_0001>
#map = affine_map<(d0, d1) -> (0, 0)>
#map1 = affine_map<(d0, d1) -> (0)>
module attributes {stable_mosaic.version = 14 : i64} {
  func.func @deg_kernel(%arg0: i32, %arg1: i32, %arg2: memref<320x1000xi32, #tpu.memory_space<hbm>>, %arg3: memref<1000xf32, #tpu.memory_space<hbm>>, %arg4: memref<640xf32, #tpu.memory_space<hbm>>, %arg5: memref<2x10240xf32, #tpu.memory_space<hbm>>, %arg6: memref<10240xf32, #tpu.memory_space<vmem_shared>>, %arg7: memref<1x1000xi32, #tpu.memory_space<vmem>>, %arg8: memref<1x1000xi32, #tpu.memory_space<vmem>>, %arg9: memref<1x1000xi32, #tpu.memory_space<vmem>>, %arg10: memref<1x1000xi32, #tpu.memory_space<vmem>>, %arg11: memref<1x1000xi32, #tpu.memory_space<vmem>>, %arg12: memref<1x1000xi32, #tpu.memory_space<vmem>>, %arg13: memref<1x1000xi32, #tpu.memory_space<vmem>>, %arg14: memref<1x1000xi32, #tpu.memory_space<vmem>>, %arg15: memref<1x1000xi32, #tpu.memory_space<vmem>>, %arg16: memref<1x1000xi32, #tpu.memory_space<vmem>>, %arg17: memref<1000xf32, #tpu.memory_space<vmem>>, %arg18: memref<!tpu.dma_semaphore, #tpu.memory_space<semaphore_mem>>, %arg19: memref<!tpu.dma_semaphore, #tpu.memory_space<semaphore_mem>>, %arg20: memref<!tpu.dma_semaphore, #tpu.memory_space<semaphore_mem>>, %arg21: memref<!tpu.dma_semaphore, #tpu.memory_space<semaphore_mem>>, %arg22: memref<!tpu.dma_semaphore, #tpu.memory_space<semaphore_mem>>, %arg23: memref<!tpu.dma_semaphore, #tpu.memory_space<semaphore_mem>>, %arg24: memref<!tpu.dma_semaphore, #tpu.memory_space<semaphore_mem>>, %arg25: memref<!tpu.dma_semaphore, #tpu.memory_space<semaphore_mem>>, %arg26: memref<!tpu.dma_semaphore, #tpu.memory_space<semaphore_mem>>, %arg27: memref<!tpu.dma_semaphore, #tpu.memory_space<semaphore_mem>>) attributes {dimension_semantics = [#tpu.dimension_semantics<core_parallel>, #tpu.dimension_semantics<subcore_parallel>], iteration_bounds = array<i64: 2, 16>, scalar_prefetch = 0 : i64, scratch_operands = 22 : i64, tpu.core_type = #tpu.core_type<sc_vector_subcore>, window_params = [{transform_indices = #map}, {transform_indices = #map1}, {transform_indices = #map1}, {transform_indices = #map}]} {
    %mul3A = arith.constant 16 : i32
    %mul3A_0 = arith.muli %arg0, %mul3A : i32
    %add3A = arith.addi %mul3A_0, %arg1 : i32
    %mul3A_1 = arith.constant 640 : i32
    %mul3A_2 = arith.muli %arg1, %mul3A_1 : i32
    %multiple_of3A = tpu.assume_multiple %mul3A_2, 8 : i32
    %mul3A_3 = arith.constant 10 : i32
    %mul3A_4 = arith.muli %add3A, %mul3A_3 : i32
    %add3A_5 = arith.constant 0 : i32
    %add3A_6 = arith.addi %mul3A_4, %add3A_5 : i32
    %dma_start3A = arith.constant 0 : i32
    %dma_start3A_7 = arith.constant 0 : i32
    %dma_start3A_8 = tpu.memref_slice %arg7[%dma_start3A, %dma_start3A_7] : memref<1x1000xi32, #tpu.memory_space<vmem>> -> memref<1x1000xi32, #tpu.memory_space<vmem>>
    %dma_start3A_9 = tpu.memref_squeeze %dma_start3A_8 : memref<1x1000xi32, #tpu.memory_space<vmem>> -> memref<1000xi32, #tpu.memory_space<vmem>>
    %dma_start3A_10 = arith.constant 0 : i32
    %dma_start3A_11 = tpu.memref_slice %arg2[%add3A_6, %dma_start3A_10] : memref<320x1000xi32, #tpu.memory_space<hbm>> -> memref<1x1000xi32, #tpu.memory_space<hbm>>
    %dma_start3A_12 = tpu.memref_squeeze %dma_start3A_11 : memref<1x1000xi32, #tpu.memory_space<hbm>> -> memref<1000xi32, #tpu.memory_space<hbm>>
    %dma_start3A_13 = arith.constant 0 : i32
    %dma_start3A_14 = tpu.memref_slice %arg7[%dma_start3A, %dma_start3A_13] : memref<1x1000xi32, #tpu.memory_space<vmem>> -> memref<1x1000xi32, #tpu.memory_space<vmem>>
    %dma_start3A_15 = tpu.memref_squeeze %dma_start3A_14 : memref<1x1000xi32, #tpu.memory_space<vmem>> -> memref<1000xi32, #tpu.memory_space<vmem>>
    %dma_start3A_16 = arith.constant 0 : i32
    %dma_start3A_17 = tpu.memref_slice %arg2[%add3A_6, %dma_start3A_16] : memref<320x1000xi32, #tpu.memory_space<hbm>> -> memref<1x1000xi32, #tpu.memory_space<hbm>>
    %dma_start3A_18 = tpu.memref_squeeze %dma_start3A_17 : memref<1x1000xi32, #tpu.memory_space<hbm>> -> memref<1000xi32, #tpu.memory_space<hbm>>
    tpu.enqueue_dma source(%dma_start3A_18 : memref<1000xi32, #tpu.memory_space<hbm>>) target(%dma_start3A_15 : memref<1000xi32, #tpu.memory_space<vmem>>) target_semaphore(%arg18 : memref<!tpu.dma_semaphore, #tpu.memory_space<semaphore_mem>>)
    %mul3A_19 = arith.constant 10 : i32
    %mul3A_20 = arith.muli %add3A, %mul3A_19 : i32
    %add3A_21 = arith.constant 1 : i32
    %add3A_22 = arith.addi %mul3A_20, %add3A_21 : i32
    %dma_start3A_23 = arith.constant 0 : i32
    %dma_start3A_24 = arith.constant 0 : i32
    %dma_start3A_25 = tpu.memref_slice %arg8[%dma_start3A_23, %dma_start3A_24] : memref<1x1000xi32, #tpu.memory_space<vmem>> -> memref<1x1000xi32, #tpu.memory_space<vmem>>
    %dma_start3A_26 = tpu.memref_squeeze %dma_start3A_25 : memref<1x1000xi32, #tpu.memory_space<vmem>> -> memref<1000xi32, #tpu.memory_space<vmem>>
    %dma_start3A_27 = arith.constant 0 : i32
    %dma_start3A_28 = tpu.memref_slice %arg2[%add3A_22, %dma_start3A_27] : memref<320x1000xi32, #tpu.memory_space<hbm>> -> memref<1x1000xi32, #tpu.memory_space<hbm>>
    %dma_start3A_29 = tpu.memref_squeeze %dma_start3A_28 : memref<1x1000xi32, #tpu.memory_space<hbm>> -> memref<1000xi32, #tpu.memory_space<hbm>>
    %dma_start3A_30 = arith.constant 0 : i32
    %dma_start3A_31 = tpu.memref_slice %arg8[%dma_start3A_23, %dma_start3A_30] : memref<1x1000xi32, #tpu.memory_space<vmem>> -> memref<1x1000xi32, #tpu.memory_space<vmem>>
    %dma_start3A_32 = tpu.memref_squeeze %dma_start3A_31 : memref<1x1000xi32, #tpu.memory_space<vmem>> -> memref<1000xi32, #tpu.memory_space<vmem>>
    %dma_start3A_33 = arith.constant 0 : i32
    %dma_start3A_34 = tpu.memref_slice %arg2[%add3A_22, %dma_start3A_33] : memref<320x1000xi32, #tpu.memory_space<hbm>> -> memref<1x1000xi32, #tpu.memory_space<hbm>>
    %dma_start3A_35 = tpu.memref_squeeze %dma_start3A_34 : memref<1x1000xi32, #tpu.memory_space<hbm>> -> memref<1000xi32, #tpu.memory_space<hbm>>
    tpu.enqueue_dma source(%dma_start3A_35 : memref<1000xi32, #tpu.memory_space<hbm>>) target(%dma_start3A_32 : memref<1000xi32, #tpu.memory_space<vmem>>) target_semaphore(%arg19 : memref<!tpu.dma_semaphore, #tpu.memory_space<semaphore_mem>>)
    %mul3A_36 = arith.constant 10 : i32
    %mul3A_37 = arith.muli %add3A, %mul3A_36 : i32
    %add3A_38 = arith.constant 2 : i32
    %add3A_39 = arith.addi %mul3A_37, %add3A_38 : i32
    %dma_start3A_40 = arith.constant 0 : i32
    %dma_start3A_41 = arith.constant 0 : i32
    %dma_start3A_42 = tpu.memref_slice %arg9[%dma_start3A_40, %dma_start3A_41] : memref<1x1000xi32, #tpu.memory_space<vmem>> -> memref<1x1000xi32, #tpu.memory_space<vmem>>
    %dma_start3A_43 = tpu.memref_squeeze %dma_start3A_42 : memref<1x1000xi32, #tpu.memory_space<vmem>> -> memref<1000xi32, #tpu.memory_space<vmem>>
    %dma_start3A_44 = arith.constant 0 : i32
    %dma_start3A_45 = tpu.memref_slice %arg2[%add3A_39, %dma_start3A_44] : memref<320x1000xi32, #tpu.memory_space<hbm>> -> memref<1x1000xi32, #tpu.memory_space<hbm>>
    %dma_start3A_46 = tpu.memref_squeeze %dma_start3A_45 : memref<1x1000xi32, #tpu.memory_space<hbm>> -> memref<1000xi32, #tpu.memory_space<hbm>>
    %dma_start3A_47 = arith.constant 0 : i32
    %dma_start3A_48 = tpu.memref_slice %arg9[%dma_start3A_40, %dma_start3A_47] : memref<1x1000xi32, #tpu.memory_space<vmem>> -> memref<1x1000xi32, #tpu.memory_space<vmem>>
    %dma_start3A_49 = tpu.memref_squeeze %dma_start3A_48 : memref<1x1000xi32, #tpu.memory_space<vmem>> -> memref<1000xi32, #tpu.memory_space<vmem>>
    %dma_start3A_50 = arith.constant 0 : i32
    %dma_start3A_51 = tpu.memref_slice %arg2[%add3A_39, %dma_start3A_50] : memref<320x1000xi32, #tpu.memory_space<hbm>> -> memref<1x1000xi32, #tpu.memory_space<hbm>>
    %dma_start3A_52 = tpu.memref_squeeze %dma_start3A_51 : memref<1x1000xi32, #tpu.memory_space<hbm>> -> memref<1000xi32, #tpu.memory_space<hbm>>
    tpu.enqueue_dma source(%dma_start3A_52 : memref<1000xi32, #tpu.memory_space<hbm>>) target(%dma_start3A_49 : memref<1000xi32, #tpu.memory_space<vmem>>) target_semaphore(%arg20 : memref<!tpu.dma_semaphore, #tpu.memory_space<semaphore_mem>>)
    %mul3A_53 = arith.constant 10 : i32
    %mul3A_54 = arith.muli %add3A, %mul3A_53 : i32
    %add3A_55 = arith.constant 3 : i32
    %add3A_56 = arith.addi %mul3A_54, %add3A_55 : i32
    %dma_start3A_57 = arith.constant 0 : i32
    %dma_start3A_58 = arith.constant 0 : i32
    %dma_start3A_59 = tpu.memref_slice %arg10[%dma_start3A_57, %dma_start3A_58] : memref<1x1000xi32, #tpu.memory_space<vmem>> -> memref<1x1000xi32, #tpu.memory_space<vmem>>
    %dma_start3A_60 = tpu.memref_squeeze %dma_start3A_59 : memref<1x1000xi32, #tpu.memory_space<vmem>> -> memref<1000xi32, #tpu.memory_space<vmem>>
    %dma_start3A_61 = arith.constant 0 : i32
    %dma_start3A_62 = tpu.memref_slice %arg2[%add3A_56, %dma_start3A_61] : memref<320x1000xi32, #tpu.memory_space<hbm>> -> memref<1x1000xi32, #tpu.memory_space<hbm>>
    %dma_start3A_63 = tpu.memref_squeeze %dma_start3A_62 : memref<1x1000xi32, #tpu.memory_space<hbm>> -> memref<1000xi32, #tpu.memory_space<hbm>>
    %dma_start3A_64 = arith.constant 0 : i32
    %dma_start3A_65 = tpu.memref_slice %arg10[%dma_start3A_57, %dma_start3A_64] : memref<1x1000xi32, #tpu.memory_space<vmem>> -> memref<1x1000xi32, #tpu.memory_space<vmem>>
    %dma_start3A_66 = tpu.memref_squeeze %dma_start3A_65 : memref<1x1000xi32, #tpu.memory_space<vmem>> -> memref<1000xi32, #tpu.memory_space<vmem>>
    %dma_start3A_67 = arith.constant 0 : i32
    %dma_start3A_68 = tpu.memref_slice %arg2[%add3A_56, %dma_start3A_67] : memref<320x1000xi32, #tpu.memory_space<hbm>> -> memref<1x1000xi32, #tpu.memory_space<hbm>>
    %dma_start3A_69 = tpu.memref_squeeze %dma_start3A_68 : memref<1x1000xi32, #tpu.memory_space<hbm>> -> memref<1000xi32, #tpu.memory_space<hbm>>
    tpu.enqueue_dma source(%dma_start3A_69 : memref<1000xi32, #tpu.memory_space<hbm>>) target(%dma_start3A_66 : memref<1000xi32, #tpu.memory_space<vmem>>) target_semaphore(%arg21 : memref<!tpu.dma_semaphore, #tpu.memory_space<semaphore_mem>>)
    %mul3A_70 = arith.constant 10 : i32
    %mul3A_71 = arith.muli %add3A, %mul3A_70 : i32
    %add3A_72 = arith.constant 4 : i32
    %add3A_73 = arith.addi %mul3A_71, %add3A_72 : i32
    %dma_start3A_74 = arith.constant 0 : i32
    %dma_start3A_75 = arith.constant 0 : i32
    %dma_start3A_76 = tpu.memref_slice %arg11[%dma_start3A_74, %dma_start3A_75] : memref<1x1000xi32, #tpu.memory_space<vmem>> -> memref<1x1000xi32, #tpu.memory_space<vmem>>
    %dma_start3A_77 = tpu.memref_squeeze %dma_start3A_76 : memref<1x1000xi32, #tpu.memory_space<vmem>> -> memref<1000xi32, #tpu.memory_space<vmem>>
    %dma_start3A_78 = arith.constant 0 : i32
    %dma_start3A_79 = tpu.memref_slice %arg2[%add3A_73, %dma_start3A_78] : memref<320x1000xi32, #tpu.memory_space<hbm>> -> memref<1x1000xi32, #tpu.memory_space<hbm>>
    %dma_start3A_80 = tpu.memref_squeeze %dma_start3A_79 : memref<1x1000xi32, #tpu.memory_space<hbm>> -> memref<1000xi32, #tpu.memory_space<hbm>>
    %dma_start3A_81 = arith.constant 0 : i32
    %dma_start3A_82 = tpu.memref_slice %arg11[%dma_start3A_74, %dma_start3A_81] : memref<1x1000xi32, #tpu.memory_space<vmem>> -> memref<1x1000xi32, #tpu.memory_space<vmem>>
    %dma_start3A_83 = tpu.memref_squeeze %dma_start3A_82 : memref<1x1000xi32, #tpu.memory_space<vmem>> -> memref<1000xi32, #tpu.memory_space<vmem>>
    %dma_start3A_84 = arith.constant 0 : i32
    %dma_start3A_85 = tpu.memref_slice %arg2[%add3A_73, %dma_start3A_84] : memref<320x1000xi32, #tpu.memory_space<hbm>> -> memref<1x1000xi32, #tpu.memory_space<hbm>>
    %dma_start3A_86 = tpu.memref_squeeze %dma_start3A_85 : memref<1x1000xi32, #tpu.memory_space<hbm>> -> memref<1000xi32, #tpu.memory_space<hbm>>
    tpu.enqueue_dma source(%dma_start3A_86 : memref<1000xi32, #tpu.memory_space<hbm>>) target(%dma_start3A_83 : memref<1000xi32, #tpu.memory_space<vmem>>) target_semaphore(%arg22 : memref<!tpu.dma_semaphore, #tpu.memory_space<semaphore_mem>>)
    %mul3A_87 = arith.constant 10 : i32
    %mul3A_88 = arith.muli %add3A, %mul3A_87 : i32
    %add3A_89 = arith.constant 5 : i32
    %add3A_90 = arith.addi %mul3A_88, %add3A_89 : i32
    %dma_start3A_91 = arith.constant 0 : i32
    %dma_start3A_92 = arith.constant 0 : i32
    %dma_start3A_93 = tpu.memref_slice %arg12[%dma_start3A_91, %dma_start3A_92] : memref<1x1000xi32, #tpu.memory_space<vmem>> -> memref<1x1000xi32, #tpu.memory_space<vmem>>
    %dma_start3A_94 = tpu.memref_squeeze %dma_start3A_93 : memref<1x1000xi32, #tpu.memory_space<vmem>> -> memref<1000xi32, #tpu.memory_space<vmem>>
    %dma_start3A_95 = arith.constant 0 : i32
    %dma_start3A_96 = tpu.memref_slice %arg2[%add3A_90, %dma_start3A_95] : memref<320x1000xi32, #tpu.memory_space<hbm>> -> memref<1x1000xi32, #tpu.memory_space<hbm>>
    %dma_start3A_97 = tpu.memref_squeeze %dma_start3A_96 : memref<1x1000xi32, #tpu.memory_space<hbm>> -> memref<1000xi32, #tpu.memory_space<hbm>>
    %dma_start3A_98 = arith.constant 0 : i32
    %dma_start3A_99 = tpu.memref_slice %arg12[%dma_start3A_91, %dma_start3A_98] : memref<1x1000xi32, #tpu.memory_space<vmem>> -> memref<1x1000xi32, #tpu.memory_space<vmem>>
    %dma_start3A_100 = tpu.memref_squeeze %dma_start3A_99 : memref<1x1000xi32, #tpu.memory_space<vmem>> -> memref<1000xi32, #tpu.memory_space<vmem>>
    %dma_start3A_101 = arith.constant 0 : i32
    %dma_start3A_102 = tpu.memref_slice %arg2[%add3A_90, %dma_start3A_101] : memref<320x1000xi32, #tpu.memory_space<hbm>> -> memref<1x1000xi32, #tpu.memory_space<hbm>>
    %dma_start3A_103 = tpu.memref_squeeze %dma_start3A_102 : memref<1x1000xi32, #tpu.memory_space<hbm>> -> memref<1000xi32, #tpu.memory_space<hbm>>
    tpu.enqueue_dma source(%dma_start3A_103 : memref<1000xi32, #tpu.memory_space<hbm>>) target(%dma_start3A_100 : memref<1000xi32, #tpu.memory_space<vmem>>) target_semaphore(%arg23 : memref<!tpu.dma_semaphore, #tpu.memory_space<semaphore_mem>>)
    %mul3A_104 = arith.constant 10 : i32
    %mul3A_105 = arith.muli %add3A, %mul3A_104 : i32
    %add3A_106 = arith.constant 6 : i32
    %add3A_107 = arith.addi %mul3A_105, %add3A_106 : i32
    %dma_start3A_108 = arith.constant 0 : i32
    %dma_start3A_109 = arith.constant 0 : i32
    %dma_start3A_110 = tpu.memref_slice %arg13[%dma_start3A_108, %dma_start3A_109] : memref<1x1000xi32, #tpu.memory_space<vmem>> -> memref<1x1000xi32, #tpu.memory_space<vmem>>
    %dma_start3A_111 = tpu.memref_squeeze %dma_start3A_110 : memref<1x1000xi32, #tpu.memory_space<vmem>> -> memref<1000xi32, #tpu.memory_space<vmem>>
    %dma_start3A_112 = arith.constant 0 : i32
    %dma_start3A_113 = tpu.memref_slice %arg2[%add3A_107, %dma_start3A_112] : memref<320x1000xi32, #tpu.memory_space<hbm>> -> memref<1x1000xi32, #tpu.memory_space<hbm>>
    %dma_start3A_114 = tpu.memref_squeeze %dma_start3A_113 : memref<1x1000xi32, #tpu.memory_space<hbm>> -> memref<1000xi32, #tpu.memory_space<hbm>>
    %dma_start3A_115 = arith.constant 0 : i32
    %dma_start3A_116 = tpu.memref_slice %arg13[%dma_start3A_108, %dma_start3A_115] : memref<1x1000xi32, #tpu.memory_space<vmem>> -> memref<1x1000xi32, #tpu.memory_space<vmem>>
    %dma_start3A_117 = tpu.memref_squeeze %dma_start3A_116 : memref<1x1000xi32, #tpu.memory_space<vmem>> -> memref<1000xi32, #tpu.memory_space<vmem>>
    %dma_start3A_118 = arith.constant 0 : i32
    %dma_start3A_119 = tpu.memref_slice %arg2[%add3A_107, %dma_start3A_118] : memref<320x1000xi32, #tpu.memory_space<hbm>> -> memref<1x1000xi32, #tpu.memory_space<hbm>>
    %dma_start3A_120 = tpu.memref_squeeze %dma_start3A_119 : memref<1x1000xi32, #tpu.memory_space<hbm>> -> memref<1000xi32, #tpu.memory_space<hbm>>
    tpu.enqueue_dma source(%dma_start3A_120 : memref<1000xi32, #tpu.memory_space<hbm>>) target(%dma_start3A_117 : memref<1000xi32, #tpu.memory_space<vmem>>) target_semaphore(%arg24 : memref<!tpu.dma_semaphore, #tpu.memory_space<semaphore_mem>>)
    %mul3A_121 = arith.constant 10 : i32
    %mul3A_122 = arith.muli %add3A, %mul3A_121 : i32
    %add3A_123 = arith.constant 7 : i32
    %add3A_124 = arith.addi %mul3A_122, %add3A_123 : i32
    %dma_start3A_125 = arith.constant 0 : i32
    %dma_start3A_126 = arith.constant 0 : i32
    %dma_start3A_127 = tpu.memref_slice %arg14[%dma_start3A_125, %dma_start3A_126] : memref<1x1000xi32, #tpu.memory_space<vmem>> -> memref<1x1000xi32, #tpu.memory_space<vmem>>
    %dma_start3A_128 = tpu.memref_squeeze %dma_start3A_127 : memref<1x1000xi32, #tpu.memory_space<vmem>> -> memref<1000xi32, #tpu.memory_space<vmem>>
    %dma_start3A_129 = arith.constant 0 : i32
    %dma_start3A_130 = tpu.memref_slice %arg2[%add3A_124, %dma_start3A_129] : memref<320x1000xi32, #tpu.memory_space<hbm>> -> memref<1x1000xi32, #tpu.memory_space<hbm>>
    %dma_start3A_131 = tpu.memref_squeeze %dma_start3A_130 : memref<1x1000xi32, #tpu.memory_space<hbm>> -> memref<1000xi32, #tpu.memory_space<hbm>>
    %dma_start3A_132 = arith.constant 0 : i32
    %dma_start3A_133 = tpu.memref_slice %arg14[%dma_start3A_125, %dma_start3A_132] : memref<1x1000xi32, #tpu.memory_space<vmem>> -> memref<1x1000xi32, #tpu.memory_space<vmem>>
    %dma_start3A_134 = tpu.memref_squeeze %dma_start3A_133 : memref<1x1000xi32, #tpu.memory_space<vmem>> -> memref<1000xi32, #tpu.memory_space<vmem>>
    %dma_start3A_135 = arith.constant 0 : i32
    %dma_start3A_136 = tpu.memref_slice %arg2[%add3A_124, %dma_start3A_135] : memref<320x1000xi32, #tpu.memory_space<hbm>> -> memref<1x1000xi32, #tpu.memory_space<hbm>>
    %dma_start3A_137 = tpu.memref_squeeze %dma_start3A_136 : memref<1x1000xi32, #tpu.memory_space<hbm>> -> memref<1000xi32, #tpu.memory_space<hbm>>
    tpu.enqueue_dma source(%dma_start3A_137 : memref<1000xi32, #tpu.memory_space<hbm>>) target(%dma_start3A_134 : memref<1000xi32, #tpu.memory_space<vmem>>) target_semaphore(%arg25 : memref<!tpu.dma_semaphore, #tpu.memory_space<semaphore_mem>>)
    %mul3A_138 = arith.constant 10 : i32
    %mul3A_139 = arith.muli %add3A, %mul3A_138 : i32
    %add3A_140 = arith.constant 8 : i32
    %add3A_141 = arith.addi %mul3A_139, %add3A_140 : i32
    %dma_start3A_142 = arith.constant 0 : i32
    %dma_start3A_143 = arith.constant 0 : i32
    %dma_start3A_144 = tpu.memref_slice %arg15[%dma_start3A_142, %dma_start3A_143] : memref<1x1000xi32, #tpu.memory_space<vmem>> -> memref<1x1000xi32, #tpu.memory_space<vmem>>
    %dma_start3A_145 = tpu.memref_squeeze %dma_start3A_144 : memref<1x1000xi32, #tpu.memory_space<vmem>> -> memref<1000xi32, #tpu.memory_space<vmem>>
    %dma_start3A_146 = arith.constant 0 : i32
    %dma_start3A_147 = tpu.memref_slice %arg2[%add3A_141, %dma_start3A_146] : memref<320x1000xi32, #tpu.memory_space<hbm>> -> memref<1x1000xi32, #tpu.memory_space<hbm>>
    %dma_start3A_148 = tpu.memref_squeeze %dma_start3A_147 : memref<1x1000xi32, #tpu.memory_space<hbm>> -> memref<1000xi32, #tpu.memory_space<hbm>>
    %dma_start3A_149 = arith.constant 0 : i32
    %dma_start3A_150 = tpu.memref_slice %arg15[%dma_start3A_142, %dma_start3A_149] : memref<1x1000xi32, #tpu.memory_space<vmem>> -> memref<1x1000xi32, #tpu.memory_space<vmem>>
    %dma_start3A_151 = tpu.memref_squeeze %dma_start3A_150 : memref<1x1000xi32, #tpu.memory_space<vmem>> -> memref<1000xi32, #tpu.memory_space<vmem>>
    %dma_start3A_152 = arith.constant 0 : i32
    %dma_start3A_153 = tpu.memref_slice %arg2[%add3A_141, %dma_start3A_152] : memref<320x1000xi32, #tpu.memory_space<hbm>> -> memref<1x1000xi32, #tpu.memory_space<hbm>>
    %dma_start3A_154 = tpu.memref_squeeze %dma_start3A_153 : memref<1x1000xi32, #tpu.memory_space<hbm>> -> memref<1000xi32, #tpu.memory_space<hbm>>
    tpu.enqueue_dma source(%dma_start3A_154 : memref<1000xi32, #tpu.memory_space<hbm>>) target(%dma_start3A_151 : memref<1000xi32, #tpu.memory_space<vmem>>) target_semaphore(%arg26 : memref<!tpu.dma_semaphore, #tpu.memory_space<semaphore_mem>>)
    %mul3A_155 = arith.constant 10 : i32
    %mul3A_156 = arith.muli %add3A, %mul3A_155 : i32
    %add3A_157 = arith.constant 9 : i32
    %add3A_158 = arith.addi %mul3A_156, %add3A_157 : i32
    %dma_start3A_159 = arith.constant 0 : i32
    %dma_start3A_160 = arith.constant 0 : i32
    %dma_start3A_161 = tpu.memref_slice %arg16[%dma_start3A_159, %dma_start3A_160] : memref<1x1000xi32, #tpu.memory_space<vmem>> -> memref<1x1000xi32, #tpu.memory_space<vmem>>
    %dma_start3A_162 = tpu.memref_squeeze %dma_start3A_161 : memref<1x1000xi32, #tpu.memory_space<vmem>> -> memref<1000xi32, #tpu.memory_space<vmem>>
    %dma_start3A_163 = arith.constant 0 : i32
    %dma_start3A_164 = tpu.memref_slice %arg2[%add3A_158, %dma_start3A_163] : memref<320x1000xi32, #tpu.memory_space<hbm>> -> memref<1x1000xi32, #tpu.memory_space<hbm>>
    %dma_start3A_165 = tpu.memref_squeeze %dma_start3A_164 : memref<1x1000xi32, #tpu.memory_space<hbm>> -> memref<1000xi32, #tpu.memory_space<hbm>>
    %dma_start3A_166 = arith.constant 0 : i32
    %dma_start3A_167 = tpu.memref_slice %arg16[%dma_start3A_159, %dma_start3A_166] : memref<1x1000xi32, #tpu.memory_space<vmem>> -> memref<1x1000xi32, #tpu.memory_space<vmem>>
    %dma_start3A_168 = tpu.memref_squeeze %dma_start3A_167 : memref<1x1000xi32, #tpu.memory_space<vmem>> -> memref<1000xi32, #tpu.memory_space<vmem>>
    %dma_start3A_169 = arith.constant 0 : i32
    %dma_start3A_170 = tpu.memref_slice %arg2[%add3A_158, %dma_start3A_169] : memref<320x1000xi32, #tpu.memory_space<hbm>> -> memref<1x1000xi32, #tpu.memory_space<hbm>>
    %dma_start3A_171 = tpu.memref_squeeze %dma_start3A_170 : memref<1x1000xi32, #tpu.memory_space<hbm>> -> memref<1000xi32, #tpu.memory_space<hbm>>
    tpu.enqueue_dma source(%dma_start3A_171 : memref<1000xi32, #tpu.memory_space<hbm>>) target(%dma_start3A_168 : memref<1000xi32, #tpu.memory_space<vmem>>) target_semaphore(%arg27 : memref<!tpu.dma_semaphore, #tpu.memory_space<semaphore_mem>>)
    "tpu.region"() ({
      %run_scoped3A_321 = tpu.sem_alloc : memref<!tpu.dma_semaphore, #tpu.memory_space<semaphore_mem>>
      %dma_start3A_322 = tpu.memref_slice %arg6[%multiple_of3A] : memref<10240xf32, #tpu.memory_space<vmem_shared>> -> memref<640xf32, #tpu.memory_space<vmem_shared>>
      tpu.enqueue_dma source(%arg4 : memref<640xf32, #tpu.memory_space<hbm>>) target(%dma_start3A_322 : memref<640xf32, #tpu.memory_space<vmem_shared>>) target_semaphore(%run_scoped3A_321 : memref<!tpu.dma_semaphore, #tpu.memory_space<semaphore_mem>>)
      %dma_wait3A_323 = tpu.memref_slice %arg6[%multiple_of3A] : memref<10240xf32, #tpu.memory_space<vmem_shared>> -> memref<640xf32, #tpu.memory_space<vmem_shared>>
      tpu.wait_dma2 semaphore(%run_scoped3A_321 : memref<!tpu.dma_semaphore, #tpu.memory_space<semaphore_mem>>) src(%arg4 : memref<640xf32, #tpu.memory_space<hbm>>) dst(%dma_wait3A_323 : memref<640xf32, #tpu.memory_space<vmem_shared>>)
      tpu.yield
    }) : () -> ()
    "tpu.region"() ({
      %run_scoped3A_321 = tpu.sem_alloc : memref<!tpu.dma_semaphore, #tpu.memory_space<semaphore_mem>>
      tpu.enqueue_dma source(%arg3 : memref<1000xf32, #tpu.memory_space<hbm>>) target(%arg17 : memref<1000xf32, #tpu.memory_space<vmem>>) target_semaphore(%run_scoped3A_321 : memref<!tpu.dma_semaphore, #tpu.memory_space<semaphore_mem>>)
      tpu.wait_dma2 semaphore(%run_scoped3A_321 : memref<!tpu.dma_semaphore, #tpu.memory_space<semaphore_mem>>) src(%arg3 : memref<1000xf32, #tpu.memory_space<hbm>>) dst(%arg17 : memref<1000xf32, #tpu.memory_space<vmem>>)
      tpu.yield
    }) : () -> ()
    %barrier3A = arith.constant 0 : index
    tpu.barrier barrier_id(%barrier3A)
    %dma_wait3A = arith.constant 0 : i32
    %dma_wait3A_172 = arith.constant 0 : i32
    %dma_wait3A_173 = arith.constant 0 : i32
    %dma_wait3A_174 = tpu.memref_slice %arg7[%dma_wait3A_172, %dma_wait3A_173] : memref<1x1000xi32, #tpu.memory_space<vmem>> -> memref<1x1000xi32, #tpu.memory_space<vmem>>
    %dma_wait3A_175 = tpu.memref_squeeze %dma_wait3A_174 : memref<1x1000xi32, #tpu.memory_space<vmem>> -> memref<1000xi32, #tpu.memory_space<vmem>>
    %dma_wait3A_176 = arith.constant 0 : i32
    %dma_wait3A_177 = tpu.memref_slice %arg2[%dma_wait3A, %dma_wait3A_176] : memref<320x1000xi32, #tpu.memory_space<hbm>> -> memref<1x1000xi32, #tpu.memory_space<hbm>>
    %dma_wait3A_178 = tpu.memref_squeeze %dma_wait3A_177 : memref<1x1000xi32, #tpu.memory_space<hbm>> -> memref<1000xi32, #tpu.memory_space<hbm>>
    %dma_wait3A_179 = arith.constant 0 : i32
    %dma_wait3A_180 = tpu.memref_slice %arg7[%dma_wait3A_172, %dma_wait3A_179] : memref<1x1000xi32, #tpu.memory_space<vmem>> -> memref<1x1000xi32, #tpu.memory_space<vmem>>
    %dma_wait3A_181 = tpu.memref_squeeze %dma_wait3A_180 : memref<1x1000xi32, #tpu.memory_space<vmem>> -> memref<1000xi32, #tpu.memory_space<vmem>>
    %dma_wait3A_182 = arith.constant 0 : i32
    %dma_wait3A_183 = tpu.memref_slice %arg2[%dma_wait3A, %dma_wait3A_182] : memref<320x1000xi32, #tpu.memory_space<hbm>> -> memref<1x1000xi32, #tpu.memory_space<hbm>>
    %dma_wait3A_184 = tpu.memref_squeeze %dma_wait3A_183 : memref<1x1000xi32, #tpu.memory_space<hbm>> -> memref<1000xi32, #tpu.memory_space<hbm>>
    tpu.wait_dma2 semaphore(%arg18 : memref<!tpu.dma_semaphore, #tpu.memory_space<semaphore_mem>>) src(%dma_wait3A_184 : memref<1000xi32, #tpu.memory_space<hbm>>) dst(%dma_wait3A_181 : memref<1000xi32, #tpu.memory_space<vmem>>)
    %run_scoped3A = arith.constant 0 : i32
    "tpu.region"() ({
      %run_scoped3A_321 = tpu.sem_alloc : memref<!tpu.dma_semaphore, #tpu.memory_space<semaphore_mem>>
      %dma_start3A_322 = arith.constant 0 : i32
      %dma_start3A_323 = tpu.memref_slice %arg7[%run_scoped3A, %dma_start3A_322] : memref<1x1000xi32, #tpu.memory_space<vmem>> -> memref<1x1000xi32, #tpu.memory_space<vmem>>
      %dma_start3A_324 = tpu.memref_squeeze %dma_start3A_323 : memref<1x1000xi32, #tpu.memory_space<vmem>> -> memref<1000xi32, #tpu.memory_space<vmem>>
      %dma_start3A_325 = arith.constant 0 : i32
      %dma_start3A_326 = tpu.memref_slice %arg6[%dma_start3A_325] : memref<10240xf32, #tpu.memory_space<vmem_shared>> -> memref<10240xf32, #tpu.memory_space<vmem_shared>>
      tpu.enqueue_indirect_dma source(%arg17 : memref<1000xf32, #tpu.memory_space<vmem>>) target(%dma_start3A_326 : memref<10240xf32, #tpu.memory_space<vmem_shared>>) offsets(%dma_start3A_324 : memref<1000xi32, #tpu.memory_space<vmem>>) semaphore(%run_scoped3A_321 : memref<!tpu.dma_semaphore, #tpu.memory_space<semaphore_mem>>) {add = true}
      %dma_wait3A_327 = arith.constant 0 : i32
      %dma_wait3A_328 = tpu.memref_slice %arg7[%run_scoped3A, %dma_wait3A_327] : memref<1x1000xi32, #tpu.memory_space<vmem>> -> memref<1x1000xi32, #tpu.memory_space<vmem>>
      %dma_wait3A_329 = tpu.memref_squeeze %dma_wait3A_328 : memref<1x1000xi32, #tpu.memory_space<vmem>> -> memref<1000xi32, #tpu.memory_space<vmem>>
      %dma_wait3A_330 = arith.constant 0 : i32
      %dma_wait3A_331 = tpu.memref_slice %arg6[%dma_wait3A_330] : memref<10240xf32, #tpu.memory_space<vmem_shared>> -> memref<10240xf32, #tpu.memory_space<vmem_shared>>
      tpu.wait_indirect_dma semaphore(%run_scoped3A_321 : memref<!tpu.dma_semaphore, #tpu.memory_space<semaphore_mem>>) src(%arg17 : memref<1000xf32, #tpu.memory_space<vmem>>) dst(%dma_wait3A_331 : memref<10240xf32, #tpu.memory_space<vmem_shared>>)
      tpu.yield
    }) : () -> ()
    %dma_wait3A_185 = arith.constant 0 : i32
    %dma_wait3A_186 = arith.constant 0 : i32
    %dma_wait3A_187 = arith.constant 0 : i32
    %dma_wait3A_188 = tpu.memref_slice %arg8[%dma_wait3A_186, %dma_wait3A_187] : memref<1x1000xi32, #tpu.memory_space<vmem>> -> memref<1x1000xi32, #tpu.memory_space<vmem>>
    %dma_wait3A_189 = tpu.memref_squeeze %dma_wait3A_188 : memref<1x1000xi32, #tpu.memory_space<vmem>> -> memref<1000xi32, #tpu.memory_space<vmem>>
    %dma_wait3A_190 = arith.constant 0 : i32
    %dma_wait3A_191 = tpu.memref_slice %arg2[%dma_wait3A_185, %dma_wait3A_190] : memref<320x1000xi32, #tpu.memory_space<hbm>> -> memref<1x1000xi32, #tpu.memory_space<hbm>>
    %dma_wait3A_192 = tpu.memref_squeeze %dma_wait3A_191 : memref<1x1000xi32, #tpu.memory_space<hbm>> -> memref<1000xi32, #tpu.memory_space<hbm>>
    %dma_wait3A_193 = arith.constant 0 : i32
    %dma_wait3A_194 = tpu.memref_slice %arg8[%dma_wait3A_186, %dma_wait3A_193] : memref<1x1000xi32, #tpu.memory_space<vmem>> -> memref<1x1000xi32, #tpu.memory_space<vmem>>
    %dma_wait3A_195 = tpu.memref_squeeze %dma_wait3A_194 : memref<1x1000xi32, #tpu.memory_space<vmem>> -> memref<1000xi32, #tpu.memory_space<vmem>>
    %dma_wait3A_196 = arith.constant 0 : i32
    %dma_wait3A_197 = tpu.memref_slice %arg2[%dma_wait3A_185, %dma_wait3A_196] : memref<320x1000xi32, #tpu.memory_space<hbm>> -> memref<1x1000xi32, #tpu.memory_space<hbm>>
    %dma_wait3A_198 = tpu.memref_squeeze %dma_wait3A_197 : memref<1x1000xi32, #tpu.memory_space<hbm>> -> memref<1000xi32, #tpu.memory_space<hbm>>
    tpu.wait_dma2 semaphore(%arg19 : memref<!tpu.dma_semaphore, #tpu.memory_space<semaphore_mem>>) src(%dma_wait3A_198 : memref<1000xi32, #tpu.memory_space<hbm>>) dst(%dma_wait3A_195 : memref<1000xi32, #tpu.memory_space<vmem>>)
    %run_scoped3A_199 = arith.constant 0 : i32
    "tpu.region"() ({
      %run_scoped3A_321 = tpu.sem_alloc : memref<!tpu.dma_semaphore, #tpu.memory_space<semaphore_mem>>
      %dma_start3A_322 = arith.constant 0 : i32
      %dma_start3A_323 = tpu.memref_slice %arg8[%run_scoped3A_199, %dma_start3A_322] : memref<1x1000xi32, #tpu.memory_space<vmem>> -> memref<1x1000xi32, #tpu.memory_space<vmem>>
      %dma_start3A_324 = tpu.memref_squeeze %dma_start3A_323 : memref<1x1000xi32, #tpu.memory_space<vmem>> -> memref<1000xi32, #tpu.memory_space<vmem>>
      %dma_start3A_325 = arith.constant 0 : i32
      %dma_start3A_326 = tpu.memref_slice %arg6[%dma_start3A_325] : memref<10240xf32, #tpu.memory_space<vmem_shared>> -> memref<10240xf32, #tpu.memory_space<vmem_shared>>
      tpu.enqueue_indirect_dma source(%arg17 : memref<1000xf32, #tpu.memory_space<vmem>>) target(%dma_start3A_326 : memref<10240xf32, #tpu.memory_space<vmem_shared>>) offsets(%dma_start3A_324 : memref<1000xi32, #tpu.memory_space<vmem>>) semaphore(%run_scoped3A_321 : memref<!tpu.dma_semaphore, #tpu.memory_space<semaphore_mem>>) {add = true}
      %dma_wait3A_327 = arith.constant 0 : i32
      %dma_wait3A_328 = tpu.memref_slice %arg8[%run_scoped3A_199, %dma_wait3A_327] : memref<1x1000xi32, #tpu.memory_space<vmem>> -> memref<1x1000xi32, #tpu.memory_space<vmem>>
      %dma_wait3A_329 = tpu.memref_squeeze %dma_wait3A_328 : memref<1x1000xi32, #tpu.memory_space<vmem>> -> memref<1000xi32, #tpu.memory_space<vmem>>
      %dma_wait3A_330 = arith.constant 0 : i32
      %dma_wait3A_331 = tpu.memref_slice %arg6[%dma_wait3A_330] : memref<10240xf32, #tpu.memory_space<vmem_shared>> -> memref<10240xf32, #tpu.memory_space<vmem_shared>>
      tpu.wait_indirect_dma semaphore(%run_scoped3A_321 : memref<!tpu.dma_semaphore, #tpu.memory_space<semaphore_mem>>) src(%arg17 : memref<1000xf32, #tpu.memory_space<vmem>>) dst(%dma_wait3A_331 : memref<10240xf32, #tpu.memory_space<vmem_shared>>)
      tpu.yield
    }) : () -> ()
    %dma_wait3A_200 = arith.constant 0 : i32
    %dma_wait3A_201 = arith.constant 0 : i32
    %dma_wait3A_202 = arith.constant 0 : i32
    %dma_wait3A_203 = tpu.memref_slice %arg9[%dma_wait3A_201, %dma_wait3A_202] : memref<1x1000xi32, #tpu.memory_space<vmem>> -> memref<1x1000xi32, #tpu.memory_space<vmem>>
    %dma_wait3A_204 = tpu.memref_squeeze %dma_wait3A_203 : memref<1x1000xi32, #tpu.memory_space<vmem>> -> memref<1000xi32, #tpu.memory_space<vmem>>
    %dma_wait3A_205 = arith.constant 0 : i32
    %dma_wait3A_206 = tpu.memref_slice %arg2[%dma_wait3A_200, %dma_wait3A_205] : memref<320x1000xi32, #tpu.memory_space<hbm>> -> memref<1x1000xi32, #tpu.memory_space<hbm>>
    %dma_wait3A_207 = tpu.memref_squeeze %dma_wait3A_206 : memref<1x1000xi32, #tpu.memory_space<hbm>> -> memref<1000xi32, #tpu.memory_space<hbm>>
    %dma_wait3A_208 = arith.constant 0 : i32
    %dma_wait3A_209 = tpu.memref_slice %arg9[%dma_wait3A_201, %dma_wait3A_208] : memref<1x1000xi32, #tpu.memory_space<vmem>> -> memref<1x1000xi32, #tpu.memory_space<vmem>>
    %dma_wait3A_210 = tpu.memref_squeeze %dma_wait3A_209 : memref<1x1000xi32, #tpu.memory_space<vmem>> -> memref<1000xi32, #tpu.memory_space<vmem>>
    %dma_wait3A_211 = arith.constant 0 : i32
    %dma_wait3A_212 = tpu.memref_slice %arg2[%dma_wait3A_200, %dma_wait3A_211] : memref<320x1000xi32, #tpu.memory_space<hbm>> -> memref<1x1000xi32, #tpu.memory_space<hbm>>
    %dma_wait3A_213 = tpu.memref_squeeze %dma_wait3A_212 : memref<1x1000xi32, #tpu.memory_space<hbm>> -> memref<1000xi32, #tpu.memory_space<hbm>>
    tpu.wait_dma2 semaphore(%arg20 : memref<!tpu.dma_semaphore, #tpu.memory_space<semaphore_mem>>) src(%dma_wait3A_213 : memref<1000xi32, #tpu.memory_space<hbm>>) dst(%dma_wait3A_210 : memref<1000xi32, #tpu.memory_space<vmem>>)
    %run_scoped3A_214 = arith.constant 0 : i32
    "tpu.region"() ({
      %run_scoped3A_321 = tpu.sem_alloc : memref<!tpu.dma_semaphore, #tpu.memory_space<semaphore_mem>>
      %dma_start3A_322 = arith.constant 0 : i32
      %dma_start3A_323 = tpu.memref_slice %arg9[%run_scoped3A_214, %dma_start3A_322] : memref<1x1000xi32, #tpu.memory_space<vmem>> -> memref<1x1000xi32, #tpu.memory_space<vmem>>
      %dma_start3A_324 = tpu.memref_squeeze %dma_start3A_323 : memref<1x1000xi32, #tpu.memory_space<vmem>> -> memref<1000xi32, #tpu.memory_space<vmem>>
      %dma_start3A_325 = arith.constant 0 : i32
      %dma_start3A_326 = tpu.memref_slice %arg6[%dma_start3A_325] : memref<10240xf32, #tpu.memory_space<vmem_shared>> -> memref<10240xf32, #tpu.memory_space<vmem_shared>>
      tpu.enqueue_indirect_dma source(%arg17 : memref<1000xf32, #tpu.memory_space<vmem>>) target(%dma_start3A_326 : memref<10240xf32, #tpu.memory_space<vmem_shared>>) offsets(%dma_start3A_324 : memref<1000xi32, #tpu.memory_space<vmem>>) semaphore(%run_scoped3A_321 : memref<!tpu.dma_semaphore, #tpu.memory_space<semaphore_mem>>) {add = true}
      %dma_wait3A_327 = arith.constant 0 : i32
      %dma_wait3A_328 = tpu.memref_slice %arg9[%run_scoped3A_214, %dma_wait3A_327] : memref<1x1000xi32, #tpu.memory_space<vmem>> -> memref<1x1000xi32, #tpu.memory_space<vmem>>
      %dma_wait3A_329 = tpu.memref_squeeze %dma_wait3A_328 : memref<1x1000xi32, #tpu.memory_space<vmem>> -> memref<1000xi32, #tpu.memory_space<vmem>>
      %dma_wait3A_330 = arith.constant 0 : i32
      %dma_wait3A_331 = tpu.memref_slice %arg6[%dma_wait3A_330] : memref<10240xf32, #tpu.memory_space<vmem_shared>> -> memref<10240xf32, #tpu.memory_space<vmem_shared>>
      tpu.wait_indirect_dma semaphore(%run_scoped3A_321 : memref<!tpu.dma_semaphore, #tpu.memory_space<semaphore_mem>>) src(%arg17 : memref<1000xf32, #tpu.memory_space<vmem>>) dst(%dma_wait3A_331 : memref<10240xf32, #tpu.memory_space<vmem_shared>>)
      tpu.yield
    }) : () -> ()
    %dma_wait3A_215 = arith.constant 0 : i32
    %dma_wait3A_216 = arith.constant 0 : i32
    %dma_wait3A_217 = arith.constant 0 : i32
    %dma_wait3A_218 = tpu.memref_slice %arg10[%dma_wait3A_216, %dma_wait3A_217] : memref<1x1000xi32, #tpu.memory_space<vmem>> -> memref<1x1000xi32, #tpu.memory_space<vmem>>
    %dma_wait3A_219 = tpu.memref_squeeze %dma_wait3A_218 : memref<1x1000xi32, #tpu.memory_space<vmem>> -> memref<1000xi32, #tpu.memory_space<vmem>>
    %dma_wait3A_220 = arith.constant 0 : i32
    %dma_wait3A_221 = tpu.memref_slice %arg2[%dma_wait3A_215, %dma_wait3A_220] : memref<320x1000xi32, #tpu.memory_space<hbm>> -> memref<1x1000xi32, #tpu.memory_space<hbm>>
    %dma_wait3A_222 = tpu.memref_squeeze %dma_wait3A_221 : memref<1x1000xi32, #tpu.memory_space<hbm>> -> memref<1000xi32, #tpu.memory_space<hbm>>
    %dma_wait3A_223 = arith.constant 0 : i32
    %dma_wait3A_224 = tpu.memref_slice %arg10[%dma_wait3A_216, %dma_wait3A_223] : memref<1x1000xi32, #tpu.memory_space<vmem>> -> memref<1x1000xi32, #tpu.memory_space<vmem>>
    %dma_wait3A_225 = tpu.memref_squeeze %dma_wait3A_224 : memref<1x1000xi32, #tpu.memory_space<vmem>> -> memref<1000xi32, #tpu.memory_space<vmem>>
    %dma_wait3A_226 = arith.constant 0 : i32
    %dma_wait3A_227 = tpu.memref_slice %arg2[%dma_wait3A_215, %dma_wait3A_226] : memref<320x1000xi32, #tpu.memory_space<hbm>> -> memref<1x1000xi32, #tpu.memory_space<hbm>>
    %dma_wait3A_228 = tpu.memref_squeeze %dma_wait3A_227 : memref<1x1000xi32, #tpu.memory_space<hbm>> -> memref<1000xi32, #tpu.memory_space<hbm>>
    tpu.wait_dma2 semaphore(%arg21 : memref<!tpu.dma_semaphore, #tpu.memory_space<semaphore_mem>>) src(%dma_wait3A_228 : memref<1000xi32, #tpu.memory_space<hbm>>) dst(%dma_wait3A_225 : memref<1000xi32, #tpu.memory_space<vmem>>)
    %run_scoped3A_229 = arith.constant 0 : i32
    "tpu.region"() ({
      %run_scoped3A_321 = tpu.sem_alloc : memref<!tpu.dma_semaphore, #tpu.memory_space<semaphore_mem>>
      %dma_start3A_322 = arith.constant 0 : i32
      %dma_start3A_323 = tpu.memref_slice %arg10[%run_scoped3A_229, %dma_start3A_322] : memref<1x1000xi32, #tpu.memory_space<vmem>> -> memref<1x1000xi32, #tpu.memory_space<vmem>>
      %dma_start3A_324 = tpu.memref_squeeze %dma_start3A_323 : memref<1x1000xi32, #tpu.memory_space<vmem>> -> memref<1000xi32, #tpu.memory_space<vmem>>
      %dma_start3A_325 = arith.constant 0 : i32
      %dma_start3A_326 = tpu.memref_slice %arg6[%dma_start3A_325] : memref<10240xf32, #tpu.memory_space<vmem_shared>> -> memref<10240xf32, #tpu.memory_space<vmem_shared>>
      tpu.enqueue_indirect_dma source(%arg17 : memref<1000xf32, #tpu.memory_space<vmem>>) target(%dma_start3A_326 : memref<10240xf32, #tpu.memory_space<vmem_shared>>) offsets(%dma_start3A_324 : memref<1000xi32, #tpu.memory_space<vmem>>) semaphore(%run_scoped3A_321 : memref<!tpu.dma_semaphore, #tpu.memory_space<semaphore_mem>>) {add = true}
      %dma_wait3A_327 = arith.constant 0 : i32
      %dma_wait3A_328 = tpu.memref_slice %arg10[%run_scoped3A_229, %dma_wait3A_327] : memref<1x1000xi32, #tpu.memory_space<vmem>> -> memref<1x1000xi32, #tpu.memory_space<vmem>>
      %dma_wait3A_329 = tpu.memref_squeeze %dma_wait3A_328 : memref<1x1000xi32, #tpu.memory_space<vmem>> -> memref<1000xi32, #tpu.memory_space<vmem>>
      %dma_wait3A_330 = arith.constant 0 : i32
      %dma_wait3A_331 = tpu.memref_slice %arg6[%dma_wait3A_330] : memref<10240xf32, #tpu.memory_space<vmem_shared>> -> memref<10240xf32, #tpu.memory_space<vmem_shared>>
      tpu.wait_indirect_dma semaphore(%run_scoped3A_321 : memref<!tpu.dma_semaphore, #tpu.memory_space<semaphore_mem>>) src(%arg17 : memref<1000xf32, #tpu.memory_space<vmem>>) dst(%dma_wait3A_331 : memref<10240xf32, #tpu.memory_space<vmem_shared>>)
      tpu.yield
    }) : () -> ()
    %dma_wait3A_230 = arith.constant 0 : i32
    %dma_wait3A_231 = arith.constant 0 : i32
    %dma_wait3A_232 = arith.constant 0 : i32
    %dma_wait3A_233 = tpu.memref_slice %arg11[%dma_wait3A_231, %dma_wait3A_232] : memref<1x1000xi32, #tpu.memory_space<vmem>> -> memref<1x1000xi32, #tpu.memory_space<vmem>>
    %dma_wait3A_234 = tpu.memref_squeeze %dma_wait3A_233 : memref<1x1000xi32, #tpu.memory_space<vmem>> -> memref<1000xi32, #tpu.memory_space<vmem>>
    %dma_wait3A_235 = arith.constant 0 : i32
    %dma_wait3A_236 = tpu.memref_slice %arg2[%dma_wait3A_230, %dma_wait3A_235] : memref<320x1000xi32, #tpu.memory_space<hbm>> -> memref<1x1000xi32, #tpu.memory_space<hbm>>
    %dma_wait3A_237 = tpu.memref_squeeze %dma_wait3A_236 : memref<1x1000xi32, #tpu.memory_space<hbm>> -> memref<1000xi32, #tpu.memory_space<hbm>>
    %dma_wait3A_238 = arith.constant 0 : i32
    %dma_wait3A_239 = tpu.memref_slice %arg11[%dma_wait3A_231, %dma_wait3A_238] : memref<1x1000xi32, #tpu.memory_space<vmem>> -> memref<1x1000xi32, #tpu.memory_space<vmem>>
    %dma_wait3A_240 = tpu.memref_squeeze %dma_wait3A_239 : memref<1x1000xi32, #tpu.memory_space<vmem>> -> memref<1000xi32, #tpu.memory_space<vmem>>
    %dma_wait3A_241 = arith.constant 0 : i32
    %dma_wait3A_242 = tpu.memref_slice %arg2[%dma_wait3A_230, %dma_wait3A_241] : memref<320x1000xi32, #tpu.memory_space<hbm>> -> memref<1x1000xi32, #tpu.memory_space<hbm>>
    %dma_wait3A_243 = tpu.memref_squeeze %dma_wait3A_242 : memref<1x1000xi32, #tpu.memory_space<hbm>> -> memref<1000xi32, #tpu.memory_space<hbm>>
    tpu.wait_dma2 semaphore(%arg22 : memref<!tpu.dma_semaphore, #tpu.memory_space<semaphore_mem>>) src(%dma_wait3A_243 : memref<1000xi32, #tpu.memory_space<hbm>>) dst(%dma_wait3A_240 : memref<1000xi32, #tpu.memory_space<vmem>>)
    %run_scoped3A_244 = arith.constant 0 : i32
    "tpu.region"() ({
      %run_scoped3A_321 = tpu.sem_alloc : memref<!tpu.dma_semaphore, #tpu.memory_space<semaphore_mem>>
      %dma_start3A_322 = arith.constant 0 : i32
      %dma_start3A_323 = tpu.memref_slice %arg11[%run_scoped3A_244, %dma_start3A_322] : memref<1x1000xi32, #tpu.memory_space<vmem>> -> memref<1x1000xi32, #tpu.memory_space<vmem>>
      %dma_start3A_324 = tpu.memref_squeeze %dma_start3A_323 : memref<1x1000xi32, #tpu.memory_space<vmem>> -> memref<1000xi32, #tpu.memory_space<vmem>>
      %dma_start3A_325 = arith.constant 0 : i32
      %dma_start3A_326 = tpu.memref_slice %arg6[%dma_start3A_325] : memref<10240xf32, #tpu.memory_space<vmem_shared>> -> memref<10240xf32, #tpu.memory_space<vmem_shared>>
      tpu.enqueue_indirect_dma source(%arg17 : memref<1000xf32, #tpu.memory_space<vmem>>) target(%dma_start3A_326 : memref<10240xf32, #tpu.memory_space<vmem_shared>>) offsets(%dma_start3A_324 : memref<1000xi32, #tpu.memory_space<vmem>>) semaphore(%run_scoped3A_321 : memref<!tpu.dma_semaphore, #tpu.memory_space<semaphore_mem>>) {add = true}
      %dma_wait3A_327 = arith.constant 0 : i32
      %dma_wait3A_328 = tpu.memref_slice %arg11[%run_scoped3A_244, %dma_wait3A_327] : memref<1x1000xi32, #tpu.memory_space<vmem>> -> memref<1x1000xi32, #tpu.memory_space<vmem>>
      %dma_wait3A_329 = tpu.memref_squeeze %dma_wait3A_328 : memref<1x1000xi32, #tpu.memory_space<vmem>> -> memref<1000xi32, #tpu.memory_space<vmem>>
      %dma_wait3A_330 = arith.constant 0 : i32
      %dma_wait3A_331 = tpu.memref_slice %arg6[%dma_wait3A_330] : memref<10240xf32, #tpu.memory_space<vmem_shared>> -> memref<10240xf32, #tpu.memory_space<vmem_shared>>
      tpu.wait_indirect_dma semaphore(%run_scoped3A_321 : memref<!tpu.dma_semaphore, #tpu.memory_space<semaphore_mem>>) src(%arg17 : memref<1000xf32, #tpu.memory_space<vmem>>) dst(%dma_wait3A_331 : memref<10240xf32, #tpu.memory_space<vmem_shared>>)
      tpu.yield
    }) : () -> ()
    %dma_wait3A_245 = arith.constant 0 : i32
    %dma_wait3A_246 = arith.constant 0 : i32
    %dma_wait3A_247 = arith.constant 0 : i32
    %dma_wait3A_248 = tpu.memref_slice %arg12[%dma_wait3A_246, %dma_wait3A_247] : memref<1x1000xi32, #tpu.memory_space<vmem>> -> memref<1x1000xi32, #tpu.memory_space<vmem>>
    %dma_wait3A_249 = tpu.memref_squeeze %dma_wait3A_248 : memref<1x1000xi32, #tpu.memory_space<vmem>> -> memref<1000xi32, #tpu.memory_space<vmem>>
    %dma_wait3A_250 = arith.constant 0 : i32
    %dma_wait3A_251 = tpu.memref_slice %arg2[%dma_wait3A_245, %dma_wait3A_250] : memref<320x1000xi32, #tpu.memory_space<hbm>> -> memref<1x1000xi32, #tpu.memory_space<hbm>>
    %dma_wait3A_252 = tpu.memref_squeeze %dma_wait3A_251 : memref<1x1000xi32, #tpu.memory_space<hbm>> -> memref<1000xi32, #tpu.memory_space<hbm>>
    %dma_wait3A_253 = arith.constant 0 : i32
    %dma_wait3A_254 = tpu.memref_slice %arg12[%dma_wait3A_246, %dma_wait3A_253] : memref<1x1000xi32, #tpu.memory_space<vmem>> -> memref<1x1000xi32, #tpu.memory_space<vmem>>
    %dma_wait3A_255 = tpu.memref_squeeze %dma_wait3A_254 : memref<1x1000xi32, #tpu.memory_space<vmem>> -> memref<1000xi32, #tpu.memory_space<vmem>>
    %dma_wait3A_256 = arith.constant 0 : i32
    %dma_wait3A_257 = tpu.memref_slice %arg2[%dma_wait3A_245, %dma_wait3A_256] : memref<320x1000xi32, #tpu.memory_space<hbm>> -> memref<1x1000xi32, #tpu.memory_space<hbm>>
    %dma_wait3A_258 = tpu.memref_squeeze %dma_wait3A_257 : memref<1x1000xi32, #tpu.memory_space<hbm>> -> memref<1000xi32, #tpu.memory_space<hbm>>
    tpu.wait_dma2 semaphore(%arg23 : memref<!tpu.dma_semaphore, #tpu.memory_space<semaphore_mem>>) src(%dma_wait3A_258 : memref<1000xi32, #tpu.memory_space<hbm>>) dst(%dma_wait3A_255 : memref<1000xi32, #tpu.memory_space<vmem>>)
    %run_scoped3A_259 = arith.constant 0 : i32
    "tpu.region"() ({
      %run_scoped3A_321 = tpu.sem_alloc : memref<!tpu.dma_semaphore, #tpu.memory_space<semaphore_mem>>
      %dma_start3A_322 = arith.constant 0 : i32
      %dma_start3A_323 = tpu.memref_slice %arg12[%run_scoped3A_259, %dma_start3A_322] : memref<1x1000xi32, #tpu.memory_space<vmem>> -> memref<1x1000xi32, #tpu.memory_space<vmem>>
      %dma_start3A_324 = tpu.memref_squeeze %dma_start3A_323 : memref<1x1000xi32, #tpu.memory_space<vmem>> -> memref<1000xi32, #tpu.memory_space<vmem>>
      %dma_start3A_325 = arith.constant 0 : i32
      %dma_start3A_326 = tpu.memref_slice %arg6[%dma_start3A_325] : memref<10240xf32, #tpu.memory_space<vmem_shared>> -> memref<10240xf32, #tpu.memory_space<vmem_shared>>
      tpu.enqueue_indirect_dma source(%arg17 : memref<1000xf32, #tpu.memory_space<vmem>>) target(%dma_start3A_326 : memref<10240xf32, #tpu.memory_space<vmem_shared>>) offsets(%dma_start3A_324 : memref<1000xi32, #tpu.memory_space<vmem>>) semaphore(%run_scoped3A_321 : memref<!tpu.dma_semaphore, #tpu.memory_space<semaphore_mem>>) {add = true}
      %dma_wait3A_327 = arith.constant 0 : i32
      %dma_wait3A_328 = tpu.memref_slice %arg12[%run_scoped3A_259, %dma_wait3A_327] : memref<1x1000xi32, #tpu.memory_space<vmem>> -> memref<1x1000xi32, #tpu.memory_space<vmem>>
      %dma_wait3A_329 = tpu.memref_squeeze %dma_wait3A_328 : memref<1x1000xi32, #tpu.memory_space<vmem>> -> memref<1000xi32, #tpu.memory_space<vmem>>
      %dma_wait3A_330 = arith.constant 0 : i32
      %dma_wait3A_331 = tpu.memref_slice %arg6[%dma_wait3A_330] : memref<10240xf32, #tpu.memory_space<vmem_shared>> -> memref<10240xf32, #tpu.memory_space<vmem_shared>>
      tpu.wait_indirect_dma semaphore(%run_scoped3A_321 : memref<!tpu.dma_semaphore, #tpu.memory_space<semaphore_mem>>) src(%arg17 : memref<1000xf32, #tpu.memory_space<vmem>>) dst(%dma_wait3A_331 : memref<10240xf32, #tpu.memory_space<vmem_shared>>)
      tpu.yield
    }) : () -> ()
    %dma_wait3A_260 = arith.constant 0 : i32
    %dma_wait3A_261 = arith.constant 0 : i32
    %dma_wait3A_262 = arith.constant 0 : i32
    %dma_wait3A_263 = tpu.memref_slice %arg13[%dma_wait3A_261, %dma_wait3A_262] : memref<1x1000xi32, #tpu.memory_space<vmem>> -> memref<1x1000xi32, #tpu.memory_space<vmem>>
    %dma_wait3A_264 = tpu.memref_squeeze %dma_wait3A_263 : memref<1x1000xi32, #tpu.memory_space<vmem>> -> memref<1000xi32, #tpu.memory_space<vmem>>
    %dma_wait3A_265 = arith.constant 0 : i32
    %dma_wait3A_266 = tpu.memref_slice %arg2[%dma_wait3A_260, %dma_wait3A_265] : memref<320x1000xi32, #tpu.memory_space<hbm>> -> memref<1x1000xi32, #tpu.memory_space<hbm>>
    %dma_wait3A_267 = tpu.memref_squeeze %dma_wait3A_266 : memref<1x1000xi32, #tpu.memory_space<hbm>> -> memref<1000xi32, #tpu.memory_space<hbm>>
    %dma_wait3A_268 = arith.constant 0 : i32
    %dma_wait3A_269 = tpu.memref_slice %arg13[%dma_wait3A_261, %dma_wait3A_268] : memref<1x1000xi32, #tpu.memory_space<vmem>> -> memref<1x1000xi32, #tpu.memory_space<vmem>>
    %dma_wait3A_270 = tpu.memref_squeeze %dma_wait3A_269 : memref<1x1000xi32, #tpu.memory_space<vmem>> -> memref<1000xi32, #tpu.memory_space<vmem>>
    %dma_wait3A_271 = arith.constant 0 : i32
    %dma_wait3A_272 = tpu.memref_slice %arg2[%dma_wait3A_260, %dma_wait3A_271] : memref<320x1000xi32, #tpu.memory_space<hbm>> -> memref<1x1000xi32, #tpu.memory_space<hbm>>
    %dma_wait3A_273 = tpu.memref_squeeze %dma_wait3A_272 : memref<1x1000xi32, #tpu.memory_space<hbm>> -> memref<1000xi32, #tpu.memory_space<hbm>>
    tpu.wait_dma2 semaphore(%arg24 : memref<!tpu.dma_semaphore, #tpu.memory_space<semaphore_mem>>) src(%dma_wait3A_273 : memref<1000xi32, #tpu.memory_space<hbm>>) dst(%dma_wait3A_270 : memref<1000xi32, #tpu.memory_space<vmem>>)
    %run_scoped3A_274 = arith.constant 0 : i32
    "tpu.region"() ({
      %run_scoped3A_321 = tpu.sem_alloc : memref<!tpu.dma_semaphore, #tpu.memory_space<semaphore_mem>>
      %dma_start3A_322 = arith.constant 0 : i32
      %dma_start3A_323 = tpu.memref_slice %arg13[%run_scoped3A_274, %dma_start3A_322] : memref<1x1000xi32, #tpu.memory_space<vmem>> -> memref<1x1000xi32, #tpu.memory_space<vmem>>
      %dma_start3A_324 = tpu.memref_squeeze %dma_start3A_323 : memref<1x1000xi32, #tpu.memory_space<vmem>> -> memref<1000xi32, #tpu.memory_space<vmem>>
      %dma_start3A_325 = arith.constant 0 : i32
      %dma_start3A_326 = tpu.memref_slice %arg6[%dma_start3A_325] : memref<10240xf32, #tpu.memory_space<vmem_shared>> -> memref<10240xf32, #tpu.memory_space<vmem_shared>>
      tpu.enqueue_indirect_dma source(%arg17 : memref<1000xf32, #tpu.memory_space<vmem>>) target(%dma_start3A_326 : memref<10240xf32, #tpu.memory_space<vmem_shared>>) offsets(%dma_start3A_324 : memref<1000xi32, #tpu.memory_space<vmem>>) semaphore(%run_scoped3A_321 : memref<!tpu.dma_semaphore, #tpu.memory_space<semaphore_mem>>) {add = true}
      %dma_wait3A_327 = arith.constant 0 : i32
      %dma_wait3A_328 = tpu.memref_slice %arg13[%run_scoped3A_274, %dma_wait3A_327] : memref<1x1000xi32, #tpu.memory_space<vmem>> -> memref<1x1000xi32, #tpu.memory_space<vmem>>
      %dma_wait3A_329 = tpu.memref_squeeze %dma_wait3A_328 : memref<1x1000xi32, #tpu.memory_space<vmem>> -> memref<1000xi32, #tpu.memory_space<vmem>>
      %dma_wait3A_330 = arith.constant 0 : i32
      %dma_wait3A_331 = tpu.memref_slice %arg6[%dma_wait3A_330] : memref<10240xf32, #tpu.memory_space<vmem_shared>> -> memref<10240xf32, #tpu.memory_space<vmem_shared>>
      tpu.wait_indirect_dma semaphore(%run_scoped3A_321 : memref<!tpu.dma_semaphore, #tpu.memory_space<semaphore_mem>>) src(%arg17 : memref<1000xf32, #tpu.memory_space<vmem>>) dst(%dma_wait3A_331 : memref<10240xf32, #tpu.memory_space<vmem_shared>>)
      tpu.yield
    }) : () -> ()
    %dma_wait3A_275 = arith.constant 0 : i32
    %dma_wait3A_276 = arith.constant 0 : i32
    %dma_wait3A_277 = arith.constant 0 : i32
    %dma_wait3A_278 = tpu.memref_slice %arg14[%dma_wait3A_276, %dma_wait3A_277] : memref<1x1000xi32, #tpu.memory_space<vmem>> -> memref<1x1000xi32, #tpu.memory_space<vmem>>
    %dma_wait3A_279 = tpu.memref_squeeze %dma_wait3A_278 : memref<1x1000xi32, #tpu.memory_space<vmem>> -> memref<1000xi32, #tpu.memory_space<vmem>>
    %dma_wait3A_280 = arith.constant 0 : i32
    %dma_wait3A_281 = tpu.memref_slice %arg2[%dma_wait3A_275, %dma_wait3A_280] : memref<320x1000xi32, #tpu.memory_space<hbm>> -> memref<1x1000xi32, #tpu.memory_space<hbm>>
    %dma_wait3A_282 = tpu.memref_squeeze %dma_wait3A_281 : memref<1x1000xi32, #tpu.memory_space<hbm>> -> memref<1000xi32, #tpu.memory_space<hbm>>
    %dma_wait3A_283 = arith.constant 0 : i32
    %dma_wait3A_284 = tpu.memref_slice %arg14[%dma_wait3A_276, %dma_wait3A_283] : memref<1x1000xi32, #tpu.memory_space<vmem>> -> memref<1x1000xi32, #tpu.memory_space<vmem>>
    %dma_wait3A_285 = tpu.memref_squeeze %dma_wait3A_284 : memref<1x1000xi32, #tpu.memory_space<vmem>> -> memref<1000xi32, #tpu.memory_space<vmem>>
    %dma_wait3A_286 = arith.constant 0 : i32
    %dma_wait3A_287 = tpu.memref_slice %arg2[%dma_wait3A_275, %dma_wait3A_286] : memref<320x1000xi32, #tpu.memory_space<hbm>> -> memref<1x1000xi32, #tpu.memory_space<hbm>>
    %dma_wait3A_288 = tpu.memref_squeeze %dma_wait3A_287 : memref<1x1000xi32, #tpu.memory_space<hbm>> -> memref<1000xi32, #tpu.memory_space<hbm>>
    tpu.wait_dma2 semaphore(%arg25 : memref<!tpu.dma_semaphore, #tpu.memory_space<semaphore_mem>>) src(%dma_wait3A_288 : memref<1000xi32, #tpu.memory_space<hbm>>) dst(%dma_wait3A_285 : memref<1000xi32, #tpu.memory_space<vmem>>)
    %run_scoped3A_289 = arith.constant 0 : i32
    "tpu.region"() ({
      %run_scoped3A_321 = tpu.sem_alloc : memref<!tpu.dma_semaphore, #tpu.memory_space<semaphore_mem>>
      %dma_start3A_322 = arith.constant 0 : i32
      %dma_start3A_323 = tpu.memref_slice %arg14[%run_scoped3A_289, %dma_start3A_322] : memref<1x1000xi32, #tpu.memory_space<vmem>> -> memref<1x1000xi32, #tpu.memory_space<vmem>>
      %dma_start3A_324 = tpu.memref_squeeze %dma_start3A_323 : memref<1x1000xi32, #tpu.memory_space<vmem>> -> memref<1000xi32, #tpu.memory_space<vmem>>
      %dma_start3A_325 = arith.constant 0 : i32
      %dma_start3A_326 = tpu.memref_slice %arg6[%dma_start3A_325] : memref<10240xf32, #tpu.memory_space<vmem_shared>> -> memref<10240xf32, #tpu.memory_space<vmem_shared>>
      tpu.enqueue_indirect_dma source(%arg17 : memref<1000xf32, #tpu.memory_space<vmem>>) target(%dma_start3A_326 : memref<10240xf32, #tpu.memory_space<vmem_shared>>) offsets(%dma_start3A_324 : memref<1000xi32, #tpu.memory_space<vmem>>) semaphore(%run_scoped3A_321 : memref<!tpu.dma_semaphore, #tpu.memory_space<semaphore_mem>>) {add = true}
      %dma_wait3A_327 = arith.constant 0 : i32
      %dma_wait3A_328 = tpu.memref_slice %arg14[%run_scoped3A_289, %dma_wait3A_327] : memref<1x1000xi32, #tpu.memory_space<vmem>> -> memref<1x1000xi32, #tpu.memory_space<vmem>>
      %dma_wait3A_329 = tpu.memref_squeeze %dma_wait3A_328 : memref<1x1000xi32, #tpu.memory_space<vmem>> -> memref<1000xi32, #tpu.memory_space<vmem>>
      %dma_wait3A_330 = arith.constant 0 : i32
      %dma_wait3A_331 = tpu.memref_slice %arg6[%dma_wait3A_330] : memref<10240xf32, #tpu.memory_space<vmem_shared>> -> memref<10240xf32, #tpu.memory_space<vmem_shared>>
      tpu.wait_indirect_dma semaphore(%run_scoped3A_321 : memref<!tpu.dma_semaphore, #tpu.memory_space<semaphore_mem>>) src(%arg17 : memref<1000xf32, #tpu.memory_space<vmem>>) dst(%dma_wait3A_331 : memref<10240xf32, #tpu.memory_space<vmem_shared>>)
      tpu.yield
    }) : () -> ()
    %dma_wait3A_290 = arith.constant 0 : i32
    %dma_wait3A_291 = arith.constant 0 : i32
    %dma_wait3A_292 = arith.constant 0 : i32
    %dma_wait3A_293 = tpu.memref_slice %arg15[%dma_wait3A_291, %dma_wait3A_292] : memref<1x1000xi32, #tpu.memory_space<vmem>> -> memref<1x1000xi32, #tpu.memory_space<vmem>>
    %dma_wait3A_294 = tpu.memref_squeeze %dma_wait3A_293 : memref<1x1000xi32, #tpu.memory_space<vmem>> -> memref<1000xi32, #tpu.memory_space<vmem>>
    %dma_wait3A_295 = arith.constant 0 : i32
    %dma_wait3A_296 = tpu.memref_slice %arg2[%dma_wait3A_290, %dma_wait3A_295] : memref<320x1000xi32, #tpu.memory_space<hbm>> -> memref<1x1000xi32, #tpu.memory_space<hbm>>
    %dma_wait3A_297 = tpu.memref_squeeze %dma_wait3A_296 : memref<1x1000xi32, #tpu.memory_space<hbm>> -> memref<1000xi32, #tpu.memory_space<hbm>>
    %dma_wait3A_298 = arith.constant 0 : i32
    %dma_wait3A_299 = tpu.memref_slice %arg15[%dma_wait3A_291, %dma_wait3A_298] : memref<1x1000xi32, #tpu.memory_space<vmem>> -> memref<1x1000xi32, #tpu.memory_space<vmem>>
    %dma_wait3A_300 = tpu.memref_squeeze %dma_wait3A_299 : memref<1x1000xi32, #tpu.memory_space<vmem>> -> memref<1000xi32, #tpu.memory_space<vmem>>
    %dma_wait3A_301 = arith.constant 0 : i32
    %dma_wait3A_302 = tpu.memref_slice %arg2[%dma_wait3A_290, %dma_wait3A_301] : memref<320x1000xi32, #tpu.memory_space<hbm>> -> memref<1x1000xi32, #tpu.memory_space<hbm>>
    %dma_wait3A_303 = tpu.memref_squeeze %dma_wait3A_302 : memref<1x1000xi32, #tpu.memory_space<hbm>> -> memref<1000xi32, #tpu.memory_space<hbm>>
    tpu.wait_dma2 semaphore(%arg26 : memref<!tpu.dma_semaphore, #tpu.memory_space<semaphore_mem>>) src(%dma_wait3A_303 : memref<1000xi32, #tpu.memory_space<hbm>>) dst(%dma_wait3A_300 : memref<1000xi32, #tpu.memory_space<vmem>>)
    %run_scoped3A_304 = arith.constant 0 : i32
    "tpu.region"() ({
      %run_scoped3A_321 = tpu.sem_alloc : memref<!tpu.dma_semaphore, #tpu.memory_space<semaphore_mem>>
      %dma_start3A_322 = arith.constant 0 : i32
      %dma_start3A_323 = tpu.memref_slice %arg15[%run_scoped3A_304, %dma_start3A_322] : memref<1x1000xi32, #tpu.memory_space<vmem>> -> memref<1x1000xi32, #tpu.memory_space<vmem>>
      %dma_start3A_324 = tpu.memref_squeeze %dma_start3A_323 : memref<1x1000xi32, #tpu.memory_space<vmem>> -> memref<1000xi32, #tpu.memory_space<vmem>>
      %dma_start3A_325 = arith.constant 0 : i32
      %dma_start3A_326 = tpu.memref_slice %arg6[%dma_start3A_325] : memref<10240xf32, #tpu.memory_space<vmem_shared>> -> memref<10240xf32, #tpu.memory_space<vmem_shared>>
      tpu.enqueue_indirect_dma source(%arg17 : memref<1000xf32, #tpu.memory_space<vmem>>) target(%dma_start3A_326 : memref<10240xf32, #tpu.memory_space<vmem_shared>>) offsets(%dma_start3A_324 : memref<1000xi32, #tpu.memory_space<vmem>>) semaphore(%run_scoped3A_321 : memref<!tpu.dma_semaphore, #tpu.memory_space<semaphore_mem>>) {add = true}
      %dma_wait3A_327 = arith.constant 0 : i32
      %dma_wait3A_328 = tpu.memref_slice %arg15[%run_scoped3A_304, %dma_wait3A_327] : memref<1x1000xi32, #tpu.memory_space<vmem>> -> memref<1x1000xi32, #tpu.memory_space<vmem>>
      %dma_wait3A_329 = tpu.memref_squeeze %dma_wait3A_328 : memref<1x1000xi32, #tpu.memory_space<vmem>> -> memref<1000xi32, #tpu.memory_space<vmem>>
      %dma_wait3A_330 = arith.constant 0 : i32
      %dma_wait3A_331 = tpu.memref_slice %arg6[%dma_wait3A_330] : memref<10240xf32, #tpu.memory_space<vmem_shared>> -> memref<10240xf32, #tpu.memory_space<vmem_shared>>
      tpu.wait_indirect_dma semaphore(%run_scoped3A_321 : memref<!tpu.dma_semaphore, #tpu.memory_space<semaphore_mem>>) src(%arg17 : memref<1000xf32, #tpu.memory_space<vmem>>) dst(%dma_wait3A_331 : memref<10240xf32, #tpu.memory_space<vmem_shared>>)
      tpu.yield
    }) : () -> ()
    %dma_wait3A_305 = arith.constant 0 : i32
    %dma_wait3A_306 = arith.constant 0 : i32
    %dma_wait3A_307 = arith.constant 0 : i32
    %dma_wait3A_308 = tpu.memref_slice %arg16[%dma_wait3A_306, %dma_wait3A_307] : memref<1x1000xi32, #tpu.memory_space<vmem>> -> memref<1x1000xi32, #tpu.memory_space<vmem>>
    %dma_wait3A_309 = tpu.memref_squeeze %dma_wait3A_308 : memref<1x1000xi32, #tpu.memory_space<vmem>> -> memref<1000xi32, #tpu.memory_space<vmem>>
    %dma_wait3A_310 = arith.constant 0 : i32
    %dma_wait3A_311 = tpu.memref_slice %arg2[%dma_wait3A_305, %dma_wait3A_310] : memref<320x1000xi32, #tpu.memory_space<hbm>> -> memref<1x1000xi32, #tpu.memory_space<hbm>>
    %dma_wait3A_312 = tpu.memref_squeeze %dma_wait3A_311 : memref<1x1000xi32, #tpu.memory_space<hbm>> -> memref<1000xi32, #tpu.memory_space<hbm>>
    %dma_wait3A_313 = arith.constant 0 : i32
    %dma_wait3A_314 = tpu.memref_slice %arg16[%dma_wait3A_306, %dma_wait3A_313] : memref<1x1000xi32, #tpu.memory_space<vmem>> -> memref<1x1000xi32, #tpu.memory_space<vmem>>
    %dma_wait3A_315 = tpu.memref_squeeze %dma_wait3A_314 : memref<1x1000xi32, #tpu.memory_space<vmem>> -> memref<1000xi32, #tpu.memory_space<vmem>>
    %dma_wait3A_316 = arith.constant 0 : i32
    %dma_wait3A_317 = tpu.memref_slice %arg2[%dma_wait3A_305, %dma_wait3A_316] : memref<320x1000xi32, #tpu.memory_space<hbm>> -> memref<1x1000xi32, #tpu.memory_space<hbm>>
    %dma_wait3A_318 = tpu.memref_squeeze %dma_wait3A_317 : memref<1x1000xi32, #tpu.memory_space<hbm>> -> memref<1000xi32, #tpu.memory_space<hbm>>
    tpu.wait_dma2 semaphore(%arg27 : memref<!tpu.dma_semaphore, #tpu.memory_space<semaphore_mem>>) src(%dma_wait3A_318 : memref<1000xi32, #tpu.memory_space<hbm>>) dst(%dma_wait3A_315 : memref<1000xi32, #tpu.memory_space<vmem>>)
    %run_scoped3A_319 = arith.constant 0 : i32
    "tpu.region"() ({
      %run_scoped3A_321 = tpu.sem_alloc : memref<!tpu.dma_semaphore, #tpu.memory_space<semaphore_mem>>
      %dma_start3A_322 = arith.constant 0 : i32
      %dma_start3A_323 = tpu.memref_slice %arg16[%run_scoped3A_319, %dma_start3A_322] : memref<1x1000xi32, #tpu.memory_space<vmem>> -> memref<1x1000xi32, #tpu.memory_space<vmem>>
      %dma_start3A_324 = tpu.memref_squeeze %dma_start3A_323 : memref<1x1000xi32, #tpu.memory_space<vmem>> -> memref<1000xi32, #tpu.memory_space<vmem>>
      %dma_start3A_325 = arith.constant 0 : i32
      %dma_start3A_326 = tpu.memref_slice %arg6[%dma_start3A_325] : memref<10240xf32, #tpu.memory_space<vmem_shared>> -> memref<10240xf32, #tpu.memory_space<vmem_shared>>
      tpu.enqueue_indirect_dma source(%arg17 : memref<1000xf32, #tpu.memory_space<vmem>>) target(%dma_start3A_326 : memref<10240xf32, #tpu.memory_space<vmem_shared>>) offsets(%dma_start3A_324 : memref<1000xi32, #tpu.memory_space<vmem>>) semaphore(%run_scoped3A_321 : memref<!tpu.dma_semaphore, #tpu.memory_space<semaphore_mem>>) {add = true}
      %dma_wait3A_327 = arith.constant 0 : i32
      %dma_wait3A_328 = tpu.memref_slice %arg16[%run_scoped3A_319, %dma_wait3A_327] : memref<1x1000xi32, #tpu.memory_space<vmem>> -> memref<1x1000xi32, #tpu.memory_space<vmem>>
      %dma_wait3A_329 = tpu.memref_squeeze %dma_wait3A_328 : memref<1x1000xi32, #tpu.memory_space<vmem>> -> memref<1000xi32, #tpu.memory_space<vmem>>
      %dma_wait3A_330 = arith.constant 0 : i32
      %dma_wait3A_331 = tpu.memref_slice %arg6[%dma_wait3A_330] : memref<10240xf32, #tpu.memory_space<vmem_shared>> -> memref<10240xf32, #tpu.memory_space<vmem_shared>>
      tpu.wait_indirect_dma semaphore(%run_scoped3A_321 : memref<!tpu.dma_semaphore, #tpu.memory_space<semaphore_mem>>) src(%arg17 : memref<1000xf32, #tpu.memory_space<vmem>>) dst(%dma_wait3A_331 : memref<10240xf32, #tpu.memory_space<vmem_shared>>)
      tpu.yield
    }) : () -> ()
    %barrier3A_320 = arith.constant 0 : index
    tpu.barrier barrier_id(%barrier3A_320)
    "tpu.region"() ({
      %run_scoped3A_321 = tpu.sem_alloc : memref<!tpu.dma_semaphore, #tpu.memory_space<semaphore_mem>>
      %dma_start3A_322 = tpu.memref_slice %arg5[%arg0, %multiple_of3A] : memref<2x10240xf32, #tpu.memory_space<hbm>> -> memref<1x640xf32, #tpu.memory_space<hbm>>
      %dma_start3A_323 = tpu.memref_squeeze %dma_start3A_322 : memref<1x640xf32, #tpu.memory_space<hbm>> -> memref<640xf32, #tpu.memory_space<hbm>>
      %dma_start3A_324 = tpu.memref_slice %arg6[%multiple_of3A] : memref<10240xf32, #tpu.memory_space<vmem_shared>> -> memref<640xf32, #tpu.memory_space<vmem_shared>>
      tpu.enqueue_dma source(%dma_start3A_324 : memref<640xf32, #tpu.memory_space<vmem_shared>>) target(%dma_start3A_323 : memref<640xf32, #tpu.memory_space<hbm>>) target_semaphore(%run_scoped3A_321 : memref<!tpu.dma_semaphore, #tpu.memory_space<semaphore_mem>>)
      %dma_wait3A_325 = tpu.memref_slice %arg5[%arg0, %multiple_of3A] : memref<2x10240xf32, #tpu.memory_space<hbm>> -> memref<1x640xf32, #tpu.memory_space<hbm>>
      %dma_wait3A_326 = tpu.memref_squeeze %dma_wait3A_325 : memref<1x640xf32, #tpu.memory_space<hbm>> -> memref<640xf32, #tpu.memory_space<hbm>>
      %dma_wait3A_327 = tpu.memref_slice %arg6[%multiple_of3A] : memref<10240xf32, #tpu.memory_space<vmem_shared>> -> memref<640xf32, #tpu.memory_space<vmem_shared>>
      tpu.wait_dma2 semaphore(%run_scoped3A_321 : memref<!tpu.dma_semaphore, #tpu.memory_space<semaphore_mem>>) src(%dma_wait3A_327 : memref<640xf32, #tpu.memory_space<vmem_shared>>) dst(%dma_wait3A_326 : memref<640xf32, #tpu.memory_space<hbm>>)
      tpu.yield
    }) : () -> ()
    return
  }
}

#map = affine_map<(d0, d1) -> (0, 0)>
#map1 = affine_map<(d0, d1) -> (0)>
#map2 = affine_map<(d0, d1) -> (0, 0, 0)>
module attributes {stable_mosaic.version = 14 : i64} {
  func.func @agg_kernel(%arg0: i32, %arg1: i32, %arg2: memref<2560x128xi32, #tpu.memory_space<hbm>>, %arg3: memref<2560x128xi32, #tpu.memory_space<hbm>>, %arg4: memref<10000x128xf32, #tpu.memory_space<hbm>>, %arg5: memref<10240xf32, #tpu.memory_space<hbm>>, %arg6: memref<640x128xf32, #tpu.memory_space<hbm>>, %arg7: memref<640xf32, #tpu.memory_space<hbm>>, %arg8: memref<2x10240x128xf32, #tpu.memory_space<hbm>>, %arg9: memref<2x10240xf32, #tpu.memory_space<hbm>>, %arg10: memref<10240x128xf32, #tpu.memory_space<vmem_shared>>, %arg11: memref<10240xf32, #tpu.memory_space<vmem_shared>>, %arg12: memref<10240xf32, #tpu.memory_space<vmem_shared>>, %arg13: memref<1x128xi32, #tpu.memory_space<vmem>>, %arg14: memref<1x128xi32, #tpu.memory_space<vmem>>, %arg15: memref<1x128xi32, #tpu.memory_space<vmem>>, %arg16: memref<1x128xi32, #tpu.memory_space<vmem>>, %arg17: memref<1x128xi32, #tpu.memory_space<vmem>>, %arg18: memref<1x128xi32, #tpu.memory_space<vmem>>, %arg19: memref<1x128xi32, #tpu.memory_space<vmem>>, %arg20: memref<1x128xi32, #tpu.memory_space<vmem>>, %arg21: memref<1x128xi32, #tpu.memory_space<vmem>>, %arg22: memref<1x128xi32, #tpu.memory_space<vmem>>, %arg23: memref<1x128xi32, #tpu.memory_space<vmem>>, %arg24: memref<1x128xi32, #tpu.memory_space<vmem>>, %arg25: memref<1x128xi32, #tpu.memory_space<vmem>>, %arg26: memref<1x128xi32, #tpu.memory_space<vmem>>, %arg27: memref<1x128xi32, #tpu.memory_space<vmem>>, %arg28: memref<1x128xi32, #tpu.memory_space<vmem>>, %arg29: memref<128x128xf32, #tpu.memory_space<vmem>>, %arg30: memref<128x128xf32, #tpu.memory_space<vmem>>, %arg31: memref<128xf32, #tpu.memory_space<vmem>>, %arg32: memref<128xf32, #tpu.memory_space<vmem>>, %arg33: memref<!tpu.dma_semaphore, #tpu.memory_space<semaphore_mem>>, %arg34: memref<!tpu.dma_semaphore, #tpu.memory_space<semaphore_mem>>, %arg35: memref<!tpu.dma_semaphore, #tpu.memory_space<semaphore_mem>>, %arg36: memref<!tpu.dma_semaphore, #tpu.memory_space<semaphore_mem>>, %arg37: memref<!tpu.dma_semaphore, #tpu.memory_space<semaphore_mem>>, %arg38: memref<!tpu.dma_semaphore, #tpu.memory_space<semaphore_mem>>, %arg39: memref<!tpu.dma_semaphore, #tpu.memory_space<semaphore_mem>>, %arg40: memref<!tpu.dma_semaphore, #tpu.memory_space<semaphore_mem>>, %arg41: memref<!tpu.dma_semaphore, #tpu.memory_space<semaphore_mem>>, %arg42: memref<!tpu.dma_semaphore, #tpu.memory_space<semaphore_mem>>, %arg43: memref<!tpu.dma_semaphore, #tpu.memory_space<semaphore_mem>>, %arg44: memref<!tpu.dma_semaphore, #tpu.memory_space<semaphore_mem>>, %arg45: memref<!tpu.dma_semaphore, #tpu.memory_space<semaphore_mem>>, %arg46: memref<!tpu.dma_semaphore, #tpu.memory_space<semaphore_mem>>, %arg47: memref<!tpu.dma_semaphore, #tpu.memory_space<semaphore_mem>>, %arg48: memref<!tpu.dma_semaphore, #tpu.memory_space<semaphore_mem>>, %arg49: memref<!tpu.dma_semaphore, #tpu.memory_space<semaphore_mem>>, %arg50: memref<!tpu.dma_semaphore, #tpu.memory_space<semaphore_mem>>, %arg51: memref<!tpu.dma_semaphore, #tpu.memory_space<semaphore_mem>>, %arg52: memref<!tpu.dma_semaphore, #tpu.memory_space<semaphore_mem>>) attributes {dimension_semantics = [#tpu.dimension_semantics<core_parallel>, #tpu.dimension_semantics<subcore_parallel>], iteration_bounds = array<i64: 2, 16>, scalar_prefetch = 0 : i64, scratch_operands = 43 : i64, tpu.core_type = #tpu.core_type<sc_vector_subcore>, window_params = [{transform_indices = #map}, {transform_indices = #map}, {transform_indices = #map}, {transform_indices = #map1}, {transform_indices = #map}, {transform_indices = #map1}, {transform_indices = #map2}, {transform_indices = #map}]} {
    %mul3A = arith.constant 16 : i32
    %mul3A_0 = arith.muli %arg0, %mul3A : i32
    %add3A = arith.addi %mul3A_0, %arg1 : i32
    %mul3A_1 = arith.constant 640 : i32
    %mul3A_2 = arith.muli %arg1, %mul3A_1 : i32
    %multiple_of3A = tpu.assume_multiple %mul3A_2, 8 : i32
    %mul3A_3 = arith.constant 80 : i32
    %mul3A_4 = arith.muli %add3A, %mul3A_3 : i32
    %add3A_5 = arith.constant 0 : i32
    %add3A_6 = arith.addi %mul3A_4, %add3A_5 : i32
    %dma_start3A = arith.constant 0 : i32
    %dma_start3A_7 = arith.constant 0 : i32
    %dma_start3A_8 = tpu.memref_slice %arg13[%dma_start3A, %dma_start3A_7] : memref<1x128xi32, #tpu.memory_space<vmem>> -> memref<1x128xi32, #tpu.memory_space<vmem>>
    %dma_start3A_9 = tpu.memref_squeeze %dma_start3A_8 : memref<1x128xi32, #tpu.memory_space<vmem>> -> memref<128xi32, #tpu.memory_space<vmem>>
    %dma_start3A_10 = arith.constant 0 : i32
    %dma_start3A_11 = tpu.memref_slice %arg2[%add3A_6, %dma_start3A_10] : memref<2560x128xi32, #tpu.memory_space<hbm>> -> memref<1x128xi32, #tpu.memory_space<hbm>>
    %dma_start3A_12 = tpu.memref_squeeze %dma_start3A_11 : memref<1x128xi32, #tpu.memory_space<hbm>> -> memref<128xi32, #tpu.memory_space<hbm>>
    %dma_start3A_13 = arith.constant 0 : i32
    %dma_start3A_14 = tpu.memref_slice %arg13[%dma_start3A, %dma_start3A_13] : memref<1x128xi32, #tpu.memory_space<vmem>> -> memref<1x128xi32, #tpu.memory_space<vmem>>
    %dma_start3A_15 = tpu.memref_squeeze %dma_start3A_14 : memref<1x128xi32, #tpu.memory_space<vmem>> -> memref<128xi32, #tpu.memory_space<vmem>>
    %dma_start3A_16 = arith.constant 0 : i32
    %dma_start3A_17 = tpu.memref_slice %arg2[%add3A_6, %dma_start3A_16] : memref<2560x128xi32, #tpu.memory_space<hbm>> -> memref<1x128xi32, #tpu.memory_space<hbm>>
    %dma_start3A_18 = tpu.memref_squeeze %dma_start3A_17 : memref<1x128xi32, #tpu.memory_space<hbm>> -> memref<128xi32, #tpu.memory_space<hbm>>
    tpu.enqueue_dma source(%dma_start3A_18 : memref<128xi32, #tpu.memory_space<hbm>>) target(%dma_start3A_15 : memref<128xi32, #tpu.memory_space<vmem>>) target_semaphore(%arg33 : memref<!tpu.dma_semaphore, #tpu.memory_space<semaphore_mem>>)
    %dma_start3A_19 = arith.constant 0 : i32
    %dma_start3A_20 = arith.constant 0 : i32
    %dma_start3A_21 = tpu.memref_slice %arg21[%dma_start3A_19, %dma_start3A_20] : memref<1x128xi32, #tpu.memory_space<vmem>> -> memref<1x128xi32, #tpu.memory_space<vmem>>
    %dma_start3A_22 = tpu.memref_squeeze %dma_start3A_21 : memref<1x128xi32, #tpu.memory_space<vmem>> -> memref<128xi32, #tpu.memory_space<vmem>>
    %dma_start3A_23 = arith.constant 0 : i32
    %dma_start3A_24 = tpu.memref_slice %arg3[%add3A_6, %dma_start3A_23] : memref<2560x128xi32, #tpu.memory_space<hbm>> -> memref<1x128xi32, #tpu.memory_space<hbm>>
    %dma_start3A_25 = tpu.memref_squeeze %dma_start3A_24 : memref<1x128xi32, #tpu.memory_space<hbm>> -> memref<128xi32, #tpu.memory_space<hbm>>
    %dma_start3A_26 = arith.constant 0 : i32
    %dma_start3A_27 = tpu.memref_slice %arg21[%dma_start3A_19, %dma_start3A_26] : memref<1x128xi32, #tpu.memory_space<vmem>> -> memref<1x128xi32, #tpu.memory_space<vmem>>
    %dma_start3A_28 = tpu.memref_squeeze %dma_start3A_27 : memref<1x128xi32, #tpu.memory_space<vmem>> -> memref<128xi32, #tpu.memory_space<vmem>>
    %dma_start3A_29 = arith.constant 0 : i32
    %dma_start3A_30 = tpu.memref_slice %arg3[%add3A_6, %dma_start3A_29] : memref<2560x128xi32, #tpu.memory_space<hbm>> -> memref<1x128xi32, #tpu.memory_space<hbm>>
    %dma_start3A_31 = tpu.memref_squeeze %dma_start3A_30 : memref<1x128xi32, #tpu.memory_space<hbm>> -> memref<128xi32, #tpu.memory_space<hbm>>
    tpu.enqueue_dma source(%dma_start3A_31 : memref<128xi32, #tpu.memory_space<hbm>>) target(%dma_start3A_28 : memref<128xi32, #tpu.memory_space<vmem>>) target_semaphore(%arg41 : memref<!tpu.dma_semaphore, #tpu.memory_space<semaphore_mem>>)
    %mul3A_32 = arith.constant 80 : i32
    %mul3A_33 = arith.muli %add3A, %mul3A_32 : i32
    %add3A_34 = arith.constant 1 : i32
    %add3A_35 = arith.addi %mul3A_33, %add3A_34 : i32
    %dma_start3A_36 = arith.constant 0 : i32
    %dma_start3A_37 = arith.constant 0 : i32
    %dma_start3A_38 = tpu.memref_slice %arg14[%dma_start3A_36, %dma_start3A_37] : memref<1x128xi32, #tpu.memory_space<vmem>> -> memref<1x128xi32, #tpu.memory_space<vmem>>
    %dma_start3A_39 = tpu.memref_squeeze %dma_start3A_38 : memref<1x128xi32, #tpu.memory_space<vmem>> -> memref<128xi32, #tpu.memory_space<vmem>>
    %dma_start3A_40 = arith.constant 0 : i32
    %dma_start3A_41 = tpu.memref_slice %arg2[%add3A_35, %dma_start3A_40] : memref<2560x128xi32, #tpu.memory_space<hbm>> -> memref<1x128xi32, #tpu.memory_space<hbm>>
    %dma_start3A_42 = tpu.memref_squeeze %dma_start3A_41 : memref<1x128xi32, #tpu.memory_space<hbm>> -> memref<128xi32, #tpu.memory_space<hbm>>
    %dma_start3A_43 = arith.constant 0 : i32
    %dma_start3A_44 = tpu.memref_slice %arg14[%dma_start3A_36, %dma_start3A_43] : memref<1x128xi32, #tpu.memory_space<vmem>> -> memref<1x128xi32, #tpu.memory_space<vmem>>
    %dma_start3A_45 = tpu.memref_squeeze %dma_start3A_44 : memref<1x128xi32, #tpu.memory_space<vmem>> -> memref<128xi32, #tpu.memory_space<vmem>>
    %dma_start3A_46 = arith.constant 0 : i32
    %dma_start3A_47 = tpu.memref_slice %arg2[%add3A_35, %dma_start3A_46] : memref<2560x128xi32, #tpu.memory_space<hbm>> -> memref<1x128xi32, #tpu.memory_space<hbm>>
    %dma_start3A_48 = tpu.memref_squeeze %dma_start3A_47 : memref<1x128xi32, #tpu.memory_space<hbm>> -> memref<128xi32, #tpu.memory_space<hbm>>
    tpu.enqueue_dma source(%dma_start3A_48 : memref<128xi32, #tpu.memory_space<hbm>>) target(%dma_start3A_45 : memref<128xi32, #tpu.memory_space<vmem>>) target_semaphore(%arg34 : memref<!tpu.dma_semaphore, #tpu.memory_space<semaphore_mem>>)
    %dma_start3A_49 = arith.constant 0 : i32
    %dma_start3A_50 = arith.constant 0 : i32
    %dma_start3A_51 = tpu.memref_slice %arg22[%dma_start3A_49, %dma_start3A_50] : memref<1x128xi32, #tpu.memory_space<vmem>> -> memref<1x128xi32, #tpu.memory_space<vmem>>
    %dma_start3A_52 = tpu.memref_squeeze %dma_start3A_51 : memref<1x128xi32, #tpu.memory_space<vmem>> -> memref<128xi32, #tpu.memory_space<vmem>>
    %dma_start3A_53 = arith.constant 0 : i32
    %dma_start3A_54 = tpu.memref_slice %arg3[%add3A_35, %dma_start3A_53] : memref<2560x128xi32, #tpu.memory_space<hbm>> -> memref<1x128xi32, #tpu.memory_space<hbm>>
    %dma_start3A_55 = tpu.memref_squeeze %dma_start3A_54 : memref<1x128xi32, #tpu.memory_space<hbm>> -> memref<128xi32, #tpu.memory_space<hbm>>
    %dma_start3A_56 = arith.constant 0 : i32
    %dma_start3A_57 = tpu.memref_slice %arg22[%dma_start3A_49, %dma_start3A_56] : memref<1x128xi32, #tpu.memory_space<vmem>> -> memref<1x128xi32, #tpu.memory_space<vmem>>
    %dma_start3A_58 = tpu.memref_squeeze %dma_start3A_57 : memref<1x128xi32, #tpu.memory_space<vmem>> -> memref<128xi32, #tpu.memory_space<vmem>>
    %dma_start3A_59 = arith.constant 0 : i32
    %dma_start3A_60 = tpu.memref_slice %arg3[%add3A_35, %dma_start3A_59] : memref<2560x128xi32, #tpu.memory_space<hbm>> -> memref<1x128xi32, #tpu.memory_space<hbm>>
    %dma_start3A_61 = tpu.memref_squeeze %dma_start3A_60 : memref<1x128xi32, #tpu.memory_space<hbm>> -> memref<128xi32, #tpu.memory_space<hbm>>
    tpu.enqueue_dma source(%dma_start3A_61 : memref<128xi32, #tpu.memory_space<hbm>>) target(%dma_start3A_58 : memref<128xi32, #tpu.memory_space<vmem>>) target_semaphore(%arg42 : memref<!tpu.dma_semaphore, #tpu.memory_space<semaphore_mem>>)
    %mul3A_62 = arith.constant 80 : i32
    %mul3A_63 = arith.muli %add3A, %mul3A_62 : i32
    %add3A_64 = arith.constant 2 : i32
    %add3A_65 = arith.addi %mul3A_63, %add3A_64 : i32
    %dma_start3A_66 = arith.constant 0 : i32
    %dma_start3A_67 = arith.constant 0 : i32
    %dma_start3A_68 = tpu.memref_slice %arg15[%dma_start3A_66, %dma_start3A_67] : memref<1x128xi32, #tpu.memory_space<vmem>> -> memref<1x128xi32, #tpu.memory_space<vmem>>
    %dma_start3A_69 = tpu.memref_squeeze %dma_start3A_68 : memref<1x128xi32, #tpu.memory_space<vmem>> -> memref<128xi32, #tpu.memory_space<vmem>>
    %dma_start3A_70 = arith.constant 0 : i32
    %dma_start3A_71 = tpu.memref_slice %arg2[%add3A_65, %dma_start3A_70] : memref<2560x128xi32, #tpu.memory_space<hbm>> -> memref<1x128xi32, #tpu.memory_space<hbm>>
    %dma_start3A_72 = tpu.memref_squeeze %dma_start3A_71 : memref<1x128xi32, #tpu.memory_space<hbm>> -> memref<128xi32, #tpu.memory_space<hbm>>
    %dma_start3A_73 = arith.constant 0 : i32
    %dma_start3A_74 = tpu.memref_slice %arg15[%dma_start3A_66, %dma_start3A_73] : memref<1x128xi32, #tpu.memory_space<vmem>> -> memref<1x128xi32, #tpu.memory_space<vmem>>
    %dma_start3A_75 = tpu.memref_squeeze %dma_start3A_74 : memref<1x128xi32, #tpu.memory_space<vmem>> -> memref<128xi32, #tpu.memory_space<vmem>>
    %dma_start3A_76 = arith.constant 0 : i32
    %dma_start3A_77 = tpu.memref_slice %arg2[%add3A_65, %dma_start3A_76] : memref<2560x128xi32, #tpu.memory_space<hbm>> -> memref<1x128xi32, #tpu.memory_space<hbm>>
    %dma_start3A_78 = tpu.memref_squeeze %dma_start3A_77 : memref<1x128xi32, #tpu.memory_space<hbm>> -> memref<128xi32, #tpu.memory_space<hbm>>
    tpu.enqueue_dma source(%dma_start3A_78 : memref<128xi32, #tpu.memory_space<hbm>>) target(%dma_start3A_75 : memref<128xi32, #tpu.memory_space<vmem>>) target_semaphore(%arg35 : memref<!tpu.dma_semaphore, #tpu.memory_space<semaphore_mem>>)
    %dma_start3A_79 = arith.constant 0 : i32
    %dma_start3A_80 = arith.constant 0 : i32
    %dma_start3A_81 = tpu.memref_slice %arg23[%dma_start3A_79, %dma_start3A_80] : memref<1x128xi32, #tpu.memory_space<vmem>> -> memref<1x128xi32, #tpu.memory_space<vmem>>
    %dma_start3A_82 = tpu.memref_squeeze %dma_start3A_81 : memref<1x128xi32, #tpu.memory_space<vmem>> -> memref<128xi32, #tpu.memory_space<vmem>>
    %dma_start3A_83 = arith.constant 0 : i32
    %dma_start3A_84 = tpu.memref_slice %arg3[%add3A_65, %dma_start3A_83] : memref<2560x128xi32, #tpu.memory_space<hbm>> -> memref<1x128xi32, #tpu.memory_space<hbm>>
    %dma_start3A_85 = tpu.memref_squeeze %dma_start3A_84 : memref<1x128xi32, #tpu.memory_space<hbm>> -> memref<128xi32, #tpu.memory_space<hbm>>
    %dma_start3A_86 = arith.constant 0 : i32
    %dma_start3A_87 = tpu.memref_slice %arg23[%dma_start3A_79, %dma_start3A_86] : memref<1x128xi32, #tpu.memory_space<vmem>> -> memref<1x128xi32, #tpu.memory_space<vmem>>
    %dma_start3A_88 = tpu.memref_squeeze %dma_start3A_87 : memref<1x128xi32, #tpu.memory_space<vmem>> -> memref<128xi32, #tpu.memory_space<vmem>>
    %dma_start3A_89 = arith.constant 0 : i32
    %dma_start3A_90 = tpu.memref_slice %arg3[%add3A_65, %dma_start3A_89] : memref<2560x128xi32, #tpu.memory_space<hbm>> -> memref<1x128xi32, #tpu.memory_space<hbm>>
    %dma_start3A_91 = tpu.memref_squeeze %dma_start3A_90 : memref<1x128xi32, #tpu.memory_space<hbm>> -> memref<128xi32, #tpu.memory_space<hbm>>
    tpu.enqueue_dma source(%dma_start3A_91 : memref<128xi32, #tpu.memory_space<hbm>>) target(%dma_start3A_88 : memref<128xi32, #tpu.memory_space<vmem>>) target_semaphore(%arg43 : memref<!tpu.dma_semaphore, #tpu.memory_space<semaphore_mem>>)
    %mul3A_92 = arith.constant 80 : i32
    %mul3A_93 = arith.muli %add3A, %mul3A_92 : i32
    %add3A_94 = arith.constant 3 : i32
    %add3A_95 = arith.addi %mul3A_93, %add3A_94 : i32
    %dma_start3A_96 = arith.constant 0 : i32
    %dma_start3A_97 = arith.constant 0 : i32
    %dma_start3A_98 = tpu.memref_slice %arg16[%dma_start3A_96, %dma_start3A_97] : memref<1x128xi32, #tpu.memory_space<vmem>> -> memref<1x128xi32, #tpu.memory_space<vmem>>
    %dma_start3A_99 = tpu.memref_squeeze %dma_start3A_98 : memref<1x128xi32, #tpu.memory_space<vmem>> -> memref<128xi32, #tpu.memory_space<vmem>>
    %dma_start3A_100 = arith.constant 0 : i32
    %dma_start3A_101 = tpu.memref_slice %arg2[%add3A_95, %dma_start3A_100] : memref<2560x128xi32, #tpu.memory_space<hbm>> -> memref<1x128xi32, #tpu.memory_space<hbm>>
    %dma_start3A_102 = tpu.memref_squeeze %dma_start3A_101 : memref<1x128xi32, #tpu.memory_space<hbm>> -> memref<128xi32, #tpu.memory_space<hbm>>
    %dma_start3A_103 = arith.constant 0 : i32
    %dma_start3A_104 = tpu.memref_slice %arg16[%dma_start3A_96, %dma_start3A_103] : memref<1x128xi32, #tpu.memory_space<vmem>> -> memref<1x128xi32, #tpu.memory_space<vmem>>
    %dma_start3A_105 = tpu.memref_squeeze %dma_start3A_104 : memref<1x128xi32, #tpu.memory_space<vmem>> -> memref<128xi32, #tpu.memory_space<vmem>>
    %dma_start3A_106 = arith.constant 0 : i32
    %dma_start3A_107 = tpu.memref_slice %arg2[%add3A_95, %dma_start3A_106] : memref<2560x128xi32, #tpu.memory_space<hbm>> -> memref<1x128xi32, #tpu.memory_space<hbm>>
    %dma_start3A_108 = tpu.memref_squeeze %dma_start3A_107 : memref<1x128xi32, #tpu.memory_space<hbm>> -> memref<128xi32, #tpu.memory_space<hbm>>
    tpu.enqueue_dma source(%dma_start3A_108 : memref<128xi32, #tpu.memory_space<hbm>>) target(%dma_start3A_105 : memref<128xi32, #tpu.memory_space<vmem>>) target_semaphore(%arg36 : memref<!tpu.dma_semaphore, #tpu.memory_space<semaphore_mem>>)
    %dma_start3A_109 = arith.constant 0 : i32
    %dma_start3A_110 = arith.constant 0 : i32
    %dma_start3A_111 = tpu.memref_slice %arg24[%dma_start3A_109, %dma_start3A_110] : memref<1x128xi32, #tpu.memory_space<vmem>> -> memref<1x128xi32, #tpu.memory_space<vmem>>
    %dma_start3A_112 = tpu.memref_squeeze %dma_start3A_111 : memref<1x128xi32, #tpu.memory_space<vmem>> -> memref<128xi32, #tpu.memory_space<vmem>>
    %dma_start3A_113 = arith.constant 0 : i32
    %dma_start3A_114 = tpu.memref_slice %arg3[%add3A_95, %dma_start3A_113] : memref<2560x128xi32, #tpu.memory_space<hbm>> -> memref<1x128xi32, #tpu.memory_space<hbm>>
    %dma_start3A_115 = tpu.memref_squeeze %dma_start3A_114 : memref<1x128xi32, #tpu.memory_space<hbm>> -> memref<128xi32, #tpu.memory_space<hbm>>
    %dma_start3A_116 = arith.constant 0 : i32
    %dma_start3A_117 = tpu.memref_slice %arg24[%dma_start3A_109, %dma_start3A_116] : memref<1x128xi32, #tpu.memory_space<vmem>> -> memref<1x128xi32, #tpu.memory_space<vmem>>
    %dma_start3A_118 = tpu.memref_squeeze %dma_start3A_117 : memref<1x128xi32, #tpu.memory_space<vmem>> -> memref<128xi32, #tpu.memory_space<vmem>>
    %dma_start3A_119 = arith.constant 0 : i32
    %dma_start3A_120 = tpu.memref_slice %arg3[%add3A_95, %dma_start3A_119] : memref<2560x128xi32, #tpu.memory_space<hbm>> -> memref<1x128xi32, #tpu.memory_space<hbm>>
    %dma_start3A_121 = tpu.memref_squeeze %dma_start3A_120 : memref<1x128xi32, #tpu.memory_space<hbm>> -> memref<128xi32, #tpu.memory_space<hbm>>
    tpu.enqueue_dma source(%dma_start3A_121 : memref<128xi32, #tpu.memory_space<hbm>>) target(%dma_start3A_118 : memref<128xi32, #tpu.memory_space<vmem>>) target_semaphore(%arg44 : memref<!tpu.dma_semaphore, #tpu.memory_space<semaphore_mem>>)
    %mul3A_122 = arith.constant 80 : i32
    %mul3A_123 = arith.muli %add3A, %mul3A_122 : i32
    %add3A_124 = arith.constant 4 : i32
    %add3A_125 = arith.addi %mul3A_123, %add3A_124 : i32
    %dma_start3A_126 = arith.constant 0 : i32
    %dma_start3A_127 = arith.constant 0 : i32
    %dma_start3A_128 = tpu.memref_slice %arg17[%dma_start3A_126, %dma_start3A_127] : memref<1x128xi32, #tpu.memory_space<vmem>> -> memref<1x128xi32, #tpu.memory_space<vmem>>
    %dma_start3A_129 = tpu.memref_squeeze %dma_start3A_128 : memref<1x128xi32, #tpu.memory_space<vmem>> -> memref<128xi32, #tpu.memory_space<vmem>>
    %dma_start3A_130 = arith.constant 0 : i32
    %dma_start3A_131 = tpu.memref_slice %arg2[%add3A_125, %dma_start3A_130] : memref<2560x128xi32, #tpu.memory_space<hbm>> -> memref<1x128xi32, #tpu.memory_space<hbm>>
    %dma_start3A_132 = tpu.memref_squeeze %dma_start3A_131 : memref<1x128xi32, #tpu.memory_space<hbm>> -> memref<128xi32, #tpu.memory_space<hbm>>
    %dma_start3A_133 = arith.constant 0 : i32
    %dma_start3A_134 = tpu.memref_slice %arg17[%dma_start3A_126, %dma_start3A_133] : memref<1x128xi32, #tpu.memory_space<vmem>> -> memref<1x128xi32, #tpu.memory_space<vmem>>
    %dma_start3A_135 = tpu.memref_squeeze %dma_start3A_134 : memref<1x128xi32, #tpu.memory_space<vmem>> -> memref<128xi32, #tpu.memory_space<vmem>>
    %dma_start3A_136 = arith.constant 0 : i32
    %dma_start3A_137 = tpu.memref_slice %arg2[%add3A_125, %dma_start3A_136] : memref<2560x128xi32, #tpu.memory_space<hbm>> -> memref<1x128xi32, #tpu.memory_space<hbm>>
    %dma_start3A_138 = tpu.memref_squeeze %dma_start3A_137 : memref<1x128xi32, #tpu.memory_space<hbm>> -> memref<128xi32, #tpu.memory_space<hbm>>
    tpu.enqueue_dma source(%dma_start3A_138 : memref<128xi32, #tpu.memory_space<hbm>>) target(%dma_start3A_135 : memref<128xi32, #tpu.memory_space<vmem>>) target_semaphore(%arg37 : memref<!tpu.dma_semaphore, #tpu.memory_space<semaphore_mem>>)
    %dma_start3A_139 = arith.constant 0 : i32
    %dma_start3A_140 = arith.constant 0 : i32
    %dma_start3A_141 = tpu.memref_slice %arg25[%dma_start3A_139, %dma_start3A_140] : memref<1x128xi32, #tpu.memory_space<vmem>> -> memref<1x128xi32, #tpu.memory_space<vmem>>
    %dma_start3A_142 = tpu.memref_squeeze %dma_start3A_141 : memref<1x128xi32, #tpu.memory_space<vmem>> -> memref<128xi32, #tpu.memory_space<vmem>>
    %dma_start3A_143 = arith.constant 0 : i32
    %dma_start3A_144 = tpu.memref_slice %arg3[%add3A_125, %dma_start3A_143] : memref<2560x128xi32, #tpu.memory_space<hbm>> -> memref<1x128xi32, #tpu.memory_space<hbm>>
    %dma_start3A_145 = tpu.memref_squeeze %dma_start3A_144 : memref<1x128xi32, #tpu.memory_space<hbm>> -> memref<128xi32, #tpu.memory_space<hbm>>
    %dma_start3A_146 = arith.constant 0 : i32
    %dma_start3A_147 = tpu.memref_slice %arg25[%dma_start3A_139, %dma_start3A_146] : memref<1x128xi32, #tpu.memory_space<vmem>> -> memref<1x128xi32, #tpu.memory_space<vmem>>
    %dma_start3A_148 = tpu.memref_squeeze %dma_start3A_147 : memref<1x128xi32, #tpu.memory_space<vmem>> -> memref<128xi32, #tpu.memory_space<vmem>>
    %dma_start3A_149 = arith.constant 0 : i32
    %dma_start3A_150 = tpu.memref_slice %arg3[%add3A_125, %dma_start3A_149] : memref<2560x128xi32, #tpu.memory_space<hbm>> -> memref<1x128xi32, #tpu.memory_space<hbm>>
    %dma_start3A_151 = tpu.memref_squeeze %dma_start3A_150 : memref<1x128xi32, #tpu.memory_space<hbm>> -> memref<128xi32, #tpu.memory_space<hbm>>
    tpu.enqueue_dma source(%dma_start3A_151 : memref<128xi32, #tpu.memory_space<hbm>>) target(%dma_start3A_148 : memref<128xi32, #tpu.memory_space<vmem>>) target_semaphore(%arg45 : memref<!tpu.dma_semaphore, #tpu.memory_space<semaphore_mem>>)
    %mul3A_152 = arith.constant 80 : i32
    %mul3A_153 = arith.muli %add3A, %mul3A_152 : i32
    %add3A_154 = arith.constant 5 : i32
    %add3A_155 = arith.addi %mul3A_153, %add3A_154 : i32
    %dma_start3A_156 = arith.constant 0 : i32
    %dma_start3A_157 = arith.constant 0 : i32
    %dma_start3A_158 = tpu.memref_slice %arg18[%dma_start3A_156, %dma_start3A_157] : memref<1x128xi32, #tpu.memory_space<vmem>> -> memref<1x128xi32, #tpu.memory_space<vmem>>
    %dma_start3A_159 = tpu.memref_squeeze %dma_start3A_158 : memref<1x128xi32, #tpu.memory_space<vmem>> -> memref<128xi32, #tpu.memory_space<vmem>>
    %dma_start3A_160 = arith.constant 0 : i32
    %dma_start3A_161 = tpu.memref_slice %arg2[%add3A_155, %dma_start3A_160] : memref<2560x128xi32, #tpu.memory_space<hbm>> -> memref<1x128xi32, #tpu.memory_space<hbm>>
    %dma_start3A_162 = tpu.memref_squeeze %dma_start3A_161 : memref<1x128xi32, #tpu.memory_space<hbm>> -> memref<128xi32, #tpu.memory_space<hbm>>
    %dma_start3A_163 = arith.constant 0 : i32
    %dma_start3A_164 = tpu.memref_slice %arg18[%dma_start3A_156, %dma_start3A_163] : memref<1x128xi32, #tpu.memory_space<vmem>> -> memref<1x128xi32, #tpu.memory_space<vmem>>
    %dma_start3A_165 = tpu.memref_squeeze %dma_start3A_164 : memref<1x128xi32, #tpu.memory_space<vmem>> -> memref<128xi32, #tpu.memory_space<vmem>>
    %dma_start3A_166 = arith.constant 0 : i32
    %dma_start3A_167 = tpu.memref_slice %arg2[%add3A_155, %dma_start3A_166] : memref<2560x128xi32, #tpu.memory_space<hbm>> -> memref<1x128xi32, #tpu.memory_space<hbm>>
    %dma_start3A_168 = tpu.memref_squeeze %dma_start3A_167 : memref<1x128xi32, #tpu.memory_space<hbm>> -> memref<128xi32, #tpu.memory_space<hbm>>
    tpu.enqueue_dma source(%dma_start3A_168 : memref<128xi32, #tpu.memory_space<hbm>>) target(%dma_start3A_165 : memref<128xi32, #tpu.memory_space<vmem>>) target_semaphore(%arg38 : memref<!tpu.dma_semaphore, #tpu.memory_space<semaphore_mem>>)
    %dma_start3A_169 = arith.constant 0 : i32
    %dma_start3A_170 = arith.constant 0 : i32
    %dma_start3A_171 = tpu.memref_slice %arg26[%dma_start3A_169, %dma_start3A_170] : memref<1x128xi32, #tpu.memory_space<vmem>> -> memref<1x128xi32, #tpu.memory_space<vmem>>
    %dma_start3A_172 = tpu.memref_squeeze %dma_start3A_171 : memref<1x128xi32, #tpu.memory_space<vmem>> -> memref<128xi32, #tpu.memory_space<vmem>>
    %dma_start3A_173 = arith.constant 0 : i32
    %dma_start3A_174 = tpu.memref_slice %arg3[%add3A_155, %dma_start3A_173] : memref<2560x128xi32, #tpu.memory_space<hbm>> -> memref<1x128xi32, #tpu.memory_space<hbm>>
    %dma_start3A_175 = tpu.memref_squeeze %dma_start3A_174 : memref<1x128xi32, #tpu.memory_space<hbm>> -> memref<128xi32, #tpu.memory_space<hbm>>
    %dma_start3A_176 = arith.constant 0 : i32
    %dma_start3A_177 = tpu.memref_slice %arg26[%dma_start3A_169, %dma_start3A_176] : memref<1x128xi32, #tpu.memory_space<vmem>> -> memref<1x128xi32, #tpu.memory_space<vmem>>
    %dma_start3A_178 = tpu.memref_squeeze %dma_start3A_177 : memref<1x128xi32, #tpu.memory_space<vmem>> -> memref<128xi32, #tpu.memory_space<vmem>>
    %dma_start3A_179 = arith.constant 0 : i32
    %dma_start3A_180 = tpu.memref_slice %arg3[%add3A_155, %dma_start3A_179] : memref<2560x128xi32, #tpu.memory_space<hbm>> -> memref<1x128xi32, #tpu.memory_space<hbm>>
    %dma_start3A_181 = tpu.memref_squeeze %dma_start3A_180 : memref<1x128xi32, #tpu.memory_space<hbm>> -> memref<128xi32, #tpu.memory_space<hbm>>
    tpu.enqueue_dma source(%dma_start3A_181 : memref<128xi32, #tpu.memory_space<hbm>>) target(%dma_start3A_178 : memref<128xi32, #tpu.memory_space<vmem>>) target_semaphore(%arg46 : memref<!tpu.dma_semaphore, #tpu.memory_space<semaphore_mem>>)
    %mul3A_182 = arith.constant 80 : i32
    %mul3A_183 = arith.muli %add3A, %mul3A_182 : i32
    %add3A_184 = arith.constant 6 : i32
    %add3A_185 = arith.addi %mul3A_183, %add3A_184 : i32
    %dma_start3A_186 = arith.constant 0 : i32
    %dma_start3A_187 = arith.constant 0 : i32
    %dma_start3A_188 = tpu.memref_slice %arg19[%dma_start3A_186, %dma_start3A_187] : memref<1x128xi32, #tpu.memory_space<vmem>> -> memref<1x128xi32, #tpu.memory_space<vmem>>
    %dma_start3A_189 = tpu.memref_squeeze %dma_start3A_188 : memref<1x128xi32, #tpu.memory_space<vmem>> -> memref<128xi32, #tpu.memory_space<vmem>>
    %dma_start3A_190 = arith.constant 0 : i32
    %dma_start3A_191 = tpu.memref_slice %arg2[%add3A_185, %dma_start3A_190] : memref<2560x128xi32, #tpu.memory_space<hbm>> -> memref<1x128xi32, #tpu.memory_space<hbm>>
    %dma_start3A_192 = tpu.memref_squeeze %dma_start3A_191 : memref<1x128xi32, #tpu.memory_space<hbm>> -> memref<128xi32, #tpu.memory_space<hbm>>
    %dma_start3A_193 = arith.constant 0 : i32
    %dma_start3A_194 = tpu.memref_slice %arg19[%dma_start3A_186, %dma_start3A_193] : memref<1x128xi32, #tpu.memory_space<vmem>> -> memref<1x128xi32, #tpu.memory_space<vmem>>
    %dma_start3A_195 = tpu.memref_squeeze %dma_start3A_194 : memref<1x128xi32, #tpu.memory_space<vmem>> -> memref<128xi32, #tpu.memory_space<vmem>>
    %dma_start3A_196 = arith.constant 0 : i32
    %dma_start3A_197 = tpu.memref_slice %arg2[%add3A_185, %dma_start3A_196] : memref<2560x128xi32, #tpu.memory_space<hbm>> -> memref<1x128xi32, #tpu.memory_space<hbm>>
    %dma_start3A_198 = tpu.memref_squeeze %dma_start3A_197 : memref<1x128xi32, #tpu.memory_space<hbm>> -> memref<128xi32, #tpu.memory_space<hbm>>
    tpu.enqueue_dma source(%dma_start3A_198 : memref<128xi32, #tpu.memory_space<hbm>>) target(%dma_start3A_195 : memref<128xi32, #tpu.memory_space<vmem>>) target_semaphore(%arg39 : memref<!tpu.dma_semaphore, #tpu.memory_space<semaphore_mem>>)
    %dma_start3A_199 = arith.constant 0 : i32
    %dma_start3A_200 = arith.constant 0 : i32
    %dma_start3A_201 = tpu.memref_slice %arg27[%dma_start3A_199, %dma_start3A_200] : memref<1x128xi32, #tpu.memory_space<vmem>> -> memref<1x128xi32, #tpu.memory_space<vmem>>
    %dma_start3A_202 = tpu.memref_squeeze %dma_start3A_201 : memref<1x128xi32, #tpu.memory_space<vmem>> -> memref<128xi32, #tpu.memory_space<vmem>>
    %dma_start3A_203 = arith.constant 0 : i32
    %dma_start3A_204 = tpu.memref_slice %arg3[%add3A_185, %dma_start3A_203] : memref<2560x128xi32, #tpu.memory_space<hbm>> -> memref<1x128xi32, #tpu.memory_space<hbm>>
    %dma_start3A_205 = tpu.memref_squeeze %dma_start3A_204 : memref<1x128xi32, #tpu.memory_space<hbm>> -> memref<128xi32, #tpu.memory_space<hbm>>
    %dma_start3A_206 = arith.constant 0 : i32
    %dma_start3A_207 = tpu.memref_slice %arg27[%dma_start3A_199, %dma_start3A_206] : memref<1x128xi32, #tpu.memory_space<vmem>> -> memref<1x128xi32, #tpu.memory_space<vmem>>
    %dma_start3A_208 = tpu.memref_squeeze %dma_start3A_207 : memref<1x128xi32, #tpu.memory_space<vmem>> -> memref<128xi32, #tpu.memory_space<vmem>>
    %dma_start3A_209 = arith.constant 0 : i32
    %dma_start3A_210 = tpu.memref_slice %arg3[%add3A_185, %dma_start3A_209] : memref<2560x128xi32, #tpu.memory_space<hbm>> -> memref<1x128xi32, #tpu.memory_space<hbm>>
    %dma_start3A_211 = tpu.memref_squeeze %dma_start3A_210 : memref<1x128xi32, #tpu.memory_space<hbm>> -> memref<128xi32, #tpu.memory_space<hbm>>
    tpu.enqueue_dma source(%dma_start3A_211 : memref<128xi32, #tpu.memory_space<hbm>>) target(%dma_start3A_208 : memref<128xi32, #tpu.memory_space<vmem>>) target_semaphore(%arg47 : memref<!tpu.dma_semaphore, #tpu.memory_space<semaphore_mem>>)
    %mul3A_212 = arith.constant 80 : i32
    %mul3A_213 = arith.muli %add3A, %mul3A_212 : i32
    %add3A_214 = arith.constant 7 : i32
    %add3A_215 = arith.addi %mul3A_213, %add3A_214 : i32
    %dma_start3A_216 = arith.constant 0 : i32
    %dma_start3A_217 = arith.constant 0 : i32
    %dma_start3A_218 = tpu.memref_slice %arg20[%dma_start3A_216, %dma_start3A_217] : memref<1x128xi32, #tpu.memory_space<vmem>> -> memref<1x128xi32, #tpu.memory_space<vmem>>
    %dma_start3A_219 = tpu.memref_squeeze %dma_start3A_218 : memref<1x128xi32, #tpu.memory_space<vmem>> -> memref<128xi32, #tpu.memory_space<vmem>>
    %dma_start3A_220 = arith.constant 0 : i32
    %dma_start3A_221 = tpu.memref_slice %arg2[%add3A_215, %dma_start3A_220] : memref<2560x128xi32, #tpu.memory_space<hbm>> -> memref<1x128xi32, #tpu.memory_space<hbm>>
    %dma_start3A_222 = tpu.memref_squeeze %dma_start3A_221 : memref<1x128xi32, #tpu.memory_space<hbm>> -> memref<128xi32, #tpu.memory_space<hbm>>
    %dma_start3A_223 = arith.constant 0 : i32
    %dma_start3A_224 = tpu.memref_slice %arg20[%dma_start3A_216, %dma_start3A_223] : memref<1x128xi32, #tpu.memory_space<vmem>> -> memref<1x128xi32, #tpu.memory_space<vmem>>
    %dma_start3A_225 = tpu.memref_squeeze %dma_start3A_224 : memref<1x128xi32, #tpu.memory_space<vmem>> -> memref<128xi32, #tpu.memory_space<vmem>>
    %dma_start3A_226 = arith.constant 0 : i32
    %dma_start3A_227 = tpu.memref_slice %arg2[%add3A_215, %dma_start3A_226] : memref<2560x128xi32, #tpu.memory_space<hbm>> -> memref<1x128xi32, #tpu.memory_space<hbm>>
    %dma_start3A_228 = tpu.memref_squeeze %dma_start3A_227 : memref<1x128xi32, #tpu.memory_space<hbm>> -> memref<128xi32, #tpu.memory_space<hbm>>
    tpu.enqueue_dma source(%dma_start3A_228 : memref<128xi32, #tpu.memory_space<hbm>>) target(%dma_start3A_225 : memref<128xi32, #tpu.memory_space<vmem>>) target_semaphore(%arg40 : memref<!tpu.dma_semaphore, #tpu.memory_space<semaphore_mem>>)
    %dma_start3A_229 = arith.constant 0 : i32
    %dma_start3A_230 = arith.constant 0 : i32
    %dma_start3A_231 = tpu.memref_slice %arg28[%dma_start3A_229, %dma_start3A_230] : memref<1x128xi32, #tpu.memory_space<vmem>> -> memref<1x128xi32, #tpu.memory_space<vmem>>
    %dma_start3A_232 = tpu.memref_squeeze %dma_start3A_231 : memref<1x128xi32, #tpu.memory_space<vmem>> -> memref<128xi32, #tpu.memory_space<vmem>>
    %dma_start3A_233 = arith.constant 0 : i32
    %dma_start3A_234 = tpu.memref_slice %arg3[%add3A_215, %dma_start3A_233] : memref<2560x128xi32, #tpu.memory_space<hbm>> -> memref<1x128xi32, #tpu.memory_space<hbm>>
    %dma_start3A_235 = tpu.memref_squeeze %dma_start3A_234 : memref<1x128xi32, #tpu.memory_space<hbm>> -> memref<128xi32, #tpu.memory_space<hbm>>
    %dma_start3A_236 = arith.constant 0 : i32
    %dma_start3A_237 = tpu.memref_slice %arg28[%dma_start3A_229, %dma_start3A_236] : memref<1x128xi32, #tpu.memory_space<vmem>> -> memref<1x128xi32, #tpu.memory_space<vmem>>
    %dma_start3A_238 = tpu.memref_squeeze %dma_start3A_237 : memref<1x128xi32, #tpu.memory_space<vmem>> -> memref<128xi32, #tpu.memory_space<vmem>>
    %dma_start3A_239 = arith.constant 0 : i32
    %dma_start3A_240 = tpu.memref_slice %arg3[%add3A_215, %dma_start3A_239] : memref<2560x128xi32, #tpu.memory_space<hbm>> -> memref<1x128xi32, #tpu.memory_space<hbm>>
    %dma_start3A_241 = tpu.memref_squeeze %dma_start3A_240 : memref<1x128xi32, #tpu.memory_space<hbm>> -> memref<128xi32, #tpu.memory_space<hbm>>
    tpu.enqueue_dma source(%dma_start3A_241 : memref<128xi32, #tpu.memory_space<hbm>>) target(%dma_start3A_238 : memref<128xi32, #tpu.memory_space<vmem>>) target_semaphore(%arg48 : memref<!tpu.dma_semaphore, #tpu.memory_space<semaphore_mem>>)
    "tpu.region"() ({
      %run_scoped3A_693 = tpu.sem_alloc : memref<!tpu.dma_semaphore, #tpu.memory_space<semaphore_mem>>
      %dma_start3A_694 = arith.constant 0 : i32
      %dma_start3A_695 = tpu.memref_slice %arg10[%multiple_of3A, %dma_start3A_694] : memref<10240x128xf32, #tpu.memory_space<vmem_shared>> -> memref<640x128xf32, #tpu.memory_space<vmem_shared>>
      tpu.enqueue_dma source(%arg6 : memref<640x128xf32, #tpu.memory_space<hbm>>) target(%dma_start3A_695 : memref<640x128xf32, #tpu.memory_space<vmem_shared>>) target_semaphore(%run_scoped3A_693 : memref<!tpu.dma_semaphore, #tpu.memory_space<semaphore_mem>>)
      %dma_wait3A_696 = arith.constant 0 : i32
      %dma_wait3A_697 = tpu.memref_slice %arg10[%multiple_of3A, %dma_wait3A_696] : memref<10240x128xf32, #tpu.memory_space<vmem_shared>> -> memref<640x128xf32, #tpu.memory_space<vmem_shared>>
      tpu.wait_dma2 semaphore(%run_scoped3A_693 : memref<!tpu.dma_semaphore, #tpu.memory_space<semaphore_mem>>) src(%arg6 : memref<640x128xf32, #tpu.memory_space<hbm>>) dst(%dma_wait3A_697 : memref<640x128xf32, #tpu.memory_space<vmem_shared>>)
      tpu.yield
    }) : () -> ()
    "tpu.region"() ({
      %run_scoped3A_693 = tpu.sem_alloc : memref<!tpu.dma_semaphore, #tpu.memory_space<semaphore_mem>>
      %dma_start3A_694 = tpu.memref_slice %arg11[%multiple_of3A] : memref<10240xf32, #tpu.memory_space<vmem_shared>> -> memref<640xf32, #tpu.memory_space<vmem_shared>>
      tpu.enqueue_dma source(%arg7 : memref<640xf32, #tpu.memory_space<hbm>>) target(%dma_start3A_694 : memref<640xf32, #tpu.memory_space<vmem_shared>>) target_semaphore(%run_scoped3A_693 : memref<!tpu.dma_semaphore, #tpu.memory_space<semaphore_mem>>)
      %dma_wait3A_695 = tpu.memref_slice %arg11[%multiple_of3A] : memref<10240xf32, #tpu.memory_space<vmem_shared>> -> memref<640xf32, #tpu.memory_space<vmem_shared>>
      tpu.wait_dma2 semaphore(%run_scoped3A_693 : memref<!tpu.dma_semaphore, #tpu.memory_space<semaphore_mem>>) src(%arg7 : memref<640xf32, #tpu.memory_space<hbm>>) dst(%dma_wait3A_695 : memref<640xf32, #tpu.memory_space<vmem_shared>>)
      tpu.yield
    }) : () -> ()
    "tpu.region"() ({
      %run_scoped3A_693 = tpu.sem_alloc : memref<!tpu.dma_semaphore, #tpu.memory_space<semaphore_mem>>
      %dma_start3A_694 = tpu.memref_slice %arg12[%multiple_of3A] : memref<10240xf32, #tpu.memory_space<vmem_shared>> -> memref<640xf32, #tpu.memory_space<vmem_shared>>
      %dma_start3A_695 = tpu.memref_slice %arg5[%multiple_of3A] : memref<10240xf32, #tpu.memory_space<hbm>> -> memref<640xf32, #tpu.memory_space<hbm>>
      tpu.enqueue_dma source(%dma_start3A_695 : memref<640xf32, #tpu.memory_space<hbm>>) target(%dma_start3A_694 : memref<640xf32, #tpu.memory_space<vmem_shared>>) target_semaphore(%run_scoped3A_693 : memref<!tpu.dma_semaphore, #tpu.memory_space<semaphore_mem>>)
      %dma_wait3A_696 = tpu.memref_slice %arg12[%multiple_of3A] : memref<10240xf32, #tpu.memory_space<vmem_shared>> -> memref<640xf32, #tpu.memory_space<vmem_shared>>
      %dma_wait3A_697 = tpu.memref_slice %arg5[%multiple_of3A] : memref<10240xf32, #tpu.memory_space<hbm>> -> memref<640xf32, #tpu.memory_space<hbm>>
      tpu.wait_dma2 semaphore(%run_scoped3A_693 : memref<!tpu.dma_semaphore, #tpu.memory_space<semaphore_mem>>) src(%dma_wait3A_697 : memref<640xf32, #tpu.memory_space<hbm>>) dst(%dma_wait3A_696 : memref<640xf32, #tpu.memory_space<vmem_shared>>)
      tpu.yield
    }) : () -> ()
    %barrier3A = arith.constant 0 : index
    tpu.barrier barrier_id(%barrier3A)
    %dma_wait3A = arith.constant 0 : i32
    %dma_wait3A_242 = arith.constant 0 : i32
    %dma_wait3A_243 = arith.constant 0 : i32
    %dma_wait3A_244 = tpu.memref_slice %arg13[%dma_wait3A_242, %dma_wait3A_243] : memref<1x128xi32, #tpu.memory_space<vmem>> -> memref<1x128xi32, #tpu.memory_space<vmem>>
    %dma_wait3A_245 = tpu.memref_squeeze %dma_wait3A_244 : memref<1x128xi32, #tpu.memory_space<vmem>> -> memref<128xi32, #tpu.memory_space<vmem>>
    %dma_wait3A_246 = arith.constant 0 : i32
    %dma_wait3A_247 = tpu.memref_slice %arg2[%dma_wait3A, %dma_wait3A_246] : memref<2560x128xi32, #tpu.memory_space<hbm>> -> memref<1x128xi32, #tpu.memory_space<hbm>>
    %dma_wait3A_248 = tpu.memref_squeeze %dma_wait3A_247 : memref<1x128xi32, #tpu.memory_space<hbm>> -> memref<128xi32, #tpu.memory_space<hbm>>
    %dma_wait3A_249 = arith.constant 0 : i32
    %dma_wait3A_250 = tpu.memref_slice %arg13[%dma_wait3A_242, %dma_wait3A_249] : memref<1x128xi32, #tpu.memory_space<vmem>> -> memref<1x128xi32, #tpu.memory_space<vmem>>
    %dma_wait3A_251 = tpu.memref_squeeze %dma_wait3A_250 : memref<1x128xi32, #tpu.memory_space<vmem>> -> memref<128xi32, #tpu.memory_space<vmem>>
    %dma_wait3A_252 = arith.constant 0 : i32
    %dma_wait3A_253 = tpu.memref_slice %arg2[%dma_wait3A, %dma_wait3A_252] : memref<2560x128xi32, #tpu.memory_space<hbm>> -> memref<1x128xi32, #tpu.memory_space<hbm>>
    %dma_wait3A_254 = tpu.memref_squeeze %dma_wait3A_253 : memref<1x128xi32, #tpu.memory_space<hbm>> -> memref<128xi32, #tpu.memory_space<hbm>>
    tpu.wait_dma2 semaphore(%arg33 : memref<!tpu.dma_semaphore, #tpu.memory_space<semaphore_mem>>) src(%dma_wait3A_254 : memref<128xi32, #tpu.memory_space<hbm>>) dst(%dma_wait3A_251 : memref<128xi32, #tpu.memory_space<vmem>>)
    %dma_wait3A_255 = arith.constant 0 : i32
    %dma_wait3A_256 = arith.constant 0 : i32
    %dma_wait3A_257 = arith.constant 0 : i32
    %dma_wait3A_258 = tpu.memref_slice %arg21[%dma_wait3A_256, %dma_wait3A_257] : memref<1x128xi32, #tpu.memory_space<vmem>> -> memref<1x128xi32, #tpu.memory_space<vmem>>
    %dma_wait3A_259 = tpu.memref_squeeze %dma_wait3A_258 : memref<1x128xi32, #tpu.memory_space<vmem>> -> memref<128xi32, #tpu.memory_space<vmem>>
    %dma_wait3A_260 = arith.constant 0 : i32
    %dma_wait3A_261 = tpu.memref_slice %arg3[%dma_wait3A_255, %dma_wait3A_260] : memref<2560x128xi32, #tpu.memory_space<hbm>> -> memref<1x128xi32, #tpu.memory_space<hbm>>
    %dma_wait3A_262 = tpu.memref_squeeze %dma_wait3A_261 : memref<1x128xi32, #tpu.memory_space<hbm>> -> memref<128xi32, #tpu.memory_space<hbm>>
    %dma_wait3A_263 = arith.constant 0 : i32
    %dma_wait3A_264 = tpu.memref_slice %arg21[%dma_wait3A_256, %dma_wait3A_263] : memref<1x128xi32, #tpu.memory_space<vmem>> -> memref<1x128xi32, #tpu.memory_space<vmem>>
    %dma_wait3A_265 = tpu.memref_squeeze %dma_wait3A_264 : memref<1x128xi32, #tpu.memory_space<vmem>> -> memref<128xi32, #tpu.memory_space<vmem>>
    %dma_wait3A_266 = arith.constant 0 : i32
    %dma_wait3A_267 = tpu.memref_slice %arg3[%dma_wait3A_255, %dma_wait3A_266] : memref<2560x128xi32, #tpu.memory_space<hbm>> -> memref<1x128xi32, #tpu.memory_space<hbm>>
    %dma_wait3A_268 = tpu.memref_squeeze %dma_wait3A_267 : memref<1x128xi32, #tpu.memory_space<hbm>> -> memref<128xi32, #tpu.memory_space<hbm>>
    tpu.wait_dma2 semaphore(%arg41 : memref<!tpu.dma_semaphore, #tpu.memory_space<semaphore_mem>>) src(%dma_wait3A_268 : memref<128xi32, #tpu.memory_space<hbm>>) dst(%dma_wait3A_265 : memref<128xi32, #tpu.memory_space<vmem>>)
    %dma_start3A_269 = arith.constant 0 : i32
    %dma_start3A_270 = arith.constant 0 : i32
    %dma_start3A_271 = tpu.memref_slice %arg13[%dma_start3A_269, %dma_start3A_270] : memref<1x128xi32, #tpu.memory_space<vmem>> -> memref<1x128xi32, #tpu.memory_space<vmem>>
    %dma_start3A_272 = tpu.memref_squeeze %dma_start3A_271 : memref<1x128xi32, #tpu.memory_space<vmem>> -> memref<128xi32, #tpu.memory_space<vmem>>
    %dma_start3A_273 = arith.constant 0 : i32
    %dma_start3A_274 = arith.constant 0 : i32
    %dma_start3A_275 = tpu.memref_slice %arg4[%dma_start3A_273, %dma_start3A_274] : memref<10000x128xf32, #tpu.memory_space<hbm>> -> memref<10000x128xf32, #tpu.memory_space<hbm>>
    tpu.enqueue_indirect_dma source(%dma_start3A_275 : memref<10000x128xf32, #tpu.memory_space<hbm>>) target(%arg29 : memref<128x128xf32, #tpu.memory_space<vmem>>) offsets(%dma_start3A_272 : memref<128xi32, #tpu.memory_space<vmem>>) semaphore(%arg49 : memref<!tpu.dma_semaphore, #tpu.memory_space<semaphore_mem>>)
    %dma_start3A_276 = arith.constant 0 : i32
    %dma_start3A_277 = arith.constant 0 : i32
    %dma_start3A_278 = tpu.memref_slice %arg21[%dma_start3A_276, %dma_start3A_277] : memref<1x128xi32, #tpu.memory_space<vmem>> -> memref<1x128xi32, #tpu.memory_space<vmem>>
    %dma_start3A_279 = tpu.memref_squeeze %dma_start3A_278 : memref<1x128xi32, #tpu.memory_space<vmem>> -> memref<128xi32, #tpu.memory_space<vmem>>
    %dma_start3A_280 = arith.constant 0 : i32
    %dma_start3A_281 = tpu.memref_slice %arg12[%dma_start3A_280] : memref<10240xf32, #tpu.memory_space<vmem_shared>> -> memref<10240xf32, #tpu.memory_space<vmem_shared>>
    tpu.enqueue_indirect_dma source(%dma_start3A_281 : memref<10240xf32, #tpu.memory_space<vmem_shared>>) target(%arg31 : memref<128xf32, #tpu.memory_space<vmem>>) offsets(%dma_start3A_279 : memref<128xi32, #tpu.memory_space<vmem>>) semaphore(%arg51 : memref<!tpu.dma_semaphore, #tpu.memory_space<semaphore_mem>>)
    %dma_wait3A_282 = arith.constant 0 : i32
    %dma_wait3A_283 = arith.constant 0 : i32
    %dma_wait3A_284 = arith.constant 0 : i32
    %dma_wait3A_285 = tpu.memref_slice %arg14[%dma_wait3A_283, %dma_wait3A_284] : memref<1x128xi32, #tpu.memory_space<vmem>> -> memref<1x128xi32, #tpu.memory_space<vmem>>
    %dma_wait3A_286 = tpu.memref_squeeze %dma_wait3A_285 : memref<1x128xi32, #tpu.memory_space<vmem>> -> memref<128xi32, #tpu.memory_space<vmem>>
    %dma_wait3A_287 = arith.constant 0 : i32
    %dma_wait3A_288 = tpu.memref_slice %arg2[%dma_wait3A_282, %dma_wait3A_287] : memref<2560x128xi32, #tpu.memory_space<hbm>> -> memref<1x128xi32, #tpu.memory_space<hbm>>
    %dma_wait3A_289 = tpu.memref_squeeze %dma_wait3A_288 : memref<1x128xi32, #tpu.memory_space<hbm>> -> memref<128xi32, #tpu.memory_space<hbm>>
    %dma_wait3A_290 = arith.constant 0 : i32
    %dma_wait3A_291 = tpu.memref_slice %arg14[%dma_wait3A_283, %dma_wait3A_290] : memref<1x128xi32, #tpu.memory_space<vmem>> -> memref<1x128xi32, #tpu.memory_space<vmem>>
    %dma_wait3A_292 = tpu.memref_squeeze %dma_wait3A_291 : memref<1x128xi32, #tpu.memory_space<vmem>> -> memref<128xi32, #tpu.memory_space<vmem>>
    %dma_wait3A_293 = arith.constant 0 : i32
    %dma_wait3A_294 = tpu.memref_slice %arg2[%dma_wait3A_282, %dma_wait3A_293] : memref<2560x128xi32, #tpu.memory_space<hbm>> -> memref<1x128xi32, #tpu.memory_space<hbm>>
    %dma_wait3A_295 = tpu.memref_squeeze %dma_wait3A_294 : memref<1x128xi32, #tpu.memory_space<hbm>> -> memref<128xi32, #tpu.memory_space<hbm>>
    tpu.wait_dma2 semaphore(%arg34 : memref<!tpu.dma_semaphore, #tpu.memory_space<semaphore_mem>>) src(%dma_wait3A_295 : memref<128xi32, #tpu.memory_space<hbm>>) dst(%dma_wait3A_292 : memref<128xi32, #tpu.memory_space<vmem>>)
    %dma_wait3A_296 = arith.constant 0 : i32
    %dma_wait3A_297 = arith.constant 0 : i32
    %dma_wait3A_298 = arith.constant 0 : i32
    %dma_wait3A_299 = tpu.memref_slice %arg22[%dma_wait3A_297, %dma_wait3A_298] : memref<1x128xi32, #tpu.memory_space<vmem>> -> memref<1x128xi32, #tpu.memory_space<vmem>>
    %dma_wait3A_300 = tpu.memref_squeeze %dma_wait3A_299 : memref<1x128xi32, #tpu.memory_space<vmem>> -> memref<128xi32, #tpu.memory_space<vmem>>
    %dma_wait3A_301 = arith.constant 0 : i32
    %dma_wait3A_302 = tpu.memref_slice %arg3[%dma_wait3A_296, %dma_wait3A_301] : memref<2560x128xi32, #tpu.memory_space<hbm>> -> memref<1x128xi32, #tpu.memory_space<hbm>>
    %dma_wait3A_303 = tpu.memref_squeeze %dma_wait3A_302 : memref<1x128xi32, #tpu.memory_space<hbm>> -> memref<128xi32, #tpu.memory_space<hbm>>
    %dma_wait3A_304 = arith.constant 0 : i32
    %dma_wait3A_305 = tpu.memref_slice %arg22[%dma_wait3A_297, %dma_wait3A_304] : memref<1x128xi32, #tpu.memory_space<vmem>> -> memref<1x128xi32, #tpu.memory_space<vmem>>
    %dma_wait3A_306 = tpu.memref_squeeze %dma_wait3A_305 : memref<1x128xi32, #tpu.memory_space<vmem>> -> memref<128xi32, #tpu.memory_space<vmem>>
    %dma_wait3A_307 = arith.constant 0 : i32
    %dma_wait3A_308 = tpu.memref_slice %arg3[%dma_wait3A_296, %dma_wait3A_307] : memref<2560x128xi32, #tpu.memory_space<hbm>> -> memref<1x128xi32, #tpu.memory_space<hbm>>
    %dma_wait3A_309 = tpu.memref_squeeze %dma_wait3A_308 : memref<1x128xi32, #tpu.memory_space<hbm>> -> memref<128xi32, #tpu.memory_space<hbm>>
    tpu.wait_dma2 semaphore(%arg42 : memref<!tpu.dma_semaphore, #tpu.memory_space<semaphore_mem>>) src(%dma_wait3A_309 : memref<128xi32, #tpu.memory_space<hbm>>) dst(%dma_wait3A_306 : memref<128xi32, #tpu.memory_space<vmem>>)
    %dma_start3A_310 = arith.constant 0 : i32
    %dma_start3A_311 = arith.constant 0 : i32
    %dma_start3A_312 = tpu.memref_slice %arg14[%dma_start3A_310, %dma_start3A_311] : memref<1x128xi32, #tpu.memory_space<vmem>> -> memref<1x128xi32, #tpu.memory_space<vmem>>
    %dma_start3A_313 = tpu.memref_squeeze %dma_start3A_312 : memref<1x128xi32, #tpu.memory_space<vmem>> -> memref<128xi32, #tpu.memory_space<vmem>>
    %dma_start3A_314 = arith.constant 0 : i32
    %dma_start3A_315 = arith.constant 0 : i32
    %dma_start3A_316 = tpu.memref_slice %arg4[%dma_start3A_314, %dma_start3A_315] : memref<10000x128xf32, #tpu.memory_space<hbm>> -> memref<10000x128xf32, #tpu.memory_space<hbm>>
    tpu.enqueue_indirect_dma source(%dma_start3A_316 : memref<10000x128xf32, #tpu.memory_space<hbm>>) target(%arg30 : memref<128x128xf32, #tpu.memory_space<vmem>>) offsets(%dma_start3A_313 : memref<128xi32, #tpu.memory_space<vmem>>) semaphore(%arg50 : memref<!tpu.dma_semaphore, #tpu.memory_space<semaphore_mem>>)
    %dma_start3A_317 = arith.constant 0 : i32
    %dma_start3A_318 = arith.constant 0 : i32
    %dma_start3A_319 = tpu.memref_slice %arg22[%dma_start3A_317, %dma_start3A_318] : memref<1x128xi32, #tpu.memory_space<vmem>> -> memref<1x128xi32, #tpu.memory_space<vmem>>
    %dma_start3A_320 = tpu.memref_squeeze %dma_start3A_319 : memref<1x128xi32, #tpu.memory_space<vmem>> -> memref<128xi32, #tpu.memory_space<vmem>>
    %dma_start3A_321 = arith.constant 0 : i32
    %dma_start3A_322 = tpu.memref_slice %arg12[%dma_start3A_321] : memref<10240xf32, #tpu.memory_space<vmem_shared>> -> memref<10240xf32, #tpu.memory_space<vmem_shared>>
    tpu.enqueue_indirect_dma source(%dma_start3A_322 : memref<10240xf32, #tpu.memory_space<vmem_shared>>) target(%arg32 : memref<128xf32, #tpu.memory_space<vmem>>) offsets(%dma_start3A_320 : memref<128xi32, #tpu.memory_space<vmem>>) semaphore(%arg52 : memref<!tpu.dma_semaphore, #tpu.memory_space<semaphore_mem>>)
    %scan3A = arith.constant 0 : i32
    %scan3A_323 = arith.constant 9 : i32
    %scan3A_324 = arith.addi %scan3A, %scan3A_323 : i32
    %scan3A_325 = arith.constant 1 : i32
    scf.for %scan3A_693 = %scan3A to %scan3A_324 step %scan3A_325  : i32 {
      %mul3A_694 = arith.constant 8 : i32
      %mul3A_695 = arith.muli %scan3A_693, %mul3A_694 : i32
      %add3A_696 = arith.constant 0 : i32
      %add3A_697 = arith.addi %add3A_696, %mul3A_695 : i32
      %dma_wait3A_698 = arith.constant 0 : i32
      %dma_wait3A_699 = arith.constant 0 : i32
      %dma_wait3A_700 = tpu.memref_slice %arg13[%dma_wait3A_698, %dma_wait3A_699] : memref<1x128xi32, #tpu.memory_space<vmem>> -> memref<1x128xi32, #tpu.memory_space<vmem>>
      %dma_wait3A_701 = tpu.memref_squeeze %dma_wait3A_700 : memref<1x128xi32, #tpu.memory_space<vmem>> -> memref<128xi32, #tpu.memory_space<vmem>>
      %dma_wait3A_702 = arith.constant 0 : i32
      %dma_wait3A_703 = arith.constant 0 : i32
      %dma_wait3A_704 = tpu.memref_slice %arg4[%dma_wait3A_702, %dma_wait3A_703] : memref<10000x128xf32, #tpu.memory_space<hbm>> -> memref<10000x128xf32, #tpu.memory_space<hbm>>
      tpu.wait_indirect_dma semaphore(%arg49 : memref<!tpu.dma_semaphore, #tpu.memory_space<semaphore_mem>>) src(%dma_wait3A_704 : memref<10000x128xf32, #tpu.memory_space<hbm>>) dst(%arg29 : memref<128x128xf32, #tpu.memory_space<vmem>>)
      %run_scoped3A_705 = arith.constant 0 : i32
      "tpu.region"() ({
        %run_scoped3A_1410 = tpu.sem_alloc : memref<!tpu.dma_semaphore, #tpu.memory_space<semaphore_mem>>
        %dma_start3A_1411 = arith.constant 0 : i32
        %dma_start3A_1412 = tpu.memref_slice %arg21[%run_scoped3A_705, %dma_start3A_1411] : memref<1x128xi32, #tpu.memory_space<vmem>> -> memref<1x128xi32, #tpu.memory_space<vmem>>
        %dma_start3A_1413 = tpu.memref_squeeze %dma_start3A_1412 : memref<1x128xi32, #tpu.memory_space<vmem>> -> memref<128xi32, #tpu.memory_space<vmem>>
        %dma_start3A_1414 = arith.constant 0 : i32
        %dma_start3A_1415 = arith.constant 0 : i32
        %dma_start3A_1416 = tpu.memref_slice %arg10[%dma_start3A_1414, %dma_start3A_1415] : memref<10240x128xf32, #tpu.memory_space<vmem_shared>> -> memref<10240x128xf32, #tpu.memory_space<vmem_shared>>
        tpu.enqueue_indirect_dma source(%arg29 : memref<128x128xf32, #tpu.memory_space<vmem>>) target(%dma_start3A_1416 : memref<10240x128xf32, #tpu.memory_space<vmem_shared>>) offsets(%dma_start3A_1413 : memref<128xi32, #tpu.memory_space<vmem>>) semaphore(%run_scoped3A_1410 : memref<!tpu.dma_semaphore, #tpu.memory_space<semaphore_mem>>) {add = true}
        %dma_wait3A_1417 = arith.constant 0 : i32
        %dma_wait3A_1418 = tpu.memref_slice %arg21[%run_scoped3A_705, %dma_wait3A_1417] : memref<1x128xi32, #tpu.memory_space<vmem>> -> memref<1x128xi32, #tpu.memory_space<vmem>>
        %dma_wait3A_1419 = tpu.memref_squeeze %dma_wait3A_1418 : memref<1x128xi32, #tpu.memory_space<vmem>> -> memref<128xi32, #tpu.memory_space<vmem>>
        %dma_wait3A_1420 = arith.constant 0 : i32
        %dma_wait3A_1421 = arith.constant 0 : i32
        %dma_wait3A_1422 = tpu.memref_slice %arg10[%dma_wait3A_1420, %dma_wait3A_1421] : memref<10240x128xf32, #tpu.memory_space<vmem_shared>> -> memref<10240x128xf32, #tpu.memory_space<vmem_shared>>
        tpu.wait_indirect_dma semaphore(%run_scoped3A_1410 : memref<!tpu.dma_semaphore, #tpu.memory_space<semaphore_mem>>) src(%arg29 : memref<128x128xf32, #tpu.memory_space<vmem>>) dst(%dma_wait3A_1422 : memref<10240x128xf32, #tpu.memory_space<vmem_shared>>)
        tpu.yield
      }) : () -> ()
      %dma_wait3A_706 = arith.constant 0 : i32
      %dma_wait3A_707 = arith.constant 0 : i32
      %dma_wait3A_708 = tpu.memref_slice %arg21[%dma_wait3A_706, %dma_wait3A_707] : memref<1x128xi32, #tpu.memory_space<vmem>> -> memref<1x128xi32, #tpu.memory_space<vmem>>
      %dma_wait3A_709 = tpu.memref_squeeze %dma_wait3A_708 : memref<1x128xi32, #tpu.memory_space<vmem>> -> memref<128xi32, #tpu.memory_space<vmem>>
      %dma_wait3A_710 = arith.constant 0 : i32
      %dma_wait3A_711 = tpu.memref_slice %arg12[%dma_wait3A_710] : memref<10240xf32, #tpu.memory_space<vmem_shared>> -> memref<10240xf32, #tpu.memory_space<vmem_shared>>
      tpu.wait_indirect_dma semaphore(%arg51 : memref<!tpu.dma_semaphore, #tpu.memory_space<semaphore_mem>>) src(%dma_wait3A_711 : memref<10240xf32, #tpu.memory_space<vmem_shared>>) dst(%arg31 : memref<128xf32, #tpu.memory_space<vmem>>)
      %run_scoped3A_712 = arith.constant 0 : i32
      "tpu.region"() ({
        %run_scoped3A_1410 = tpu.sem_alloc : memref<!tpu.dma_semaphore, #tpu.memory_space<semaphore_mem>>
        %dma_start3A_1411 = arith.constant 0 : i32
        %dma_start3A_1412 = tpu.memref_slice %arg13[%run_scoped3A_712, %dma_start3A_1411] : memref<1x128xi32, #tpu.memory_space<vmem>> -> memref<1x128xi32, #tpu.memory_space<vmem>>
        %dma_start3A_1413 = tpu.memref_squeeze %dma_start3A_1412 : memref<1x128xi32, #tpu.memory_space<vmem>> -> memref<128xi32, #tpu.memory_space<vmem>>
        %dma_start3A_1414 = arith.constant 0 : i32
        %dma_start3A_1415 = tpu.memref_slice %arg11[%dma_start3A_1414] : memref<10240xf32, #tpu.memory_space<vmem_shared>> -> memref<10240xf32, #tpu.memory_space<vmem_shared>>
        tpu.enqueue_indirect_dma source(%arg31 : memref<128xf32, #tpu.memory_space<vmem>>) target(%dma_start3A_1415 : memref<10240xf32, #tpu.memory_space<vmem_shared>>) offsets(%dma_start3A_1413 : memref<128xi32, #tpu.memory_space<vmem>>) semaphore(%run_scoped3A_1410 : memref<!tpu.dma_semaphore, #tpu.memory_space<semaphore_mem>>) {add = true}
        %dma_wait3A_1416 = arith.constant 0 : i32
        %dma_wait3A_1417 = tpu.memref_slice %arg13[%run_scoped3A_712, %dma_wait3A_1416] : memref<1x128xi32, #tpu.memory_space<vmem>> -> memref<1x128xi32, #tpu.memory_space<vmem>>
        %dma_wait3A_1418 = tpu.memref_squeeze %dma_wait3A_1417 : memref<1x128xi32, #tpu.memory_space<vmem>> -> memref<128xi32, #tpu.memory_space<vmem>>
        %dma_wait3A_1419 = arith.constant 0 : i32
        %dma_wait3A_1420 = tpu.memref_slice %arg11[%dma_wait3A_1419] : memref<10240xf32, #tpu.memory_space<vmem_shared>> -> memref<10240xf32, #tpu.memory_space<vmem_shared>>
        tpu.wait_indirect_dma semaphore(%run_scoped3A_1410 : memref<!tpu.dma_semaphore, #tpu.memory_space<semaphore_mem>>) src(%arg31 : memref<128xf32, #tpu.memory_space<vmem>>) dst(%dma_wait3A_1420 : memref<10240xf32, #tpu.memory_space<vmem_shared>>)
        tpu.yield
      }) : () -> ()
      %add3A_713 = arith.constant 0 : i32
      %add3A_714 = arith.addi %add3A_697, %add3A_713 : i32
      %add3A_715 = arith.constant 8 : i32
      %add3A_716 = arith.addi %add3A_714, %add3A_715 : i32
      %mul3A_717 = arith.constant 80 : i32
      %mul3A_718 = arith.muli %add3A, %mul3A_717 : i32
      %add3A_719 = arith.addi %mul3A_718, %add3A_716 : i32
      %dma_start3A_720 = arith.constant 0 : i32
      %dma_start3A_721 = arith.constant 0 : i32
      %dma_start3A_722 = tpu.memref_slice %arg13[%dma_start3A_720, %dma_start3A_721] : memref<1x128xi32, #tpu.memory_space<vmem>> -> memref<1x128xi32, #tpu.memory_space<vmem>>
      %dma_start3A_723 = tpu.memref_squeeze %dma_start3A_722 : memref<1x128xi32, #tpu.memory_space<vmem>> -> memref<128xi32, #tpu.memory_space<vmem>>
      %dma_start3A_724 = arith.constant 0 : i32
      %dma_start3A_725 = tpu.memref_slice %arg2[%add3A_719, %dma_start3A_724] : memref<2560x128xi32, #tpu.memory_space<hbm>> -> memref<1x128xi32, #tpu.memory_space<hbm>>
      %dma_start3A_726 = tpu.memref_squeeze %dma_start3A_725 : memref<1x128xi32, #tpu.memory_space<hbm>> -> memref<128xi32, #tpu.memory_space<hbm>>
      %dma_start3A_727 = arith.constant 0 : i32
      %dma_start3A_728 = tpu.memref_slice %arg13[%dma_start3A_720, %dma_start3A_727] : memref<1x128xi32, #tpu.memory_space<vmem>> -> memref<1x128xi32, #tpu.memory_space<vmem>>
      %dma_start3A_729 = tpu.memref_squeeze %dma_start3A_728 : memref<1x128xi32, #tpu.memory_space<vmem>> -> memref<128xi32, #tpu.memory_space<vmem>>
      %dma_start3A_730 = arith.constant 0 : i32
      %dma_start3A_731 = tpu.memref_slice %arg2[%add3A_719, %dma_start3A_730] : memref<2560x128xi32, #tpu.memory_space<hbm>> -> memref<1x128xi32, #tpu.memory_space<hbm>>
      %dma_start3A_732 = tpu.memref_squeeze %dma_start3A_731 : memref<1x128xi32, #tpu.memory_space<hbm>> -> memref<128xi32, #tpu.memory_space<hbm>>
      tpu.enqueue_dma source(%dma_start3A_732 : memref<128xi32, #tpu.memory_space<hbm>>) target(%dma_start3A_729 : memref<128xi32, #tpu.memory_space<vmem>>) target_semaphore(%arg33 : memref<!tpu.dma_semaphore, #tpu.memory_space<semaphore_mem>>)
      %dma_start3A_733 = arith.constant 0 : i32
      %dma_start3A_734 = arith.constant 0 : i32
      %dma_start3A_735 = tpu.memref_slice %arg21[%dma_start3A_733, %dma_start3A_734] : memref<1x128xi32, #tpu.memory_space<vmem>> -> memref<1x128xi32, #tpu.memory_space<vmem>>
      %dma_start3A_736 = tpu.memref_squeeze %dma_start3A_735 : memref<1x128xi32, #tpu.memory_space<vmem>> -> memref<128xi32, #tpu.memory_space<vmem>>
      %dma_start3A_737 = arith.constant 0 : i32
      %dma_start3A_738 = tpu.memref_slice %arg3[%add3A_719, %dma_start3A_737] : memref<2560x128xi32, #tpu.memory_space<hbm>> -> memref<1x128xi32, #tpu.memory_space<hbm>>
      %dma_start3A_739 = tpu.memref_squeeze %dma_start3A_738 : memref<1x128xi32, #tpu.memory_space<hbm>> -> memref<128xi32, #tpu.memory_space<hbm>>
      %dma_start3A_740 = arith.constant 0 : i32
      %dma_start3A_741 = tpu.memref_slice %arg21[%dma_start3A_733, %dma_start3A_740] : memref<1x128xi32, #tpu.memory_space<vmem>> -> memref<1x128xi32, #tpu.memory_space<vmem>>
      %dma_start3A_742 = tpu.memref_squeeze %dma_start3A_741 : memref<1x128xi32, #tpu.memory_space<vmem>> -> memref<128xi32, #tpu.memory_space<vmem>>
      %dma_start3A_743 = arith.constant 0 : i32
      %dma_start3A_744 = tpu.memref_slice %arg3[%add3A_719, %dma_start3A_743] : memref<2560x128xi32, #tpu.memory_space<hbm>> -> memref<1x128xi32, #tpu.memory_space<hbm>>
      %dma_start3A_745 = tpu.memref_squeeze %dma_start3A_744 : memref<1x128xi32, #tpu.memory_space<hbm>> -> memref<128xi32, #tpu.memory_space<hbm>>
      tpu.enqueue_dma source(%dma_start3A_745 : memref<128xi32, #tpu.memory_space<hbm>>) target(%dma_start3A_742 : memref<128xi32, #tpu.memory_space<vmem>>) target_semaphore(%arg41 : memref<!tpu.dma_semaphore, #tpu.memory_space<semaphore_mem>>)
      %dma_wait3A_746 = arith.constant 0 : i32
      %dma_wait3A_747 = arith.constant 0 : i32
      %dma_wait3A_748 = arith.constant 0 : i32
      %dma_wait3A_749 = tpu.memref_slice %arg15[%dma_wait3A_747, %dma_wait3A_748] : memref<1x128xi32, #tpu.memory_space<vmem>> -> memref<1x128xi32, #tpu.memory_space<vmem>>
      %dma_wait3A_750 = tpu.memref_squeeze %dma_wait3A_749 : memref<1x128xi32, #tpu.memory_space<vmem>> -> memref<128xi32, #tpu.memory_space<vmem>>
      %dma_wait3A_751 = arith.constant 0 : i32
      %dma_wait3A_752 = tpu.memref_slice %arg2[%dma_wait3A_746, %dma_wait3A_751] : memref<2560x128xi32, #tpu.memory_space<hbm>> -> memref<1x128xi32, #tpu.memory_space<hbm>>
      %dma_wait3A_753 = tpu.memref_squeeze %dma_wait3A_752 : memref<1x128xi32, #tpu.memory_space<hbm>> -> memref<128xi32, #tpu.memory_space<hbm>>
      %dma_wait3A_754 = arith.constant 0 : i32
      %dma_wait3A_755 = tpu.memref_slice %arg15[%dma_wait3A_747, %dma_wait3A_754] : memref<1x128xi32, #tpu.memory_space<vmem>> -> memref<1x128xi32, #tpu.memory_space<vmem>>
      %dma_wait3A_756 = tpu.memref_squeeze %dma_wait3A_755 : memref<1x128xi32, #tpu.memory_space<vmem>> -> memref<128xi32, #tpu.memory_space<vmem>>
      %dma_wait3A_757 = arith.constant 0 : i32
      %dma_wait3A_758 = tpu.memref_slice %arg2[%dma_wait3A_746, %dma_wait3A_757] : memref<2560x128xi32, #tpu.memory_space<hbm>> -> memref<1x128xi32, #tpu.memory_space<hbm>>
      %dma_wait3A_759 = tpu.memref_squeeze %dma_wait3A_758 : memref<1x128xi32, #tpu.memory_space<hbm>> -> memref<128xi32, #tpu.memory_space<hbm>>
      tpu.wait_dma2 semaphore(%arg35 : memref<!tpu.dma_semaphore, #tpu.memory_space<semaphore_mem>>) src(%dma_wait3A_759 : memref<128xi32, #tpu.memory_space<hbm>>) dst(%dma_wait3A_756 : memref<128xi32, #tpu.memory_space<vmem>>)
      %dma_wait3A_760 = arith.constant 0 : i32
      %dma_wait3A_761 = arith.constant 0 : i32
      %dma_wait3A_762 = arith.constant 0 : i32
      %dma_wait3A_763 = tpu.memref_slice %arg23[%dma_wait3A_761, %dma_wait3A_762] : memref<1x128xi32, #tpu.memory_space<vmem>> -> memref<1x128xi32, #tpu.memory_space<vmem>>
      %dma_wait3A_764 = tpu.memref_squeeze %dma_wait3A_763 : memref<1x128xi32, #tpu.memory_space<vmem>> -> memref<128xi32, #tpu.memory_space<vmem>>
      %dma_wait3A_765 = arith.constant 0 : i32
      %dma_wait3A_766 = tpu.memref_slice %arg3[%dma_wait3A_760, %dma_wait3A_765] : memref<2560x128xi32, #tpu.memory_space<hbm>> -> memref<1x128xi32, #tpu.memory_space<hbm>>
      %dma_wait3A_767 = tpu.memref_squeeze %dma_wait3A_766 : memref<1x128xi32, #tpu.memory_space<hbm>> -> memref<128xi32, #tpu.memory_space<hbm>>
      %dma_wait3A_768 = arith.constant 0 : i32
      %dma_wait3A_769 = tpu.memref_slice %arg23[%dma_wait3A_761, %dma_wait3A_768] : memref<1x128xi32, #tpu.memory_space<vmem>> -> memref<1x128xi32, #tpu.memory_space<vmem>>
      %dma_wait3A_770 = tpu.memref_squeeze %dma_wait3A_769 : memref<1x128xi32, #tpu.memory_space<vmem>> -> memref<128xi32, #tpu.memory_space<vmem>>
      %dma_wait3A_771 = arith.constant 0 : i32
      %dma_wait3A_772 = tpu.memref_slice %arg3[%dma_wait3A_760, %dma_wait3A_771] : memref<2560x128xi32, #tpu.memory_space<hbm>> -> memref<1x128xi32, #tpu.memory_space<hbm>>
      %dma_wait3A_773 = tpu.memref_squeeze %dma_wait3A_772 : memref<1x128xi32, #tpu.memory_space<hbm>> -> memref<128xi32, #tpu.memory_space<hbm>>
      tpu.wait_dma2 semaphore(%arg43 : memref<!tpu.dma_semaphore, #tpu.memory_space<semaphore_mem>>) src(%dma_wait3A_773 : memref<128xi32, #tpu.memory_space<hbm>>) dst(%dma_wait3A_770 : memref<128xi32, #tpu.memory_space<vmem>>)
      %dma_start3A_774 = arith.constant 0 : i32
      %dma_start3A_775 = arith.constant 0 : i32
      %dma_start3A_776 = tpu.memref_slice %arg15[%dma_start3A_774, %dma_start3A_775] : memref<1x128xi32, #tpu.memory_space<vmem>> -> memref<1x128xi32, #tpu.memory_space<vmem>>
      %dma_start3A_777 = tpu.memref_squeeze %dma_start3A_776 : memref<1x128xi32, #tpu.memory_space<vmem>> -> memref<128xi32, #tpu.memory_space<vmem>>
      %dma_start3A_778 = arith.constant 0 : i32
      %dma_start3A_779 = arith.constant 0 : i32
      %dma_start3A_780 = tpu.memref_slice %arg4[%dma_start3A_778, %dma_start3A_779] : memref<10000x128xf32, #tpu.memory_space<hbm>> -> memref<10000x128xf32, #tpu.memory_space<hbm>>
      tpu.enqueue_indirect_dma source(%dma_start3A_780 : memref<10000x128xf32, #tpu.memory_space<hbm>>) target(%arg29 : memref<128x128xf32, #tpu.memory_space<vmem>>) offsets(%dma_start3A_777 : memref<128xi32, #tpu.memory_space<vmem>>) semaphore(%arg49 : memref<!tpu.dma_semaphore, #tpu.memory_space<semaphore_mem>>)
      %dma_start3A_781 = arith.constant 0 : i32
      %dma_start3A_782 = arith.constant 0 : i32
      %dma_start3A_783 = tpu.memref_slice %arg23[%dma_start3A_781, %dma_start3A_782] : memref<1x128xi32, #tpu.memory_space<vmem>> -> memref<1x128xi32, #tpu.memory_space<vmem>>
      %dma_start3A_784 = tpu.memref_squeeze %dma_start3A_783 : memref<1x128xi32, #tpu.memory_space<vmem>> -> memref<128xi32, #tpu.memory_space<vmem>>
      %dma_start3A_785 = arith.constant 0 : i32
      %dma_start3A_786 = tpu.memref_slice %arg12[%dma_start3A_785] : memref<10240xf32, #tpu.memory_space<vmem_shared>> -> memref<10240xf32, #tpu.memory_space<vmem_shared>>
      tpu.enqueue_indirect_dma source(%dma_start3A_786 : memref<10240xf32, #tpu.memory_space<vmem_shared>>) target(%arg31 : memref<128xf32, #tpu.memory_space<vmem>>) offsets(%dma_start3A_784 : memref<128xi32, #tpu.memory_space<vmem>>) semaphore(%arg51 : memref<!tpu.dma_semaphore, #tpu.memory_space<semaphore_mem>>)
      %dma_wait3A_787 = arith.constant 0 : i32
      %dma_wait3A_788 = arith.constant 0 : i32
      %dma_wait3A_789 = tpu.memref_slice %arg14[%dma_wait3A_787, %dma_wait3A_788] : memref<1x128xi32, #tpu.memory_space<vmem>> -> memref<1x128xi32, #tpu.memory_space<vmem>>
      %dma_wait3A_790 = tpu.memref_squeeze %dma_wait3A_789 : memref<1x128xi32, #tpu.memory_space<vmem>> -> memref<128xi32, #tpu.memory_space<vmem>>
      %dma_wait3A_791 = arith.constant 0 : i32
      %dma_wait3A_792 = arith.constant 0 : i32
      %dma_wait3A_793 = tpu.memref_slice %arg4[%dma_wait3A_791, %dma_wait3A_792] : memref<10000x128xf32, #tpu.memory_space<hbm>> -> memref<10000x128xf32, #tpu.memory_space<hbm>>
      tpu.wait_indirect_dma semaphore(%arg50 : memref<!tpu.dma_semaphore, #tpu.memory_space<semaphore_mem>>) src(%dma_wait3A_793 : memref<10000x128xf32, #tpu.memory_space<hbm>>) dst(%arg30 : memref<128x128xf32, #tpu.memory_space<vmem>>)
      %run_scoped3A_794 = arith.constant 0 : i32
      "tpu.region"() ({
        %run_scoped3A_1410 = tpu.sem_alloc : memref<!tpu.dma_semaphore, #tpu.memory_space<semaphore_mem>>
        %dma_start3A_1411 = arith.constant 0 : i32
        %dma_start3A_1412 = tpu.memref_slice %arg22[%run_scoped3A_794, %dma_start3A_1411] : memref<1x128xi32, #tpu.memory_space<vmem>> -> memref<1x128xi32, #tpu.memory_space<vmem>>
        %dma_start3A_1413 = tpu.memref_squeeze %dma_start3A_1412 : memref<1x128xi32, #tpu.memory_space<vmem>> -> memref<128xi32, #tpu.memory_space<vmem>>
        %dma_start3A_1414 = arith.constant 0 : i32
        %dma_start3A_1415 = arith.constant 0 : i32
        %dma_start3A_1416 = tpu.memref_slice %arg10[%dma_start3A_1414, %dma_start3A_1415] : memref<10240x128xf32, #tpu.memory_space<vmem_shared>> -> memref<10240x128xf32, #tpu.memory_space<vmem_shared>>
        tpu.enqueue_indirect_dma source(%arg30 : memref<128x128xf32, #tpu.memory_space<vmem>>) target(%dma_start3A_1416 : memref<10240x128xf32, #tpu.memory_space<vmem_shared>>) offsets(%dma_start3A_1413 : memref<128xi32, #tpu.memory_space<vmem>>) semaphore(%run_scoped3A_1410 : memref<!tpu.dma_semaphore, #tpu.memory_space<semaphore_mem>>) {add = true}
        %dma_wait3A_1417 = arith.constant 0 : i32
        %dma_wait3A_1418 = tpu.memref_slice %arg22[%run_scoped3A_794, %dma_wait3A_1417] : memref<1x128xi32, #tpu.memory_space<vmem>> -> memref<1x128xi32, #tpu.memory_space<vmem>>
        %dma_wait3A_1419 = tpu.memref_squeeze %dma_wait3A_1418 : memref<1x128xi32, #tpu.memory_space<vmem>> -> memref<128xi32, #tpu.memory_space<vmem>>
        %dma_wait3A_1420 = arith.constant 0 : i32
        %dma_wait3A_1421 = arith.constant 0 : i32
        %dma_wait3A_1422 = tpu.memref_slice %arg10[%dma_wait3A_1420, %dma_wait3A_1421] : memref<10240x128xf32, #tpu.memory_space<vmem_shared>> -> memref<10240x128xf32, #tpu.memory_space<vmem_shared>>
        tpu.wait_indirect_dma semaphore(%run_scoped3A_1410 : memref<!tpu.dma_semaphore, #tpu.memory_space<semaphore_mem>>) src(%arg30 : memref<128x128xf32, #tpu.memory_space<vmem>>) dst(%dma_wait3A_1422 : memref<10240x128xf32, #tpu.memory_space<vmem_shared>>)
        tpu.yield
      }) : () -> ()
      %dma_wait3A_795 = arith.constant 0 : i32
      %dma_wait3A_796 = arith.constant 0 : i32
      %dma_wait3A_797 = tpu.memref_slice %arg22[%dma_wait3A_795, %dma_wait3A_796] : memref<1x128xi32, #tpu.memory_space<vmem>> -> memref<1x128xi32, #tpu.memory_space<vmem>>
      %dma_wait3A_798 = tpu.memref_squeeze %dma_wait3A_797 : memref<1x128xi32, #tpu.memory_space<vmem>> -> memref<128xi32, #tpu.memory_space<vmem>>
      %dma_wait3A_799 = arith.constant 0 : i32
      %dma_wait3A_800 = tpu.memref_slice %arg12[%dma_wait3A_799] : memref<10240xf32, #tpu.memory_space<vmem_shared>> -> memref<10240xf32, #tpu.memory_space<vmem_shared>>
      tpu.wait_indirect_dma semaphore(%arg52 : memref<!tpu.dma_semaphore, #tpu.memory_space<semaphore_mem>>) src(%dma_wait3A_800 : memref<10240xf32, #tpu.memory_space<vmem_shared>>) dst(%arg32 : memref<128xf32, #tpu.memory_space<vmem>>)
      %run_scoped3A_801 = arith.constant 0 : i32
      "tpu.region"() ({
        %run_scoped3A_1410 = tpu.sem_alloc : memref<!tpu.dma_semaphore, #tpu.memory_space<semaphore_mem>>
        %dma_start3A_1411 = arith.constant 0 : i32
        %dma_start3A_1412 = tpu.memref_slice %arg14[%run_scoped3A_801, %dma_start3A_1411] : memref<1x128xi32, #tpu.memory_space<vmem>> -> memref<1x128xi32, #tpu.memory_space<vmem>>
        %dma_start3A_1413 = tpu.memref_squeeze %dma_start3A_1412 : memref<1x128xi32, #tpu.memory_space<vmem>> -> memref<128xi32, #tpu.memory_space<vmem>>
        %dma_start3A_1414 = arith.constant 0 : i32
        %dma_start3A_1415 = tpu.memref_slice %arg11[%dma_start3A_1414] : memref<10240xf32, #tpu.memory_space<vmem_shared>> -> memref<10240xf32, #tpu.memory_space<vmem_shared>>
        tpu.enqueue_indirect_dma source(%arg32 : memref<128xf32, #tpu.memory_space<vmem>>) target(%dma_start3A_1415 : memref<10240xf32, #tpu.memory_space<vmem_shared>>) offsets(%dma_start3A_1413 : memref<128xi32, #tpu.memory_space<vmem>>) semaphore(%run_scoped3A_1410 : memref<!tpu.dma_semaphore, #tpu.memory_space<semaphore_mem>>) {add = true}
        %dma_wait3A_1416 = arith.constant 0 : i32
        %dma_wait3A_1417 = tpu.memref_slice %arg14[%run_scoped3A_801, %dma_wait3A_1416] : memref<1x128xi32, #tpu.memory_space<vmem>> -> memref<1x128xi32, #tpu.memory_space<vmem>>
        %dma_wait3A_1418 = tpu.memref_squeeze %dma_wait3A_1417 : memref<1x128xi32, #tpu.memory_space<vmem>> -> memref<128xi32, #tpu.memory_space<vmem>>
        %dma_wait3A_1419 = arith.constant 0 : i32
        %dma_wait3A_1420 = tpu.memref_slice %arg11[%dma_wait3A_1419] : memref<10240xf32, #tpu.memory_space<vmem_shared>> -> memref<10240xf32, #tpu.memory_space<vmem_shared>>
        tpu.wait_indirect_dma semaphore(%run_scoped3A_1410 : memref<!tpu.dma_semaphore, #tpu.memory_space<semaphore_mem>>) src(%arg32 : memref<128xf32, #tpu.memory_space<vmem>>) dst(%dma_wait3A_1420 : memref<10240xf32, #tpu.memory_space<vmem_shared>>)
        tpu.yield
      }) : () -> ()
      %add3A_802 = arith.constant 1 : i32
      %add3A_803 = arith.addi %add3A_697, %add3A_802 : i32
      %add3A_804 = arith.constant 8 : i32
      %add3A_805 = arith.addi %add3A_803, %add3A_804 : i32
      %mul3A_806 = arith.constant 80 : i32
      %mul3A_807 = arith.muli %add3A, %mul3A_806 : i32
      %add3A_808 = arith.addi %mul3A_807, %add3A_805 : i32
      %dma_start3A_809 = arith.constant 0 : i32
      %dma_start3A_810 = arith.constant 0 : i32
      %dma_start3A_811 = tpu.memref_slice %arg14[%dma_start3A_809, %dma_start3A_810] : memref<1x128xi32, #tpu.memory_space<vmem>> -> memref<1x128xi32, #tpu.memory_space<vmem>>
      %dma_start3A_812 = tpu.memref_squeeze %dma_start3A_811 : memref<1x128xi32, #tpu.memory_space<vmem>> -> memref<128xi32, #tpu.memory_space<vmem>>
      %dma_start3A_813 = arith.constant 0 : i32
      %dma_start3A_814 = tpu.memref_slice %arg2[%add3A_808, %dma_start3A_813] : memref<2560x128xi32, #tpu.memory_space<hbm>> -> memref<1x128xi32, #tpu.memory_space<hbm>>
      %dma_start3A_815 = tpu.memref_squeeze %dma_start3A_814 : memref<1x128xi32, #tpu.memory_space<hbm>> -> memref<128xi32, #tpu.memory_space<hbm>>
      %dma_start3A_816 = arith.constant 0 : i32
      %dma_start3A_817 = tpu.memref_slice %arg14[%dma_start3A_809, %dma_start3A_816] : memref<1x128xi32, #tpu.memory_space<vmem>> -> memref<1x128xi32, #tpu.memory_space<vmem>>
      %dma_start3A_818 = tpu.memref_squeeze %dma_start3A_817 : memref<1x128xi32, #tpu.memory_space<vmem>> -> memref<128xi32, #tpu.memory_space<vmem>>
      %dma_start3A_819 = arith.constant 0 : i32
      %dma_start3A_820 = tpu.memref_slice %arg2[%add3A_808, %dma_start3A_819] : memref<2560x128xi32, #tpu.memory_space<hbm>> -> memref<1x128xi32, #tpu.memory_space<hbm>>
      %dma_start3A_821 = tpu.memref_squeeze %dma_start3A_820 : memref<1x128xi32, #tpu.memory_space<hbm>> -> memref<128xi32, #tpu.memory_space<hbm>>
      tpu.enqueue_dma source(%dma_start3A_821 : memref<128xi32, #tpu.memory_space<hbm>>) target(%dma_start3A_818 : memref<128xi32, #tpu.memory_space<vmem>>) target_semaphore(%arg34 : memref<!tpu.dma_semaphore, #tpu.memory_space<semaphore_mem>>)
      %dma_start3A_822 = arith.constant 0 : i32
      %dma_start3A_823 = arith.constant 0 : i32
      %dma_start3A_824 = tpu.memref_slice %arg22[%dma_start3A_822, %dma_start3A_823] : memref<1x128xi32, #tpu.memory_space<vmem>> -> memref<1x128xi32, #tpu.memory_space<vmem>>
      %dma_start3A_825 = tpu.memref_squeeze %dma_start3A_824 : memref<1x128xi32, #tpu.memory_space<vmem>> -> memref<128xi32, #tpu.memory_space<vmem>>
      %dma_start3A_826 = arith.constant 0 : i32
      %dma_start3A_827 = tpu.memref_slice %arg3[%add3A_808, %dma_start3A_826] : memref<2560x128xi32, #tpu.memory_space<hbm>> -> memref<1x128xi32, #tpu.memory_space<hbm>>
      %dma_start3A_828 = tpu.memref_squeeze %dma_start3A_827 : memref<1x128xi32, #tpu.memory_space<hbm>> -> memref<128xi32, #tpu.memory_space<hbm>>
      %dma_start3A_829 = arith.constant 0 : i32
      %dma_start3A_830 = tpu.memref_slice %arg22[%dma_start3A_822, %dma_start3A_829] : memref<1x128xi32, #tpu.memory_space<vmem>> -> memref<1x128xi32, #tpu.memory_space<vmem>>
      %dma_start3A_831 = tpu.memref_squeeze %dma_start3A_830 : memref<1x128xi32, #tpu.memory_space<vmem>> -> memref<128xi32, #tpu.memory_space<vmem>>
      %dma_start3A_832 = arith.constant 0 : i32
      %dma_start3A_833 = tpu.memref_slice %arg3[%add3A_808, %dma_start3A_832] : memref<2560x128xi32, #tpu.memory_space<hbm>> -> memref<1x128xi32, #tpu.memory_space<hbm>>
      %dma_start3A_834 = tpu.memref_squeeze %dma_start3A_833 : memref<1x128xi32, #tpu.memory_space<hbm>> -> memref<128xi32, #tpu.memory_space<hbm>>
      tpu.enqueue_dma source(%dma_start3A_834 : memref<128xi32, #tpu.memory_space<hbm>>) target(%dma_start3A_831 : memref<128xi32, #tpu.memory_space<vmem>>) target_semaphore(%arg42 : memref<!tpu.dma_semaphore, #tpu.memory_space<semaphore_mem>>)
      %dma_wait3A_835 = arith.constant 0 : i32
      %dma_wait3A_836 = arith.constant 0 : i32
      %dma_wait3A_837 = arith.constant 0 : i32
      %dma_wait3A_838 = tpu.memref_slice %arg16[%dma_wait3A_836, %dma_wait3A_837] : memref<1x128xi32, #tpu.memory_space<vmem>> -> memref<1x128xi32, #tpu.memory_space<vmem>>
      %dma_wait3A_839 = tpu.memref_squeeze %dma_wait3A_838 : memref<1x128xi32, #tpu.memory_space<vmem>> -> memref<128xi32, #tpu.memory_space<vmem>>
      %dma_wait3A_840 = arith.constant 0 : i32
      %dma_wait3A_841 = tpu.memref_slice %arg2[%dma_wait3A_835, %dma_wait3A_840] : memref<2560x128xi32, #tpu.memory_space<hbm>> -> memref<1x128xi32, #tpu.memory_space<hbm>>
      %dma_wait3A_842 = tpu.memref_squeeze %dma_wait3A_841 : memref<1x128xi32, #tpu.memory_space<hbm>> -> memref<128xi32, #tpu.memory_space<hbm>>
      %dma_wait3A_843 = arith.constant 0 : i32
      %dma_wait3A_844 = tpu.memref_slice %arg16[%dma_wait3A_836, %dma_wait3A_843] : memref<1x128xi32, #tpu.memory_space<vmem>> -> memref<1x128xi32, #tpu.memory_space<vmem>>
      %dma_wait3A_845 = tpu.memref_squeeze %dma_wait3A_844 : memref<1x128xi32, #tpu.memory_space<vmem>> -> memref<128xi32, #tpu.memory_space<vmem>>
      %dma_wait3A_846 = arith.constant 0 : i32
      %dma_wait3A_847 = tpu.memref_slice %arg2[%dma_wait3A_835, %dma_wait3A_846] : memref<2560x128xi32, #tpu.memory_space<hbm>> -> memref<1x128xi32, #tpu.memory_space<hbm>>
      %dma_wait3A_848 = tpu.memref_squeeze %dma_wait3A_847 : memref<1x128xi32, #tpu.memory_space<hbm>> -> memref<128xi32, #tpu.memory_space<hbm>>
      tpu.wait_dma2 semaphore(%arg36 : memref<!tpu.dma_semaphore, #tpu.memory_space<semaphore_mem>>) src(%dma_wait3A_848 : memref<128xi32, #tpu.memory_space<hbm>>) dst(%dma_wait3A_845 : memref<128xi32, #tpu.memory_space<vmem>>)
      %dma_wait3A_849 = arith.constant 0 : i32
      %dma_wait3A_850 = arith.constant 0 : i32
      %dma_wait3A_851 = arith.constant 0 : i32
      %dma_wait3A_852 = tpu.memref_slice %arg24[%dma_wait3A_850, %dma_wait3A_851] : memref<1x128xi32, #tpu.memory_space<vmem>> -> memref<1x128xi32, #tpu.memory_space<vmem>>
      %dma_wait3A_853 = tpu.memref_squeeze %dma_wait3A_852 : memref<1x128xi32, #tpu.memory_space<vmem>> -> memref<128xi32, #tpu.memory_space<vmem>>
      %dma_wait3A_854 = arith.constant 0 : i32
      %dma_wait3A_855 = tpu.memref_slice %arg3[%dma_wait3A_849, %dma_wait3A_854] : memref<2560x128xi32, #tpu.memory_space<hbm>> -> memref<1x128xi32, #tpu.memory_space<hbm>>
      %dma_wait3A_856 = tpu.memref_squeeze %dma_wait3A_855 : memref<1x128xi32, #tpu.memory_space<hbm>> -> memref<128xi32, #tpu.memory_space<hbm>>
      %dma_wait3A_857 = arith.constant 0 : i32
      %dma_wait3A_858 = tpu.memref_slice %arg24[%dma_wait3A_850, %dma_wait3A_857] : memref<1x128xi32, #tpu.memory_space<vmem>> -> memref<1x128xi32, #tpu.memory_space<vmem>>
      %dma_wait3A_859 = tpu.memref_squeeze %dma_wait3A_858 : memref<1x128xi32, #tpu.memory_space<vmem>> -> memref<128xi32, #tpu.memory_space<vmem>>
      %dma_wait3A_860 = arith.constant 0 : i32
      %dma_wait3A_861 = tpu.memref_slice %arg3[%dma_wait3A_849, %dma_wait3A_860] : memref<2560x128xi32, #tpu.memory_space<hbm>> -> memref<1x128xi32, #tpu.memory_space<hbm>>
      %dma_wait3A_862 = tpu.memref_squeeze %dma_wait3A_861 : memref<1x128xi32, #tpu.memory_space<hbm>> -> memref<128xi32, #tpu.memory_space<hbm>>
      tpu.wait_dma2 semaphore(%arg44 : memref<!tpu.dma_semaphore, #tpu.memory_space<semaphore_mem>>) src(%dma_wait3A_862 : memref<128xi32, #tpu.memory_space<hbm>>) dst(%dma_wait3A_859 : memref<128xi32, #tpu.memory_space<vmem>>)
      %dma_start3A_863 = arith.constant 0 : i32
      %dma_start3A_864 = arith.constant 0 : i32
      %dma_start3A_865 = tpu.memref_slice %arg16[%dma_start3A_863, %dma_start3A_864] : memref<1x128xi32, #tpu.memory_space<vmem>> -> memref<1x128xi32, #tpu.memory_space<vmem>>
      %dma_start3A_866 = tpu.memref_squeeze %dma_start3A_865 : memref<1x128xi32, #tpu.memory_space<vmem>> -> memref<128xi32, #tpu.memory_space<vmem>>
      %dma_start3A_867 = arith.constant 0 : i32
      %dma_start3A_868 = arith.constant 0 : i32
      %dma_start3A_869 = tpu.memref_slice %arg4[%dma_start3A_867, %dma_start3A_868] : memref<10000x128xf32, #tpu.memory_space<hbm>> -> memref<10000x128xf32, #tpu.memory_space<hbm>>
      tpu.enqueue_indirect_dma source(%dma_start3A_869 : memref<10000x128xf32, #tpu.memory_space<hbm>>) target(%arg30 : memref<128x128xf32, #tpu.memory_space<vmem>>) offsets(%dma_start3A_866 : memref<128xi32, #tpu.memory_space<vmem>>) semaphore(%arg50 : memref<!tpu.dma_semaphore, #tpu.memory_space<semaphore_mem>>)
      %dma_start3A_870 = arith.constant 0 : i32
      %dma_start3A_871 = arith.constant 0 : i32
      %dma_start3A_872 = tpu.memref_slice %arg24[%dma_start3A_870, %dma_start3A_871] : memref<1x128xi32, #tpu.memory_space<vmem>> -> memref<1x128xi32, #tpu.memory_space<vmem>>
      %dma_start3A_873 = tpu.memref_squeeze %dma_start3A_872 : memref<1x128xi32, #tpu.memory_space<vmem>> -> memref<128xi32, #tpu.memory_space<vmem>>
      %dma_start3A_874 = arith.constant 0 : i32
      %dma_start3A_875 = tpu.memref_slice %arg12[%dma_start3A_874] : memref<10240xf32, #tpu.memory_space<vmem_shared>> -> memref<10240xf32, #tpu.memory_space<vmem_shared>>
      tpu.enqueue_indirect_dma source(%dma_start3A_875 : memref<10240xf32, #tpu.memory_space<vmem_shared>>) target(%arg32 : memref<128xf32, #tpu.memory_space<vmem>>) offsets(%dma_start3A_873 : memref<128xi32, #tpu.memory_space<vmem>>) semaphore(%arg52 : memref<!tpu.dma_semaphore, #tpu.memory_space<semaphore_mem>>)
      %dma_wait3A_876 = arith.constant 0 : i32
      %dma_wait3A_877 = arith.constant 0 : i32
      %dma_wait3A_878 = tpu.memref_slice %arg15[%dma_wait3A_876, %dma_wait3A_877] : memref<1x128xi32, #tpu.memory_space<vmem>> -> memref<1x128xi32, #tpu.memory_space<vmem>>
      %dma_wait3A_879 = tpu.memref_squeeze %dma_wait3A_878 : memref<1x128xi32, #tpu.memory_space<vmem>> -> memref<128xi32, #tpu.memory_space<vmem>>
      %dma_wait3A_880 = arith.constant 0 : i32
      %dma_wait3A_881 = arith.constant 0 : i32
      %dma_wait3A_882 = tpu.memref_slice %arg4[%dma_wait3A_880, %dma_wait3A_881] : memref<10000x128xf32, #tpu.memory_space<hbm>> -> memref<10000x128xf32, #tpu.memory_space<hbm>>
      tpu.wait_indirect_dma semaphore(%arg49 : memref<!tpu.dma_semaphore, #tpu.memory_space<semaphore_mem>>) src(%dma_wait3A_882 : memref<10000x128xf32, #tpu.memory_space<hbm>>) dst(%arg29 : memref<128x128xf32, #tpu.memory_space<vmem>>)
      %run_scoped3A_883 = arith.constant 0 : i32
      "tpu.region"() ({
        %run_scoped3A_1410 = tpu.sem_alloc : memref<!tpu.dma_semaphore, #tpu.memory_space<semaphore_mem>>
        %dma_start3A_1411 = arith.constant 0 : i32
        %dma_start3A_1412 = tpu.memref_slice %arg23[%run_scoped3A_883, %dma_start3A_1411] : memref<1x128xi32, #tpu.memory_space<vmem>> -> memref<1x128xi32, #tpu.memory_space<vmem>>
        %dma_start3A_1413 = tpu.memref_squeeze %dma_start3A_1412 : memref<1x128xi32, #tpu.memory_space<vmem>> -> memref<128xi32, #tpu.memory_space<vmem>>
        %dma_start3A_1414 = arith.constant 0 : i32
        %dma_start3A_1415 = arith.constant 0 : i32
        %dma_start3A_1416 = tpu.memref_slice %arg10[%dma_start3A_1414, %dma_start3A_1415] : memref<10240x128xf32, #tpu.memory_space<vmem_shared>> -> memref<10240x128xf32, #tpu.memory_space<vmem_shared>>
        tpu.enqueue_indirect_dma source(%arg29 : memref<128x128xf32, #tpu.memory_space<vmem>>) target(%dma_start3A_1416 : memref<10240x128xf32, #tpu.memory_space<vmem_shared>>) offsets(%dma_start3A_1413 : memref<128xi32, #tpu.memory_space<vmem>>) semaphore(%run_scoped3A_1410 : memref<!tpu.dma_semaphore, #tpu.memory_space<semaphore_mem>>) {add = true}
        %dma_wait3A_1417 = arith.constant 0 : i32
        %dma_wait3A_1418 = tpu.memref_slice %arg23[%run_scoped3A_883, %dma_wait3A_1417] : memref<1x128xi32, #tpu.memory_space<vmem>> -> memref<1x128xi32, #tpu.memory_space<vmem>>
        %dma_wait3A_1419 = tpu.memref_squeeze %dma_wait3A_1418 : memref<1x128xi32, #tpu.memory_space<vmem>> -> memref<128xi32, #tpu.memory_space<vmem>>
        %dma_wait3A_1420 = arith.constant 0 : i32
        %dma_wait3A_1421 = arith.constant 0 : i32
        %dma_wait3A_1422 = tpu.memref_slice %arg10[%dma_wait3A_1420, %dma_wait3A_1421] : memref<10240x128xf32, #tpu.memory_space<vmem_shared>> -> memref<10240x128xf32, #tpu.memory_space<vmem_shared>>
        tpu.wait_indirect_dma semaphore(%run_scoped3A_1410 : memref<!tpu.dma_semaphore, #tpu.memory_space<semaphore_mem>>) src(%arg29 : memref<128x128xf32, #tpu.memory_space<vmem>>) dst(%dma_wait3A_1422 : memref<10240x128xf32, #tpu.memory_space<vmem_shared>>)
        tpu.yield
      }) : () -> ()
      %dma_wait3A_884 = arith.constant 0 : i32
      %dma_wait3A_885 = arith.constant 0 : i32
      %dma_wait3A_886 = tpu.memref_slice %arg23[%dma_wait3A_884, %dma_wait3A_885] : memref<1x128xi32, #tpu.memory_space<vmem>> -> memref<1x128xi32, #tpu.memory_space<vmem>>
      %dma_wait3A_887 = tpu.memref_squeeze %dma_wait3A_886 : memref<1x128xi32, #tpu.memory_space<vmem>> -> memref<128xi32, #tpu.memory_space<vmem>>
      %dma_wait3A_888 = arith.constant 0 : i32
      %dma_wait3A_889 = tpu.memref_slice %arg12[%dma_wait3A_888] : memref<10240xf32, #tpu.memory_space<vmem_shared>> -> memref<10240xf32, #tpu.memory_space<vmem_shared>>
      tpu.wait_indirect_dma semaphore(%arg51 : memref<!tpu.dma_semaphore, #tpu.memory_space<semaphore_mem>>) src(%dma_wait3A_889 : memref<10240xf32, #tpu.memory_space<vmem_shared>>) dst(%arg31 : memref<128xf32, #tpu.memory_space<vmem>>)
      %run_scoped3A_890 = arith.constant 0 : i32
      "tpu.region"() ({
        %run_scoped3A_1410 = tpu.sem_alloc : memref<!tpu.dma_semaphore, #tpu.memory_space<semaphore_mem>>
        %dma_start3A_1411 = arith.constant 0 : i32
        %dma_start3A_1412 = tpu.memref_slice %arg15[%run_scoped3A_890, %dma_start3A_1411] : memref<1x128xi32, #tpu.memory_space<vmem>> -> memref<1x128xi32, #tpu.memory_space<vmem>>
        %dma_start3A_1413 = tpu.memref_squeeze %dma_start3A_1412 : memref<1x128xi32, #tpu.memory_space<vmem>> -> memref<128xi32, #tpu.memory_space<vmem>>
        %dma_start3A_1414 = arith.constant 0 : i32
        %dma_start3A_1415 = tpu.memref_slice %arg11[%dma_start3A_1414] : memref<10240xf32, #tpu.memory_space<vmem_shared>> -> memref<10240xf32, #tpu.memory_space<vmem_shared>>
        tpu.enqueue_indirect_dma source(%arg31 : memref<128xf32, #tpu.memory_space<vmem>>) target(%dma_start3A_1415 : memref<10240xf32, #tpu.memory_space<vmem_shared>>) offsets(%dma_start3A_1413 : memref<128xi32, #tpu.memory_space<vmem>>) semaphore(%run_scoped3A_1410 : memref<!tpu.dma_semaphore, #tpu.memory_space<semaphore_mem>>) {add = true}
        %dma_wait3A_1416 = arith.constant 0 : i32
        %dma_wait3A_1417 = tpu.memref_slice %arg15[%run_scoped3A_890, %dma_wait3A_1416] : memref<1x128xi32, #tpu.memory_space<vmem>> -> memref<1x128xi32, #tpu.memory_space<vmem>>
        %dma_wait3A_1418 = tpu.memref_squeeze %dma_wait3A_1417 : memref<1x128xi32, #tpu.memory_space<vmem>> -> memref<128xi32, #tpu.memory_space<vmem>>
        %dma_wait3A_1419 = arith.constant 0 : i32
        %dma_wait3A_1420 = tpu.memref_slice %arg11[%dma_wait3A_1419] : memref<10240xf32, #tpu.memory_space<vmem_shared>> -> memref<10240xf32, #tpu.memory_space<vmem_shared>>
        tpu.wait_indirect_dma semaphore(%run_scoped3A_1410 : memref<!tpu.dma_semaphore, #tpu.memory_space<semaphore_mem>>) src(%arg31 : memref<128xf32, #tpu.memory_space<vmem>>) dst(%dma_wait3A_1420 : memref<10240xf32, #tpu.memory_space<vmem_shared>>)
        tpu.yield
      }) : () -> ()
      %add3A_891 = arith.constant 2 : i32
      %add3A_892 = arith.addi %add3A_697, %add3A_891 : i32
      %add3A_893 = arith.constant 8 : i32
      %add3A_894 = arith.addi %add3A_892, %add3A_893 : i32
      %mul3A_895 = arith.constant 80 : i32
      %mul3A_896 = arith.muli %add3A, %mul3A_895 : i32
      %add3A_897 = arith.addi %mul3A_896, %add3A_894 : i32
      %dma_start3A_898 = arith.constant 0 : i32
      %dma_start3A_899 = arith.constant 0 : i32
      %dma_start3A_900 = tpu.memref_slice %arg15[%dma_start3A_898, %dma_start3A_899] : memref<1x128xi32, #tpu.memory_space<vmem>> -> memref<1x128xi32, #tpu.memory_space<vmem>>
      %dma_start3A_901 = tpu.memref_squeeze %dma_start3A_900 : memref<1x128xi32, #tpu.memory_space<vmem>> -> memref<128xi32, #tpu.memory_space<vmem>>
      %dma_start3A_902 = arith.constant 0 : i32
      %dma_start3A_903 = tpu.memref_slice %arg2[%add3A_897, %dma_start3A_902] : memref<2560x128xi32, #tpu.memory_space<hbm>> -> memref<1x128xi32, #tpu.memory_space<hbm>>
      %dma_start3A_904 = tpu.memref_squeeze %dma_start3A_903 : memref<1x128xi32, #tpu.memory_space<hbm>> -> memref<128xi32, #tpu.memory_space<hbm>>
      %dma_start3A_905 = arith.constant 0 : i32
      %dma_start3A_906 = tpu.memref_slice %arg15[%dma_start3A_898, %dma_start3A_905] : memref<1x128xi32, #tpu.memory_space<vmem>> -> memref<1x128xi32, #tpu.memory_space<vmem>>
      %dma_start3A_907 = tpu.memref_squeeze %dma_start3A_906 : memref<1x128xi32, #tpu.memory_space<vmem>> -> memref<128xi32, #tpu.memory_space<vmem>>
      %dma_start3A_908 = arith.constant 0 : i32
      %dma_start3A_909 = tpu.memref_slice %arg2[%add3A_897, %dma_start3A_908] : memref<2560x128xi32, #tpu.memory_space<hbm>> -> memref<1x128xi32, #tpu.memory_space<hbm>>
      %dma_start3A_910 = tpu.memref_squeeze %dma_start3A_909 : memref<1x128xi32, #tpu.memory_space<hbm>> -> memref<128xi32, #tpu.memory_space<hbm>>
      tpu.enqueue_dma source(%dma_start3A_910 : memref<128xi32, #tpu.memory_space<hbm>>) target(%dma_start3A_907 : memref<128xi32, #tpu.memory_space<vmem>>) target_semaphore(%arg35 : memref<!tpu.dma_semaphore, #tpu.memory_space<semaphore_mem>>)
      %dma_start3A_911 = arith.constant 0 : i32
      %dma_start3A_912 = arith.constant 0 : i32
      %dma_start3A_913 = tpu.memref_slice %arg23[%dma_start3A_911, %dma_start3A_912] : memref<1x128xi32, #tpu.memory_space<vmem>> -> memref<1x128xi32, #tpu.memory_space<vmem>>
      %dma_start3A_914 = tpu.memref_squeeze %dma_start3A_913 : memref<1x128xi32, #tpu.memory_space<vmem>> -> memref<128xi32, #tpu.memory_space<vmem>>
      %dma_start3A_915 = arith.constant 0 : i32
      %dma_start3A_916 = tpu.memref_slice %arg3[%add3A_897, %dma_start3A_915] : memref<2560x128xi32, #tpu.memory_space<hbm>> -> memref<1x128xi32, #tpu.memory_space<hbm>>
      %dma_start3A_917 = tpu.memref_squeeze %dma_start3A_916 : memref<1x128xi32, #tpu.memory_space<hbm>> -> memref<128xi32, #tpu.memory_space<hbm>>
      %dma_start3A_918 = arith.constant 0 : i32
      %dma_start3A_919 = tpu.memref_slice %arg23[%dma_start3A_911, %dma_start3A_918] : memref<1x128xi32, #tpu.memory_space<vmem>> -> memref<1x128xi32, #tpu.memory_space<vmem>>
      %dma_start3A_920 = tpu.memref_squeeze %dma_start3A_919 : memref<1x128xi32, #tpu.memory_space<vmem>> -> memref<128xi32, #tpu.memory_space<vmem>>
      %dma_start3A_921 = arith.constant 0 : i32
      %dma_start3A_922 = tpu.memref_slice %arg3[%add3A_897, %dma_start3A_921] : memref<2560x128xi32, #tpu.memory_space<hbm>> -> memref<1x128xi32, #tpu.memory_space<hbm>>
      %dma_start3A_923 = tpu.memref_squeeze %dma_start3A_922 : memref<1x128xi32, #tpu.memory_space<hbm>> -> memref<128xi32, #tpu.memory_space<hbm>>
      tpu.enqueue_dma source(%dma_start3A_923 : memref<128xi32, #tpu.memory_space<hbm>>) target(%dma_start3A_920 : memref<128xi32, #tpu.memory_space<vmem>>) target_semaphore(%arg43 : memref<!tpu.dma_semaphore, #tpu.memory_space<semaphore_mem>>)
      %dma_wait3A_924 = arith.constant 0 : i32
      %dma_wait3A_925 = arith.constant 0 : i32
      %dma_wait3A_926 = arith.constant 0 : i32
      %dma_wait3A_927 = tpu.memref_slice %arg17[%dma_wait3A_925, %dma_wait3A_926] : memref<1x128xi32, #tpu.memory_space<vmem>> -> memref<1x128xi32, #tpu.memory_space<vmem>>
      %dma_wait3A_928 = tpu.memref_squeeze %dma_wait3A_927 : memref<1x128xi32, #tpu.memory_space<vmem>> -> memref<128xi32, #tpu.memory_space<vmem>>
      %dma_wait3A_929 = arith.constant 0 : i32
      %dma_wait3A_930 = tpu.memref_slice %arg2[%dma_wait3A_924, %dma_wait3A_929] : memref<2560x128xi32, #tpu.memory_space<hbm>> -> memref<1x128xi32, #tpu.memory_space<hbm>>
      %dma_wait3A_931 = tpu.memref_squeeze %dma_wait3A_930 : memref<1x128xi32, #tpu.memory_space<hbm>> -> memref<128xi32, #tpu.memory_space<hbm>>
      %dma_wait3A_932 = arith.constant 0 : i32
      %dma_wait3A_933 = tpu.memref_slice %arg17[%dma_wait3A_925, %dma_wait3A_932] : memref<1x128xi32, #tpu.memory_space<vmem>> -> memref<1x128xi32, #tpu.memory_space<vmem>>
      %dma_wait3A_934 = tpu.memref_squeeze %dma_wait3A_933 : memref<1x128xi32, #tpu.memory_space<vmem>> -> memref<128xi32, #tpu.memory_space<vmem>>
      %dma_wait3A_935 = arith.constant 0 : i32
      %dma_wait3A_936 = tpu.memref_slice %arg2[%dma_wait3A_924, %dma_wait3A_935] : memref<2560x128xi32, #tpu.memory_space<hbm>> -> memref<1x128xi32, #tpu.memory_space<hbm>>
      %dma_wait3A_937 = tpu.memref_squeeze %dma_wait3A_936 : memref<1x128xi32, #tpu.memory_space<hbm>> -> memref<128xi32, #tpu.memory_space<hbm>>
      tpu.wait_dma2 semaphore(%arg37 : memref<!tpu.dma_semaphore, #tpu.memory_space<semaphore_mem>>) src(%dma_wait3A_937 : memref<128xi32, #tpu.memory_space<hbm>>) dst(%dma_wait3A_934 : memref<128xi32, #tpu.memory_space<vmem>>)
      %dma_wait3A_938 = arith.constant 0 : i32
      %dma_wait3A_939 = arith.constant 0 : i32
      %dma_wait3A_940 = arith.constant 0 : i32
      %dma_wait3A_941 = tpu.memref_slice %arg25[%dma_wait3A_939, %dma_wait3A_940] : memref<1x128xi32, #tpu.memory_space<vmem>> -> memref<1x128xi32, #tpu.memory_space<vmem>>
      %dma_wait3A_942 = tpu.memref_squeeze %dma_wait3A_941 : memref<1x128xi32, #tpu.memory_space<vmem>> -> memref<128xi32, #tpu.memory_space<vmem>>
      %dma_wait3A_943 = arith.constant 0 : i32
      %dma_wait3A_944 = tpu.memref_slice %arg3[%dma_wait3A_938, %dma_wait3A_943] : memref<2560x128xi32, #tpu.memory_space<hbm>> -> memref<1x128xi32, #tpu.memory_space<hbm>>
      %dma_wait3A_945 = tpu.memref_squeeze %dma_wait3A_944 : memref<1x128xi32, #tpu.memory_space<hbm>> -> memref<128xi32, #tpu.memory_space<hbm>>
      %dma_wait3A_946 = arith.constant 0 : i32
      %dma_wait3A_947 = tpu.memref_slice %arg25[%dma_wait3A_939, %dma_wait3A_946] : memref<1x128xi32, #tpu.memory_space<vmem>> -> memref<1x128xi32, #tpu.memory_space<vmem>>
      %dma_wait3A_948 = tpu.memref_squeeze %dma_wait3A_947 : memref<1x128xi32, #tpu.memory_space<vmem>> -> memref<128xi32, #tpu.memory_space<vmem>>
      %dma_wait3A_949 = arith.constant 0 : i32
      %dma_wait3A_950 = tpu.memref_slice %arg3[%dma_wait3A_938, %dma_wait3A_949] : memref<2560x128xi32, #tpu.memory_space<hbm>> -> memref<1x128xi32, #tpu.memory_space<hbm>>
      %dma_wait3A_951 = tpu.memref_squeeze %dma_wait3A_950 : memref<1x128xi32, #tpu.memory_space<hbm>> -> memref<128xi32, #tpu.memory_space<hbm>>
      tpu.wait_dma2 semaphore(%arg45 : memref<!tpu.dma_semaphore, #tpu.memory_space<semaphore_mem>>) src(%dma_wait3A_951 : memref<128xi32, #tpu.memory_space<hbm>>) dst(%dma_wait3A_948 : memref<128xi32, #tpu.memory_space<vmem>>)
      %dma_start3A_952 = arith.constant 0 : i32
      %dma_start3A_953 = arith.constant 0 : i32
      %dma_start3A_954 = tpu.memref_slice %arg17[%dma_start3A_952, %dma_start3A_953] : memref<1x128xi32, #tpu.memory_space<vmem>> -> memref<1x128xi32, #tpu.memory_space<vmem>>
      %dma_start3A_955 = tpu.memref_squeeze %dma_start3A_954 : memref<1x128xi32, #tpu.memory_space<vmem>> -> memref<128xi32, #tpu.memory_space<vmem>>
      %dma_start3A_956 = arith.constant 0 : i32
      %dma_start3A_957 = arith.constant 0 : i32
      %dma_start3A_958 = tpu.memref_slice %arg4[%dma_start3A_956, %dma_start3A_957] : memref<10000x128xf32, #tpu.memory_space<hbm>> -> memref<10000x128xf32, #tpu.memory_space<hbm>>
      tpu.enqueue_indirect_dma source(%dma_start3A_958 : memref<10000x128xf32, #tpu.memory_space<hbm>>) target(%arg29 : memref<128x128xf32, #tpu.memory_space<vmem>>) offsets(%dma_start3A_955 : memref<128xi32, #tpu.memory_space<vmem>>) semaphore(%arg49 : memref<!tpu.dma_semaphore, #tpu.memory_space<semaphore_mem>>)
      %dma_start3A_959 = arith.constant 0 : i32
      %dma_start3A_960 = arith.constant 0 : i32
      %dma_start3A_961 = tpu.memref_slice %arg25[%dma_start3A_959, %dma_start3A_960] : memref<1x128xi32, #tpu.memory_space<vmem>> -> memref<1x128xi32, #tpu.memory_space<vmem>>
      %dma_start3A_962 = tpu.memref_squeeze %dma_start3A_961 : memref<1x128xi32, #tpu.memory_space<vmem>> -> memref<128xi32, #tpu.memory_space<vmem>>
      %dma_start3A_963 = arith.constant 0 : i32
      %dma_start3A_964 = tpu.memref_slice %arg12[%dma_start3A_963] : memref<10240xf32, #tpu.memory_space<vmem_shared>> -> memref<10240xf32, #tpu.memory_space<vmem_shared>>
      tpu.enqueue_indirect_dma source(%dma_start3A_964 : memref<10240xf32, #tpu.memory_space<vmem_shared>>) target(%arg31 : memref<128xf32, #tpu.memory_space<vmem>>) offsets(%dma_start3A_962 : memref<128xi32, #tpu.memory_space<vmem>>) semaphore(%arg51 : memref<!tpu.dma_semaphore, #tpu.memory_space<semaphore_mem>>)
      %dma_wait3A_965 = arith.constant 0 : i32
      %dma_wait3A_966 = arith.constant 0 : i32
      %dma_wait3A_967 = tpu.memref_slice %arg16[%dma_wait3A_965, %dma_wait3A_966] : memref<1x128xi32, #tpu.memory_space<vmem>> -> memref<1x128xi32, #tpu.memory_space<vmem>>
      %dma_wait3A_968 = tpu.memref_squeeze %dma_wait3A_967 : memref<1x128xi32, #tpu.memory_space<vmem>> -> memref<128xi32, #tpu.memory_space<vmem>>
      %dma_wait3A_969 = arith.constant 0 : i32
      %dma_wait3A_970 = arith.constant 0 : i32
      %dma_wait3A_971 = tpu.memref_slice %arg4[%dma_wait3A_969, %dma_wait3A_970] : memref<10000x128xf32, #tpu.memory_space<hbm>> -> memref<10000x128xf32, #tpu.memory_space<hbm>>
      tpu.wait_indirect_dma semaphore(%arg50 : memref<!tpu.dma_semaphore, #tpu.memory_space<semaphore_mem>>) src(%dma_wait3A_971 : memref<10000x128xf32, #tpu.memory_space<hbm>>) dst(%arg30 : memref<128x128xf32, #tpu.memory_space<vmem>>)
      %run_scoped3A_972 = arith.constant 0 : i32
      "tpu.region"() ({
        %run_scoped3A_1410 = tpu.sem_alloc : memref<!tpu.dma_semaphore, #tpu.memory_space<semaphore_mem>>
        %dma_start3A_1411 = arith.constant 0 : i32
        %dma_start3A_1412 = tpu.memref_slice %arg24[%run_scoped3A_972, %dma_start3A_1411] : memref<1x128xi32, #tpu.memory_space<vmem>> -> memref<1x128xi32, #tpu.memory_space<vmem>>
        %dma_start3A_1413 = tpu.memref_squeeze %dma_start3A_1412 : memref<1x128xi32, #tpu.memory_space<vmem>> -> memref<128xi32, #tpu.memory_space<vmem>>
        %dma_start3A_1414 = arith.constant 0 : i32
        %dma_start3A_1415 = arith.constant 0 : i32
        %dma_start3A_1416 = tpu.memref_slice %arg10[%dma_start3A_1414, %dma_start3A_1415] : memref<10240x128xf32, #tpu.memory_space<vmem_shared>> -> memref<10240x128xf32, #tpu.memory_space<vmem_shared>>
        tpu.enqueue_indirect_dma source(%arg30 : memref<128x128xf32, #tpu.memory_space<vmem>>) target(%dma_start3A_1416 : memref<10240x128xf32, #tpu.memory_space<vmem_shared>>) offsets(%dma_start3A_1413 : memref<128xi32, #tpu.memory_space<vmem>>) semaphore(%run_scoped3A_1410 : memref<!tpu.dma_semaphore, #tpu.memory_space<semaphore_mem>>) {add = true}
        %dma_wait3A_1417 = arith.constant 0 : i32
        %dma_wait3A_1418 = tpu.memref_slice %arg24[%run_scoped3A_972, %dma_wait3A_1417] : memref<1x128xi32, #tpu.memory_space<vmem>> -> memref<1x128xi32, #tpu.memory_space<vmem>>
        %dma_wait3A_1419 = tpu.memref_squeeze %dma_wait3A_1418 : memref<1x128xi32, #tpu.memory_space<vmem>> -> memref<128xi32, #tpu.memory_space<vmem>>
        %dma_wait3A_1420 = arith.constant 0 : i32
        %dma_wait3A_1421 = arith.constant 0 : i32
        %dma_wait3A_1422 = tpu.memref_slice %arg10[%dma_wait3A_1420, %dma_wait3A_1421] : memref<10240x128xf32, #tpu.memory_space<vmem_shared>> -> memref<10240x128xf32, #tpu.memory_space<vmem_shared>>
        tpu.wait_indirect_dma semaphore(%run_scoped3A_1410 : memref<!tpu.dma_semaphore, #tpu.memory_space<semaphore_mem>>) src(%arg30 : memref<128x128xf32, #tpu.memory_space<vmem>>) dst(%dma_wait3A_1422 : memref<10240x128xf32, #tpu.memory_space<vmem_shared>>)
        tpu.yield
      }) : () -> ()
      %dma_wait3A_973 = arith.constant 0 : i32
      %dma_wait3A_974 = arith.constant 0 : i32
      %dma_wait3A_975 = tpu.memref_slice %arg24[%dma_wait3A_973, %dma_wait3A_974] : memref<1x128xi32, #tpu.memory_space<vmem>> -> memref<1x128xi32, #tpu.memory_space<vmem>>
      %dma_wait3A_976 = tpu.memref_squeeze %dma_wait3A_975 : memref<1x128xi32, #tpu.memory_space<vmem>> -> memref<128xi32, #tpu.memory_space<vmem>>
      %dma_wait3A_977 = arith.constant 0 : i32
      %dma_wait3A_978 = tpu.memref_slice %arg12[%dma_wait3A_977] : memref<10240xf32, #tpu.memory_space<vmem_shared>> -> memref<10240xf32, #tpu.memory_space<vmem_shared>>
      tpu.wait_indirect_dma semaphore(%arg52 : memref<!tpu.dma_semaphore, #tpu.memory_space<semaphore_mem>>) src(%dma_wait3A_978 : memref<10240xf32, #tpu.memory_space<vmem_shared>>) dst(%arg32 : memref<128xf32, #tpu.memory_space<vmem>>)
      %run_scoped3A_979 = arith.constant 0 : i32
      "tpu.region"() ({
        %run_scoped3A_1410 = tpu.sem_alloc : memref<!tpu.dma_semaphore, #tpu.memory_space<semaphore_mem>>
        %dma_start3A_1411 = arith.constant 0 : i32
        %dma_start3A_1412 = tpu.memref_slice %arg16[%run_scoped3A_979, %dma_start3A_1411] : memref<1x128xi32, #tpu.memory_space<vmem>> -> memref<1x128xi32, #tpu.memory_space<vmem>>
        %dma_start3A_1413 = tpu.memref_squeeze %dma_start3A_1412 : memref<1x128xi32, #tpu.memory_space<vmem>> -> memref<128xi32, #tpu.memory_space<vmem>>
        %dma_start3A_1414 = arith.constant 0 : i32
        %dma_start3A_1415 = tpu.memref_slice %arg11[%dma_start3A_1414] : memref<10240xf32, #tpu.memory_space<vmem_shared>> -> memref<10240xf32, #tpu.memory_space<vmem_shared>>
        tpu.enqueue_indirect_dma source(%arg32 : memref<128xf32, #tpu.memory_space<vmem>>) target(%dma_start3A_1415 : memref<10240xf32, #tpu.memory_space<vmem_shared>>) offsets(%dma_start3A_1413 : memref<128xi32, #tpu.memory_space<vmem>>) semaphore(%run_scoped3A_1410 : memref<!tpu.dma_semaphore, #tpu.memory_space<semaphore_mem>>) {add = true}
        %dma_wait3A_1416 = arith.constant 0 : i32
        %dma_wait3A_1417 = tpu.memref_slice %arg16[%run_scoped3A_979, %dma_wait3A_1416] : memref<1x128xi32, #tpu.memory_space<vmem>> -> memref<1x128xi32, #tpu.memory_space<vmem>>
        %dma_wait3A_1418 = tpu.memref_squeeze %dma_wait3A_1417 : memref<1x128xi32, #tpu.memory_space<vmem>> -> memref<128xi32, #tpu.memory_space<vmem>>
        %dma_wait3A_1419 = arith.constant 0 : i32
        %dma_wait3A_1420 = tpu.memref_slice %arg11[%dma_wait3A_1419] : memref<10240xf32, #tpu.memory_space<vmem_shared>> -> memref<10240xf32, #tpu.memory_space<vmem_shared>>
        tpu.wait_indirect_dma semaphore(%run_scoped3A_1410 : memref<!tpu.dma_semaphore, #tpu.memory_space<semaphore_mem>>) src(%arg32 : memref<128xf32, #tpu.memory_space<vmem>>) dst(%dma_wait3A_1420 : memref<10240xf32, #tpu.memory_space<vmem_shared>>)
        tpu.yield
      }) : () -> ()
      %add3A_980 = arith.constant 3 : i32
      %add3A_981 = arith.addi %add3A_697, %add3A_980 : i32
      %add3A_982 = arith.constant 8 : i32
      %add3A_983 = arith.addi %add3A_981, %add3A_982 : i32
      %mul3A_984 = arith.constant 80 : i32
      %mul3A_985 = arith.muli %add3A, %mul3A_984 : i32
      %add3A_986 = arith.addi %mul3A_985, %add3A_983 : i32
      %dma_start3A_987 = arith.constant 0 : i32
      %dma_start3A_988 = arith.constant 0 : i32
      %dma_start3A_989 = tpu.memref_slice %arg16[%dma_start3A_987, %dma_start3A_988] : memref<1x128xi32, #tpu.memory_space<vmem>> -> memref<1x128xi32, #tpu.memory_space<vmem>>
      %dma_start3A_990 = tpu.memref_squeeze %dma_start3A_989 : memref<1x128xi32, #tpu.memory_space<vmem>> -> memref<128xi32, #tpu.memory_space<vmem>>
      %dma_start3A_991 = arith.constant 0 : i32
      %dma_start3A_992 = tpu.memref_slice %arg2[%add3A_986, %dma_start3A_991] : memref<2560x128xi32, #tpu.memory_space<hbm>> -> memref<1x128xi32, #tpu.memory_space<hbm>>
      %dma_start3A_993 = tpu.memref_squeeze %dma_start3A_992 : memref<1x128xi32, #tpu.memory_space<hbm>> -> memref<128xi32, #tpu.memory_space<hbm>>
      %dma_start3A_994 = arith.constant 0 : i32
      %dma_start3A_995 = tpu.memref_slice %arg16[%dma_start3A_987, %dma_start3A_994] : memref<1x128xi32, #tpu.memory_space<vmem>> -> memref<1x128xi32, #tpu.memory_space<vmem>>
      %dma_start3A_996 = tpu.memref_squeeze %dma_start3A_995 : memref<1x128xi32, #tpu.memory_space<vmem>> -> memref<128xi32, #tpu.memory_space<vmem>>
      %dma_start3A_997 = arith.constant 0 : i32
      %dma_start3A_998 = tpu.memref_slice %arg2[%add3A_986, %dma_start3A_997] : memref<2560x128xi32, #tpu.memory_space<hbm>> -> memref<1x128xi32, #tpu.memory_space<hbm>>
      %dma_start3A_999 = tpu.memref_squeeze %dma_start3A_998 : memref<1x128xi32, #tpu.memory_space<hbm>> -> memref<128xi32, #tpu.memory_space<hbm>>
      tpu.enqueue_dma source(%dma_start3A_999 : memref<128xi32, #tpu.memory_space<hbm>>) target(%dma_start3A_996 : memref<128xi32, #tpu.memory_space<vmem>>) target_semaphore(%arg36 : memref<!tpu.dma_semaphore, #tpu.memory_space<semaphore_mem>>)
      %dma_start3A_1000 = arith.constant 0 : i32
      %dma_start3A_1001 = arith.constant 0 : i32
      %dma_start3A_1002 = tpu.memref_slice %arg24[%dma_start3A_1000, %dma_start3A_1001] : memref<1x128xi32, #tpu.memory_space<vmem>> -> memref<1x128xi32, #tpu.memory_space<vmem>>
      %dma_start3A_1003 = tpu.memref_squeeze %dma_start3A_1002 : memref<1x128xi32, #tpu.memory_space<vmem>> -> memref<128xi32, #tpu.memory_space<vmem>>
      %dma_start3A_1004 = arith.constant 0 : i32
      %dma_start3A_1005 = tpu.memref_slice %arg3[%add3A_986, %dma_start3A_1004] : memref<2560x128xi32, #tpu.memory_space<hbm>> -> memref<1x128xi32, #tpu.memory_space<hbm>>
      %dma_start3A_1006 = tpu.memref_squeeze %dma_start3A_1005 : memref<1x128xi32, #tpu.memory_space<hbm>> -> memref<128xi32, #tpu.memory_space<hbm>>
      %dma_start3A_1007 = arith.constant 0 : i32
      %dma_start3A_1008 = tpu.memref_slice %arg24[%dma_start3A_1000, %dma_start3A_1007] : memref<1x128xi32, #tpu.memory_space<vmem>> -> memref<1x128xi32, #tpu.memory_space<vmem>>
      %dma_start3A_1009 = tpu.memref_squeeze %dma_start3A_1008 : memref<1x128xi32, #tpu.memory_space<vmem>> -> memref<128xi32, #tpu.memory_space<vmem>>
      %dma_start3A_1010 = arith.constant 0 : i32
      %dma_start3A_1011 = tpu.memref_slice %arg3[%add3A_986, %dma_start3A_1010] : memref<2560x128xi32, #tpu.memory_space<hbm>> -> memref<1x128xi32, #tpu.memory_space<hbm>>
      %dma_start3A_1012 = tpu.memref_squeeze %dma_start3A_1011 : memref<1x128xi32, #tpu.memory_space<hbm>> -> memref<128xi32, #tpu.memory_space<hbm>>
      tpu.enqueue_dma source(%dma_start3A_1012 : memref<128xi32, #tpu.memory_space<hbm>>) target(%dma_start3A_1009 : memref<128xi32, #tpu.memory_space<vmem>>) target_semaphore(%arg44 : memref<!tpu.dma_semaphore, #tpu.memory_space<semaphore_mem>>)
      %dma_wait3A_1013 = arith.constant 0 : i32
      %dma_wait3A_1014 = arith.constant 0 : i32
      %dma_wait3A_1015 = arith.constant 0 : i32
      %dma_wait3A_1016 = tpu.memref_slice %arg18[%dma_wait3A_1014, %dma_wait3A_1015] : memref<1x128xi32, #tpu.memory_space<vmem>> -> memref<1x128xi32, #tpu.memory_space<vmem>>
      %dma_wait3A_1017 = tpu.memref_squeeze %dma_wait3A_1016 : memref<1x128xi32, #tpu.memory_space<vmem>> -> memref<128xi32, #tpu.memory_space<vmem>>
      %dma_wait3A_1018 = arith.constant 0 : i32
      %dma_wait3A_1019 = tpu.memref_slice %arg2[%dma_wait3A_1013, %dma_wait3A_1018] : memref<2560x128xi32, #tpu.memory_space<hbm>> -> memref<1x128xi32, #tpu.memory_space<hbm>>
      %dma_wait3A_1020 = tpu.memref_squeeze %dma_wait3A_1019 : memref<1x128xi32, #tpu.memory_space<hbm>> -> memref<128xi32, #tpu.memory_space<hbm>>
      %dma_wait3A_1021 = arith.constant 0 : i32
      %dma_wait3A_1022 = tpu.memref_slice %arg18[%dma_wait3A_1014, %dma_wait3A_1021] : memref<1x128xi32, #tpu.memory_space<vmem>> -> memref<1x128xi32, #tpu.memory_space<vmem>>
      %dma_wait3A_1023 = tpu.memref_squeeze %dma_wait3A_1022 : memref<1x128xi32, #tpu.memory_space<vmem>> -> memref<128xi32, #tpu.memory_space<vmem>>
      %dma_wait3A_1024 = arith.constant 0 : i32
      %dma_wait3A_1025 = tpu.memref_slice %arg2[%dma_wait3A_1013, %dma_wait3A_1024] : memref<2560x128xi32, #tpu.memory_space<hbm>> -> memref<1x128xi32, #tpu.memory_space<hbm>>
      %dma_wait3A_1026 = tpu.memref_squeeze %dma_wait3A_1025 : memref<1x128xi32, #tpu.memory_space<hbm>> -> memref<128xi32, #tpu.memory_space<hbm>>
      tpu.wait_dma2 semaphore(%arg38 : memref<!tpu.dma_semaphore, #tpu.memory_space<semaphore_mem>>) src(%dma_wait3A_1026 : memref<128xi32, #tpu.memory_space<hbm>>) dst(%dma_wait3A_1023 : memref<128xi32, #tpu.memory_space<vmem>>)
      %dma_wait3A_1027 = arith.constant 0 : i32
      %dma_wait3A_1028 = arith.constant 0 : i32
      %dma_wait3A_1029 = arith.constant 0 : i32
      %dma_wait3A_1030 = tpu.memref_slice %arg26[%dma_wait3A_1028, %dma_wait3A_1029] : memref<1x128xi32, #tpu.memory_space<vmem>> -> memref<1x128xi32, #tpu.memory_space<vmem>>
      %dma_wait3A_1031 = tpu.memref_squeeze %dma_wait3A_1030 : memref<1x128xi32, #tpu.memory_space<vmem>> -> memref<128xi32, #tpu.memory_space<vmem>>
      %dma_wait3A_1032 = arith.constant 0 : i32
      %dma_wait3A_1033 = tpu.memref_slice %arg3[%dma_wait3A_1027, %dma_wait3A_1032] : memref<2560x128xi32, #tpu.memory_space<hbm>> -> memref<1x128xi32, #tpu.memory_space<hbm>>
      %dma_wait3A_1034 = tpu.memref_squeeze %dma_wait3A_1033 : memref<1x128xi32, #tpu.memory_space<hbm>> -> memref<128xi32, #tpu.memory_space<hbm>>
      %dma_wait3A_1035 = arith.constant 0 : i32
      %dma_wait3A_1036 = tpu.memref_slice %arg26[%dma_wait3A_1028, %dma_wait3A_1035] : memref<1x128xi32, #tpu.memory_space<vmem>> -> memref<1x128xi32, #tpu.memory_space<vmem>>
      %dma_wait3A_1037 = tpu.memref_squeeze %dma_wait3A_1036 : memref<1x128xi32, #tpu.memory_space<vmem>> -> memref<128xi32, #tpu.memory_space<vmem>>
      %dma_wait3A_1038 = arith.constant 0 : i32
      %dma_wait3A_1039 = tpu.memref_slice %arg3[%dma_wait3A_1027, %dma_wait3A_1038] : memref<2560x128xi32, #tpu.memory_space<hbm>> -> memref<1x128xi32, #tpu.memory_space<hbm>>
      %dma_wait3A_1040 = tpu.memref_squeeze %dma_wait3A_1039 : memref<1x128xi32, #tpu.memory_space<hbm>> -> memref<128xi32, #tpu.memory_space<hbm>>
      tpu.wait_dma2 semaphore(%arg46 : memref<!tpu.dma_semaphore, #tpu.memory_space<semaphore_mem>>) src(%dma_wait3A_1040 : memref<128xi32, #tpu.memory_space<hbm>>) dst(%dma_wait3A_1037 : memref<128xi32, #tpu.memory_space<vmem>>)
      %dma_start3A_1041 = arith.constant 0 : i32
      %dma_start3A_1042 = arith.constant 0 : i32
      %dma_start3A_1043 = tpu.memref_slice %arg18[%dma_start3A_1041, %dma_start3A_1042] : memref<1x128xi32, #tpu.memory_space<vmem>> -> memref<1x128xi32, #tpu.memory_space<vmem>>
      %dma_start3A_1044 = tpu.memref_squeeze %dma_start3A_1043 : memref<1x128xi32, #tpu.memory_space<vmem>> -> memref<128xi32, #tpu.memory_space<vmem>>
      %dma_start3A_1045 = arith.constant 0 : i32
      %dma_start3A_1046 = arith.constant 0 : i32
      %dma_start3A_1047 = tpu.memref_slice %arg4[%dma_start3A_1045, %dma_start3A_1046] : memref<10000x128xf32, #tpu.memory_space<hbm>> -> memref<10000x128xf32, #tpu.memory_space<hbm>>
      tpu.enqueue_indirect_dma source(%dma_start3A_1047 : memref<10000x128xf32, #tpu.memory_space<hbm>>) target(%arg30 : memref<128x128xf32, #tpu.memory_space<vmem>>) offsets(%dma_start3A_1044 : memref<128xi32, #tpu.memory_space<vmem>>) semaphore(%arg50 : memref<!tpu.dma_semaphore, #tpu.memory_space<semaphore_mem>>)
      %dma_start3A_1048 = arith.constant 0 : i32
      %dma_start3A_1049 = arith.constant 0 : i32
      %dma_start3A_1050 = tpu.memref_slice %arg26[%dma_start3A_1048, %dma_start3A_1049] : memref<1x128xi32, #tpu.memory_space<vmem>> -> memref<1x128xi32, #tpu.memory_space<vmem>>
      %dma_start3A_1051 = tpu.memref_squeeze %dma_start3A_1050 : memref<1x128xi32, #tpu.memory_space<vmem>> -> memref<128xi32, #tpu.memory_space<vmem>>
      %dma_start3A_1052 = arith.constant 0 : i32
      %dma_start3A_1053 = tpu.memref_slice %arg12[%dma_start3A_1052] : memref<10240xf32, #tpu.memory_space<vmem_shared>> -> memref<10240xf32, #tpu.memory_space<vmem_shared>>
      tpu.enqueue_indirect_dma source(%dma_start3A_1053 : memref<10240xf32, #tpu.memory_space<vmem_shared>>) target(%arg32 : memref<128xf32, #tpu.memory_space<vmem>>) offsets(%dma_start3A_1051 : memref<128xi32, #tpu.memory_space<vmem>>) semaphore(%arg52 : memref<!tpu.dma_semaphore, #tpu.memory_space<semaphore_mem>>)
      %dma_wait3A_1054 = arith.constant 0 : i32
      %dma_wait3A_1055 = arith.constant 0 : i32
      %dma_wait3A_1056 = tpu.memref_slice %arg17[%dma_wait3A_1054, %dma_wait3A_1055] : memref<1x128xi32, #tpu.memory_space<vmem>> -> memref<1x128xi32, #tpu.memory_space<vmem>>
      %dma_wait3A_1057 = tpu.memref_squeeze %dma_wait3A_1056 : memref<1x128xi32, #tpu.memory_space<vmem>> -> memref<128xi32, #tpu.memory_space<vmem>>
      %dma_wait3A_1058 = arith.constant 0 : i32
      %dma_wait3A_1059 = arith.constant 0 : i32
      %dma_wait3A_1060 = tpu.memref_slice %arg4[%dma_wait3A_1058, %dma_wait3A_1059] : memref<10000x128xf32, #tpu.memory_space<hbm>> -> memref<10000x128xf32, #tpu.memory_space<hbm>>
      tpu.wait_indirect_dma semaphore(%arg49 : memref<!tpu.dma_semaphore, #tpu.memory_space<semaphore_mem>>) src(%dma_wait3A_1060 : memref<10000x128xf32, #tpu.memory_space<hbm>>) dst(%arg29 : memref<128x128xf32, #tpu.memory_space<vmem>>)
      %run_scoped3A_1061 = arith.constant 0 : i32
      "tpu.region"() ({
        %run_scoped3A_1410 = tpu.sem_alloc : memref<!tpu.dma_semaphore, #tpu.memory_space<semaphore_mem>>
        %dma_start3A_1411 = arith.constant 0 : i32
        %dma_start3A_1412 = tpu.memref_slice %arg25[%run_scoped3A_1061, %dma_start3A_1411] : memref<1x128xi32, #tpu.memory_space<vmem>> -> memref<1x128xi32, #tpu.memory_space<vmem>>
        %dma_start3A_1413 = tpu.memref_squeeze %dma_start3A_1412 : memref<1x128xi32, #tpu.memory_space<vmem>> -> memref<128xi32, #tpu.memory_space<vmem>>
        %dma_start3A_1414 = arith.constant 0 : i32
        %dma_start3A_1415 = arith.constant 0 : i32
        %dma_start3A_1416 = tpu.memref_slice %arg10[%dma_start3A_1414, %dma_start3A_1415] : memref<10240x128xf32, #tpu.memory_space<vmem_shared>> -> memref<10240x128xf32, #tpu.memory_space<vmem_shared>>
        tpu.enqueue_indirect_dma source(%arg29 : memref<128x128xf32, #tpu.memory_space<vmem>>) target(%dma_start3A_1416 : memref<10240x128xf32, #tpu.memory_space<vmem_shared>>) offsets(%dma_start3A_1413 : memref<128xi32, #tpu.memory_space<vmem>>) semaphore(%run_scoped3A_1410 : memref<!tpu.dma_semaphore, #tpu.memory_space<semaphore_mem>>) {add = true}
        %dma_wait3A_1417 = arith.constant 0 : i32
        %dma_wait3A_1418 = tpu.memref_slice %arg25[%run_scoped3A_1061, %dma_wait3A_1417] : memref<1x128xi32, #tpu.memory_space<vmem>> -> memref<1x128xi32, #tpu.memory_space<vmem>>
        %dma_wait3A_1419 = tpu.memref_squeeze %dma_wait3A_1418 : memref<1x128xi32, #tpu.memory_space<vmem>> -> memref<128xi32, #tpu.memory_space<vmem>>
        %dma_wait3A_1420 = arith.constant 0 : i32
        %dma_wait3A_1421 = arith.constant 0 : i32
        %dma_wait3A_1422 = tpu.memref_slice %arg10[%dma_wait3A_1420, %dma_wait3A_1421] : memref<10240x128xf32, #tpu.memory_space<vmem_shared>> -> memref<10240x128xf32, #tpu.memory_space<vmem_shared>>
        tpu.wait_indirect_dma semaphore(%run_scoped3A_1410 : memref<!tpu.dma_semaphore, #tpu.memory_space<semaphore_mem>>) src(%arg29 : memref<128x128xf32, #tpu.memory_space<vmem>>) dst(%dma_wait3A_1422 : memref<10240x128xf32, #tpu.memory_space<vmem_shared>>)
        tpu.yield
      }) : () -> ()
      %dma_wait3A_1062 = arith.constant 0 : i32
      %dma_wait3A_1063 = arith.constant 0 : i32
      %dma_wait3A_1064 = tpu.memref_slice %arg25[%dma_wait3A_1062, %dma_wait3A_1063] : memref<1x128xi32, #tpu.memory_space<vmem>> -> memref<1x128xi32, #tpu.memory_space<vmem>>
      %dma_wait3A_1065 = tpu.memref_squeeze %dma_wait3A_1064 : memref<1x128xi32, #tpu.memory_space<vmem>> -> memref<128xi32, #tpu.memory_space<vmem>>
      %dma_wait3A_1066 = arith.constant 0 : i32
      %dma_wait3A_1067 = tpu.memref_slice %arg12[%dma_wait3A_1066] : memref<10240xf32, #tpu.memory_space<vmem_shared>> -> memref<10240xf32, #tpu.memory_space<vmem_shared>>
      tpu.wait_indirect_dma semaphore(%arg51 : memref<!tpu.dma_semaphore, #tpu.memory_space<semaphore_mem>>) src(%dma_wait3A_1067 : memref<10240xf32, #tpu.memory_space<vmem_shared>>) dst(%arg31 : memref<128xf32, #tpu.memory_space<vmem>>)
      %run_scoped3A_1068 = arith.constant 0 : i32
      "tpu.region"() ({
        %run_scoped3A_1410 = tpu.sem_alloc : memref<!tpu.dma_semaphore, #tpu.memory_space<semaphore_mem>>
        %dma_start3A_1411 = arith.constant 0 : i32
        %dma_start3A_1412 = tpu.memref_slice %arg17[%run_scoped3A_1068, %dma_start3A_1411] : memref<1x128xi32, #tpu.memory_space<vmem>> -> memref<1x128xi32, #tpu.memory_space<vmem>>
        %dma_start3A_1413 = tpu.memref_squeeze %dma_start3A_1412 : memref<1x128xi32, #tpu.memory_space<vmem>> -> memref<128xi32, #tpu.memory_space<vmem>>
        %dma_start3A_1414 = arith.constant 0 : i32
        %dma_start3A_1415 = tpu.memref_slice %arg11[%dma_start3A_1414] : memref<10240xf32, #tpu.memory_space<vmem_shared>> -> memref<10240xf32, #tpu.memory_space<vmem_shared>>
        tpu.enqueue_indirect_dma source(%arg31 : memref<128xf32, #tpu.memory_space<vmem>>) target(%dma_start3A_1415 : memref<10240xf32, #tpu.memory_space<vmem_shared>>) offsets(%dma_start3A_1413 : memref<128xi32, #tpu.memory_space<vmem>>) semaphore(%run_scoped3A_1410 : memref<!tpu.dma_semaphore, #tpu.memory_space<semaphore_mem>>) {add = true}
        %dma_wait3A_1416 = arith.constant 0 : i32
        %dma_wait3A_1417 = tpu.memref_slice %arg17[%run_scoped3A_1068, %dma_wait3A_1416] : memref<1x128xi32, #tpu.memory_space<vmem>> -> memref<1x128xi32, #tpu.memory_space<vmem>>
        %dma_wait3A_1418 = tpu.memref_squeeze %dma_wait3A_1417 : memref<1x128xi32, #tpu.memory_space<vmem>> -> memref<128xi32, #tpu.memory_space<vmem>>
        %dma_wait3A_1419 = arith.constant 0 : i32
        %dma_wait3A_1420 = tpu.memref_slice %arg11[%dma_wait3A_1419] : memref<10240xf32, #tpu.memory_space<vmem_shared>> -> memref<10240xf32, #tpu.memory_space<vmem_shared>>
        tpu.wait_indirect_dma semaphore(%run_scoped3A_1410 : memref<!tpu.dma_semaphore, #tpu.memory_space<semaphore_mem>>) src(%arg31 : memref<128xf32, #tpu.memory_space<vmem>>) dst(%dma_wait3A_1420 : memref<10240xf32, #tpu.memory_space<vmem_shared>>)
        tpu.yield
      }) : () -> ()
      %add3A_1069 = arith.constant 4 : i32
      %add3A_1070 = arith.addi %add3A_697, %add3A_1069 : i32
      %add3A_1071 = arith.constant 8 : i32
      %add3A_1072 = arith.addi %add3A_1070, %add3A_1071 : i32
      %mul3A_1073 = arith.constant 80 : i32
      %mul3A_1074 = arith.muli %add3A, %mul3A_1073 : i32
      %add3A_1075 = arith.addi %mul3A_1074, %add3A_1072 : i32
      %dma_start3A_1076 = arith.constant 0 : i32
      %dma_start3A_1077 = arith.constant 0 : i32
      %dma_start3A_1078 = tpu.memref_slice %arg17[%dma_start3A_1076, %dma_start3A_1077] : memref<1x128xi32, #tpu.memory_space<vmem>> -> memref<1x128xi32, #tpu.memory_space<vmem>>
      %dma_start3A_1079 = tpu.memref_squeeze %dma_start3A_1078 : memref<1x128xi32, #tpu.memory_space<vmem>> -> memref<128xi32, #tpu.memory_space<vmem>>
      %dma_start3A_1080 = arith.constant 0 : i32
      %dma_start3A_1081 = tpu.memref_slice %arg2[%add3A_1075, %dma_start3A_1080] : memref<2560x128xi32, #tpu.memory_space<hbm>> -> memref<1x128xi32, #tpu.memory_space<hbm>>
      %dma_start3A_1082 = tpu.memref_squeeze %dma_start3A_1081 : memref<1x128xi32, #tpu.memory_space<hbm>> -> memref<128xi32, #tpu.memory_space<hbm>>
      %dma_start3A_1083 = arith.constant 0 : i32
      %dma_start3A_1084 = tpu.memref_slice %arg17[%dma_start3A_1076, %dma_start3A_1083] : memref<1x128xi32, #tpu.memory_space<vmem>> -> memref<1x128xi32, #tpu.memory_space<vmem>>
      %dma_start3A_1085 = tpu.memref_squeeze %dma_start3A_1084 : memref<1x128xi32, #tpu.memory_space<vmem>> -> memref<128xi32, #tpu.memory_space<vmem>>
      %dma_start3A_1086 = arith.constant 0 : i32
      %dma_start3A_1087 = tpu.memref_slice %arg2[%add3A_1075, %dma_start3A_1086] : memref<2560x128xi32, #tpu.memory_space<hbm>> -> memref<1x128xi32, #tpu.memory_space<hbm>>
      %dma_start3A_1088 = tpu.memref_squeeze %dma_start3A_1087 : memref<1x128xi32, #tpu.memory_space<hbm>> -> memref<128xi32, #tpu.memory_space<hbm>>
      tpu.enqueue_dma source(%dma_start3A_1088 : memref<128xi32, #tpu.memory_space<hbm>>) target(%dma_start3A_1085 : memref<128xi32, #tpu.memory_space<vmem>>) target_semaphore(%arg37 : memref<!tpu.dma_semaphore, #tpu.memory_space<semaphore_mem>>)
      %dma_start3A_1089 = arith.constant 0 : i32
      %dma_start3A_1090 = arith.constant 0 : i32
      %dma_start3A_1091 = tpu.memref_slice %arg25[%dma_start3A_1089, %dma_start3A_1090] : memref<1x128xi32, #tpu.memory_space<vmem>> -> memref<1x128xi32, #tpu.memory_space<vmem>>
      %dma_start3A_1092 = tpu.memref_squeeze %dma_start3A_1091 : memref<1x128xi32, #tpu.memory_space<vmem>> -> memref<128xi32, #tpu.memory_space<vmem>>
      %dma_start3A_1093 = arith.constant 0 : i32
      %dma_start3A_1094 = tpu.memref_slice %arg3[%add3A_1075, %dma_start3A_1093] : memref<2560x128xi32, #tpu.memory_space<hbm>> -> memref<1x128xi32, #tpu.memory_space<hbm>>
      %dma_start3A_1095 = tpu.memref_squeeze %dma_start3A_1094 : memref<1x128xi32, #tpu.memory_space<hbm>> -> memref<128xi32, #tpu.memory_space<hbm>>
      %dma_start3A_1096 = arith.constant 0 : i32
      %dma_start3A_1097 = tpu.memref_slice %arg25[%dma_start3A_1089, %dma_start3A_1096] : memref<1x128xi32, #tpu.memory_space<vmem>> -> memref<1x128xi32, #tpu.memory_space<vmem>>
      %dma_start3A_1098 = tpu.memref_squeeze %dma_start3A_1097 : memref<1x128xi32, #tpu.memory_space<vmem>> -> memref<128xi32, #tpu.memory_space<vmem>>
      %dma_start3A_1099 = arith.constant 0 : i32
      %dma_start3A_1100 = tpu.memref_slice %arg3[%add3A_1075, %dma_start3A_1099] : memref<2560x128xi32, #tpu.memory_space<hbm>> -> memref<1x128xi32, #tpu.memory_space<hbm>>
      %dma_start3A_1101 = tpu.memref_squeeze %dma_start3A_1100 : memref<1x128xi32, #tpu.memory_space<hbm>> -> memref<128xi32, #tpu.memory_space<hbm>>
      tpu.enqueue_dma source(%dma_start3A_1101 : memref<128xi32, #tpu.memory_space<hbm>>) target(%dma_start3A_1098 : memref<128xi32, #tpu.memory_space<vmem>>) target_semaphore(%arg45 : memref<!tpu.dma_semaphore, #tpu.memory_space<semaphore_mem>>)
      %dma_wait3A_1102 = arith.constant 0 : i32
      %dma_wait3A_1103 = arith.constant 0 : i32
      %dma_wait3A_1104 = arith.constant 0 : i32
      %dma_wait3A_1105 = tpu.memref_slice %arg19[%dma_wait3A_1103, %dma_wait3A_1104] : memref<1x128xi32, #tpu.memory_space<vmem>> -> memref<1x128xi32, #tpu.memory_space<vmem>>
      %dma_wait3A_1106 = tpu.memref_squeeze %dma_wait3A_1105 : memref<1x128xi32, #tpu.memory_space<vmem>> -> memref<128xi32, #tpu.memory_space<vmem>>
      %dma_wait3A_1107 = arith.constant 0 : i32
      %dma_wait3A_1108 = tpu.memref_slice %arg2[%dma_wait3A_1102, %dma_wait3A_1107] : memref<2560x128xi32, #tpu.memory_space<hbm>> -> memref<1x128xi32, #tpu.memory_space<hbm>>
      %dma_wait3A_1109 = tpu.memref_squeeze %dma_wait3A_1108 : memref<1x128xi32, #tpu.memory_space<hbm>> -> memref<128xi32, #tpu.memory_space<hbm>>
      %dma_wait3A_1110 = arith.constant 0 : i32
      %dma_wait3A_1111 = tpu.memref_slice %arg19[%dma_wait3A_1103, %dma_wait3A_1110] : memref<1x128xi32, #tpu.memory_space<vmem>> -> memref<1x128xi32, #tpu.memory_space<vmem>>
      %dma_wait3A_1112 = tpu.memref_squeeze %dma_wait3A_1111 : memref<1x128xi32, #tpu.memory_space<vmem>> -> memref<128xi32, #tpu.memory_space<vmem>>
      %dma_wait3A_1113 = arith.constant 0 : i32
      %dma_wait3A_1114 = tpu.memref_slice %arg2[%dma_wait3A_1102, %dma_wait3A_1113] : memref<2560x128xi32, #tpu.memory_space<hbm>> -> memref<1x128xi32, #tpu.memory_space<hbm>>
      %dma_wait3A_1115 = tpu.memref_squeeze %dma_wait3A_1114 : memref<1x128xi32, #tpu.memory_space<hbm>> -> memref<128xi32, #tpu.memory_space<hbm>>
      tpu.wait_dma2 semaphore(%arg39 : memref<!tpu.dma_semaphore, #tpu.memory_space<semaphore_mem>>) src(%dma_wait3A_1115 : memref<128xi32, #tpu.memory_space<hbm>>) dst(%dma_wait3A_1112 : memref<128xi32, #tpu.memory_space<vmem>>)
      %dma_wait3A_1116 = arith.constant 0 : i32
      %dma_wait3A_1117 = arith.constant 0 : i32
      %dma_wait3A_1118 = arith.constant 0 : i32
      %dma_wait3A_1119 = tpu.memref_slice %arg27[%dma_wait3A_1117, %dma_wait3A_1118] : memref<1x128xi32, #tpu.memory_space<vmem>> -> memref<1x128xi32, #tpu.memory_space<vmem>>
      %dma_wait3A_1120 = tpu.memref_squeeze %dma_wait3A_1119 : memref<1x128xi32, #tpu.memory_space<vmem>> -> memref<128xi32, #tpu.memory_space<vmem>>
      %dma_wait3A_1121 = arith.constant 0 : i32
      %dma_wait3A_1122 = tpu.memref_slice %arg3[%dma_wait3A_1116, %dma_wait3A_1121] : memref<2560x128xi32, #tpu.memory_space<hbm>> -> memref<1x128xi32, #tpu.memory_space<hbm>>
      %dma_wait3A_1123 = tpu.memref_squeeze %dma_wait3A_1122 : memref<1x128xi32, #tpu.memory_space<hbm>> -> memref<128xi32, #tpu.memory_space<hbm>>
      %dma_wait3A_1124 = arith.constant 0 : i32
      %dma_wait3A_1125 = tpu.memref_slice %arg27[%dma_wait3A_1117, %dma_wait3A_1124] : memref<1x128xi32, #tpu.memory_space<vmem>> -> memref<1x128xi32, #tpu.memory_space<vmem>>
      %dma_wait3A_1126 = tpu.memref_squeeze %dma_wait3A_1125 : memref<1x128xi32, #tpu.memory_space<vmem>> -> memref<128xi32, #tpu.memory_space<vmem>>
      %dma_wait3A_1127 = arith.constant 0 : i32
      %dma_wait3A_1128 = tpu.memref_slice %arg3[%dma_wait3A_1116, %dma_wait3A_1127] : memref<2560x128xi32, #tpu.memory_space<hbm>> -> memref<1x128xi32, #tpu.memory_space<hbm>>
      %dma_wait3A_1129 = tpu.memref_squeeze %dma_wait3A_1128 : memref<1x128xi32, #tpu.memory_space<hbm>> -> memref<128xi32, #tpu.memory_space<hbm>>
      tpu.wait_dma2 semaphore(%arg47 : memref<!tpu.dma_semaphore, #tpu.memory_space<semaphore_mem>>) src(%dma_wait3A_1129 : memref<128xi32, #tpu.memory_space<hbm>>) dst(%dma_wait3A_1126 : memref<128xi32, #tpu.memory_space<vmem>>)
      %dma_start3A_1130 = arith.constant 0 : i32
      %dma_start3A_1131 = arith.constant 0 : i32
      %dma_start3A_1132 = tpu.memref_slice %arg19[%dma_start3A_1130, %dma_start3A_1131] : memref<1x128xi32, #tpu.memory_space<vmem>> -> memref<1x128xi32, #tpu.memory_space<vmem>>
      %dma_start3A_1133 = tpu.memref_squeeze %dma_start3A_1132 : memref<1x128xi32, #tpu.memory_space<vmem>> -> memref<128xi32, #tpu.memory_space<vmem>>
      %dma_start3A_1134 = arith.constant 0 : i32
      %dma_start3A_1135 = arith.constant 0 : i32
      %dma_start3A_1136 = tpu.memref_slice %arg4[%dma_start3A_1134, %dma_start3A_1135] : memref<10000x128xf32, #tpu.memory_space<hbm>> -> memref<10000x128xf32, #tpu.memory_space<hbm>>
      tpu.enqueue_indirect_dma source(%dma_start3A_1136 : memref<10000x128xf32, #tpu.memory_space<hbm>>) target(%arg29 : memref<128x128xf32, #tpu.memory_space<vmem>>) offsets(%dma_start3A_1133 : memref<128xi32, #tpu.memory_space<vmem>>) semaphore(%arg49 : memref<!tpu.dma_semaphore, #tpu.memory_space<semaphore_mem>>)
      %dma_start3A_1137 = arith.constant 0 : i32
      %dma_start3A_1138 = arith.constant 0 : i32
      %dma_start3A_1139 = tpu.memref_slice %arg27[%dma_start3A_1137, %dma_start3A_1138] : memref<1x128xi32, #tpu.memory_space<vmem>> -> memref<1x128xi32, #tpu.memory_space<vmem>>
      %dma_start3A_1140 = tpu.memref_squeeze %dma_start3A_1139 : memref<1x128xi32, #tpu.memory_space<vmem>> -> memref<128xi32, #tpu.memory_space<vmem>>
      %dma_start3A_1141 = arith.constant 0 : i32
      %dma_start3A_1142 = tpu.memref_slice %arg12[%dma_start3A_1141] : memref<10240xf32, #tpu.memory_space<vmem_shared>> -> memref<10240xf32, #tpu.memory_space<vmem_shared>>
      tpu.enqueue_indirect_dma source(%dma_start3A_1142 : memref<10240xf32, #tpu.memory_space<vmem_shared>>) target(%arg31 : memref<128xf32, #tpu.memory_space<vmem>>) offsets(%dma_start3A_1140 : memref<128xi32, #tpu.memory_space<vmem>>) semaphore(%arg51 : memref<!tpu.dma_semaphore, #tpu.memory_space<semaphore_mem>>)
      %dma_wait3A_1143 = arith.constant 0 : i32
      %dma_wait3A_1144 = arith.constant 0 : i32
      %dma_wait3A_1145 = tpu.memref_slice %arg18[%dma_wait3A_1143, %dma_wait3A_1144] : memref<1x128xi32, #tpu.memory_space<vmem>> -> memref<1x128xi32, #tpu.memory_space<vmem>>
      %dma_wait3A_1146 = tpu.memref_squeeze %dma_wait3A_1145 : memref<1x128xi32, #tpu.memory_space<vmem>> -> memref<128xi32, #tpu.memory_space<vmem>>
      %dma_wait3A_1147 = arith.constant 0 : i32
      %dma_wait3A_1148 = arith.constant 0 : i32
      %dma_wait3A_1149 = tpu.memref_slice %arg4[%dma_wait3A_1147, %dma_wait3A_1148] : memref<10000x128xf32, #tpu.memory_space<hbm>> -> memref<10000x128xf32, #tpu.memory_space<hbm>>
      tpu.wait_indirect_dma semaphore(%arg50 : memref<!tpu.dma_semaphore, #tpu.memory_space<semaphore_mem>>) src(%dma_wait3A_1149 : memref<10000x128xf32, #tpu.memory_space<hbm>>) dst(%arg30 : memref<128x128xf32, #tpu.memory_space<vmem>>)
      %run_scoped3A_1150 = arith.constant 0 : i32
      "tpu.region"() ({
        %run_scoped3A_1410 = tpu.sem_alloc : memref<!tpu.dma_semaphore, #tpu.memory_space<semaphore_mem>>
        %dma_start3A_1411 = arith.constant 0 : i32
        %dma_start3A_1412 = tpu.memref_slice %arg26[%run_scoped3A_1150, %dma_start3A_1411] : memref<1x128xi32, #tpu.memory_space<vmem>> -> memref<1x128xi32, #tpu.memory_space<vmem>>
        %dma_start3A_1413 = tpu.memref_squeeze %dma_start3A_1412 : memref<1x128xi32, #tpu.memory_space<vmem>> -> memref<128xi32, #tpu.memory_space<vmem>>
        %dma_start3A_1414 = arith.constant 0 : i32
        %dma_start3A_1415 = arith.constant 0 : i32
        %dma_start3A_1416 = tpu.memref_slice %arg10[%dma_start3A_1414, %dma_start3A_1415] : memref<10240x128xf32, #tpu.memory_space<vmem_shared>> -> memref<10240x128xf32, #tpu.memory_space<vmem_shared>>
        tpu.enqueue_indirect_dma source(%arg30 : memref<128x128xf32, #tpu.memory_space<vmem>>) target(%dma_start3A_1416 : memref<10240x128xf32, #tpu.memory_space<vmem_shared>>) offsets(%dma_start3A_1413 : memref<128xi32, #tpu.memory_space<vmem>>) semaphore(%run_scoped3A_1410 : memref<!tpu.dma_semaphore, #tpu.memory_space<semaphore_mem>>) {add = true}
        %dma_wait3A_1417 = arith.constant 0 : i32
        %dma_wait3A_1418 = tpu.memref_slice %arg26[%run_scoped3A_1150, %dma_wait3A_1417] : memref<1x128xi32, #tpu.memory_space<vmem>> -> memref<1x128xi32, #tpu.memory_space<vmem>>
        %dma_wait3A_1419 = tpu.memref_squeeze %dma_wait3A_1418 : memref<1x128xi32, #tpu.memory_space<vmem>> -> memref<128xi32, #tpu.memory_space<vmem>>
        %dma_wait3A_1420 = arith.constant 0 : i32
        %dma_wait3A_1421 = arith.constant 0 : i32
        %dma_wait3A_1422 = tpu.memref_slice %arg10[%dma_wait3A_1420, %dma_wait3A_1421] : memref<10240x128xf32, #tpu.memory_space<vmem_shared>> -> memref<10240x128xf32, #tpu.memory_space<vmem_shared>>
        tpu.wait_indirect_dma semaphore(%run_scoped3A_1410 : memref<!tpu.dma_semaphore, #tpu.memory_space<semaphore_mem>>) src(%arg30 : memref<128x128xf32, #tpu.memory_space<vmem>>) dst(%dma_wait3A_1422 : memref<10240x128xf32, #tpu.memory_space<vmem_shared>>)
        tpu.yield
      }) : () -> ()
      %dma_wait3A_1151 = arith.constant 0 : i32
      %dma_wait3A_1152 = arith.constant 0 : i32
      %dma_wait3A_1153 = tpu.memref_slice %arg26[%dma_wait3A_1151, %dma_wait3A_1152] : memref<1x128xi32, #tpu.memory_space<vmem>> -> memref<1x128xi32, #tpu.memory_space<vmem>>
      %dma_wait3A_1154 = tpu.memref_squeeze %dma_wait3A_1153 : memref<1x128xi32, #tpu.memory_space<vmem>> -> memref<128xi32, #tpu.memory_space<vmem>>
      %dma_wait3A_1155 = arith.constant 0 : i32
      %dma_wait3A_1156 = tpu.memref_slice %arg12[%dma_wait3A_1155] : memref<10240xf32, #tpu.memory_space<vmem_shared>> -> memref<10240xf32, #tpu.memory_space<vmem_shared>>
      tpu.wait_indirect_dma semaphore(%arg52 : memref<!tpu.dma_semaphore, #tpu.memory_space<semaphore_mem>>) src(%dma_wait3A_1156 : memref<10240xf32, #tpu.memory_space<vmem_shared>>) dst(%arg32 : memref<128xf32, #tpu.memory_space<vmem>>)
      %run_scoped3A_1157 = arith.constant 0 : i32
      "tpu.region"() ({
        %run_scoped3A_1410 = tpu.sem_alloc : memref<!tpu.dma_semaphore, #tpu.memory_space<semaphore_mem>>
        %dma_start3A_1411 = arith.constant 0 : i32
        %dma_start3A_1412 = tpu.memref_slice %arg18[%run_scoped3A_1157, %dma_start3A_1411] : memref<1x128xi32, #tpu.memory_space<vmem>> -> memref<1x128xi32, #tpu.memory_space<vmem>>
        %dma_start3A_1413 = tpu.memref_squeeze %dma_start3A_1412 : memref<1x128xi32, #tpu.memory_space<vmem>> -> memref<128xi32, #tpu.memory_space<vmem>>
        %dma_start3A_1414 = arith.constant 0 : i32
        %dma_start3A_1415 = tpu.memref_slice %arg11[%dma_start3A_1414] : memref<10240xf32, #tpu.memory_space<vmem_shared>> -> memref<10240xf32, #tpu.memory_space<vmem_shared>>
        tpu.enqueue_indirect_dma source(%arg32 : memref<128xf32, #tpu.memory_space<vmem>>) target(%dma_start3A_1415 : memref<10240xf32, #tpu.memory_space<vmem_shared>>) offsets(%dma_start3A_1413 : memref<128xi32, #tpu.memory_space<vmem>>) semaphore(%run_scoped3A_1410 : memref<!tpu.dma_semaphore, #tpu.memory_space<semaphore_mem>>) {add = true}
        %dma_wait3A_1416 = arith.constant 0 : i32
        %dma_wait3A_1417 = tpu.memref_slice %arg18[%run_scoped3A_1157, %dma_wait3A_1416] : memref<1x128xi32, #tpu.memory_space<vmem>> -> memref<1x128xi32, #tpu.memory_space<vmem>>
        %dma_wait3A_1418 = tpu.memref_squeeze %dma_wait3A_1417 : memref<1x128xi32, #tpu.memory_space<vmem>> -> memref<128xi32, #tpu.memory_space<vmem>>
        %dma_wait3A_1419 = arith.constant 0 : i32
        %dma_wait3A_1420 = tpu.memref_slice %arg11[%dma_wait3A_1419] : memref<10240xf32, #tpu.memory_space<vmem_shared>> -> memref<10240xf32, #tpu.memory_space<vmem_shared>>
        tpu.wait_indirect_dma semaphore(%run_scoped3A_1410 : memref<!tpu.dma_semaphore, #tpu.memory_space<semaphore_mem>>) src(%arg32 : memref<128xf32, #tpu.memory_space<vmem>>) dst(%dma_wait3A_1420 : memref<10240xf32, #tpu.memory_space<vmem_shared>>)
        tpu.yield
      }) : () -> ()
      %add3A_1158 = arith.constant 5 : i32
      %add3A_1159 = arith.addi %add3A_697, %add3A_1158 : i32
      %add3A_1160 = arith.constant 8 : i32
      %add3A_1161 = arith.addi %add3A_1159, %add3A_1160 : i32
      %mul3A_1162 = arith.constant 80 : i32
      %mul3A_1163 = arith.muli %add3A, %mul3A_1162 : i32
      %add3A_1164 = arith.addi %mul3A_1163, %add3A_1161 : i32
      %dma_start3A_1165 = arith.constant 0 : i32
      %dma_start3A_1166 = arith.constant 0 : i32
      %dma_start3A_1167 = tpu.memref_slice %arg18[%dma_start3A_1165, %dma_start3A_1166] : memref<1x128xi32, #tpu.memory_space<vmem>> -> memref<1x128xi32, #tpu.memory_space<vmem>>
      %dma_start3A_1168 = tpu.memref_squeeze %dma_start3A_1167 : memref<1x128xi32, #tpu.memory_space<vmem>> -> memref<128xi32, #tpu.memory_space<vmem>>
      %dma_start3A_1169 = arith.constant 0 : i32
      %dma_start3A_1170 = tpu.memref_slice %arg2[%add3A_1164, %dma_start3A_1169] : memref<2560x128xi32, #tpu.memory_space<hbm>> -> memref<1x128xi32, #tpu.memory_space<hbm>>
      %dma_start3A_1171 = tpu.memref_squeeze %dma_start3A_1170 : memref<1x128xi32, #tpu.memory_space<hbm>> -> memref<128xi32, #tpu.memory_space<hbm>>
      %dma_start3A_1172 = arith.constant 0 : i32
      %dma_start3A_1173 = tpu.memref_slice %arg18[%dma_start3A_1165, %dma_start3A_1172] : memref<1x128xi32, #tpu.memory_space<vmem>> -> memref<1x128xi32, #tpu.memory_space<vmem>>
      %dma_start3A_1174 = tpu.memref_squeeze %dma_start3A_1173 : memref<1x128xi32, #tpu.memory_space<vmem>> -> memref<128xi32, #tpu.memory_space<vmem>>
      %dma_start3A_1175 = arith.constant 0 : i32
      %dma_start3A_1176 = tpu.memref_slice %arg2[%add3A_1164, %dma_start3A_1175] : memref<2560x128xi32, #tpu.memory_space<hbm>> -> memref<1x128xi32, #tpu.memory_space<hbm>>
      %dma_start3A_1177 = tpu.memref_squeeze %dma_start3A_1176 : memref<1x128xi32, #tpu.memory_space<hbm>> -> memref<128xi32, #tpu.memory_space<hbm>>
      tpu.enqueue_dma source(%dma_start3A_1177 : memref<128xi32, #tpu.memory_space<hbm>>) target(%dma_start3A_1174 : memref<128xi32, #tpu.memory_space<vmem>>) target_semaphore(%arg38 : memref<!tpu.dma_semaphore, #tpu.memory_space<semaphore_mem>>)
      %dma_start3A_1178 = arith.constant 0 : i32
      %dma_start3A_1179 = arith.constant 0 : i32
      %dma_start3A_1180 = tpu.memref_slice %arg26[%dma_start3A_1178, %dma_start3A_1179] : memref<1x128xi32, #tpu.memory_space<vmem>> -> memref<1x128xi32, #tpu.memory_space<vmem>>
      %dma_start3A_1181 = tpu.memref_squeeze %dma_start3A_1180 : memref<1x128xi32, #tpu.memory_space<vmem>> -> memref<128xi32, #tpu.memory_space<vmem>>
      %dma_start3A_1182 = arith.constant 0 : i32
      %dma_start3A_1183 = tpu.memref_slice %arg3[%add3A_1164, %dma_start3A_1182] : memref<2560x128xi32, #tpu.memory_space<hbm>> -> memref<1x128xi32, #tpu.memory_space<hbm>>
      %dma_start3A_1184 = tpu.memref_squeeze %dma_start3A_1183 : memref<1x128xi32, #tpu.memory_space<hbm>> -> memref<128xi32, #tpu.memory_space<hbm>>
      %dma_start3A_1185 = arith.constant 0 : i32
      %dma_start3A_1186 = tpu.memref_slice %arg26[%dma_start3A_1178, %dma_start3A_1185] : memref<1x128xi32, #tpu.memory_space<vmem>> -> memref<1x128xi32, #tpu.memory_space<vmem>>
      %dma_start3A_1187 = tpu.memref_squeeze %dma_start3A_1186 : memref<1x128xi32, #tpu.memory_space<vmem>> -> memref<128xi32, #tpu.memory_space<vmem>>
      %dma_start3A_1188 = arith.constant 0 : i32
      %dma_start3A_1189 = tpu.memref_slice %arg3[%add3A_1164, %dma_start3A_1188] : memref<2560x128xi32, #tpu.memory_space<hbm>> -> memref<1x128xi32, #tpu.memory_space<hbm>>
      %dma_start3A_1190 = tpu.memref_squeeze %dma_start3A_1189 : memref<1x128xi32, #tpu.memory_space<hbm>> -> memref<128xi32, #tpu.memory_space<hbm>>
      tpu.enqueue_dma source(%dma_start3A_1190 : memref<128xi32, #tpu.memory_space<hbm>>) target(%dma_start3A_1187 : memref<128xi32, #tpu.memory_space<vmem>>) target_semaphore(%arg46 : memref<!tpu.dma_semaphore, #tpu.memory_space<semaphore_mem>>)
      %dma_wait3A_1191 = arith.constant 0 : i32
      %dma_wait3A_1192 = arith.constant 0 : i32
      %dma_wait3A_1193 = arith.constant 0 : i32
      %dma_wait3A_1194 = tpu.memref_slice %arg20[%dma_wait3A_1192, %dma_wait3A_1193] : memref<1x128xi32, #tpu.memory_space<vmem>> -> memref<1x128xi32, #tpu.memory_space<vmem>>
      %dma_wait3A_1195 = tpu.memref_squeeze %dma_wait3A_1194 : memref<1x128xi32, #tpu.memory_space<vmem>> -> memref<128xi32, #tpu.memory_space<vmem>>
      %dma_wait3A_1196 = arith.constant 0 : i32
      %dma_wait3A_1197 = tpu.memref_slice %arg2[%dma_wait3A_1191, %dma_wait3A_1196] : memref<2560x128xi32, #tpu.memory_space<hbm>> -> memref<1x128xi32, #tpu.memory_space<hbm>>
      %dma_wait3A_1198 = tpu.memref_squeeze %dma_wait3A_1197 : memref<1x128xi32, #tpu.memory_space<hbm>> -> memref<128xi32, #tpu.memory_space<hbm>>
      %dma_wait3A_1199 = arith.constant 0 : i32
      %dma_wait3A_1200 = tpu.memref_slice %arg20[%dma_wait3A_1192, %dma_wait3A_1199] : memref<1x128xi32, #tpu.memory_space<vmem>> -> memref<1x128xi32, #tpu.memory_space<vmem>>
      %dma_wait3A_1201 = tpu.memref_squeeze %dma_wait3A_1200 : memref<1x128xi32, #tpu.memory_space<vmem>> -> memref<128xi32, #tpu.memory_space<vmem>>
      %dma_wait3A_1202 = arith.constant 0 : i32
      %dma_wait3A_1203 = tpu.memref_slice %arg2[%dma_wait3A_1191, %dma_wait3A_1202] : memref<2560x128xi32, #tpu.memory_space<hbm>> -> memref<1x128xi32, #tpu.memory_space<hbm>>
      %dma_wait3A_1204 = tpu.memref_squeeze %dma_wait3A_1203 : memref<1x128xi32, #tpu.memory_space<hbm>> -> memref<128xi32, #tpu.memory_space<hbm>>
      tpu.wait_dma2 semaphore(%arg40 : memref<!tpu.dma_semaphore, #tpu.memory_space<semaphore_mem>>) src(%dma_wait3A_1204 : memref<128xi32, #tpu.memory_space<hbm>>) dst(%dma_wait3A_1201 : memref<128xi32, #tpu.memory_space<vmem>>)
      %dma_wait3A_1205 = arith.constant 0 : i32
      %dma_wait3A_1206 = arith.constant 0 : i32
      %dma_wait3A_1207 = arith.constant 0 : i32
      %dma_wait3A_1208 = tpu.memref_slice %arg28[%dma_wait3A_1206, %dma_wait3A_1207] : memref<1x128xi32, #tpu.memory_space<vmem>> -> memref<1x128xi32, #tpu.memory_space<vmem>>
      %dma_wait3A_1209 = tpu.memref_squeeze %dma_wait3A_1208 : memref<1x128xi32, #tpu.memory_space<vmem>> -> memref<128xi32, #tpu.memory_space<vmem>>
      %dma_wait3A_1210 = arith.constant 0 : i32
      %dma_wait3A_1211 = tpu.memref_slice %arg3[%dma_wait3A_1205, %dma_wait3A_1210] : memref<2560x128xi32, #tpu.memory_space<hbm>> -> memref<1x128xi32, #tpu.memory_space<hbm>>
      %dma_wait3A_1212 = tpu.memref_squeeze %dma_wait3A_1211 : memref<1x128xi32, #tpu.memory_space<hbm>> -> memref<128xi32, #tpu.memory_space<hbm>>
      %dma_wait3A_1213 = arith.constant 0 : i32
      %dma_wait3A_1214 = tpu.memref_slice %arg28[%dma_wait3A_1206, %dma_wait3A_1213] : memref<1x128xi32, #tpu.memory_space<vmem>> -> memref<1x128xi32, #tpu.memory_space<vmem>>
      %dma_wait3A_1215 = tpu.memref_squeeze %dma_wait3A_1214 : memref<1x128xi32, #tpu.memory_space<vmem>> -> memref<128xi32, #tpu.memory_space<vmem>>
      %dma_wait3A_1216 = arith.constant 0 : i32
      %dma_wait3A_1217 = tpu.memref_slice %arg3[%dma_wait3A_1205, %dma_wait3A_1216] : memref<2560x128xi32, #tpu.memory_space<hbm>> -> memref<1x128xi32, #tpu.memory_space<hbm>>
      %dma_wait3A_1218 = tpu.memref_squeeze %dma_wait3A_1217 : memref<1x128xi32, #tpu.memory_space<hbm>> -> memref<128xi32, #tpu.memory_space<hbm>>
      tpu.wait_dma2 semaphore(%arg48 : memref<!tpu.dma_semaphore, #tpu.memory_space<semaphore_mem>>) src(%dma_wait3A_1218 : memref<128xi32, #tpu.memory_space<hbm>>) dst(%dma_wait3A_1215 : memref<128xi32, #tpu.memory_space<vmem>>)
      %dma_start3A_1219 = arith.constant 0 : i32
      %dma_start3A_1220 = arith.constant 0 : i32
      %dma_start3A_1221 = tpu.memref_slice %arg20[%dma_start3A_1219, %dma_start3A_1220] : memref<1x128xi32, #tpu.memory_space<vmem>> -> memref<1x128xi32, #tpu.memory_space<vmem>>
      %dma_start3A_1222 = tpu.memref_squeeze %dma_start3A_1221 : memref<1x128xi32, #tpu.memory_space<vmem>> -> memref<128xi32, #tpu.memory_space<vmem>>
      %dma_start3A_1223 = arith.constant 0 : i32
      %dma_start3A_1224 = arith.constant 0 : i32
      %dma_start3A_1225 = tpu.memref_slice %arg4[%dma_start3A_1223, %dma_start3A_1224] : memref<10000x128xf32, #tpu.memory_space<hbm>> -> memref<10000x128xf32, #tpu.memory_space<hbm>>
      tpu.enqueue_indirect_dma source(%dma_start3A_1225 : memref<10000x128xf32, #tpu.memory_space<hbm>>) target(%arg30 : memref<128x128xf32, #tpu.memory_space<vmem>>) offsets(%dma_start3A_1222 : memref<128xi32, #tpu.memory_space<vmem>>) semaphore(%arg50 : memref<!tpu.dma_semaphore, #tpu.memory_space<semaphore_mem>>)
      %dma_start3A_1226 = arith.constant 0 : i32
      %dma_start3A_1227 = arith.constant 0 : i32
      %dma_start3A_1228 = tpu.memref_slice %arg28[%dma_start3A_1226, %dma_start3A_1227] : memref<1x128xi32, #tpu.memory_space<vmem>> -> memref<1x128xi32, #tpu.memory_space<vmem>>
      %dma_start3A_1229 = tpu.memref_squeeze %dma_start3A_1228 : memref<1x128xi32, #tpu.memory_space<vmem>> -> memref<128xi32, #tpu.memory_space<vmem>>
      %dma_start3A_1230 = arith.constant 0 : i32
      %dma_start3A_1231 = tpu.memref_slice %arg12[%dma_start3A_1230] : memref<10240xf32, #tpu.memory_space<vmem_shared>> -> memref<10240xf32, #tpu.memory_space<vmem_shared>>
      tpu.enqueue_indirect_dma source(%dma_start3A_1231 : memref<10240xf32, #tpu.memory_space<vmem_shared>>) target(%arg32 : memref<128xf32, #tpu.memory_space<vmem>>) offsets(%dma_start3A_1229 : memref<128xi32, #tpu.memory_space<vmem>>) semaphore(%arg52 : memref<!tpu.dma_semaphore, #tpu.memory_space<semaphore_mem>>)
      %dma_wait3A_1232 = arith.constant 0 : i32
      %dma_wait3A_1233 = arith.constant 0 : i32
      %dma_wait3A_1234 = tpu.memref_slice %arg19[%dma_wait3A_1232, %dma_wait3A_1233] : memref<1x128xi32, #tpu.memory_space<vmem>> -> memref<1x128xi32, #tpu.memory_space<vmem>>
      %dma_wait3A_1235 = tpu.memref_squeeze %dma_wait3A_1234 : memref<1x128xi32, #tpu.memory_space<vmem>> -> memref<128xi32, #tpu.memory_space<vmem>>
      %dma_wait3A_1236 = arith.constant 0 : i32
      %dma_wait3A_1237 = arith.constant 0 : i32
      %dma_wait3A_1238 = tpu.memref_slice %arg4[%dma_wait3A_1236, %dma_wait3A_1237] : memref<10000x128xf32, #tpu.memory_space<hbm>> -> memref<10000x128xf32, #tpu.memory_space<hbm>>
      tpu.wait_indirect_dma semaphore(%arg49 : memref<!tpu.dma_semaphore, #tpu.memory_space<semaphore_mem>>) src(%dma_wait3A_1238 : memref<10000x128xf32, #tpu.memory_space<hbm>>) dst(%arg29 : memref<128x128xf32, #tpu.memory_space<vmem>>)
      %run_scoped3A_1239 = arith.constant 0 : i32
      "tpu.region"() ({
        %run_scoped3A_1410 = tpu.sem_alloc : memref<!tpu.dma_semaphore, #tpu.memory_space<semaphore_mem>>
        %dma_start3A_1411 = arith.constant 0 : i32
        %dma_start3A_1412 = tpu.memref_slice %arg27[%run_scoped3A_1239, %dma_start3A_1411] : memref<1x128xi32, #tpu.memory_space<vmem>> -> memref<1x128xi32, #tpu.memory_space<vmem>>
        %dma_start3A_1413 = tpu.memref_squeeze %dma_start3A_1412 : memref<1x128xi32, #tpu.memory_space<vmem>> -> memref<128xi32, #tpu.memory_space<vmem>>
        %dma_start3A_1414 = arith.constant 0 : i32
        %dma_start3A_1415 = arith.constant 0 : i32
        %dma_start3A_1416 = tpu.memref_slice %arg10[%dma_start3A_1414, %dma_start3A_1415] : memref<10240x128xf32, #tpu.memory_space<vmem_shared>> -> memref<10240x128xf32, #tpu.memory_space<vmem_shared>>
        tpu.enqueue_indirect_dma source(%arg29 : memref<128x128xf32, #tpu.memory_space<vmem>>) target(%dma_start3A_1416 : memref<10240x128xf32, #tpu.memory_space<vmem_shared>>) offsets(%dma_start3A_1413 : memref<128xi32, #tpu.memory_space<vmem>>) semaphore(%run_scoped3A_1410 : memref<!tpu.dma_semaphore, #tpu.memory_space<semaphore_mem>>) {add = true}
        %dma_wait3A_1417 = arith.constant 0 : i32
        %dma_wait3A_1418 = tpu.memref_slice %arg27[%run_scoped3A_1239, %dma_wait3A_1417] : memref<1x128xi32, #tpu.memory_space<vmem>> -> memref<1x128xi32, #tpu.memory_space<vmem>>
        %dma_wait3A_1419 = tpu.memref_squeeze %dma_wait3A_1418 : memref<1x128xi32, #tpu.memory_space<vmem>> -> memref<128xi32, #tpu.memory_space<vmem>>
        %dma_wait3A_1420 = arith.constant 0 : i32
        %dma_wait3A_1421 = arith.constant 0 : i32
        %dma_wait3A_1422 = tpu.memref_slice %arg10[%dma_wait3A_1420, %dma_wait3A_1421] : memref<10240x128xf32, #tpu.memory_space<vmem_shared>> -> memref<10240x128xf32, #tpu.memory_space<vmem_shared>>
        tpu.wait_indirect_dma semaphore(%run_scoped3A_1410 : memref<!tpu.dma_semaphore, #tpu.memory_space<semaphore_mem>>) src(%arg29 : memref<128x128xf32, #tpu.memory_space<vmem>>) dst(%dma_wait3A_1422 : memref<10240x128xf32, #tpu.memory_space<vmem_shared>>)
        tpu.yield
      }) : () -> ()
      %dma_wait3A_1240 = arith.constant 0 : i32
      %dma_wait3A_1241 = arith.constant 0 : i32
      %dma_wait3A_1242 = tpu.memref_slice %arg27[%dma_wait3A_1240, %dma_wait3A_1241] : memref<1x128xi32, #tpu.memory_space<vmem>> -> memref<1x128xi32, #tpu.memory_space<vmem>>
      %dma_wait3A_1243 = tpu.memref_squeeze %dma_wait3A_1242 : memref<1x128xi32, #tpu.memory_space<vmem>> -> memref<128xi32, #tpu.memory_space<vmem>>
      %dma_wait3A_1244 = arith.constant 0 : i32
      %dma_wait3A_1245 = tpu.memref_slice %arg12[%dma_wait3A_1244] : memref<10240xf32, #tpu.memory_space<vmem_shared>> -> memref<10240xf32, #tpu.memory_space<vmem_shared>>
      tpu.wait_indirect_dma semaphore(%arg51 : memref<!tpu.dma_semaphore, #tpu.memory_space<semaphore_mem>>) src(%dma_wait3A_1245 : memref<10240xf32, #tpu.memory_space<vmem_shared>>) dst(%arg31 : memref<128xf32, #tpu.memory_space<vmem>>)
      %run_scoped3A_1246 = arith.constant 0 : i32
      "tpu.region"() ({
        %run_scoped3A_1410 = tpu.sem_alloc : memref<!tpu.dma_semaphore, #tpu.memory_space<semaphore_mem>>
        %dma_start3A_1411 = arith.constant 0 : i32
        %dma_start3A_1412 = tpu.memref_slice %arg19[%run_scoped3A_1246, %dma_start3A_1411] : memref<1x128xi32, #tpu.memory_space<vmem>> -> memref<1x128xi32, #tpu.memory_space<vmem>>
        %dma_start3A_1413 = tpu.memref_squeeze %dma_start3A_1412 : memref<1x128xi32, #tpu.memory_space<vmem>> -> memref<128xi32, #tpu.memory_space<vmem>>
        %dma_start3A_1414 = arith.constant 0 : i32
        %dma_start3A_1415 = tpu.memref_slice %arg11[%dma_start3A_1414] : memref<10240xf32, #tpu.memory_space<vmem_shared>> -> memref<10240xf32, #tpu.memory_space<vmem_shared>>
        tpu.enqueue_indirect_dma source(%arg31 : memref<128xf32, #tpu.memory_space<vmem>>) target(%dma_start3A_1415 : memref<10240xf32, #tpu.memory_space<vmem_shared>>) offsets(%dma_start3A_1413 : memref<128xi32, #tpu.memory_space<vmem>>) semaphore(%run_scoped3A_1410 : memref<!tpu.dma_semaphore, #tpu.memory_space<semaphore_mem>>) {add = true}
        %dma_wait3A_1416 = arith.constant 0 : i32
        %dma_wait3A_1417 = tpu.memref_slice %arg19[%run_scoped3A_1246, %dma_wait3A_1416] : memref<1x128xi32, #tpu.memory_space<vmem>> -> memref<1x128xi32, #tpu.memory_space<vmem>>
        %dma_wait3A_1418 = tpu.memref_squeeze %dma_wait3A_1417 : memref<1x128xi32, #tpu.memory_space<vmem>> -> memref<128xi32, #tpu.memory_space<vmem>>
        %dma_wait3A_1419 = arith.constant 0 : i32
        %dma_wait3A_1420 = tpu.memref_slice %arg11[%dma_wait3A_1419] : memref<10240xf32, #tpu.memory_space<vmem_shared>> -> memref<10240xf32, #tpu.memory_space<vmem_shared>>
        tpu.wait_indirect_dma semaphore(%run_scoped3A_1410 : memref<!tpu.dma_semaphore, #tpu.memory_space<semaphore_mem>>) src(%arg31 : memref<128xf32, #tpu.memory_space<vmem>>) dst(%dma_wait3A_1420 : memref<10240xf32, #tpu.memory_space<vmem_shared>>)
        tpu.yield
      }) : () -> ()
      %add3A_1247 = arith.constant 6 : i32
      %add3A_1248 = arith.addi %add3A_697, %add3A_1247 : i32
      %add3A_1249 = arith.constant 8 : i32
      %add3A_1250 = arith.addi %add3A_1248, %add3A_1249 : i32
      %mul3A_1251 = arith.constant 80 : i32
      %mul3A_1252 = arith.muli %add3A, %mul3A_1251 : i32
      %add3A_1253 = arith.addi %mul3A_1252, %add3A_1250 : i32
      %dma_start3A_1254 = arith.constant 0 : i32
      %dma_start3A_1255 = arith.constant 0 : i32
      %dma_start3A_1256 = tpu.memref_slice %arg19[%dma_start3A_1254, %dma_start3A_1255] : memref<1x128xi32, #tpu.memory_space<vmem>> -> memref<1x128xi32, #tpu.memory_space<vmem>>
      %dma_start3A_1257 = tpu.memref_squeeze %dma_start3A_1256 : memref<1x128xi32, #tpu.memory_space<vmem>> -> memref<128xi32, #tpu.memory_space<vmem>>
      %dma_start3A_1258 = arith.constant 0 : i32
      %dma_start3A_1259 = tpu.memref_slice %arg2[%add3A_1253, %dma_start3A_1258] : memref<2560x128xi32, #tpu.memory_space<hbm>> -> memref<1x128xi32, #tpu.memory_space<hbm>>
      %dma_start3A_1260 = tpu.memref_squeeze %dma_start3A_1259 : memref<1x128xi32, #tpu.memory_space<hbm>> -> memref<128xi32, #tpu.memory_space<hbm>>
      %dma_start3A_1261 = arith.constant 0 : i32
      %dma_start3A_1262 = tpu.memref_slice %arg19[%dma_start3A_1254, %dma_start3A_1261] : memref<1x128xi32, #tpu.memory_space<vmem>> -> memref<1x128xi32, #tpu.memory_space<vmem>>
      %dma_start3A_1263 = tpu.memref_squeeze %dma_start3A_1262 : memref<1x128xi32, #tpu.memory_space<vmem>> -> memref<128xi32, #tpu.memory_space<vmem>>
      %dma_start3A_1264 = arith.constant 0 : i32
      %dma_start3A_1265 = tpu.memref_slice %arg2[%add3A_1253, %dma_start3A_1264] : memref<2560x128xi32, #tpu.memory_space<hbm>> -> memref<1x128xi32, #tpu.memory_space<hbm>>
      %dma_start3A_1266 = tpu.memref_squeeze %dma_start3A_1265 : memref<1x128xi32, #tpu.memory_space<hbm>> -> memref<128xi32, #tpu.memory_space<hbm>>
      tpu.enqueue_dma source(%dma_start3A_1266 : memref<128xi32, #tpu.memory_space<hbm>>) target(%dma_start3A_1263 : memref<128xi32, #tpu.memory_space<vmem>>) target_semaphore(%arg39 : memref<!tpu.dma_semaphore, #tpu.memory_space<semaphore_mem>>)
      %dma_start3A_1267 = arith.constant 0 : i32
      %dma_start3A_1268 = arith.constant 0 : i32
      %dma_start3A_1269 = tpu.memref_slice %arg27[%dma_start3A_1267, %dma_start3A_1268] : memref<1x128xi32, #tpu.memory_space<vmem>> -> memref<1x128xi32, #tpu.memory_space<vmem>>
      %dma_start3A_1270 = tpu.memref_squeeze %dma_start3A_1269 : memref<1x128xi32, #tpu.memory_space<vmem>> -> memref<128xi32, #tpu.memory_space<vmem>>
      %dma_start3A_1271 = arith.constant 0 : i32
      %dma_start3A_1272 = tpu.memref_slice %arg3[%add3A_1253, %dma_start3A_1271] : memref<2560x128xi32, #tpu.memory_space<hbm>> -> memref<1x128xi32, #tpu.memory_space<hbm>>
      %dma_start3A_1273 = tpu.memref_squeeze %dma_start3A_1272 : memref<1x128xi32, #tpu.memory_space<hbm>> -> memref<128xi32, #tpu.memory_space<hbm>>
      %dma_start3A_1274 = arith.constant 0 : i32
      %dma_start3A_1275 = tpu.memref_slice %arg27[%dma_start3A_1267, %dma_start3A_1274] : memref<1x128xi32, #tpu.memory_space<vmem>> -> memref<1x128xi32, #tpu.memory_space<vmem>>
      %dma_start3A_1276 = tpu.memref_squeeze %dma_start3A_1275 : memref<1x128xi32, #tpu.memory_space<vmem>> -> memref<128xi32, #tpu.memory_space<vmem>>
      %dma_start3A_1277 = arith.constant 0 : i32
      %dma_start3A_1278 = tpu.memref_slice %arg3[%add3A_1253, %dma_start3A_1277] : memref<2560x128xi32, #tpu.memory_space<hbm>> -> memref<1x128xi32, #tpu.memory_space<hbm>>
      %dma_start3A_1279 = tpu.memref_squeeze %dma_start3A_1278 : memref<1x128xi32, #tpu.memory_space<hbm>> -> memref<128xi32, #tpu.memory_space<hbm>>
      tpu.enqueue_dma source(%dma_start3A_1279 : memref<128xi32, #tpu.memory_space<hbm>>) target(%dma_start3A_1276 : memref<128xi32, #tpu.memory_space<vmem>>) target_semaphore(%arg47 : memref<!tpu.dma_semaphore, #tpu.memory_space<semaphore_mem>>)
      %dma_wait3A_1280 = arith.constant 0 : i32
      %dma_wait3A_1281 = arith.constant 0 : i32
      %dma_wait3A_1282 = arith.constant 0 : i32
      %dma_wait3A_1283 = tpu.memref_slice %arg13[%dma_wait3A_1281, %dma_wait3A_1282] : memref<1x128xi32, #tpu.memory_space<vmem>> -> memref<1x128xi32, #tpu.memory_space<vmem>>
      %dma_wait3A_1284 = tpu.memref_squeeze %dma_wait3A_1283 : memref<1x128xi32, #tpu.memory_space<vmem>> -> memref<128xi32, #tpu.memory_space<vmem>>
      %dma_wait3A_1285 = arith.constant 0 : i32
      %dma_wait3A_1286 = tpu.memref_slice %arg2[%dma_wait3A_1280, %dma_wait3A_1285] : memref<2560x128xi32, #tpu.memory_space<hbm>> -> memref<1x128xi32, #tpu.memory_space<hbm>>
      %dma_wait3A_1287 = tpu.memref_squeeze %dma_wait3A_1286 : memref<1x128xi32, #tpu.memory_space<hbm>> -> memref<128xi32, #tpu.memory_space<hbm>>
      %dma_wait3A_1288 = arith.constant 0 : i32
      %dma_wait3A_1289 = tpu.memref_slice %arg13[%dma_wait3A_1281, %dma_wait3A_1288] : memref<1x128xi32, #tpu.memory_space<vmem>> -> memref<1x128xi32, #tpu.memory_space<vmem>>
      %dma_wait3A_1290 = tpu.memref_squeeze %dma_wait3A_1289 : memref<1x128xi32, #tpu.memory_space<vmem>> -> memref<128xi32, #tpu.memory_space<vmem>>
      %dma_wait3A_1291 = arith.constant 0 : i32
      %dma_wait3A_1292 = tpu.memref_slice %arg2[%dma_wait3A_1280, %dma_wait3A_1291] : memref<2560x128xi32, #tpu.memory_space<hbm>> -> memref<1x128xi32, #tpu.memory_space<hbm>>
      %dma_wait3A_1293 = tpu.memref_squeeze %dma_wait3A_1292 : memref<1x128xi32, #tpu.memory_space<hbm>> -> memref<128xi32, #tpu.memory_space<hbm>>
      tpu.wait_dma2 semaphore(%arg33 : memref<!tpu.dma_semaphore, #tpu.memory_space<semaphore_mem>>) src(%dma_wait3A_1293 : memref<128xi32, #tpu.memory_space<hbm>>) dst(%dma_wait3A_1290 : memref<128xi32, #tpu.memory_space<vmem>>)
      %dma_wait3A_1294 = arith.constant 0 : i32
      %dma_wait3A_1295 = arith.constant 0 : i32
      %dma_wait3A_1296 = arith.constant 0 : i32
      %dma_wait3A_1297 = tpu.memref_slice %arg21[%dma_wait3A_1295, %dma_wait3A_1296] : memref<1x128xi32, #tpu.memory_space<vmem>> -> memref<1x128xi32, #tpu.memory_space<vmem>>
      %dma_wait3A_1298 = tpu.memref_squeeze %dma_wait3A_1297 : memref<1x128xi32, #tpu.memory_space<vmem>> -> memref<128xi32, #tpu.memory_space<vmem>>
      %dma_wait3A_1299 = arith.constant 0 : i32
      %dma_wait3A_1300 = tpu.memref_slice %arg3[%dma_wait3A_1294, %dma_wait3A_1299] : memref<2560x128xi32, #tpu.memory_space<hbm>> -> memref<1x128xi32, #tpu.memory_space<hbm>>
      %dma_wait3A_1301 = tpu.memref_squeeze %dma_wait3A_1300 : memref<1x128xi32, #tpu.memory_space<hbm>> -> memref<128xi32, #tpu.memory_space<hbm>>
      %dma_wait3A_1302 = arith.constant 0 : i32
      %dma_wait3A_1303 = tpu.memref_slice %arg21[%dma_wait3A_1295, %dma_wait3A_1302] : memref<1x128xi32, #tpu.memory_space<vmem>> -> memref<1x128xi32, #tpu.memory_space<vmem>>
      %dma_wait3A_1304 = tpu.memref_squeeze %dma_wait3A_1303 : memref<1x128xi32, #tpu.memory_space<vmem>> -> memref<128xi32, #tpu.memory_space<vmem>>
      %dma_wait3A_1305 = arith.constant 0 : i32
      %dma_wait3A_1306 = tpu.memref_slice %arg3[%dma_wait3A_1294, %dma_wait3A_1305] : memref<2560x128xi32, #tpu.memory_space<hbm>> -> memref<1x128xi32, #tpu.memory_space<hbm>>
      %dma_wait3A_1307 = tpu.memref_squeeze %dma_wait3A_1306 : memref<1x128xi32, #tpu.memory_space<hbm>> -> memref<128xi32, #tpu.memory_space<hbm>>
      tpu.wait_dma2 semaphore(%arg41 : memref<!tpu.dma_semaphore, #tpu.memory_space<semaphore_mem>>) src(%dma_wait3A_1307 : memref<128xi32, #tpu.memory_space<hbm>>) dst(%dma_wait3A_1304 : memref<128xi32, #tpu.memory_space<vmem>>)
      %dma_start3A_1308 = arith.constant 0 : i32
      %dma_start3A_1309 = arith.constant 0 : i32
      %dma_start3A_1310 = tpu.memref_slice %arg13[%dma_start3A_1308, %dma_start3A_1309] : memref<1x128xi32, #tpu.memory_space<vmem>> -> memref<1x128xi32, #tpu.memory_space<vmem>>
      %dma_start3A_1311 = tpu.memref_squeeze %dma_start3A_1310 : memref<1x128xi32, #tpu.memory_space<vmem>> -> memref<128xi32, #tpu.memory_space<vmem>>
      %dma_start3A_1312 = arith.constant 0 : i32
      %dma_start3A_1313 = arith.constant 0 : i32
      %dma_start3A_1314 = tpu.memref_slice %arg4[%dma_start3A_1312, %dma_start3A_1313] : memref<10000x128xf32, #tpu.memory_space<hbm>> -> memref<10000x128xf32, #tpu.memory_space<hbm>>
      tpu.enqueue_indirect_dma source(%dma_start3A_1314 : memref<10000x128xf32, #tpu.memory_space<hbm>>) target(%arg29 : memref<128x128xf32, #tpu.memory_space<vmem>>) offsets(%dma_start3A_1311 : memref<128xi32, #tpu.memory_space<vmem>>) semaphore(%arg49 : memref<!tpu.dma_semaphore, #tpu.memory_space<semaphore_mem>>)
      %dma_start3A_1315 = arith.constant 0 : i32
      %dma_start3A_1316 = arith.constant 0 : i32
      %dma_start3A_1317 = tpu.memref_slice %arg21[%dma_start3A_1315, %dma_start3A_1316] : memref<1x128xi32, #tpu.memory_space<vmem>> -> memref<1x128xi32, #tpu.memory_space<vmem>>
      %dma_start3A_1318 = tpu.memref_squeeze %dma_start3A_1317 : memref<1x128xi32, #tpu.memory_space<vmem>> -> memref<128xi32, #tpu.memory_space<vmem>>
      %dma_start3A_1319 = arith.constant 0 : i32
      %dma_start3A_1320 = tpu.memref_slice %arg12[%dma_start3A_1319] : memref<10240xf32, #tpu.memory_space<vmem_shared>> -> memref<10240xf32, #tpu.memory_space<vmem_shared>>
      tpu.enqueue_indirect_dma source(%dma_start3A_1320 : memref<10240xf32, #tpu.memory_space<vmem_shared>>) target(%arg31 : memref<128xf32, #tpu.memory_space<vmem>>) offsets(%dma_start3A_1318 : memref<128xi32, #tpu.memory_space<vmem>>) semaphore(%arg51 : memref<!tpu.dma_semaphore, #tpu.memory_space<semaphore_mem>>)
      %dma_wait3A_1321 = arith.constant 0 : i32
      %dma_wait3A_1322 = arith.constant 0 : i32
      %dma_wait3A_1323 = tpu.memref_slice %arg20[%dma_wait3A_1321, %dma_wait3A_1322] : memref<1x128xi32, #tpu.memory_space<vmem>> -> memref<1x128xi32, #tpu.memory_space<vmem>>
      %dma_wait3A_1324 = tpu.memref_squeeze %dma_wait3A_1323 : memref<1x128xi32, #tpu.memory_space<vmem>> -> memref<128xi32, #tpu.memory_space<vmem>>
      %dma_wait3A_1325 = arith.constant 0 : i32
      %dma_wait3A_1326 = arith.constant 0 : i32
      %dma_wait3A_1327 = tpu.memref_slice %arg4[%dma_wait3A_1325, %dma_wait3A_1326] : memref<10000x128xf32, #tpu.memory_space<hbm>> -> memref<10000x128xf32, #tpu.memory_space<hbm>>
      tpu.wait_indirect_dma semaphore(%arg50 : memref<!tpu.dma_semaphore, #tpu.memory_space<semaphore_mem>>) src(%dma_wait3A_1327 : memref<10000x128xf32, #tpu.memory_space<hbm>>) dst(%arg30 : memref<128x128xf32, #tpu.memory_space<vmem>>)
      %run_scoped3A_1328 = arith.constant 0 : i32
      "tpu.region"() ({
        %run_scoped3A_1410 = tpu.sem_alloc : memref<!tpu.dma_semaphore, #tpu.memory_space<semaphore_mem>>
        %dma_start3A_1411 = arith.constant 0 : i32
        %dma_start3A_1412 = tpu.memref_slice %arg28[%run_scoped3A_1328, %dma_start3A_1411] : memref<1x128xi32, #tpu.memory_space<vmem>> -> memref<1x128xi32, #tpu.memory_space<vmem>>
        %dma_start3A_1413 = tpu.memref_squeeze %dma_start3A_1412 : memref<1x128xi32, #tpu.memory_space<vmem>> -> memref<128xi32, #tpu.memory_space<vmem>>
        %dma_start3A_1414 = arith.constant 0 : i32
        %dma_start3A_1415 = arith.constant 0 : i32
        %dma_start3A_1416 = tpu.memref_slice %arg10[%dma_start3A_1414, %dma_start3A_1415] : memref<10240x128xf32, #tpu.memory_space<vmem_shared>> -> memref<10240x128xf32, #tpu.memory_space<vmem_shared>>
        tpu.enqueue_indirect_dma source(%arg30 : memref<128x128xf32, #tpu.memory_space<vmem>>) target(%dma_start3A_1416 : memref<10240x128xf32, #tpu.memory_space<vmem_shared>>) offsets(%dma_start3A_1413 : memref<128xi32, #tpu.memory_space<vmem>>) semaphore(%run_scoped3A_1410 : memref<!tpu.dma_semaphore, #tpu.memory_space<semaphore_mem>>) {add = true}
        %dma_wait3A_1417 = arith.constant 0 : i32
        %dma_wait3A_1418 = tpu.memref_slice %arg28[%run_scoped3A_1328, %dma_wait3A_1417] : memref<1x128xi32, #tpu.memory_space<vmem>> -> memref<1x128xi32, #tpu.memory_space<vmem>>
        %dma_wait3A_1419 = tpu.memref_squeeze %dma_wait3A_1418 : memref<1x128xi32, #tpu.memory_space<vmem>> -> memref<128xi32, #tpu.memory_space<vmem>>
        %dma_wait3A_1420 = arith.constant 0 : i32
        %dma_wait3A_1421 = arith.constant 0 : i32
        %dma_wait3A_1422 = tpu.memref_slice %arg10[%dma_wait3A_1420, %dma_wait3A_1421] : memref<10240x128xf32, #tpu.memory_space<vmem_shared>> -> memref<10240x128xf32, #tpu.memory_space<vmem_shared>>
        tpu.wait_indirect_dma semaphore(%run_scoped3A_1410 : memref<!tpu.dma_semaphore, #tpu.memory_space<semaphore_mem>>) src(%arg30 : memref<128x128xf32, #tpu.memory_space<vmem>>) dst(%dma_wait3A_1422 : memref<10240x128xf32, #tpu.memory_space<vmem_shared>>)
        tpu.yield
      }) : () -> ()
      %dma_wait3A_1329 = arith.constant 0 : i32
      %dma_wait3A_1330 = arith.constant 0 : i32
      %dma_wait3A_1331 = tpu.memref_slice %arg28[%dma_wait3A_1329, %dma_wait3A_1330] : memref<1x128xi32, #tpu.memory_space<vmem>> -> memref<1x128xi32, #tpu.memory_space<vmem>>
      %dma_wait3A_1332 = tpu.memref_squeeze %dma_wait3A_1331 : memref<1x128xi32, #tpu.memory_space<vmem>> -> memref<128xi32, #tpu.memory_space<vmem>>
      %dma_wait3A_1333 = arith.constant 0 : i32
      %dma_wait3A_1334 = tpu.memref_slice %arg12[%dma_wait3A_1333] : memref<10240xf32, #tpu.memory_space<vmem_shared>> -> memref<10240xf32, #tpu.memory_space<vmem_shared>>
      tpu.wait_indirect_dma semaphore(%arg52 : memref<!tpu.dma_semaphore, #tpu.memory_space<semaphore_mem>>) src(%dma_wait3A_1334 : memref<10240xf32, #tpu.memory_space<vmem_shared>>) dst(%arg32 : memref<128xf32, #tpu.memory_space<vmem>>)
      %run_scoped3A_1335 = arith.constant 0 : i32
      "tpu.region"() ({
        %run_scoped3A_1410 = tpu.sem_alloc : memref<!tpu.dma_semaphore, #tpu.memory_space<semaphore_mem>>
        %dma_start3A_1411 = arith.constant 0 : i32
        %dma_start3A_1412 = tpu.memref_slice %arg20[%run_scoped3A_1335, %dma_start3A_1411] : memref<1x128xi32, #tpu.memory_space<vmem>> -> memref<1x128xi32, #tpu.memory_space<vmem>>
        %dma_start3A_1413 = tpu.memref_squeeze %dma_start3A_1412 : memref<1x128xi32, #tpu.memory_space<vmem>> -> memref<128xi32, #tpu.memory_space<vmem>>
        %dma_start3A_1414 = arith.constant 0 : i32
        %dma_start3A_1415 = tpu.memref_slice %arg11[%dma_start3A_1414] : memref<10240xf32, #tpu.memory_space<vmem_shared>> -> memref<10240xf32, #tpu.memory_space<vmem_shared>>
        tpu.enqueue_indirect_dma source(%arg32 : memref<128xf32, #tpu.memory_space<vmem>>) target(%dma_start3A_1415 : memref<10240xf32, #tpu.memory_space<vmem_shared>>) offsets(%dma_start3A_1413 : memref<128xi32, #tpu.memory_space<vmem>>) semaphore(%run_scoped3A_1410 : memref<!tpu.dma_semaphore, #tpu.memory_space<semaphore_mem>>) {add = true}
        %dma_wait3A_1416 = arith.constant 0 : i32
        %dma_wait3A_1417 = tpu.memref_slice %arg20[%run_scoped3A_1335, %dma_wait3A_1416] : memref<1x128xi32, #tpu.memory_space<vmem>> -> memref<1x128xi32, #tpu.memory_space<vmem>>
        %dma_wait3A_1418 = tpu.memref_squeeze %dma_wait3A_1417 : memref<1x128xi32, #tpu.memory_space<vmem>> -> memref<128xi32, #tpu.memory_space<vmem>>
        %dma_wait3A_1419 = arith.constant 0 : i32
        %dma_wait3A_1420 = tpu.memref_slice %arg11[%dma_wait3A_1419] : memref<10240xf32, #tpu.memory_space<vmem_shared>> -> memref<10240xf32, #tpu.memory_space<vmem_shared>>
        tpu.wait_indirect_dma semaphore(%run_scoped3A_1410 : memref<!tpu.dma_semaphore, #tpu.memory_space<semaphore_mem>>) src(%arg32 : memref<128xf32, #tpu.memory_space<vmem>>) dst(%dma_wait3A_1420 : memref<10240xf32, #tpu.memory_space<vmem_shared>>)
        tpu.yield
      }) : () -> ()
      %add3A_1336 = arith.constant 7 : i32
      %add3A_1337 = arith.addi %add3A_697, %add3A_1336 : i32
      %add3A_1338 = arith.constant 8 : i32
      %add3A_1339 = arith.addi %add3A_1337, %add3A_1338 : i32
      %mul3A_1340 = arith.constant 80 : i32
      %mul3A_1341 = arith.muli %add3A, %mul3A_1340 : i32
      %add3A_1342 = arith.addi %mul3A_1341, %add3A_1339 : i32
      %dma_start3A_1343 = arith.constant 0 : i32
      %dma_start3A_1344 = arith.constant 0 : i32
      %dma_start3A_1345 = tpu.memref_slice %arg20[%dma_start3A_1343, %dma_start3A_1344] : memref<1x128xi32, #tpu.memory_space<vmem>> -> memref<1x128xi32, #tpu.memory_space<vmem>>
      %dma_start3A_1346 = tpu.memref_squeeze %dma_start3A_1345 : memref<1x128xi32, #tpu.memory_space<vmem>> -> memref<128xi32, #tpu.memory_space<vmem>>
      %dma_start3A_1347 = arith.constant 0 : i32
      %dma_start3A_1348 = tpu.memref_slice %arg2[%add3A_1342, %dma_start3A_1347] : memref<2560x128xi32, #tpu.memory_space<hbm>> -> memref<1x128xi32, #tpu.memory_space<hbm>>
      %dma_start3A_1349 = tpu.memref_squeeze %dma_start3A_1348 : memref<1x128xi32, #tpu.memory_space<hbm>> -> memref<128xi32, #tpu.memory_space<hbm>>
      %dma_start3A_1350 = arith.constant 0 : i32
      %dma_start3A_1351 = tpu.memref_slice %arg20[%dma_start3A_1343, %dma_start3A_1350] : memref<1x128xi32, #tpu.memory_space<vmem>> -> memref<1x128xi32, #tpu.memory_space<vmem>>
      %dma_start3A_1352 = tpu.memref_squeeze %dma_start3A_1351 : memref<1x128xi32, #tpu.memory_space<vmem>> -> memref<128xi32, #tpu.memory_space<vmem>>
      %dma_start3A_1353 = arith.constant 0 : i32
      %dma_start3A_1354 = tpu.memref_slice %arg2[%add3A_1342, %dma_start3A_1353] : memref<2560x128xi32, #tpu.memory_space<hbm>> -> memref<1x128xi32, #tpu.memory_space<hbm>>
      %dma_start3A_1355 = tpu.memref_squeeze %dma_start3A_1354 : memref<1x128xi32, #tpu.memory_space<hbm>> -> memref<128xi32, #tpu.memory_space<hbm>>
      tpu.enqueue_dma source(%dma_start3A_1355 : memref<128xi32, #tpu.memory_space<hbm>>) target(%dma_start3A_1352 : memref<128xi32, #tpu.memory_space<vmem>>) target_semaphore(%arg40 : memref<!tpu.dma_semaphore, #tpu.memory_space<semaphore_mem>>)
      %dma_start3A_1356 = arith.constant 0 : i32
      %dma_start3A_1357 = arith.constant 0 : i32
      %dma_start3A_1358 = tpu.memref_slice %arg28[%dma_start3A_1356, %dma_start3A_1357] : memref<1x128xi32, #tpu.memory_space<vmem>> -> memref<1x128xi32, #tpu.memory_space<vmem>>
      %dma_start3A_1359 = tpu.memref_squeeze %dma_start3A_1358 : memref<1x128xi32, #tpu.memory_space<vmem>> -> memref<128xi32, #tpu.memory_space<vmem>>
      %dma_start3A_1360 = arith.constant 0 : i32
      %dma_start3A_1361 = tpu.memref_slice %arg3[%add3A_1342, %dma_start3A_1360] : memref<2560x128xi32, #tpu.memory_space<hbm>> -> memref<1x128xi32, #tpu.memory_space<hbm>>
      %dma_start3A_1362 = tpu.memref_squeeze %dma_start3A_1361 : memref<1x128xi32, #tpu.memory_space<hbm>> -> memref<128xi32, #tpu.memory_space<hbm>>
      %dma_start3A_1363 = arith.constant 0 : i32
      %dma_start3A_1364 = tpu.memref_slice %arg28[%dma_start3A_1356, %dma_start3A_1363] : memref<1x128xi32, #tpu.memory_space<vmem>> -> memref<1x128xi32, #tpu.memory_space<vmem>>
      %dma_start3A_1365 = tpu.memref_squeeze %dma_start3A_1364 : memref<1x128xi32, #tpu.memory_space<vmem>> -> memref<128xi32, #tpu.memory_space<vmem>>
      %dma_start3A_1366 = arith.constant 0 : i32
      %dma_start3A_1367 = tpu.memref_slice %arg3[%add3A_1342, %dma_start3A_1366] : memref<2560x128xi32, #tpu.memory_space<hbm>> -> memref<1x128xi32, #tpu.memory_space<hbm>>
      %dma_start3A_1368 = tpu.memref_squeeze %dma_start3A_1367 : memref<1x128xi32, #tpu.memory_space<hbm>> -> memref<128xi32, #tpu.memory_space<hbm>>
      tpu.enqueue_dma source(%dma_start3A_1368 : memref<128xi32, #tpu.memory_space<hbm>>) target(%dma_start3A_1365 : memref<128xi32, #tpu.memory_space<vmem>>) target_semaphore(%arg48 : memref<!tpu.dma_semaphore, #tpu.memory_space<semaphore_mem>>)
      %dma_wait3A_1369 = arith.constant 0 : i32
      %dma_wait3A_1370 = arith.constant 0 : i32
      %dma_wait3A_1371 = arith.constant 0 : i32
      %dma_wait3A_1372 = tpu.memref_slice %arg14[%dma_wait3A_1370, %dma_wait3A_1371] : memref<1x128xi32, #tpu.memory_space<vmem>> -> memref<1x128xi32, #tpu.memory_space<vmem>>
      %dma_wait3A_1373 = tpu.memref_squeeze %dma_wait3A_1372 : memref<1x128xi32, #tpu.memory_space<vmem>> -> memref<128xi32, #tpu.memory_space<vmem>>
      %dma_wait3A_1374 = arith.constant 0 : i32
      %dma_wait3A_1375 = tpu.memref_slice %arg2[%dma_wait3A_1369, %dma_wait3A_1374] : memref<2560x128xi32, #tpu.memory_space<hbm>> -> memref<1x128xi32, #tpu.memory_space<hbm>>
      %dma_wait3A_1376 = tpu.memref_squeeze %dma_wait3A_1375 : memref<1x128xi32, #tpu.memory_space<hbm>> -> memref<128xi32, #tpu.memory_space<hbm>>
      %dma_wait3A_1377 = arith.constant 0 : i32
      %dma_wait3A_1378 = tpu.memref_slice %arg14[%dma_wait3A_1370, %dma_wait3A_1377] : memref<1x128xi32, #tpu.memory_space<vmem>> -> memref<1x128xi32, #tpu.memory_space<vmem>>
      %dma_wait3A_1379 = tpu.memref_squeeze %dma_wait3A_1378 : memref<1x128xi32, #tpu.memory_space<vmem>> -> memref<128xi32, #tpu.memory_space<vmem>>
      %dma_wait3A_1380 = arith.constant 0 : i32
      %dma_wait3A_1381 = tpu.memref_slice %arg2[%dma_wait3A_1369, %dma_wait3A_1380] : memref<2560x128xi32, #tpu.memory_space<hbm>> -> memref<1x128xi32, #tpu.memory_space<hbm>>
      %dma_wait3A_1382 = tpu.memref_squeeze %dma_wait3A_1381 : memref<1x128xi32, #tpu.memory_space<hbm>> -> memref<128xi32, #tpu.memory_space<hbm>>
      tpu.wait_dma2 semaphore(%arg34 : memref<!tpu.dma_semaphore, #tpu.memory_space<semaphore_mem>>) src(%dma_wait3A_1382 : memref<128xi32, #tpu.memory_space<hbm>>) dst(%dma_wait3A_1379 : memref<128xi32, #tpu.memory_space<vmem>>)
      %dma_wait3A_1383 = arith.constant 0 : i32
      %dma_wait3A_1384 = arith.constant 0 : i32
      %dma_wait3A_1385 = arith.constant 0 : i32
      %dma_wait3A_1386 = tpu.memref_slice %arg22[%dma_wait3A_1384, %dma_wait3A_1385] : memref<1x128xi32, #tpu.memory_space<vmem>> -> memref<1x128xi32, #tpu.memory_space<vmem>>
      %dma_wait3A_1387 = tpu.memref_squeeze %dma_wait3A_1386 : memref<1x128xi32, #tpu.memory_space<vmem>> -> memref<128xi32, #tpu.memory_space<vmem>>
      %dma_wait3A_1388 = arith.constant 0 : i32
      %dma_wait3A_1389 = tpu.memref_slice %arg3[%dma_wait3A_1383, %dma_wait3A_1388] : memref<2560x128xi32, #tpu.memory_space<hbm>> -> memref<1x128xi32, #tpu.memory_space<hbm>>
      %dma_wait3A_1390 = tpu.memref_squeeze %dma_wait3A_1389 : memref<1x128xi32, #tpu.memory_space<hbm>> -> memref<128xi32, #tpu.memory_space<hbm>>
      %dma_wait3A_1391 = arith.constant 0 : i32
      %dma_wait3A_1392 = tpu.memref_slice %arg22[%dma_wait3A_1384, %dma_wait3A_1391] : memref<1x128xi32, #tpu.memory_space<vmem>> -> memref<1x128xi32, #tpu.memory_space<vmem>>
      %dma_wait3A_1393 = tpu.memref_squeeze %dma_wait3A_1392 : memref<1x128xi32, #tpu.memory_space<vmem>> -> memref<128xi32, #tpu.memory_space<vmem>>
      %dma_wait3A_1394 = arith.constant 0 : i32
      %dma_wait3A_1395 = tpu.memref_slice %arg3[%dma_wait3A_1383, %dma_wait3A_1394] : memref<2560x128xi32, #tpu.memory_space<hbm>> -> memref<1x128xi32, #tpu.memory_space<hbm>>
      %dma_wait3A_1396 = tpu.memref_squeeze %dma_wait3A_1395 : memref<1x128xi32, #tpu.memory_space<hbm>> -> memref<128xi32, #tpu.memory_space<hbm>>
      tpu.wait_dma2 semaphore(%arg42 : memref<!tpu.dma_semaphore, #tpu.memory_space<semaphore_mem>>) src(%dma_wait3A_1396 : memref<128xi32, #tpu.memory_space<hbm>>) dst(%dma_wait3A_1393 : memref<128xi32, #tpu.memory_space<vmem>>)
      %dma_start3A_1397 = arith.constant 0 : i32
      %dma_start3A_1398 = arith.constant 0 : i32
      %dma_start3A_1399 = tpu.memref_slice %arg14[%dma_start3A_1397, %dma_start3A_1398] : memref<1x128xi32, #tpu.memory_space<vmem>> -> memref<1x128xi32, #tpu.memory_space<vmem>>
      %dma_start3A_1400 = tpu.memref_squeeze %dma_start3A_1399 : memref<1x128xi32, #tpu.memory_space<vmem>> -> memref<128xi32, #tpu.memory_space<vmem>>
      %dma_start3A_1401 = arith.constant 0 : i32
      %dma_start3A_1402 = arith.constant 0 : i32
      %dma_start3A_1403 = tpu.memref_slice %arg4[%dma_start3A_1401, %dma_start3A_1402] : memref<10000x128xf32, #tpu.memory_space<hbm>> -> memref<10000x128xf32, #tpu.memory_space<hbm>>
      tpu.enqueue_indirect_dma source(%dma_start3A_1403 : memref<10000x128xf32, #tpu.memory_space<hbm>>) target(%arg30 : memref<128x128xf32, #tpu.memory_space<vmem>>) offsets(%dma_start3A_1400 : memref<128xi32, #tpu.memory_space<vmem>>) semaphore(%arg50 : memref<!tpu.dma_semaphore, #tpu.memory_space<semaphore_mem>>)
      %dma_start3A_1404 = arith.constant 0 : i32
      %dma_start3A_1405 = arith.constant 0 : i32
      %dma_start3A_1406 = tpu.memref_slice %arg22[%dma_start3A_1404, %dma_start3A_1405] : memref<1x128xi32, #tpu.memory_space<vmem>> -> memref<1x128xi32, #tpu.memory_space<vmem>>
      %dma_start3A_1407 = tpu.memref_squeeze %dma_start3A_1406 : memref<1x128xi32, #tpu.memory_space<vmem>> -> memref<128xi32, #tpu.memory_space<vmem>>
      %dma_start3A_1408 = arith.constant 0 : i32
      %dma_start3A_1409 = tpu.memref_slice %arg12[%dma_start3A_1408] : memref<10240xf32, #tpu.memory_space<vmem_shared>> -> memref<10240xf32, #tpu.memory_space<vmem_shared>>
      tpu.enqueue_indirect_dma source(%dma_start3A_1409 : memref<10240xf32, #tpu.memory_space<vmem_shared>>) target(%arg32 : memref<128xf32, #tpu.memory_space<vmem>>) offsets(%dma_start3A_1407 : memref<128xi32, #tpu.memory_space<vmem>>) semaphore(%arg52 : memref<!tpu.dma_semaphore, #tpu.memory_space<semaphore_mem>>)
    }
    %scan3A_326 = arith.constant 9 : i32
    %dma_wait3A_327 = arith.constant 0 : i32
    %dma_wait3A_328 = arith.constant 0 : i32
    %dma_wait3A_329 = tpu.memref_slice %arg13[%dma_wait3A_327, %dma_wait3A_328] : memref<1x128xi32, #tpu.memory_space<vmem>> -> memref<1x128xi32, #tpu.memory_space<vmem>>
    %dma_wait3A_330 = tpu.memref_squeeze %dma_wait3A_329 : memref<1x128xi32, #tpu.memory_space<vmem>> -> memref<128xi32, #tpu.memory_space<vmem>>
    %dma_wait3A_331 = arith.constant 0 : i32
    %dma_wait3A_332 = arith.constant 0 : i32
    %dma_wait3A_333 = tpu.memref_slice %arg4[%dma_wait3A_331, %dma_wait3A_332] : memref<10000x128xf32, #tpu.memory_space<hbm>> -> memref<10000x128xf32, #tpu.memory_space<hbm>>
    tpu.wait_indirect_dma semaphore(%arg49 : memref<!tpu.dma_semaphore, #tpu.memory_space<semaphore_mem>>) src(%dma_wait3A_333 : memref<10000x128xf32, #tpu.memory_space<hbm>>) dst(%arg29 : memref<128x128xf32, #tpu.memory_space<vmem>>)
    %run_scoped3A = arith.constant 0 : i32
    "tpu.region"() ({
      %run_scoped3A_693 = tpu.sem_alloc : memref<!tpu.dma_semaphore, #tpu.memory_space<semaphore_mem>>
      %dma_start3A_694 = arith.constant 0 : i32
      %dma_start3A_695 = tpu.memref_slice %arg21[%run_scoped3A, %dma_start3A_694] : memref<1x128xi32, #tpu.memory_space<vmem>> -> memref<1x128xi32, #tpu.memory_space<vmem>>
      %dma_start3A_696 = tpu.memref_squeeze %dma_start3A_695 : memref<1x128xi32, #tpu.memory_space<vmem>> -> memref<128xi32, #tpu.memory_space<vmem>>
      %dma_start3A_697 = arith.constant 0 : i32
      %dma_start3A_698 = arith.constant 0 : i32
      %dma_start3A_699 = tpu.memref_slice %arg10[%dma_start3A_697, %dma_start3A_698] : memref<10240x128xf32, #tpu.memory_space<vmem_shared>> -> memref<10240x128xf32, #tpu.memory_space<vmem_shared>>
      tpu.enqueue_indirect_dma source(%arg29 : memref<128x128xf32, #tpu.memory_space<vmem>>) target(%dma_start3A_699 : memref<10240x128xf32, #tpu.memory_space<vmem_shared>>) offsets(%dma_start3A_696 : memref<128xi32, #tpu.memory_space<vmem>>) semaphore(%run_scoped3A_693 : memref<!tpu.dma_semaphore, #tpu.memory_space<semaphore_mem>>) {add = true}
      %dma_wait3A_700 = arith.constant 0 : i32
      %dma_wait3A_701 = tpu.memref_slice %arg21[%run_scoped3A, %dma_wait3A_700] : memref<1x128xi32, #tpu.memory_space<vmem>> -> memref<1x128xi32, #tpu.memory_space<vmem>>
      %dma_wait3A_702 = tpu.memref_squeeze %dma_wait3A_701 : memref<1x128xi32, #tpu.memory_space<vmem>> -> memref<128xi32, #tpu.memory_space<vmem>>
      %dma_wait3A_703 = arith.constant 0 : i32
      %dma_wait3A_704 = arith.constant 0 : i32
      %dma_wait3A_705 = tpu.memref_slice %arg10[%dma_wait3A_703, %dma_wait3A_704] : memref<10240x128xf32, #tpu.memory_space<vmem_shared>> -> memref<10240x128xf32, #tpu.memory_space<vmem_shared>>
      tpu.wait_indirect_dma semaphore(%run_scoped3A_693 : memref<!tpu.dma_semaphore, #tpu.memory_space<semaphore_mem>>) src(%arg29 : memref<128x128xf32, #tpu.memory_space<vmem>>) dst(%dma_wait3A_705 : memref<10240x128xf32, #tpu.memory_space<vmem_shared>>)
      tpu.yield
    }) : () -> ()
    %dma_wait3A_334 = arith.constant 0 : i32
    %dma_wait3A_335 = arith.constant 0 : i32
    %dma_wait3A_336 = tpu.memref_slice %arg21[%dma_wait3A_334, %dma_wait3A_335] : memref<1x128xi32, #tpu.memory_space<vmem>> -> memref<1x128xi32, #tpu.memory_space<vmem>>
    %dma_wait3A_337 = tpu.memref_squeeze %dma_wait3A_336 : memref<1x128xi32, #tpu.memory_space<vmem>> -> memref<128xi32, #tpu.memory_space<vmem>>
    %dma_wait3A_338 = arith.constant 0 : i32
    %dma_wait3A_339 = tpu.memref_slice %arg12[%dma_wait3A_338] : memref<10240xf32, #tpu.memory_space<vmem_shared>> -> memref<10240xf32, #tpu.memory_space<vmem_shared>>
    tpu.wait_indirect_dma semaphore(%arg51 : memref<!tpu.dma_semaphore, #tpu.memory_space<semaphore_mem>>) src(%dma_wait3A_339 : memref<10240xf32, #tpu.memory_space<vmem_shared>>) dst(%arg31 : memref<128xf32, #tpu.memory_space<vmem>>)
    %run_scoped3A_340 = arith.constant 0 : i32
    "tpu.region"() ({
      %run_scoped3A_693 = tpu.sem_alloc : memref<!tpu.dma_semaphore, #tpu.memory_space<semaphore_mem>>
      %dma_start3A_694 = arith.constant 0 : i32
      %dma_start3A_695 = tpu.memref_slice %arg13[%run_scoped3A_340, %dma_start3A_694] : memref<1x128xi32, #tpu.memory_space<vmem>> -> memref<1x128xi32, #tpu.memory_space<vmem>>
      %dma_start3A_696 = tpu.memref_squeeze %dma_start3A_695 : memref<1x128xi32, #tpu.memory_space<vmem>> -> memref<128xi32, #tpu.memory_space<vmem>>
      %dma_start3A_697 = arith.constant 0 : i32
      %dma_start3A_698 = tpu.memref_slice %arg11[%dma_start3A_697] : memref<10240xf32, #tpu.memory_space<vmem_shared>> -> memref<10240xf32, #tpu.memory_space<vmem_shared>>
      tpu.enqueue_indirect_dma source(%arg31 : memref<128xf32, #tpu.memory_space<vmem>>) target(%dma_start3A_698 : memref<10240xf32, #tpu.memory_space<vmem_shared>>) offsets(%dma_start3A_696 : memref<128xi32, #tpu.memory_space<vmem>>) semaphore(%run_scoped3A_693 : memref<!tpu.dma_semaphore, #tpu.memory_space<semaphore_mem>>) {add = true}
      %dma_wait3A_699 = arith.constant 0 : i32
      %dma_wait3A_700 = tpu.memref_slice %arg13[%run_scoped3A_340, %dma_wait3A_699] : memref<1x128xi32, #tpu.memory_space<vmem>> -> memref<1x128xi32, #tpu.memory_space<vmem>>
      %dma_wait3A_701 = tpu.memref_squeeze %dma_wait3A_700 : memref<1x128xi32, #tpu.memory_space<vmem>> -> memref<128xi32, #tpu.memory_space<vmem>>
      %dma_wait3A_702 = arith.constant 0 : i32
      %dma_wait3A_703 = tpu.memref_slice %arg11[%dma_wait3A_702] : memref<10240xf32, #tpu.memory_space<vmem_shared>> -> memref<10240xf32, #tpu.memory_space<vmem_shared>>
      tpu.wait_indirect_dma semaphore(%run_scoped3A_693 : memref<!tpu.dma_semaphore, #tpu.memory_space<semaphore_mem>>) src(%arg31 : memref<128xf32, #tpu.memory_space<vmem>>) dst(%dma_wait3A_703 : memref<10240xf32, #tpu.memory_space<vmem_shared>>)
      tpu.yield
    }) : () -> ()
    %dma_wait3A_341 = arith.constant 0 : i32
    %dma_wait3A_342 = arith.constant 0 : i32
    %dma_wait3A_343 = arith.constant 0 : i32
    %dma_wait3A_344 = tpu.memref_slice %arg15[%dma_wait3A_342, %dma_wait3A_343] : memref<1x128xi32, #tpu.memory_space<vmem>> -> memref<1x128xi32, #tpu.memory_space<vmem>>
    %dma_wait3A_345 = tpu.memref_squeeze %dma_wait3A_344 : memref<1x128xi32, #tpu.memory_space<vmem>> -> memref<128xi32, #tpu.memory_space<vmem>>
    %dma_wait3A_346 = arith.constant 0 : i32
    %dma_wait3A_347 = tpu.memref_slice %arg2[%dma_wait3A_341, %dma_wait3A_346] : memref<2560x128xi32, #tpu.memory_space<hbm>> -> memref<1x128xi32, #tpu.memory_space<hbm>>
    %dma_wait3A_348 = tpu.memref_squeeze %dma_wait3A_347 : memref<1x128xi32, #tpu.memory_space<hbm>> -> memref<128xi32, #tpu.memory_space<hbm>>
    %dma_wait3A_349 = arith.constant 0 : i32
    %dma_wait3A_350 = tpu.memref_slice %arg15[%dma_wait3A_342, %dma_wait3A_349] : memref<1x128xi32, #tpu.memory_space<vmem>> -> memref<1x128xi32, #tpu.memory_space<vmem>>
    %dma_wait3A_351 = tpu.memref_squeeze %dma_wait3A_350 : memref<1x128xi32, #tpu.memory_space<vmem>> -> memref<128xi32, #tpu.memory_space<vmem>>
    %dma_wait3A_352 = arith.constant 0 : i32
    %dma_wait3A_353 = tpu.memref_slice %arg2[%dma_wait3A_341, %dma_wait3A_352] : memref<2560x128xi32, #tpu.memory_space<hbm>> -> memref<1x128xi32, #tpu.memory_space<hbm>>
    %dma_wait3A_354 = tpu.memref_squeeze %dma_wait3A_353 : memref<1x128xi32, #tpu.memory_space<hbm>> -> memref<128xi32, #tpu.memory_space<hbm>>
    tpu.wait_dma2 semaphore(%arg35 : memref<!tpu.dma_semaphore, #tpu.memory_space<semaphore_mem>>) src(%dma_wait3A_354 : memref<128xi32, #tpu.memory_space<hbm>>) dst(%dma_wait3A_351 : memref<128xi32, #tpu.memory_space<vmem>>)
    %dma_wait3A_355 = arith.constant 0 : i32
    %dma_wait3A_356 = arith.constant 0 : i32
    %dma_wait3A_357 = arith.constant 0 : i32
    %dma_wait3A_358 = tpu.memref_slice %arg23[%dma_wait3A_356, %dma_wait3A_357] : memref<1x128xi32, #tpu.memory_space<vmem>> -> memref<1x128xi32, #tpu.memory_space<vmem>>
    %dma_wait3A_359 = tpu.memref_squeeze %dma_wait3A_358 : memref<1x128xi32, #tpu.memory_space<vmem>> -> memref<128xi32, #tpu.memory_space<vmem>>
    %dma_wait3A_360 = arith.constant 0 : i32
    %dma_wait3A_361 = tpu.memref_slice %arg3[%dma_wait3A_355, %dma_wait3A_360] : memref<2560x128xi32, #tpu.memory_space<hbm>> -> memref<1x128xi32, #tpu.memory_space<hbm>>
    %dma_wait3A_362 = tpu.memref_squeeze %dma_wait3A_361 : memref<1x128xi32, #tpu.memory_space<hbm>> -> memref<128xi32, #tpu.memory_space<hbm>>
    %dma_wait3A_363 = arith.constant 0 : i32
    %dma_wait3A_364 = tpu.memref_slice %arg23[%dma_wait3A_356, %dma_wait3A_363] : memref<1x128xi32, #tpu.memory_space<vmem>> -> memref<1x128xi32, #tpu.memory_space<vmem>>
    %dma_wait3A_365 = tpu.memref_squeeze %dma_wait3A_364 : memref<1x128xi32, #tpu.memory_space<vmem>> -> memref<128xi32, #tpu.memory_space<vmem>>
    %dma_wait3A_366 = arith.constant 0 : i32
    %dma_wait3A_367 = tpu.memref_slice %arg3[%dma_wait3A_355, %dma_wait3A_366] : memref<2560x128xi32, #tpu.memory_space<hbm>> -> memref<1x128xi32, #tpu.memory_space<hbm>>
    %dma_wait3A_368 = tpu.memref_squeeze %dma_wait3A_367 : memref<1x128xi32, #tpu.memory_space<hbm>> -> memref<128xi32, #tpu.memory_space<hbm>>
    tpu.wait_dma2 semaphore(%arg43 : memref<!tpu.dma_semaphore, #tpu.memory_space<semaphore_mem>>) src(%dma_wait3A_368 : memref<128xi32, #tpu.memory_space<hbm>>) dst(%dma_wait3A_365 : memref<128xi32, #tpu.memory_space<vmem>>)
    %dma_start3A_369 = arith.constant 0 : i32
    %dma_start3A_370 = arith.constant 0 : i32
    %dma_start3A_371 = tpu.memref_slice %arg15[%dma_start3A_369, %dma_start3A_370] : memref<1x128xi32, #tpu.memory_space<vmem>> -> memref<1x128xi32, #tpu.memory_space<vmem>>
    %dma_start3A_372 = tpu.memref_squeeze %dma_start3A_371 : memref<1x128xi32, #tpu.memory_space<vmem>> -> memref<128xi32, #tpu.memory_space<vmem>>
    %dma_start3A_373 = arith.constant 0 : i32
    %dma_start3A_374 = arith.constant 0 : i32
    %dma_start3A_375 = tpu.memref_slice %arg4[%dma_start3A_373, %dma_start3A_374] : memref<10000x128xf32, #tpu.memory_space<hbm>> -> memref<10000x128xf32, #tpu.memory_space<hbm>>
    tpu.enqueue_indirect_dma source(%dma_start3A_375 : memref<10000x128xf32, #tpu.memory_space<hbm>>) target(%arg29 : memref<128x128xf32, #tpu.memory_space<vmem>>) offsets(%dma_start3A_372 : memref<128xi32, #tpu.memory_space<vmem>>) semaphore(%arg49 : memref<!tpu.dma_semaphore, #tpu.memory_space<semaphore_mem>>)
    %dma_start3A_376 = arith.constant 0 : i32
    %dma_start3A_377 = arith.constant 0 : i32
    %dma_start3A_378 = tpu.memref_slice %arg23[%dma_start3A_376, %dma_start3A_377] : memref<1x128xi32, #tpu.memory_space<vmem>> -> memref<1x128xi32, #tpu.memory_space<vmem>>
    %dma_start3A_379 = tpu.memref_squeeze %dma_start3A_378 : memref<1x128xi32, #tpu.memory_space<vmem>> -> memref<128xi32, #tpu.memory_space<vmem>>
    %dma_start3A_380 = arith.constant 0 : i32
    %dma_start3A_381 = tpu.memref_slice %arg12[%dma_start3A_380] : memref<10240xf32, #tpu.memory_space<vmem_shared>> -> memref<10240xf32, #tpu.memory_space<vmem_shared>>
    tpu.enqueue_indirect_dma source(%dma_start3A_381 : memref<10240xf32, #tpu.memory_space<vmem_shared>>) target(%arg31 : memref<128xf32, #tpu.memory_space<vmem>>) offsets(%dma_start3A_379 : memref<128xi32, #tpu.memory_space<vmem>>) semaphore(%arg51 : memref<!tpu.dma_semaphore, #tpu.memory_space<semaphore_mem>>)
    %dma_wait3A_382 = arith.constant 0 : i32
    %dma_wait3A_383 = arith.constant 0 : i32
    %dma_wait3A_384 = tpu.memref_slice %arg14[%dma_wait3A_382, %dma_wait3A_383] : memref<1x128xi32, #tpu.memory_space<vmem>> -> memref<1x128xi32, #tpu.memory_space<vmem>>
    %dma_wait3A_385 = tpu.memref_squeeze %dma_wait3A_384 : memref<1x128xi32, #tpu.memory_space<vmem>> -> memref<128xi32, #tpu.memory_space<vmem>>
    %dma_wait3A_386 = arith.constant 0 : i32
    %dma_wait3A_387 = arith.constant 0 : i32
    %dma_wait3A_388 = tpu.memref_slice %arg4[%dma_wait3A_386, %dma_wait3A_387] : memref<10000x128xf32, #tpu.memory_space<hbm>> -> memref<10000x128xf32, #tpu.memory_space<hbm>>
    tpu.wait_indirect_dma semaphore(%arg50 : memref<!tpu.dma_semaphore, #tpu.memory_space<semaphore_mem>>) src(%dma_wait3A_388 : memref<10000x128xf32, #tpu.memory_space<hbm>>) dst(%arg30 : memref<128x128xf32, #tpu.memory_space<vmem>>)
    %run_scoped3A_389 = arith.constant 0 : i32
    "tpu.region"() ({
      %run_scoped3A_693 = tpu.sem_alloc : memref<!tpu.dma_semaphore, #tpu.memory_space<semaphore_mem>>
      %dma_start3A_694 = arith.constant 0 : i32
      %dma_start3A_695 = tpu.memref_slice %arg22[%run_scoped3A_389, %dma_start3A_694] : memref<1x128xi32, #tpu.memory_space<vmem>> -> memref<1x128xi32, #tpu.memory_space<vmem>>
      %dma_start3A_696 = tpu.memref_squeeze %dma_start3A_695 : memref<1x128xi32, #tpu.memory_space<vmem>> -> memref<128xi32, #tpu.memory_space<vmem>>
      %dma_start3A_697 = arith.constant 0 : i32
      %dma_start3A_698 = arith.constant 0 : i32
      %dma_start3A_699 = tpu.memref_slice %arg10[%dma_start3A_697, %dma_start3A_698] : memref<10240x128xf32, #tpu.memory_space<vmem_shared>> -> memref<10240x128xf32, #tpu.memory_space<vmem_shared>>
      tpu.enqueue_indirect_dma source(%arg30 : memref<128x128xf32, #tpu.memory_space<vmem>>) target(%dma_start3A_699 : memref<10240x128xf32, #tpu.memory_space<vmem_shared>>) offsets(%dma_start3A_696 : memref<128xi32, #tpu.memory_space<vmem>>) semaphore(%run_scoped3A_693 : memref<!tpu.dma_semaphore, #tpu.memory_space<semaphore_mem>>) {add = true}
      %dma_wait3A_700 = arith.constant 0 : i32
      %dma_wait3A_701 = tpu.memref_slice %arg22[%run_scoped3A_389, %dma_wait3A_700] : memref<1x128xi32, #tpu.memory_space<vmem>> -> memref<1x128xi32, #tpu.memory_space<vmem>>
      %dma_wait3A_702 = tpu.memref_squeeze %dma_wait3A_701 : memref<1x128xi32, #tpu.memory_space<vmem>> -> memref<128xi32, #tpu.memory_space<vmem>>
      %dma_wait3A_703 = arith.constant 0 : i32
      %dma_wait3A_704 = arith.constant 0 : i32
      %dma_wait3A_705 = tpu.memref_slice %arg10[%dma_wait3A_703, %dma_wait3A_704] : memref<10240x128xf32, #tpu.memory_space<vmem_shared>> -> memref<10240x128xf32, #tpu.memory_space<vmem_shared>>
      tpu.wait_indirect_dma semaphore(%run_scoped3A_693 : memref<!tpu.dma_semaphore, #tpu.memory_space<semaphore_mem>>) src(%arg30 : memref<128x128xf32, #tpu.memory_space<vmem>>) dst(%dma_wait3A_705 : memref<10240x128xf32, #tpu.memory_space<vmem_shared>>)
      tpu.yield
    }) : () -> ()
    %dma_wait3A_390 = arith.constant 0 : i32
    %dma_wait3A_391 = arith.constant 0 : i32
    %dma_wait3A_392 = tpu.memref_slice %arg22[%dma_wait3A_390, %dma_wait3A_391] : memref<1x128xi32, #tpu.memory_space<vmem>> -> memref<1x128xi32, #tpu.memory_space<vmem>>
    %dma_wait3A_393 = tpu.memref_squeeze %dma_wait3A_392 : memref<1x128xi32, #tpu.memory_space<vmem>> -> memref<128xi32, #tpu.memory_space<vmem>>
    %dma_wait3A_394 = arith.constant 0 : i32
    %dma_wait3A_395 = tpu.memref_slice %arg12[%dma_wait3A_394] : memref<10240xf32, #tpu.memory_space<vmem_shared>> -> memref<10240xf32, #tpu.memory_space<vmem_shared>>
    tpu.wait_indirect_dma semaphore(%arg52 : memref<!tpu.dma_semaphore, #tpu.memory_space<semaphore_mem>>) src(%dma_wait3A_395 : memref<10240xf32, #tpu.memory_space<vmem_shared>>) dst(%arg32 : memref<128xf32, #tpu.memory_space<vmem>>)
    %run_scoped3A_396 = arith.constant 0 : i32
    "tpu.region"() ({
      %run_scoped3A_693 = tpu.sem_alloc : memref<!tpu.dma_semaphore, #tpu.memory_space<semaphore_mem>>
      %dma_start3A_694 = arith.constant 0 : i32
      %dma_start3A_695 = tpu.memref_slice %arg14[%run_scoped3A_396, %dma_start3A_694] : memref<1x128xi32, #tpu.memory_space<vmem>> -> memref<1x128xi32, #tpu.memory_space<vmem>>
      %dma_start3A_696 = tpu.memref_squeeze %dma_start3A_695 : memref<1x128xi32, #tpu.memory_space<vmem>> -> memref<128xi32, #tpu.memory_space<vmem>>
      %dma_start3A_697 = arith.constant 0 : i32
      %dma_start3A_698 = tpu.memref_slice %arg11[%dma_start3A_697] : memref<10240xf32, #tpu.memory_space<vmem_shared>> -> memref<10240xf32, #tpu.memory_space<vmem_shared>>
      tpu.enqueue_indirect_dma source(%arg32 : memref<128xf32, #tpu.memory_space<vmem>>) target(%dma_start3A_698 : memref<10240xf32, #tpu.memory_space<vmem_shared>>) offsets(%dma_start3A_696 : memref<128xi32, #tpu.memory_space<vmem>>) semaphore(%run_scoped3A_693 : memref<!tpu.dma_semaphore, #tpu.memory_space<semaphore_mem>>) {add = true}
      %dma_wait3A_699 = arith.constant 0 : i32
      %dma_wait3A_700 = tpu.memref_slice %arg14[%run_scoped3A_396, %dma_wait3A_699] : memref<1x128xi32, #tpu.memory_space<vmem>> -> memref<1x128xi32, #tpu.memory_space<vmem>>
      %dma_wait3A_701 = tpu.memref_squeeze %dma_wait3A_700 : memref<1x128xi32, #tpu.memory_space<vmem>> -> memref<128xi32, #tpu.memory_space<vmem>>
      %dma_wait3A_702 = arith.constant 0 : i32
      %dma_wait3A_703 = tpu.memref_slice %arg11[%dma_wait3A_702] : memref<10240xf32, #tpu.memory_space<vmem_shared>> -> memref<10240xf32, #tpu.memory_space<vmem_shared>>
      tpu.wait_indirect_dma semaphore(%run_scoped3A_693 : memref<!tpu.dma_semaphore, #tpu.memory_space<semaphore_mem>>) src(%arg32 : memref<128xf32, #tpu.memory_space<vmem>>) dst(%dma_wait3A_703 : memref<10240xf32, #tpu.memory_space<vmem_shared>>)
      tpu.yield
    }) : () -> ()
    %dma_wait3A_397 = arith.constant 0 : i32
    %dma_wait3A_398 = arith.constant 0 : i32
    %dma_wait3A_399 = arith.constant 0 : i32
    %dma_wait3A_400 = tpu.memref_slice %arg16[%dma_wait3A_398, %dma_wait3A_399] : memref<1x128xi32, #tpu.memory_space<vmem>> -> memref<1x128xi32, #tpu.memory_space<vmem>>
    %dma_wait3A_401 = tpu.memref_squeeze %dma_wait3A_400 : memref<1x128xi32, #tpu.memory_space<vmem>> -> memref<128xi32, #tpu.memory_space<vmem>>
    %dma_wait3A_402 = arith.constant 0 : i32
    %dma_wait3A_403 = tpu.memref_slice %arg2[%dma_wait3A_397, %dma_wait3A_402] : memref<2560x128xi32, #tpu.memory_space<hbm>> -> memref<1x128xi32, #tpu.memory_space<hbm>>
    %dma_wait3A_404 = tpu.memref_squeeze %dma_wait3A_403 : memref<1x128xi32, #tpu.memory_space<hbm>> -> memref<128xi32, #tpu.memory_space<hbm>>
    %dma_wait3A_405 = arith.constant 0 : i32
    %dma_wait3A_406 = tpu.memref_slice %arg16[%dma_wait3A_398, %dma_wait3A_405] : memref<1x128xi32, #tpu.memory_space<vmem>> -> memref<1x128xi32, #tpu.memory_space<vmem>>
    %dma_wait3A_407 = tpu.memref_squeeze %dma_wait3A_406 : memref<1x128xi32, #tpu.memory_space<vmem>> -> memref<128xi32, #tpu.memory_space<vmem>>
    %dma_wait3A_408 = arith.constant 0 : i32
    %dma_wait3A_409 = tpu.memref_slice %arg2[%dma_wait3A_397, %dma_wait3A_408] : memref<2560x128xi32, #tpu.memory_space<hbm>> -> memref<1x128xi32, #tpu.memory_space<hbm>>
    %dma_wait3A_410 = tpu.memref_squeeze %dma_wait3A_409 : memref<1x128xi32, #tpu.memory_space<hbm>> -> memref<128xi32, #tpu.memory_space<hbm>>
    tpu.wait_dma2 semaphore(%arg36 : memref<!tpu.dma_semaphore, #tpu.memory_space<semaphore_mem>>) src(%dma_wait3A_410 : memref<128xi32, #tpu.memory_space<hbm>>) dst(%dma_wait3A_407 : memref<128xi32, #tpu.memory_space<vmem>>)
    %dma_wait3A_411 = arith.constant 0 : i32
    %dma_wait3A_412 = arith.constant 0 : i32
    %dma_wait3A_413 = arith.constant 0 : i32
    %dma_wait3A_414 = tpu.memref_slice %arg24[%dma_wait3A_412, %dma_wait3A_413] : memref<1x128xi32, #tpu.memory_space<vmem>> -> memref<1x128xi32, #tpu.memory_space<vmem>>
    %dma_wait3A_415 = tpu.memref_squeeze %dma_wait3A_414 : memref<1x128xi32, #tpu.memory_space<vmem>> -> memref<128xi32, #tpu.memory_space<vmem>>
    %dma_wait3A_416 = arith.constant 0 : i32
    %dma_wait3A_417 = tpu.memref_slice %arg3[%dma_wait3A_411, %dma_wait3A_416] : memref<2560x128xi32, #tpu.memory_space<hbm>> -> memref<1x128xi32, #tpu.memory_space<hbm>>
    %dma_wait3A_418 = tpu.memref_squeeze %dma_wait3A_417 : memref<1x128xi32, #tpu.memory_space<hbm>> -> memref<128xi32, #tpu.memory_space<hbm>>
    %dma_wait3A_419 = arith.constant 0 : i32
    %dma_wait3A_420 = tpu.memref_slice %arg24[%dma_wait3A_412, %dma_wait3A_419] : memref<1x128xi32, #tpu.memory_space<vmem>> -> memref<1x128xi32, #tpu.memory_space<vmem>>
    %dma_wait3A_421 = tpu.memref_squeeze %dma_wait3A_420 : memref<1x128xi32, #tpu.memory_space<vmem>> -> memref<128xi32, #tpu.memory_space<vmem>>
    %dma_wait3A_422 = arith.constant 0 : i32
    %dma_wait3A_423 = tpu.memref_slice %arg3[%dma_wait3A_411, %dma_wait3A_422] : memref<2560x128xi32, #tpu.memory_space<hbm>> -> memref<1x128xi32, #tpu.memory_space<hbm>>
    %dma_wait3A_424 = tpu.memref_squeeze %dma_wait3A_423 : memref<1x128xi32, #tpu.memory_space<hbm>> -> memref<128xi32, #tpu.memory_space<hbm>>
    tpu.wait_dma2 semaphore(%arg44 : memref<!tpu.dma_semaphore, #tpu.memory_space<semaphore_mem>>) src(%dma_wait3A_424 : memref<128xi32, #tpu.memory_space<hbm>>) dst(%dma_wait3A_421 : memref<128xi32, #tpu.memory_space<vmem>>)
    %dma_start3A_425 = arith.constant 0 : i32
    %dma_start3A_426 = arith.constant 0 : i32
    %dma_start3A_427 = tpu.memref_slice %arg16[%dma_start3A_425, %dma_start3A_426] : memref<1x128xi32, #tpu.memory_space<vmem>> -> memref<1x128xi32, #tpu.memory_space<vmem>>
    %dma_start3A_428 = tpu.memref_squeeze %dma_start3A_427 : memref<1x128xi32, #tpu.memory_space<vmem>> -> memref<128xi32, #tpu.memory_space<vmem>>
    %dma_start3A_429 = arith.constant 0 : i32
    %dma_start3A_430 = arith.constant 0 : i32
    %dma_start3A_431 = tpu.memref_slice %arg4[%dma_start3A_429, %dma_start3A_430] : memref<10000x128xf32, #tpu.memory_space<hbm>> -> memref<10000x128xf32, #tpu.memory_space<hbm>>
    tpu.enqueue_indirect_dma source(%dma_start3A_431 : memref<10000x128xf32, #tpu.memory_space<hbm>>) target(%arg30 : memref<128x128xf32, #tpu.memory_space<vmem>>) offsets(%dma_start3A_428 : memref<128xi32, #tpu.memory_space<vmem>>) semaphore(%arg50 : memref<!tpu.dma_semaphore, #tpu.memory_space<semaphore_mem>>)
    %dma_start3A_432 = arith.constant 0 : i32
    %dma_start3A_433 = arith.constant 0 : i32
    %dma_start3A_434 = tpu.memref_slice %arg24[%dma_start3A_432, %dma_start3A_433] : memref<1x128xi32, #tpu.memory_space<vmem>> -> memref<1x128xi32, #tpu.memory_space<vmem>>
    %dma_start3A_435 = tpu.memref_squeeze %dma_start3A_434 : memref<1x128xi32, #tpu.memory_space<vmem>> -> memref<128xi32, #tpu.memory_space<vmem>>
    %dma_start3A_436 = arith.constant 0 : i32
    %dma_start3A_437 = tpu.memref_slice %arg12[%dma_start3A_436] : memref<10240xf32, #tpu.memory_space<vmem_shared>> -> memref<10240xf32, #tpu.memory_space<vmem_shared>>
    tpu.enqueue_indirect_dma source(%dma_start3A_437 : memref<10240xf32, #tpu.memory_space<vmem_shared>>) target(%arg32 : memref<128xf32, #tpu.memory_space<vmem>>) offsets(%dma_start3A_435 : memref<128xi32, #tpu.memory_space<vmem>>) semaphore(%arg52 : memref<!tpu.dma_semaphore, #tpu.memory_space<semaphore_mem>>)
    %dma_wait3A_438 = arith.constant 0 : i32
    %dma_wait3A_439 = arith.constant 0 : i32
    %dma_wait3A_440 = tpu.memref_slice %arg15[%dma_wait3A_438, %dma_wait3A_439] : memref<1x128xi32, #tpu.memory_space<vmem>> -> memref<1x128xi32, #tpu.memory_space<vmem>>
    %dma_wait3A_441 = tpu.memref_squeeze %dma_wait3A_440 : memref<1x128xi32, #tpu.memory_space<vmem>> -> memref<128xi32, #tpu.memory_space<vmem>>
    %dma_wait3A_442 = arith.constant 0 : i32
    %dma_wait3A_443 = arith.constant 0 : i32
    %dma_wait3A_444 = tpu.memref_slice %arg4[%dma_wait3A_442, %dma_wait3A_443] : memref<10000x128xf32, #tpu.memory_space<hbm>> -> memref<10000x128xf32, #tpu.memory_space<hbm>>
    tpu.wait_indirect_dma semaphore(%arg49 : memref<!tpu.dma_semaphore, #tpu.memory_space<semaphore_mem>>) src(%dma_wait3A_444 : memref<10000x128xf32, #tpu.memory_space<hbm>>) dst(%arg29 : memref<128x128xf32, #tpu.memory_space<vmem>>)
    %run_scoped3A_445 = arith.constant 0 : i32
    "tpu.region"() ({
      %run_scoped3A_693 = tpu.sem_alloc : memref<!tpu.dma_semaphore, #tpu.memory_space<semaphore_mem>>
      %dma_start3A_694 = arith.constant 0 : i32
      %dma_start3A_695 = tpu.memref_slice %arg23[%run_scoped3A_445, %dma_start3A_694] : memref<1x128xi32, #tpu.memory_space<vmem>> -> memref<1x128xi32, #tpu.memory_space<vmem>>
      %dma_start3A_696 = tpu.memref_squeeze %dma_start3A_695 : memref<1x128xi32, #tpu.memory_space<vmem>> -> memref<128xi32, #tpu.memory_space<vmem>>
      %dma_start3A_697 = arith.constant 0 : i32
      %dma_start3A_698 = arith.constant 0 : i32
      %dma_start3A_699 = tpu.memref_slice %arg10[%dma_start3A_697, %dma_start3A_698] : memref<10240x128xf32, #tpu.memory_space<vmem_shared>> -> memref<10240x128xf32, #tpu.memory_space<vmem_shared>>
      tpu.enqueue_indirect_dma source(%arg29 : memref<128x128xf32, #tpu.memory_space<vmem>>) target(%dma_start3A_699 : memref<10240x128xf32, #tpu.memory_space<vmem_shared>>) offsets(%dma_start3A_696 : memref<128xi32, #tpu.memory_space<vmem>>) semaphore(%run_scoped3A_693 : memref<!tpu.dma_semaphore, #tpu.memory_space<semaphore_mem>>) {add = true}
      %dma_wait3A_700 = arith.constant 0 : i32
      %dma_wait3A_701 = tpu.memref_slice %arg23[%run_scoped3A_445, %dma_wait3A_700] : memref<1x128xi32, #tpu.memory_space<vmem>> -> memref<1x128xi32, #tpu.memory_space<vmem>>
      %dma_wait3A_702 = tpu.memref_squeeze %dma_wait3A_701 : memref<1x128xi32, #tpu.memory_space<vmem>> -> memref<128xi32, #tpu.memory_space<vmem>>
      %dma_wait3A_703 = arith.constant 0 : i32
      %dma_wait3A_704 = arith.constant 0 : i32
      %dma_wait3A_705 = tpu.memref_slice %arg10[%dma_wait3A_703, %dma_wait3A_704] : memref<10240x128xf32, #tpu.memory_space<vmem_shared>> -> memref<10240x128xf32, #tpu.memory_space<vmem_shared>>
      tpu.wait_indirect_dma semaphore(%run_scoped3A_693 : memref<!tpu.dma_semaphore, #tpu.memory_space<semaphore_mem>>) src(%arg29 : memref<128x128xf32, #tpu.memory_space<vmem>>) dst(%dma_wait3A_705 : memref<10240x128xf32, #tpu.memory_space<vmem_shared>>)
      tpu.yield
    }) : () -> ()
    %dma_wait3A_446 = arith.constant 0 : i32
    %dma_wait3A_447 = arith.constant 0 : i32
    %dma_wait3A_448 = tpu.memref_slice %arg23[%dma_wait3A_446, %dma_wait3A_447] : memref<1x128xi32, #tpu.memory_space<vmem>> -> memref<1x128xi32, #tpu.memory_space<vmem>>
    %dma_wait3A_449 = tpu.memref_squeeze %dma_wait3A_448 : memref<1x128xi32, #tpu.memory_space<vmem>> -> memref<128xi32, #tpu.memory_space<vmem>>
    %dma_wait3A_450 = arith.constant 0 : i32
    %dma_wait3A_451 = tpu.memref_slice %arg12[%dma_wait3A_450] : memref<10240xf32, #tpu.memory_space<vmem_shared>> -> memref<10240xf32, #tpu.memory_space<vmem_shared>>
    tpu.wait_indirect_dma semaphore(%arg51 : memref<!tpu.dma_semaphore, #tpu.memory_space<semaphore_mem>>) src(%dma_wait3A_451 : memref<10240xf32, #tpu.memory_space<vmem_shared>>) dst(%arg31 : memref<128xf32, #tpu.memory_space<vmem>>)
    %run_scoped3A_452 = arith.constant 0 : i32
    "tpu.region"() ({
      %run_scoped3A_693 = tpu.sem_alloc : memref<!tpu.dma_semaphore, #tpu.memory_space<semaphore_mem>>
      %dma_start3A_694 = arith.constant 0 : i32
      %dma_start3A_695 = tpu.memref_slice %arg15[%run_scoped3A_452, %dma_start3A_694] : memref<1x128xi32, #tpu.memory_space<vmem>> -> memref<1x128xi32, #tpu.memory_space<vmem>>
      %dma_start3A_696 = tpu.memref_squeeze %dma_start3A_695 : memref<1x128xi32, #tpu.memory_space<vmem>> -> memref<128xi32, #tpu.memory_space<vmem>>
      %dma_start3A_697 = arith.constant 0 : i32
      %dma_start3A_698 = tpu.memref_slice %arg11[%dma_start3A_697] : memref<10240xf32, #tpu.memory_space<vmem_shared>> -> memref<10240xf32, #tpu.memory_space<vmem_shared>>
      tpu.enqueue_indirect_dma source(%arg31 : memref<128xf32, #tpu.memory_space<vmem>>) target(%dma_start3A_698 : memref<10240xf32, #tpu.memory_space<vmem_shared>>) offsets(%dma_start3A_696 : memref<128xi32, #tpu.memory_space<vmem>>) semaphore(%run_scoped3A_693 : memref<!tpu.dma_semaphore, #tpu.memory_space<semaphore_mem>>) {add = true}
      %dma_wait3A_699 = arith.constant 0 : i32
      %dma_wait3A_700 = tpu.memref_slice %arg15[%run_scoped3A_452, %dma_wait3A_699] : memref<1x128xi32, #tpu.memory_space<vmem>> -> memref<1x128xi32, #tpu.memory_space<vmem>>
      %dma_wait3A_701 = tpu.memref_squeeze %dma_wait3A_700 : memref<1x128xi32, #tpu.memory_space<vmem>> -> memref<128xi32, #tpu.memory_space<vmem>>
      %dma_wait3A_702 = arith.constant 0 : i32
      %dma_wait3A_703 = tpu.memref_slice %arg11[%dma_wait3A_702] : memref<10240xf32, #tpu.memory_space<vmem_shared>> -> memref<10240xf32, #tpu.memory_space<vmem_shared>>
      tpu.wait_indirect_dma semaphore(%run_scoped3A_693 : memref<!tpu.dma_semaphore, #tpu.memory_space<semaphore_mem>>) src(%arg31 : memref<128xf32, #tpu.memory_space<vmem>>) dst(%dma_wait3A_703 : memref<10240xf32, #tpu.memory_space<vmem_shared>>)
      tpu.yield
    }) : () -> ()
    %dma_wait3A_453 = arith.constant 0 : i32
    %dma_wait3A_454 = arith.constant 0 : i32
    %dma_wait3A_455 = arith.constant 0 : i32
    %dma_wait3A_456 = tpu.memref_slice %arg17[%dma_wait3A_454, %dma_wait3A_455] : memref<1x128xi32, #tpu.memory_space<vmem>> -> memref<1x128xi32, #tpu.memory_space<vmem>>
    %dma_wait3A_457 = tpu.memref_squeeze %dma_wait3A_456 : memref<1x128xi32, #tpu.memory_space<vmem>> -> memref<128xi32, #tpu.memory_space<vmem>>
    %dma_wait3A_458 = arith.constant 0 : i32
    %dma_wait3A_459 = tpu.memref_slice %arg2[%dma_wait3A_453, %dma_wait3A_458] : memref<2560x128xi32, #tpu.memory_space<hbm>> -> memref<1x128xi32, #tpu.memory_space<hbm>>
    %dma_wait3A_460 = tpu.memref_squeeze %dma_wait3A_459 : memref<1x128xi32, #tpu.memory_space<hbm>> -> memref<128xi32, #tpu.memory_space<hbm>>
    %dma_wait3A_461 = arith.constant 0 : i32
    %dma_wait3A_462 = tpu.memref_slice %arg17[%dma_wait3A_454, %dma_wait3A_461] : memref<1x128xi32, #tpu.memory_space<vmem>> -> memref<1x128xi32, #tpu.memory_space<vmem>>
    %dma_wait3A_463 = tpu.memref_squeeze %dma_wait3A_462 : memref<1x128xi32, #tpu.memory_space<vmem>> -> memref<128xi32, #tpu.memory_space<vmem>>
    %dma_wait3A_464 = arith.constant 0 : i32
    %dma_wait3A_465 = tpu.memref_slice %arg2[%dma_wait3A_453, %dma_wait3A_464] : memref<2560x128xi32, #tpu.memory_space<hbm>> -> memref<1x128xi32, #tpu.memory_space<hbm>>
    %dma_wait3A_466 = tpu.memref_squeeze %dma_wait3A_465 : memref<1x128xi32, #tpu.memory_space<hbm>> -> memref<128xi32, #tpu.memory_space<hbm>>
    tpu.wait_dma2 semaphore(%arg37 : memref<!tpu.dma_semaphore, #tpu.memory_space<semaphore_mem>>) src(%dma_wait3A_466 : memref<128xi32, #tpu.memory_space<hbm>>) dst(%dma_wait3A_463 : memref<128xi32, #tpu.memory_space<vmem>>)
    %dma_wait3A_467 = arith.constant 0 : i32
    %dma_wait3A_468 = arith.constant 0 : i32
    %dma_wait3A_469 = arith.constant 0 : i32
    %dma_wait3A_470 = tpu.memref_slice %arg25[%dma_wait3A_468, %dma_wait3A_469] : memref<1x128xi32, #tpu.memory_space<vmem>> -> memref<1x128xi32, #tpu.memory_space<vmem>>
    %dma_wait3A_471 = tpu.memref_squeeze %dma_wait3A_470 : memref<1x128xi32, #tpu.memory_space<vmem>> -> memref<128xi32, #tpu.memory_space<vmem>>
    %dma_wait3A_472 = arith.constant 0 : i32
    %dma_wait3A_473 = tpu.memref_slice %arg3[%dma_wait3A_467, %dma_wait3A_472] : memref<2560x128xi32, #tpu.memory_space<hbm>> -> memref<1x128xi32, #tpu.memory_space<hbm>>
    %dma_wait3A_474 = tpu.memref_squeeze %dma_wait3A_473 : memref<1x128xi32, #tpu.memory_space<hbm>> -> memref<128xi32, #tpu.memory_space<hbm>>
    %dma_wait3A_475 = arith.constant 0 : i32
    %dma_wait3A_476 = tpu.memref_slice %arg25[%dma_wait3A_468, %dma_wait3A_475] : memref<1x128xi32, #tpu.memory_space<vmem>> -> memref<1x128xi32, #tpu.memory_space<vmem>>
    %dma_wait3A_477 = tpu.memref_squeeze %dma_wait3A_476 : memref<1x128xi32, #tpu.memory_space<vmem>> -> memref<128xi32, #tpu.memory_space<vmem>>
    %dma_wait3A_478 = arith.constant 0 : i32
    %dma_wait3A_479 = tpu.memref_slice %arg3[%dma_wait3A_467, %dma_wait3A_478] : memref<2560x128xi32, #tpu.memory_space<hbm>> -> memref<1x128xi32, #tpu.memory_space<hbm>>
    %dma_wait3A_480 = tpu.memref_squeeze %dma_wait3A_479 : memref<1x128xi32, #tpu.memory_space<hbm>> -> memref<128xi32, #tpu.memory_space<hbm>>
    tpu.wait_dma2 semaphore(%arg45 : memref<!tpu.dma_semaphore, #tpu.memory_space<semaphore_mem>>) src(%dma_wait3A_480 : memref<128xi32, #tpu.memory_space<hbm>>) dst(%dma_wait3A_477 : memref<128xi32, #tpu.memory_space<vmem>>)
    %dma_start3A_481 = arith.constant 0 : i32
    %dma_start3A_482 = arith.constant 0 : i32
    %dma_start3A_483 = tpu.memref_slice %arg17[%dma_start3A_481, %dma_start3A_482] : memref<1x128xi32, #tpu.memory_space<vmem>> -> memref<1x128xi32, #tpu.memory_space<vmem>>
    %dma_start3A_484 = tpu.memref_squeeze %dma_start3A_483 : memref<1x128xi32, #tpu.memory_space<vmem>> -> memref<128xi32, #tpu.memory_space<vmem>>
    %dma_start3A_485 = arith.constant 0 : i32
    %dma_start3A_486 = arith.constant 0 : i32
    %dma_start3A_487 = tpu.memref_slice %arg4[%dma_start3A_485, %dma_start3A_486] : memref<10000x128xf32, #tpu.memory_space<hbm>> -> memref<10000x128xf32, #tpu.memory_space<hbm>>
    tpu.enqueue_indirect_dma source(%dma_start3A_487 : memref<10000x128xf32, #tpu.memory_space<hbm>>) target(%arg29 : memref<128x128xf32, #tpu.memory_space<vmem>>) offsets(%dma_start3A_484 : memref<128xi32, #tpu.memory_space<vmem>>) semaphore(%arg49 : memref<!tpu.dma_semaphore, #tpu.memory_space<semaphore_mem>>)
    %dma_start3A_488 = arith.constant 0 : i32
    %dma_start3A_489 = arith.constant 0 : i32
    %dma_start3A_490 = tpu.memref_slice %arg25[%dma_start3A_488, %dma_start3A_489] : memref<1x128xi32, #tpu.memory_space<vmem>> -> memref<1x128xi32, #tpu.memory_space<vmem>>
    %dma_start3A_491 = tpu.memref_squeeze %dma_start3A_490 : memref<1x128xi32, #tpu.memory_space<vmem>> -> memref<128xi32, #tpu.memory_space<vmem>>
    %dma_start3A_492 = arith.constant 0 : i32
    %dma_start3A_493 = tpu.memref_slice %arg12[%dma_start3A_492] : memref<10240xf32, #tpu.memory_space<vmem_shared>> -> memref<10240xf32, #tpu.memory_space<vmem_shared>>
    tpu.enqueue_indirect_dma source(%dma_start3A_493 : memref<10240xf32, #tpu.memory_space<vmem_shared>>) target(%arg31 : memref<128xf32, #tpu.memory_space<vmem>>) offsets(%dma_start3A_491 : memref<128xi32, #tpu.memory_space<vmem>>) semaphore(%arg51 : memref<!tpu.dma_semaphore, #tpu.memory_space<semaphore_mem>>)
    %dma_wait3A_494 = arith.constant 0 : i32
    %dma_wait3A_495 = arith.constant 0 : i32
    %dma_wait3A_496 = tpu.memref_slice %arg16[%dma_wait3A_494, %dma_wait3A_495] : memref<1x128xi32, #tpu.memory_space<vmem>> -> memref<1x128xi32, #tpu.memory_space<vmem>>
    %dma_wait3A_497 = tpu.memref_squeeze %dma_wait3A_496 : memref<1x128xi32, #tpu.memory_space<vmem>> -> memref<128xi32, #tpu.memory_space<vmem>>
    %dma_wait3A_498 = arith.constant 0 : i32
    %dma_wait3A_499 = arith.constant 0 : i32
    %dma_wait3A_500 = tpu.memref_slice %arg4[%dma_wait3A_498, %dma_wait3A_499] : memref<10000x128xf32, #tpu.memory_space<hbm>> -> memref<10000x128xf32, #tpu.memory_space<hbm>>
    tpu.wait_indirect_dma semaphore(%arg50 : memref<!tpu.dma_semaphore, #tpu.memory_space<semaphore_mem>>) src(%dma_wait3A_500 : memref<10000x128xf32, #tpu.memory_space<hbm>>) dst(%arg30 : memref<128x128xf32, #tpu.memory_space<vmem>>)
    %run_scoped3A_501 = arith.constant 0 : i32
    "tpu.region"() ({
      %run_scoped3A_693 = tpu.sem_alloc : memref<!tpu.dma_semaphore, #tpu.memory_space<semaphore_mem>>
      %dma_start3A_694 = arith.constant 0 : i32
      %dma_start3A_695 = tpu.memref_slice %arg24[%run_scoped3A_501, %dma_start3A_694] : memref<1x128xi32, #tpu.memory_space<vmem>> -> memref<1x128xi32, #tpu.memory_space<vmem>>
      %dma_start3A_696 = tpu.memref_squeeze %dma_start3A_695 : memref<1x128xi32, #tpu.memory_space<vmem>> -> memref<128xi32, #tpu.memory_space<vmem>>
      %dma_start3A_697 = arith.constant 0 : i32
      %dma_start3A_698 = arith.constant 0 : i32
      %dma_start3A_699 = tpu.memref_slice %arg10[%dma_start3A_697, %dma_start3A_698] : memref<10240x128xf32, #tpu.memory_space<vmem_shared>> -> memref<10240x128xf32, #tpu.memory_space<vmem_shared>>
      tpu.enqueue_indirect_dma source(%arg30 : memref<128x128xf32, #tpu.memory_space<vmem>>) target(%dma_start3A_699 : memref<10240x128xf32, #tpu.memory_space<vmem_shared>>) offsets(%dma_start3A_696 : memref<128xi32, #tpu.memory_space<vmem>>) semaphore(%run_scoped3A_693 : memref<!tpu.dma_semaphore, #tpu.memory_space<semaphore_mem>>) {add = true}
      %dma_wait3A_700 = arith.constant 0 : i32
      %dma_wait3A_701 = tpu.memref_slice %arg24[%run_scoped3A_501, %dma_wait3A_700] : memref<1x128xi32, #tpu.memory_space<vmem>> -> memref<1x128xi32, #tpu.memory_space<vmem>>
      %dma_wait3A_702 = tpu.memref_squeeze %dma_wait3A_701 : memref<1x128xi32, #tpu.memory_space<vmem>> -> memref<128xi32, #tpu.memory_space<vmem>>
      %dma_wait3A_703 = arith.constant 0 : i32
      %dma_wait3A_704 = arith.constant 0 : i32
      %dma_wait3A_705 = tpu.memref_slice %arg10[%dma_wait3A_703, %dma_wait3A_704] : memref<10240x128xf32, #tpu.memory_space<vmem_shared>> -> memref<10240x128xf32, #tpu.memory_space<vmem_shared>>
      tpu.wait_indirect_dma semaphore(%run_scoped3A_693 : memref<!tpu.dma_semaphore, #tpu.memory_space<semaphore_mem>>) src(%arg30 : memref<128x128xf32, #tpu.memory_space<vmem>>) dst(%dma_wait3A_705 : memref<10240x128xf32, #tpu.memory_space<vmem_shared>>)
      tpu.yield
    }) : () -> ()
    %dma_wait3A_502 = arith.constant 0 : i32
    %dma_wait3A_503 = arith.constant 0 : i32
    %dma_wait3A_504 = tpu.memref_slice %arg24[%dma_wait3A_502, %dma_wait3A_503] : memref<1x128xi32, #tpu.memory_space<vmem>> -> memref<1x128xi32, #tpu.memory_space<vmem>>
    %dma_wait3A_505 = tpu.memref_squeeze %dma_wait3A_504 : memref<1x128xi32, #tpu.memory_space<vmem>> -> memref<128xi32, #tpu.memory_space<vmem>>
    %dma_wait3A_506 = arith.constant 0 : i32
    %dma_wait3A_507 = tpu.memref_slice %arg12[%dma_wait3A_506] : memref<10240xf32, #tpu.memory_space<vmem_shared>> -> memref<10240xf32, #tpu.memory_space<vmem_shared>>
    tpu.wait_indirect_dma semaphore(%arg52 : memref<!tpu.dma_semaphore, #tpu.memory_space<semaphore_mem>>) src(%dma_wait3A_507 : memref<10240xf32, #tpu.memory_space<vmem_shared>>) dst(%arg32 : memref<128xf32, #tpu.memory_space<vmem>>)
    %run_scoped3A_508 = arith.constant 0 : i32
    "tpu.region"() ({
      %run_scoped3A_693 = tpu.sem_alloc : memref<!tpu.dma_semaphore, #tpu.memory_space<semaphore_mem>>
      %dma_start3A_694 = arith.constant 0 : i32
      %dma_start3A_695 = tpu.memref_slice %arg16[%run_scoped3A_508, %dma_start3A_694] : memref<1x128xi32, #tpu.memory_space<vmem>> -> memref<1x128xi32, #tpu.memory_space<vmem>>
      %dma_start3A_696 = tpu.memref_squeeze %dma_start3A_695 : memref<1x128xi32, #tpu.memory_space<vmem>> -> memref<128xi32, #tpu.memory_space<vmem>>
      %dma_start3A_697 = arith.constant 0 : i32
      %dma_start3A_698 = tpu.memref_slice %arg11[%dma_start3A_697] : memref<10240xf32, #tpu.memory_space<vmem_shared>> -> memref<10240xf32, #tpu.memory_space<vmem_shared>>
      tpu.enqueue_indirect_dma source(%arg32 : memref<128xf32, #tpu.memory_space<vmem>>) target(%dma_start3A_698 : memref<10240xf32, #tpu.memory_space<vmem_shared>>) offsets(%dma_start3A_696 : memref<128xi32, #tpu.memory_space<vmem>>) semaphore(%run_scoped3A_693 : memref<!tpu.dma_semaphore, #tpu.memory_space<semaphore_mem>>) {add = true}
      %dma_wait3A_699 = arith.constant 0 : i32
      %dma_wait3A_700 = tpu.memref_slice %arg16[%run_scoped3A_508, %dma_wait3A_699] : memref<1x128xi32, #tpu.memory_space<vmem>> -> memref<1x128xi32, #tpu.memory_space<vmem>>
      %dma_wait3A_701 = tpu.memref_squeeze %dma_wait3A_700 : memref<1x128xi32, #tpu.memory_space<vmem>> -> memref<128xi32, #tpu.memory_space<vmem>>
      %dma_wait3A_702 = arith.constant 0 : i32
      %dma_wait3A_703 = tpu.memref_slice %arg11[%dma_wait3A_702] : memref<10240xf32, #tpu.memory_space<vmem_shared>> -> memref<10240xf32, #tpu.memory_space<vmem_shared>>
      tpu.wait_indirect_dma semaphore(%run_scoped3A_693 : memref<!tpu.dma_semaphore, #tpu.memory_space<semaphore_mem>>) src(%arg32 : memref<128xf32, #tpu.memory_space<vmem>>) dst(%dma_wait3A_703 : memref<10240xf32, #tpu.memory_space<vmem_shared>>)
      tpu.yield
    }) : () -> ()
    %dma_wait3A_509 = arith.constant 0 : i32
    %dma_wait3A_510 = arith.constant 0 : i32
    %dma_wait3A_511 = arith.constant 0 : i32
    %dma_wait3A_512 = tpu.memref_slice %arg18[%dma_wait3A_510, %dma_wait3A_511] : memref<1x128xi32, #tpu.memory_space<vmem>> -> memref<1x128xi32, #tpu.memory_space<vmem>>
    %dma_wait3A_513 = tpu.memref_squeeze %dma_wait3A_512 : memref<1x128xi32, #tpu.memory_space<vmem>> -> memref<128xi32, #tpu.memory_space<vmem>>
    %dma_wait3A_514 = arith.constant 0 : i32
    %dma_wait3A_515 = tpu.memref_slice %arg2[%dma_wait3A_509, %dma_wait3A_514] : memref<2560x128xi32, #tpu.memory_space<hbm>> -> memref<1x128xi32, #tpu.memory_space<hbm>>
    %dma_wait3A_516 = tpu.memref_squeeze %dma_wait3A_515 : memref<1x128xi32, #tpu.memory_space<hbm>> -> memref<128xi32, #tpu.memory_space<hbm>>
    %dma_wait3A_517 = arith.constant 0 : i32
    %dma_wait3A_518 = tpu.memref_slice %arg18[%dma_wait3A_510, %dma_wait3A_517] : memref<1x128xi32, #tpu.memory_space<vmem>> -> memref<1x128xi32, #tpu.memory_space<vmem>>
    %dma_wait3A_519 = tpu.memref_squeeze %dma_wait3A_518 : memref<1x128xi32, #tpu.memory_space<vmem>> -> memref<128xi32, #tpu.memory_space<vmem>>
    %dma_wait3A_520 = arith.constant 0 : i32
    %dma_wait3A_521 = tpu.memref_slice %arg2[%dma_wait3A_509, %dma_wait3A_520] : memref<2560x128xi32, #tpu.memory_space<hbm>> -> memref<1x128xi32, #tpu.memory_space<hbm>>
    %dma_wait3A_522 = tpu.memref_squeeze %dma_wait3A_521 : memref<1x128xi32, #tpu.memory_space<hbm>> -> memref<128xi32, #tpu.memory_space<hbm>>
    tpu.wait_dma2 semaphore(%arg38 : memref<!tpu.dma_semaphore, #tpu.memory_space<semaphore_mem>>) src(%dma_wait3A_522 : memref<128xi32, #tpu.memory_space<hbm>>) dst(%dma_wait3A_519 : memref<128xi32, #tpu.memory_space<vmem>>)
    %dma_wait3A_523 = arith.constant 0 : i32
    %dma_wait3A_524 = arith.constant 0 : i32
    %dma_wait3A_525 = arith.constant 0 : i32
    %dma_wait3A_526 = tpu.memref_slice %arg26[%dma_wait3A_524, %dma_wait3A_525] : memref<1x128xi32, #tpu.memory_space<vmem>> -> memref<1x128xi32, #tpu.memory_space<vmem>>
    %dma_wait3A_527 = tpu.memref_squeeze %dma_wait3A_526 : memref<1x128xi32, #tpu.memory_space<vmem>> -> memref<128xi32, #tpu.memory_space<vmem>>
    %dma_wait3A_528 = arith.constant 0 : i32
    %dma_wait3A_529 = tpu.memref_slice %arg3[%dma_wait3A_523, %dma_wait3A_528] : memref<2560x128xi32, #tpu.memory_space<hbm>> -> memref<1x128xi32, #tpu.memory_space<hbm>>
    %dma_wait3A_530 = tpu.memref_squeeze %dma_wait3A_529 : memref<1x128xi32, #tpu.memory_space<hbm>> -> memref<128xi32, #tpu.memory_space<hbm>>
    %dma_wait3A_531 = arith.constant 0 : i32
    %dma_wait3A_532 = tpu.memref_slice %arg26[%dma_wait3A_524, %dma_wait3A_531] : memref<1x128xi32, #tpu.memory_space<vmem>> -> memref<1x128xi32, #tpu.memory_space<vmem>>
    %dma_wait3A_533 = tpu.memref_squeeze %dma_wait3A_532 : memref<1x128xi32, #tpu.memory_space<vmem>> -> memref<128xi32, #tpu.memory_space<vmem>>
    %dma_wait3A_534 = arith.constant 0 : i32
    %dma_wait3A_535 = tpu.memref_slice %arg3[%dma_wait3A_523, %dma_wait3A_534] : memref<2560x128xi32, #tpu.memory_space<hbm>> -> memref<1x128xi32, #tpu.memory_space<hbm>>
    %dma_wait3A_536 = tpu.memref_squeeze %dma_wait3A_535 : memref<1x128xi32, #tpu.memory_space<hbm>> -> memref<128xi32, #tpu.memory_space<hbm>>
    tpu.wait_dma2 semaphore(%arg46 : memref<!tpu.dma_semaphore, #tpu.memory_space<semaphore_mem>>) src(%dma_wait3A_536 : memref<128xi32, #tpu.memory_space<hbm>>) dst(%dma_wait3A_533 : memref<128xi32, #tpu.memory_space<vmem>>)
    %dma_start3A_537 = arith.constant 0 : i32
    %dma_start3A_538 = arith.constant 0 : i32
    %dma_start3A_539 = tpu.memref_slice %arg18[%dma_start3A_537, %dma_start3A_538] : memref<1x128xi32, #tpu.memory_space<vmem>> -> memref<1x128xi32, #tpu.memory_space<vmem>>
    %dma_start3A_540 = tpu.memref_squeeze %dma_start3A_539 : memref<1x128xi32, #tpu.memory_space<vmem>> -> memref<128xi32, #tpu.memory_space<vmem>>
    %dma_start3A_541 = arith.constant 0 : i32
    %dma_start3A_542 = arith.constant 0 : i32
    %dma_start3A_543 = tpu.memref_slice %arg4[%dma_start3A_541, %dma_start3A_542] : memref<10000x128xf32, #tpu.memory_space<hbm>> -> memref<10000x128xf32, #tpu.memory_space<hbm>>
    tpu.enqueue_indirect_dma source(%dma_start3A_543 : memref<10000x128xf32, #tpu.memory_space<hbm>>) target(%arg30 : memref<128x128xf32, #tpu.memory_space<vmem>>) offsets(%dma_start3A_540 : memref<128xi32, #tpu.memory_space<vmem>>) semaphore(%arg50 : memref<!tpu.dma_semaphore, #tpu.memory_space<semaphore_mem>>)
    %dma_start3A_544 = arith.constant 0 : i32
    %dma_start3A_545 = arith.constant 0 : i32
    %dma_start3A_546 = tpu.memref_slice %arg26[%dma_start3A_544, %dma_start3A_545] : memref<1x128xi32, #tpu.memory_space<vmem>> -> memref<1x128xi32, #tpu.memory_space<vmem>>
    %dma_start3A_547 = tpu.memref_squeeze %dma_start3A_546 : memref<1x128xi32, #tpu.memory_space<vmem>> -> memref<128xi32, #tpu.memory_space<vmem>>
    %dma_start3A_548 = arith.constant 0 : i32
    %dma_start3A_549 = tpu.memref_slice %arg12[%dma_start3A_548] : memref<10240xf32, #tpu.memory_space<vmem_shared>> -> memref<10240xf32, #tpu.memory_space<vmem_shared>>
    tpu.enqueue_indirect_dma source(%dma_start3A_549 : memref<10240xf32, #tpu.memory_space<vmem_shared>>) target(%arg32 : memref<128xf32, #tpu.memory_space<vmem>>) offsets(%dma_start3A_547 : memref<128xi32, #tpu.memory_space<vmem>>) semaphore(%arg52 : memref<!tpu.dma_semaphore, #tpu.memory_space<semaphore_mem>>)
    %dma_wait3A_550 = arith.constant 0 : i32
    %dma_wait3A_551 = arith.constant 0 : i32
    %dma_wait3A_552 = tpu.memref_slice %arg17[%dma_wait3A_550, %dma_wait3A_551] : memref<1x128xi32, #tpu.memory_space<vmem>> -> memref<1x128xi32, #tpu.memory_space<vmem>>
    %dma_wait3A_553 = tpu.memref_squeeze %dma_wait3A_552 : memref<1x128xi32, #tpu.memory_space<vmem>> -> memref<128xi32, #tpu.memory_space<vmem>>
    %dma_wait3A_554 = arith.constant 0 : i32
    %dma_wait3A_555 = arith.constant 0 : i32
    %dma_wait3A_556 = tpu.memref_slice %arg4[%dma_wait3A_554, %dma_wait3A_555] : memref<10000x128xf32, #tpu.memory_space<hbm>> -> memref<10000x128xf32, #tpu.memory_space<hbm>>
    tpu.wait_indirect_dma semaphore(%arg49 : memref<!tpu.dma_semaphore, #tpu.memory_space<semaphore_mem>>) src(%dma_wait3A_556 : memref<10000x128xf32, #tpu.memory_space<hbm>>) dst(%arg29 : memref<128x128xf32, #tpu.memory_space<vmem>>)
    %run_scoped3A_557 = arith.constant 0 : i32
    "tpu.region"() ({
      %run_scoped3A_693 = tpu.sem_alloc : memref<!tpu.dma_semaphore, #tpu.memory_space<semaphore_mem>>
      %dma_start3A_694 = arith.constant 0 : i32
      %dma_start3A_695 = tpu.memref_slice %arg25[%run_scoped3A_557, %dma_start3A_694] : memref<1x128xi32, #tpu.memory_space<vmem>> -> memref<1x128xi32, #tpu.memory_space<vmem>>
      %dma_start3A_696 = tpu.memref_squeeze %dma_start3A_695 : memref<1x128xi32, #tpu.memory_space<vmem>> -> memref<128xi32, #tpu.memory_space<vmem>>
      %dma_start3A_697 = arith.constant 0 : i32
      %dma_start3A_698 = arith.constant 0 : i32
      %dma_start3A_699 = tpu.memref_slice %arg10[%dma_start3A_697, %dma_start3A_698] : memref<10240x128xf32, #tpu.memory_space<vmem_shared>> -> memref<10240x128xf32, #tpu.memory_space<vmem_shared>>
      tpu.enqueue_indirect_dma source(%arg29 : memref<128x128xf32, #tpu.memory_space<vmem>>) target(%dma_start3A_699 : memref<10240x128xf32, #tpu.memory_space<vmem_shared>>) offsets(%dma_start3A_696 : memref<128xi32, #tpu.memory_space<vmem>>) semaphore(%run_scoped3A_693 : memref<!tpu.dma_semaphore, #tpu.memory_space<semaphore_mem>>) {add = true}
      %dma_wait3A_700 = arith.constant 0 : i32
      %dma_wait3A_701 = tpu.memref_slice %arg25[%run_scoped3A_557, %dma_wait3A_700] : memref<1x128xi32, #tpu.memory_space<vmem>> -> memref<1x128xi32, #tpu.memory_space<vmem>>
      %dma_wait3A_702 = tpu.memref_squeeze %dma_wait3A_701 : memref<1x128xi32, #tpu.memory_space<vmem>> -> memref<128xi32, #tpu.memory_space<vmem>>
      %dma_wait3A_703 = arith.constant 0 : i32
      %dma_wait3A_704 = arith.constant 0 : i32
      %dma_wait3A_705 = tpu.memref_slice %arg10[%dma_wait3A_703, %dma_wait3A_704] : memref<10240x128xf32, #tpu.memory_space<vmem_shared>> -> memref<10240x128xf32, #tpu.memory_space<vmem_shared>>
      tpu.wait_indirect_dma semaphore(%run_scoped3A_693 : memref<!tpu.dma_semaphore, #tpu.memory_space<semaphore_mem>>) src(%arg29 : memref<128x128xf32, #tpu.memory_space<vmem>>) dst(%dma_wait3A_705 : memref<10240x128xf32, #tpu.memory_space<vmem_shared>>)
      tpu.yield
    }) : () -> ()
    %dma_wait3A_558 = arith.constant 0 : i32
    %dma_wait3A_559 = arith.constant 0 : i32
    %dma_wait3A_560 = tpu.memref_slice %arg25[%dma_wait3A_558, %dma_wait3A_559] : memref<1x128xi32, #tpu.memory_space<vmem>> -> memref<1x128xi32, #tpu.memory_space<vmem>>
    %dma_wait3A_561 = tpu.memref_squeeze %dma_wait3A_560 : memref<1x128xi32, #tpu.memory_space<vmem>> -> memref<128xi32, #tpu.memory_space<vmem>>
    %dma_wait3A_562 = arith.constant 0 : i32
    %dma_wait3A_563 = tpu.memref_slice %arg12[%dma_wait3A_562] : memref<10240xf32, #tpu.memory_space<vmem_shared>> -> memref<10240xf32, #tpu.memory_space<vmem_shared>>
    tpu.wait_indirect_dma semaphore(%arg51 : memref<!tpu.dma_semaphore, #tpu.memory_space<semaphore_mem>>) src(%dma_wait3A_563 : memref<10240xf32, #tpu.memory_space<vmem_shared>>) dst(%arg31 : memref<128xf32, #tpu.memory_space<vmem>>)
    %run_scoped3A_564 = arith.constant 0 : i32
    "tpu.region"() ({
      %run_scoped3A_693 = tpu.sem_alloc : memref<!tpu.dma_semaphore, #tpu.memory_space<semaphore_mem>>
      %dma_start3A_694 = arith.constant 0 : i32
      %dma_start3A_695 = tpu.memref_slice %arg17[%run_scoped3A_564, %dma_start3A_694] : memref<1x128xi32, #tpu.memory_space<vmem>> -> memref<1x128xi32, #tpu.memory_space<vmem>>
      %dma_start3A_696 = tpu.memref_squeeze %dma_start3A_695 : memref<1x128xi32, #tpu.memory_space<vmem>> -> memref<128xi32, #tpu.memory_space<vmem>>
      %dma_start3A_697 = arith.constant 0 : i32
      %dma_start3A_698 = tpu.memref_slice %arg11[%dma_start3A_697] : memref<10240xf32, #tpu.memory_space<vmem_shared>> -> memref<10240xf32, #tpu.memory_space<vmem_shared>>
      tpu.enqueue_indirect_dma source(%arg31 : memref<128xf32, #tpu.memory_space<vmem>>) target(%dma_start3A_698 : memref<10240xf32, #tpu.memory_space<vmem_shared>>) offsets(%dma_start3A_696 : memref<128xi32, #tpu.memory_space<vmem>>) semaphore(%run_scoped3A_693 : memref<!tpu.dma_semaphore, #tpu.memory_space<semaphore_mem>>) {add = true}
      %dma_wait3A_699 = arith.constant 0 : i32
      %dma_wait3A_700 = tpu.memref_slice %arg17[%run_scoped3A_564, %dma_wait3A_699] : memref<1x128xi32, #tpu.memory_space<vmem>> -> memref<1x128xi32, #tpu.memory_space<vmem>>
      %dma_wait3A_701 = tpu.memref_squeeze %dma_wait3A_700 : memref<1x128xi32, #tpu.memory_space<vmem>> -> memref<128xi32, #tpu.memory_space<vmem>>
      %dma_wait3A_702 = arith.constant 0 : i32
      %dma_wait3A_703 = tpu.memref_slice %arg11[%dma_wait3A_702] : memref<10240xf32, #tpu.memory_space<vmem_shared>> -> memref<10240xf32, #tpu.memory_space<vmem_shared>>
      tpu.wait_indirect_dma semaphore(%run_scoped3A_693 : memref<!tpu.dma_semaphore, #tpu.memory_space<semaphore_mem>>) src(%arg31 : memref<128xf32, #tpu.memory_space<vmem>>) dst(%dma_wait3A_703 : memref<10240xf32, #tpu.memory_space<vmem_shared>>)
      tpu.yield
    }) : () -> ()
    %dma_wait3A_565 = arith.constant 0 : i32
    %dma_wait3A_566 = arith.constant 0 : i32
    %dma_wait3A_567 = arith.constant 0 : i32
    %dma_wait3A_568 = tpu.memref_slice %arg19[%dma_wait3A_566, %dma_wait3A_567] : memref<1x128xi32, #tpu.memory_space<vmem>> -> memref<1x128xi32, #tpu.memory_space<vmem>>
    %dma_wait3A_569 = tpu.memref_squeeze %dma_wait3A_568 : memref<1x128xi32, #tpu.memory_space<vmem>> -> memref<128xi32, #tpu.memory_space<vmem>>
    %dma_wait3A_570 = arith.constant 0 : i32
    %dma_wait3A_571 = tpu.memref_slice %arg2[%dma_wait3A_565, %dma_wait3A_570] : memref<2560x128xi32, #tpu.memory_space<hbm>> -> memref<1x128xi32, #tpu.memory_space<hbm>>
    %dma_wait3A_572 = tpu.memref_squeeze %dma_wait3A_571 : memref<1x128xi32, #tpu.memory_space<hbm>> -> memref<128xi32, #tpu.memory_space<hbm>>
    %dma_wait3A_573 = arith.constant 0 : i32
    %dma_wait3A_574 = tpu.memref_slice %arg19[%dma_wait3A_566, %dma_wait3A_573] : memref<1x128xi32, #tpu.memory_space<vmem>> -> memref<1x128xi32, #tpu.memory_space<vmem>>
    %dma_wait3A_575 = tpu.memref_squeeze %dma_wait3A_574 : memref<1x128xi32, #tpu.memory_space<vmem>> -> memref<128xi32, #tpu.memory_space<vmem>>
    %dma_wait3A_576 = arith.constant 0 : i32
    %dma_wait3A_577 = tpu.memref_slice %arg2[%dma_wait3A_565, %dma_wait3A_576] : memref<2560x128xi32, #tpu.memory_space<hbm>> -> memref<1x128xi32, #tpu.memory_space<hbm>>
    %dma_wait3A_578 = tpu.memref_squeeze %dma_wait3A_577 : memref<1x128xi32, #tpu.memory_space<hbm>> -> memref<128xi32, #tpu.memory_space<hbm>>
    tpu.wait_dma2 semaphore(%arg39 : memref<!tpu.dma_semaphore, #tpu.memory_space<semaphore_mem>>) src(%dma_wait3A_578 : memref<128xi32, #tpu.memory_space<hbm>>) dst(%dma_wait3A_575 : memref<128xi32, #tpu.memory_space<vmem>>)
    %dma_wait3A_579 = arith.constant 0 : i32
    %dma_wait3A_580 = arith.constant 0 : i32
    %dma_wait3A_581 = arith.constant 0 : i32
    %dma_wait3A_582 = tpu.memref_slice %arg27[%dma_wait3A_580, %dma_wait3A_581] : memref<1x128xi32, #tpu.memory_space<vmem>> -> memref<1x128xi32, #tpu.memory_space<vmem>>
    %dma_wait3A_583 = tpu.memref_squeeze %dma_wait3A_582 : memref<1x128xi32, #tpu.memory_space<vmem>> -> memref<128xi32, #tpu.memory_space<vmem>>
    %dma_wait3A_584 = arith.constant 0 : i32
    %dma_wait3A_585 = tpu.memref_slice %arg3[%dma_wait3A_579, %dma_wait3A_584] : memref<2560x128xi32, #tpu.memory_space<hbm>> -> memref<1x128xi32, #tpu.memory_space<hbm>>
    %dma_wait3A_586 = tpu.memref_squeeze %dma_wait3A_585 : memref<1x128xi32, #tpu.memory_space<hbm>> -> memref<128xi32, #tpu.memory_space<hbm>>
    %dma_wait3A_587 = arith.constant 0 : i32
    %dma_wait3A_588 = tpu.memref_slice %arg27[%dma_wait3A_580, %dma_wait3A_587] : memref<1x128xi32, #tpu.memory_space<vmem>> -> memref<1x128xi32, #tpu.memory_space<vmem>>
    %dma_wait3A_589 = tpu.memref_squeeze %dma_wait3A_588 : memref<1x128xi32, #tpu.memory_space<vmem>> -> memref<128xi32, #tpu.memory_space<vmem>>
    %dma_wait3A_590 = arith.constant 0 : i32
    %dma_wait3A_591 = tpu.memref_slice %arg3[%dma_wait3A_579, %dma_wait3A_590] : memref<2560x128xi32, #tpu.memory_space<hbm>> -> memref<1x128xi32, #tpu.memory_space<hbm>>
    %dma_wait3A_592 = tpu.memref_squeeze %dma_wait3A_591 : memref<1x128xi32, #tpu.memory_space<hbm>> -> memref<128xi32, #tpu.memory_space<hbm>>
    tpu.wait_dma2 semaphore(%arg47 : memref<!tpu.dma_semaphore, #tpu.memory_space<semaphore_mem>>) src(%dma_wait3A_592 : memref<128xi32, #tpu.memory_space<hbm>>) dst(%dma_wait3A_589 : memref<128xi32, #tpu.memory_space<vmem>>)
    %dma_start3A_593 = arith.constant 0 : i32
    %dma_start3A_594 = arith.constant 0 : i32
    %dma_start3A_595 = tpu.memref_slice %arg19[%dma_start3A_593, %dma_start3A_594] : memref<1x128xi32, #tpu.memory_space<vmem>> -> memref<1x128xi32, #tpu.memory_space<vmem>>
    %dma_start3A_596 = tpu.memref_squeeze %dma_start3A_595 : memref<1x128xi32, #tpu.memory_space<vmem>> -> memref<128xi32, #tpu.memory_space<vmem>>
    %dma_start3A_597 = arith.constant 0 : i32
    %dma_start3A_598 = arith.constant 0 : i32
    %dma_start3A_599 = tpu.memref_slice %arg4[%dma_start3A_597, %dma_start3A_598] : memref<10000x128xf32, #tpu.memory_space<hbm>> -> memref<10000x128xf32, #tpu.memory_space<hbm>>
    tpu.enqueue_indirect_dma source(%dma_start3A_599 : memref<10000x128xf32, #tpu.memory_space<hbm>>) target(%arg29 : memref<128x128xf32, #tpu.memory_space<vmem>>) offsets(%dma_start3A_596 : memref<128xi32, #tpu.memory_space<vmem>>) semaphore(%arg49 : memref<!tpu.dma_semaphore, #tpu.memory_space<semaphore_mem>>)
    %dma_start3A_600 = arith.constant 0 : i32
    %dma_start3A_601 = arith.constant 0 : i32
    %dma_start3A_602 = tpu.memref_slice %arg27[%dma_start3A_600, %dma_start3A_601] : memref<1x128xi32, #tpu.memory_space<vmem>> -> memref<1x128xi32, #tpu.memory_space<vmem>>
    %dma_start3A_603 = tpu.memref_squeeze %dma_start3A_602 : memref<1x128xi32, #tpu.memory_space<vmem>> -> memref<128xi32, #tpu.memory_space<vmem>>
    %dma_start3A_604 = arith.constant 0 : i32
    %dma_start3A_605 = tpu.memref_slice %arg12[%dma_start3A_604] : memref<10240xf32, #tpu.memory_space<vmem_shared>> -> memref<10240xf32, #tpu.memory_space<vmem_shared>>
    tpu.enqueue_indirect_dma source(%dma_start3A_605 : memref<10240xf32, #tpu.memory_space<vmem_shared>>) target(%arg31 : memref<128xf32, #tpu.memory_space<vmem>>) offsets(%dma_start3A_603 : memref<128xi32, #tpu.memory_space<vmem>>) semaphore(%arg51 : memref<!tpu.dma_semaphore, #tpu.memory_space<semaphore_mem>>)
    %dma_wait3A_606 = arith.constant 0 : i32
    %dma_wait3A_607 = arith.constant 0 : i32
    %dma_wait3A_608 = tpu.memref_slice %arg18[%dma_wait3A_606, %dma_wait3A_607] : memref<1x128xi32, #tpu.memory_space<vmem>> -> memref<1x128xi32, #tpu.memory_space<vmem>>
    %dma_wait3A_609 = tpu.memref_squeeze %dma_wait3A_608 : memref<1x128xi32, #tpu.memory_space<vmem>> -> memref<128xi32, #tpu.memory_space<vmem>>
    %dma_wait3A_610 = arith.constant 0 : i32
    %dma_wait3A_611 = arith.constant 0 : i32
    %dma_wait3A_612 = tpu.memref_slice %arg4[%dma_wait3A_610, %dma_wait3A_611] : memref<10000x128xf32, #tpu.memory_space<hbm>> -> memref<10000x128xf32, #tpu.memory_space<hbm>>
    tpu.wait_indirect_dma semaphore(%arg50 : memref<!tpu.dma_semaphore, #tpu.memory_space<semaphore_mem>>) src(%dma_wait3A_612 : memref<10000x128xf32, #tpu.memory_space<hbm>>) dst(%arg30 : memref<128x128xf32, #tpu.memory_space<vmem>>)
    %run_scoped3A_613 = arith.constant 0 : i32
    "tpu.region"() ({
      %run_scoped3A_693 = tpu.sem_alloc : memref<!tpu.dma_semaphore, #tpu.memory_space<semaphore_mem>>
      %dma_start3A_694 = arith.constant 0 : i32
      %dma_start3A_695 = tpu.memref_slice %arg26[%run_scoped3A_613, %dma_start3A_694] : memref<1x128xi32, #tpu.memory_space<vmem>> -> memref<1x128xi32, #tpu.memory_space<vmem>>
      %dma_start3A_696 = tpu.memref_squeeze %dma_start3A_695 : memref<1x128xi32, #tpu.memory_space<vmem>> -> memref<128xi32, #tpu.memory_space<vmem>>
      %dma_start3A_697 = arith.constant 0 : i32
      %dma_start3A_698 = arith.constant 0 : i32
      %dma_start3A_699 = tpu.memref_slice %arg10[%dma_start3A_697, %dma_start3A_698] : memref<10240x128xf32, #tpu.memory_space<vmem_shared>> -> memref<10240x128xf32, #tpu.memory_space<vmem_shared>>
      tpu.enqueue_indirect_dma source(%arg30 : memref<128x128xf32, #tpu.memory_space<vmem>>) target(%dma_start3A_699 : memref<10240x128xf32, #tpu.memory_space<vmem_shared>>) offsets(%dma_start3A_696 : memref<128xi32, #tpu.memory_space<vmem>>) semaphore(%run_scoped3A_693 : memref<!tpu.dma_semaphore, #tpu.memory_space<semaphore_mem>>) {add = true}
      %dma_wait3A_700 = arith.constant 0 : i32
      %dma_wait3A_701 = tpu.memref_slice %arg26[%run_scoped3A_613, %dma_wait3A_700] : memref<1x128xi32, #tpu.memory_space<vmem>> -> memref<1x128xi32, #tpu.memory_space<vmem>>
      %dma_wait3A_702 = tpu.memref_squeeze %dma_wait3A_701 : memref<1x128xi32, #tpu.memory_space<vmem>> -> memref<128xi32, #tpu.memory_space<vmem>>
      %dma_wait3A_703 = arith.constant 0 : i32
      %dma_wait3A_704 = arith.constant 0 : i32
      %dma_wait3A_705 = tpu.memref_slice %arg10[%dma_wait3A_703, %dma_wait3A_704] : memref<10240x128xf32, #tpu.memory_space<vmem_shared>> -> memref<10240x128xf32, #tpu.memory_space<vmem_shared>>
      tpu.wait_indirect_dma semaphore(%run_scoped3A_693 : memref<!tpu.dma_semaphore, #tpu.memory_space<semaphore_mem>>) src(%arg30 : memref<128x128xf32, #tpu.memory_space<vmem>>) dst(%dma_wait3A_705 : memref<10240x128xf32, #tpu.memory_space<vmem_shared>>)
      tpu.yield
    }) : () -> ()
    %dma_wait3A_614 = arith.constant 0 : i32
    %dma_wait3A_615 = arith.constant 0 : i32
    %dma_wait3A_616 = tpu.memref_slice %arg26[%dma_wait3A_614, %dma_wait3A_615] : memref<1x128xi32, #tpu.memory_space<vmem>> -> memref<1x128xi32, #tpu.memory_space<vmem>>
    %dma_wait3A_617 = tpu.memref_squeeze %dma_wait3A_616 : memref<1x128xi32, #tpu.memory_space<vmem>> -> memref<128xi32, #tpu.memory_space<vmem>>
    %dma_wait3A_618 = arith.constant 0 : i32
    %dma_wait3A_619 = tpu.memref_slice %arg12[%dma_wait3A_618] : memref<10240xf32, #tpu.memory_space<vmem_shared>> -> memref<10240xf32, #tpu.memory_space<vmem_shared>>
    tpu.wait_indirect_dma semaphore(%arg52 : memref<!tpu.dma_semaphore, #tpu.memory_space<semaphore_mem>>) src(%dma_wait3A_619 : memref<10240xf32, #tpu.memory_space<vmem_shared>>) dst(%arg32 : memref<128xf32, #tpu.memory_space<vmem>>)
    %run_scoped3A_620 = arith.constant 0 : i32
    "tpu.region"() ({
      %run_scoped3A_693 = tpu.sem_alloc : memref<!tpu.dma_semaphore, #tpu.memory_space<semaphore_mem>>
      %dma_start3A_694 = arith.constant 0 : i32
      %dma_start3A_695 = tpu.memref_slice %arg18[%run_scoped3A_620, %dma_start3A_694] : memref<1x128xi32, #tpu.memory_space<vmem>> -> memref<1x128xi32, #tpu.memory_space<vmem>>
      %dma_start3A_696 = tpu.memref_squeeze %dma_start3A_695 : memref<1x128xi32, #tpu.memory_space<vmem>> -> memref<128xi32, #tpu.memory_space<vmem>>
      %dma_start3A_697 = arith.constant 0 : i32
      %dma_start3A_698 = tpu.memref_slice %arg11[%dma_start3A_697] : memref<10240xf32, #tpu.memory_space<vmem_shared>> -> memref<10240xf32, #tpu.memory_space<vmem_shared>>
      tpu.enqueue_indirect_dma source(%arg32 : memref<128xf32, #tpu.memory_space<vmem>>) target(%dma_start3A_698 : memref<10240xf32, #tpu.memory_space<vmem_shared>>) offsets(%dma_start3A_696 : memref<128xi32, #tpu.memory_space<vmem>>) semaphore(%run_scoped3A_693 : memref<!tpu.dma_semaphore, #tpu.memory_space<semaphore_mem>>) {add = true}
      %dma_wait3A_699 = arith.constant 0 : i32
      %dma_wait3A_700 = tpu.memref_slice %arg18[%run_scoped3A_620, %dma_wait3A_699] : memref<1x128xi32, #tpu.memory_space<vmem>> -> memref<1x128xi32, #tpu.memory_space<vmem>>
      %dma_wait3A_701 = tpu.memref_squeeze %dma_wait3A_700 : memref<1x128xi32, #tpu.memory_space<vmem>> -> memref<128xi32, #tpu.memory_space<vmem>>
      %dma_wait3A_702 = arith.constant 0 : i32
      %dma_wait3A_703 = tpu.memref_slice %arg11[%dma_wait3A_702] : memref<10240xf32, #tpu.memory_space<vmem_shared>> -> memref<10240xf32, #tpu.memory_space<vmem_shared>>
      tpu.wait_indirect_dma semaphore(%run_scoped3A_693 : memref<!tpu.dma_semaphore, #tpu.memory_space<semaphore_mem>>) src(%arg32 : memref<128xf32, #tpu.memory_space<vmem>>) dst(%dma_wait3A_703 : memref<10240xf32, #tpu.memory_space<vmem_shared>>)
      tpu.yield
    }) : () -> ()
    %dma_wait3A_621 = arith.constant 0 : i32
    %dma_wait3A_622 = arith.constant 0 : i32
    %dma_wait3A_623 = arith.constant 0 : i32
    %dma_wait3A_624 = tpu.memref_slice %arg20[%dma_wait3A_622, %dma_wait3A_623] : memref<1x128xi32, #tpu.memory_space<vmem>> -> memref<1x128xi32, #tpu.memory_space<vmem>>
    %dma_wait3A_625 = tpu.memref_squeeze %dma_wait3A_624 : memref<1x128xi32, #tpu.memory_space<vmem>> -> memref<128xi32, #tpu.memory_space<vmem>>
    %dma_wait3A_626 = arith.constant 0 : i32
    %dma_wait3A_627 = tpu.memref_slice %arg2[%dma_wait3A_621, %dma_wait3A_626] : memref<2560x128xi32, #tpu.memory_space<hbm>> -> memref<1x128xi32, #tpu.memory_space<hbm>>
    %dma_wait3A_628 = tpu.memref_squeeze %dma_wait3A_627 : memref<1x128xi32, #tpu.memory_space<hbm>> -> memref<128xi32, #tpu.memory_space<hbm>>
    %dma_wait3A_629 = arith.constant 0 : i32
    %dma_wait3A_630 = tpu.memref_slice %arg20[%dma_wait3A_622, %dma_wait3A_629] : memref<1x128xi32, #tpu.memory_space<vmem>> -> memref<1x128xi32, #tpu.memory_space<vmem>>
    %dma_wait3A_631 = tpu.memref_squeeze %dma_wait3A_630 : memref<1x128xi32, #tpu.memory_space<vmem>> -> memref<128xi32, #tpu.memory_space<vmem>>
    %dma_wait3A_632 = arith.constant 0 : i32
    %dma_wait3A_633 = tpu.memref_slice %arg2[%dma_wait3A_621, %dma_wait3A_632] : memref<2560x128xi32, #tpu.memory_space<hbm>> -> memref<1x128xi32, #tpu.memory_space<hbm>>
    %dma_wait3A_634 = tpu.memref_squeeze %dma_wait3A_633 : memref<1x128xi32, #tpu.memory_space<hbm>> -> memref<128xi32, #tpu.memory_space<hbm>>
    tpu.wait_dma2 semaphore(%arg40 : memref<!tpu.dma_semaphore, #tpu.memory_space<semaphore_mem>>) src(%dma_wait3A_634 : memref<128xi32, #tpu.memory_space<hbm>>) dst(%dma_wait3A_631 : memref<128xi32, #tpu.memory_space<vmem>>)
    %dma_wait3A_635 = arith.constant 0 : i32
    %dma_wait3A_636 = arith.constant 0 : i32
    %dma_wait3A_637 = arith.constant 0 : i32
    %dma_wait3A_638 = tpu.memref_slice %arg28[%dma_wait3A_636, %dma_wait3A_637] : memref<1x128xi32, #tpu.memory_space<vmem>> -> memref<1x128xi32, #tpu.memory_space<vmem>>
    %dma_wait3A_639 = tpu.memref_squeeze %dma_wait3A_638 : memref<1x128xi32, #tpu.memory_space<vmem>> -> memref<128xi32, #tpu.memory_space<vmem>>
    %dma_wait3A_640 = arith.constant 0 : i32
    %dma_wait3A_641 = tpu.memref_slice %arg3[%dma_wait3A_635, %dma_wait3A_640] : memref<2560x128xi32, #tpu.memory_space<hbm>> -> memref<1x128xi32, #tpu.memory_space<hbm>>
    %dma_wait3A_642 = tpu.memref_squeeze %dma_wait3A_641 : memref<1x128xi32, #tpu.memory_space<hbm>> -> memref<128xi32, #tpu.memory_space<hbm>>
    %dma_wait3A_643 = arith.constant 0 : i32
    %dma_wait3A_644 = tpu.memref_slice %arg28[%dma_wait3A_636, %dma_wait3A_643] : memref<1x128xi32, #tpu.memory_space<vmem>> -> memref<1x128xi32, #tpu.memory_space<vmem>>
    %dma_wait3A_645 = tpu.memref_squeeze %dma_wait3A_644 : memref<1x128xi32, #tpu.memory_space<vmem>> -> memref<128xi32, #tpu.memory_space<vmem>>
    %dma_wait3A_646 = arith.constant 0 : i32
    %dma_wait3A_647 = tpu.memref_slice %arg3[%dma_wait3A_635, %dma_wait3A_646] : memref<2560x128xi32, #tpu.memory_space<hbm>> -> memref<1x128xi32, #tpu.memory_space<hbm>>
    %dma_wait3A_648 = tpu.memref_squeeze %dma_wait3A_647 : memref<1x128xi32, #tpu.memory_space<hbm>> -> memref<128xi32, #tpu.memory_space<hbm>>
    tpu.wait_dma2 semaphore(%arg48 : memref<!tpu.dma_semaphore, #tpu.memory_space<semaphore_mem>>) src(%dma_wait3A_648 : memref<128xi32, #tpu.memory_space<hbm>>) dst(%dma_wait3A_645 : memref<128xi32, #tpu.memory_space<vmem>>)
    %dma_start3A_649 = arith.constant 0 : i32
    %dma_start3A_650 = arith.constant 0 : i32
    %dma_start3A_651 = tpu.memref_slice %arg20[%dma_start3A_649, %dma_start3A_650] : memref<1x128xi32, #tpu.memory_space<vmem>> -> memref<1x128xi32, #tpu.memory_space<vmem>>
    %dma_start3A_652 = tpu.memref_squeeze %dma_start3A_651 : memref<1x128xi32, #tpu.memory_space<vmem>> -> memref<128xi32, #tpu.memory_space<vmem>>
    %dma_start3A_653 = arith.constant 0 : i32
    %dma_start3A_654 = arith.constant 0 : i32
    %dma_start3A_655 = tpu.memref_slice %arg4[%dma_start3A_653, %dma_start3A_654] : memref<10000x128xf32, #tpu.memory_space<hbm>> -> memref<10000x128xf32, #tpu.memory_space<hbm>>
    tpu.enqueue_indirect_dma source(%dma_start3A_655 : memref<10000x128xf32, #tpu.memory_space<hbm>>) target(%arg30 : memref<128x128xf32, #tpu.memory_space<vmem>>) offsets(%dma_start3A_652 : memref<128xi32, #tpu.memory_space<vmem>>) semaphore(%arg50 : memref<!tpu.dma_semaphore, #tpu.memory_space<semaphore_mem>>)
    %dma_start3A_656 = arith.constant 0 : i32
    %dma_start3A_657 = arith.constant 0 : i32
    %dma_start3A_658 = tpu.memref_slice %arg28[%dma_start3A_656, %dma_start3A_657] : memref<1x128xi32, #tpu.memory_space<vmem>> -> memref<1x128xi32, #tpu.memory_space<vmem>>
    %dma_start3A_659 = tpu.memref_squeeze %dma_start3A_658 : memref<1x128xi32, #tpu.memory_space<vmem>> -> memref<128xi32, #tpu.memory_space<vmem>>
    %dma_start3A_660 = arith.constant 0 : i32
    %dma_start3A_661 = tpu.memref_slice %arg12[%dma_start3A_660] : memref<10240xf32, #tpu.memory_space<vmem_shared>> -> memref<10240xf32, #tpu.memory_space<vmem_shared>>
    tpu.enqueue_indirect_dma source(%dma_start3A_661 : memref<10240xf32, #tpu.memory_space<vmem_shared>>) target(%arg32 : memref<128xf32, #tpu.memory_space<vmem>>) offsets(%dma_start3A_659 : memref<128xi32, #tpu.memory_space<vmem>>) semaphore(%arg52 : memref<!tpu.dma_semaphore, #tpu.memory_space<semaphore_mem>>)
    %dma_wait3A_662 = arith.constant 0 : i32
    %dma_wait3A_663 = arith.constant 0 : i32
    %dma_wait3A_664 = tpu.memref_slice %arg19[%dma_wait3A_662, %dma_wait3A_663] : memref<1x128xi32, #tpu.memory_space<vmem>> -> memref<1x128xi32, #tpu.memory_space<vmem>>
    %dma_wait3A_665 = tpu.memref_squeeze %dma_wait3A_664 : memref<1x128xi32, #tpu.memory_space<vmem>> -> memref<128xi32, #tpu.memory_space<vmem>>
    %dma_wait3A_666 = arith.constant 0 : i32
    %dma_wait3A_667 = arith.constant 0 : i32
    %dma_wait3A_668 = tpu.memref_slice %arg4[%dma_wait3A_666, %dma_wait3A_667] : memref<10000x128xf32, #tpu.memory_space<hbm>> -> memref<10000x128xf32, #tpu.memory_space<hbm>>
    tpu.wait_indirect_dma semaphore(%arg49 : memref<!tpu.dma_semaphore, #tpu.memory_space<semaphore_mem>>) src(%dma_wait3A_668 : memref<10000x128xf32, #tpu.memory_space<hbm>>) dst(%arg29 : memref<128x128xf32, #tpu.memory_space<vmem>>)
    %run_scoped3A_669 = arith.constant 0 : i32
    "tpu.region"() ({
      %run_scoped3A_693 = tpu.sem_alloc : memref<!tpu.dma_semaphore, #tpu.memory_space<semaphore_mem>>
      %dma_start3A_694 = arith.constant 0 : i32
      %dma_start3A_695 = tpu.memref_slice %arg27[%run_scoped3A_669, %dma_start3A_694] : memref<1x128xi32, #tpu.memory_space<vmem>> -> memref<1x128xi32, #tpu.memory_space<vmem>>
      %dma_start3A_696 = tpu.memref_squeeze %dma_start3A_695 : memref<1x128xi32, #tpu.memory_space<vmem>> -> memref<128xi32, #tpu.memory_space<vmem>>
      %dma_start3A_697 = arith.constant 0 : i32
      %dma_start3A_698 = arith.constant 0 : i32
      %dma_start3A_699 = tpu.memref_slice %arg10[%dma_start3A_697, %dma_start3A_698] : memref<10240x128xf32, #tpu.memory_space<vmem_shared>> -> memref<10240x128xf32, #tpu.memory_space<vmem_shared>>
      tpu.enqueue_indirect_dma source(%arg29 : memref<128x128xf32, #tpu.memory_space<vmem>>) target(%dma_start3A_699 : memref<10240x128xf32, #tpu.memory_space<vmem_shared>>) offsets(%dma_start3A_696 : memref<128xi32, #tpu.memory_space<vmem>>) semaphore(%run_scoped3A_693 : memref<!tpu.dma_semaphore, #tpu.memory_space<semaphore_mem>>) {add = true}
      %dma_wait3A_700 = arith.constant 0 : i32
      %dma_wait3A_701 = tpu.memref_slice %arg27[%run_scoped3A_669, %dma_wait3A_700] : memref<1x128xi32, #tpu.memory_space<vmem>> -> memref<1x128xi32, #tpu.memory_space<vmem>>
      %dma_wait3A_702 = tpu.memref_squeeze %dma_wait3A_701 : memref<1x128xi32, #tpu.memory_space<vmem>> -> memref<128xi32, #tpu.memory_space<vmem>>
      %dma_wait3A_703 = arith.constant 0 : i32
      %dma_wait3A_704 = arith.constant 0 : i32
      %dma_wait3A_705 = tpu.memref_slice %arg10[%dma_wait3A_703, %dma_wait3A_704] : memref<10240x128xf32, #tpu.memory_space<vmem_shared>> -> memref<10240x128xf32, #tpu.memory_space<vmem_shared>>
      tpu.wait_indirect_dma semaphore(%run_scoped3A_693 : memref<!tpu.dma_semaphore, #tpu.memory_space<semaphore_mem>>) src(%arg29 : memref<128x128xf32, #tpu.memory_space<vmem>>) dst(%dma_wait3A_705 : memref<10240x128xf32, #tpu.memory_space<vmem_shared>>)
      tpu.yield
    }) : () -> ()
    %dma_wait3A_670 = arith.constant 0 : i32
    %dma_wait3A_671 = arith.constant 0 : i32
    %dma_wait3A_672 = tpu.memref_slice %arg27[%dma_wait3A_670, %dma_wait3A_671] : memref<1x128xi32, #tpu.memory_space<vmem>> -> memref<1x128xi32, #tpu.memory_space<vmem>>
    %dma_wait3A_673 = tpu.memref_squeeze %dma_wait3A_672 : memref<1x128xi32, #tpu.memory_space<vmem>> -> memref<128xi32, #tpu.memory_space<vmem>>
    %dma_wait3A_674 = arith.constant 0 : i32
    %dma_wait3A_675 = tpu.memref_slice %arg12[%dma_wait3A_674] : memref<10240xf32, #tpu.memory_space<vmem_shared>> -> memref<10240xf32, #tpu.memory_space<vmem_shared>>
    tpu.wait_indirect_dma semaphore(%arg51 : memref<!tpu.dma_semaphore, #tpu.memory_space<semaphore_mem>>) src(%dma_wait3A_675 : memref<10240xf32, #tpu.memory_space<vmem_shared>>) dst(%arg31 : memref<128xf32, #tpu.memory_space<vmem>>)
    %run_scoped3A_676 = arith.constant 0 : i32
    "tpu.region"() ({
      %run_scoped3A_693 = tpu.sem_alloc : memref<!tpu.dma_semaphore, #tpu.memory_space<semaphore_mem>>
      %dma_start3A_694 = arith.constant 0 : i32
      %dma_start3A_695 = tpu.memref_slice %arg19[%run_scoped3A_676, %dma_start3A_694] : memref<1x128xi32, #tpu.memory_space<vmem>> -> memref<1x128xi32, #tpu.memory_space<vmem>>
      %dma_start3A_696 = tpu.memref_squeeze %dma_start3A_695 : memref<1x128xi32, #tpu.memory_space<vmem>> -> memref<128xi32, #tpu.memory_space<vmem>>
      %dma_start3A_697 = arith.constant 0 : i32
      %dma_start3A_698 = tpu.memref_slice %arg11[%dma_start3A_697] : memref<10240xf32, #tpu.memory_space<vmem_shared>> -> memref<10240xf32, #tpu.memory_space<vmem_shared>>
      tpu.enqueue_indirect_dma source(%arg31 : memref<128xf32, #tpu.memory_space<vmem>>) target(%dma_start3A_698 : memref<10240xf32, #tpu.memory_space<vmem_shared>>) offsets(%dma_start3A_696 : memref<128xi32, #tpu.memory_space<vmem>>) semaphore(%run_scoped3A_693 : memref<!tpu.dma_semaphore, #tpu.memory_space<semaphore_mem>>) {add = true}
      %dma_wait3A_699 = arith.constant 0 : i32
      %dma_wait3A_700 = tpu.memref_slice %arg19[%run_scoped3A_676, %dma_wait3A_699] : memref<1x128xi32, #tpu.memory_space<vmem>> -> memref<1x128xi32, #tpu.memory_space<vmem>>
      %dma_wait3A_701 = tpu.memref_squeeze %dma_wait3A_700 : memref<1x128xi32, #tpu.memory_space<vmem>> -> memref<128xi32, #tpu.memory_space<vmem>>
      %dma_wait3A_702 = arith.constant 0 : i32
      %dma_wait3A_703 = tpu.memref_slice %arg11[%dma_wait3A_702] : memref<10240xf32, #tpu.memory_space<vmem_shared>> -> memref<10240xf32, #tpu.memory_space<vmem_shared>>
      tpu.wait_indirect_dma semaphore(%run_scoped3A_693 : memref<!tpu.dma_semaphore, #tpu.memory_space<semaphore_mem>>) src(%arg31 : memref<128xf32, #tpu.memory_space<vmem>>) dst(%dma_wait3A_703 : memref<10240xf32, #tpu.memory_space<vmem_shared>>)
      tpu.yield
    }) : () -> ()
    %dma_wait3A_677 = arith.constant 0 : i32
    %dma_wait3A_678 = arith.constant 0 : i32
    %dma_wait3A_679 = tpu.memref_slice %arg20[%dma_wait3A_677, %dma_wait3A_678] : memref<1x128xi32, #tpu.memory_space<vmem>> -> memref<1x128xi32, #tpu.memory_space<vmem>>
    %dma_wait3A_680 = tpu.memref_squeeze %dma_wait3A_679 : memref<1x128xi32, #tpu.memory_space<vmem>> -> memref<128xi32, #tpu.memory_space<vmem>>
    %dma_wait3A_681 = arith.constant 0 : i32
    %dma_wait3A_682 = arith.constant 0 : i32
    %dma_wait3A_683 = tpu.memref_slice %arg4[%dma_wait3A_681, %dma_wait3A_682] : memref<10000x128xf32, #tpu.memory_space<hbm>> -> memref<10000x128xf32, #tpu.memory_space<hbm>>
    tpu.wait_indirect_dma semaphore(%arg50 : memref<!tpu.dma_semaphore, #tpu.memory_space<semaphore_mem>>) src(%dma_wait3A_683 : memref<10000x128xf32, #tpu.memory_space<hbm>>) dst(%arg30 : memref<128x128xf32, #tpu.memory_space<vmem>>)
    %run_scoped3A_684 = arith.constant 0 : i32
    "tpu.region"() ({
      %run_scoped3A_693 = tpu.sem_alloc : memref<!tpu.dma_semaphore, #tpu.memory_space<semaphore_mem>>
      %dma_start3A_694 = arith.constant 0 : i32
      %dma_start3A_695 = tpu.memref_slice %arg28[%run_scoped3A_684, %dma_start3A_694] : memref<1x128xi32, #tpu.memory_space<vmem>> -> memref<1x128xi32, #tpu.memory_space<vmem>>
      %dma_start3A_696 = tpu.memref_squeeze %dma_start3A_695 : memref<1x128xi32, #tpu.memory_space<vmem>> -> memref<128xi32, #tpu.memory_space<vmem>>
      %dma_start3A_697 = arith.constant 0 : i32
      %dma_start3A_698 = arith.constant 0 : i32
      %dma_start3A_699 = tpu.memref_slice %arg10[%dma_start3A_697, %dma_start3A_698] : memref<10240x128xf32, #tpu.memory_space<vmem_shared>> -> memref<10240x128xf32, #tpu.memory_space<vmem_shared>>
      tpu.enqueue_indirect_dma source(%arg30 : memref<128x128xf32, #tpu.memory_space<vmem>>) target(%dma_start3A_699 : memref<10240x128xf32, #tpu.memory_space<vmem_shared>>) offsets(%dma_start3A_696 : memref<128xi32, #tpu.memory_space<vmem>>) semaphore(%run_scoped3A_693 : memref<!tpu.dma_semaphore, #tpu.memory_space<semaphore_mem>>) {add = true}
      %dma_wait3A_700 = arith.constant 0 : i32
      %dma_wait3A_701 = tpu.memref_slice %arg28[%run_scoped3A_684, %dma_wait3A_700] : memref<1x128xi32, #tpu.memory_space<vmem>> -> memref<1x128xi32, #tpu.memory_space<vmem>>
      %dma_wait3A_702 = tpu.memref_squeeze %dma_wait3A_701 : memref<1x128xi32, #tpu.memory_space<vmem>> -> memref<128xi32, #tpu.memory_space<vmem>>
      %dma_wait3A_703 = arith.constant 0 : i32
      %dma_wait3A_704 = arith.constant 0 : i32
      %dma_wait3A_705 = tpu.memref_slice %arg10[%dma_wait3A_703, %dma_wait3A_704] : memref<10240x128xf32, #tpu.memory_space<vmem_shared>> -> memref<10240x128xf32, #tpu.memory_space<vmem_shared>>
      tpu.wait_indirect_dma semaphore(%run_scoped3A_693 : memref<!tpu.dma_semaphore, #tpu.memory_space<semaphore_mem>>) src(%arg30 : memref<128x128xf32, #tpu.memory_space<vmem>>) dst(%dma_wait3A_705 : memref<10240x128xf32, #tpu.memory_space<vmem_shared>>)
      tpu.yield
    }) : () -> ()
    %dma_wait3A_685 = arith.constant 0 : i32
    %dma_wait3A_686 = arith.constant 0 : i32
    %dma_wait3A_687 = tpu.memref_slice %arg28[%dma_wait3A_685, %dma_wait3A_686] : memref<1x128xi32, #tpu.memory_space<vmem>> -> memref<1x128xi32, #tpu.memory_space<vmem>>
    %dma_wait3A_688 = tpu.memref_squeeze %dma_wait3A_687 : memref<1x128xi32, #tpu.memory_space<vmem>> -> memref<128xi32, #tpu.memory_space<vmem>>
    %dma_wait3A_689 = arith.constant 0 : i32
    %dma_wait3A_690 = tpu.memref_slice %arg12[%dma_wait3A_689] : memref<10240xf32, #tpu.memory_space<vmem_shared>> -> memref<10240xf32, #tpu.memory_space<vmem_shared>>
    tpu.wait_indirect_dma semaphore(%arg52 : memref<!tpu.dma_semaphore, #tpu.memory_space<semaphore_mem>>) src(%dma_wait3A_690 : memref<10240xf32, #tpu.memory_space<vmem_shared>>) dst(%arg32 : memref<128xf32, #tpu.memory_space<vmem>>)
    %run_scoped3A_691 = arith.constant 0 : i32
    "tpu.region"() ({
      %run_scoped3A_693 = tpu.sem_alloc : memref<!tpu.dma_semaphore, #tpu.memory_space<semaphore_mem>>
      %dma_start3A_694 = arith.constant 0 : i32
      %dma_start3A_695 = tpu.memref_slice %arg20[%run_scoped3A_691, %dma_start3A_694] : memref<1x128xi32, #tpu.memory_space<vmem>> -> memref<1x128xi32, #tpu.memory_space<vmem>>
      %dma_start3A_696 = tpu.memref_squeeze %dma_start3A_695 : memref<1x128xi32, #tpu.memory_space<vmem>> -> memref<128xi32, #tpu.memory_space<vmem>>
      %dma_start3A_697 = arith.constant 0 : i32
      %dma_start3A_698 = tpu.memref_slice %arg11[%dma_start3A_697] : memref<10240xf32, #tpu.memory_space<vmem_shared>> -> memref<10240xf32, #tpu.memory_space<vmem_shared>>
      tpu.enqueue_indirect_dma source(%arg32 : memref<128xf32, #tpu.memory_space<vmem>>) target(%dma_start3A_698 : memref<10240xf32, #tpu.memory_space<vmem_shared>>) offsets(%dma_start3A_696 : memref<128xi32, #tpu.memory_space<vmem>>) semaphore(%run_scoped3A_693 : memref<!tpu.dma_semaphore, #tpu.memory_space<semaphore_mem>>) {add = true}
      %dma_wait3A_699 = arith.constant 0 : i32
      %dma_wait3A_700 = tpu.memref_slice %arg20[%run_scoped3A_691, %dma_wait3A_699] : memref<1x128xi32, #tpu.memory_space<vmem>> -> memref<1x128xi32, #tpu.memory_space<vmem>>
      %dma_wait3A_701 = tpu.memref_squeeze %dma_wait3A_700 : memref<1x128xi32, #tpu.memory_space<vmem>> -> memref<128xi32, #tpu.memory_space<vmem>>
      %dma_wait3A_702 = arith.constant 0 : i32
      %dma_wait3A_703 = tpu.memref_slice %arg11[%dma_wait3A_702] : memref<10240xf32, #tpu.memory_space<vmem_shared>> -> memref<10240xf32, #tpu.memory_space<vmem_shared>>
      tpu.wait_indirect_dma semaphore(%run_scoped3A_693 : memref<!tpu.dma_semaphore, #tpu.memory_space<semaphore_mem>>) src(%arg32 : memref<128xf32, #tpu.memory_space<vmem>>) dst(%dma_wait3A_703 : memref<10240xf32, #tpu.memory_space<vmem_shared>>)
      tpu.yield
    }) : () -> ()
    %barrier3A_692 = arith.constant 0 : index
    tpu.barrier barrier_id(%barrier3A_692)
    "tpu.region"() ({
      %run_scoped3A_693 = tpu.sem_alloc : memref<!tpu.dma_semaphore, #tpu.memory_space<semaphore_mem>>
      %dma_start3A_694 = arith.constant 0 : i32
      %dma_start3A_695 = tpu.memref_slice %arg8[%arg0, %multiple_of3A, %dma_start3A_694] : memref<2x10240x128xf32, #tpu.memory_space<hbm>> -> memref<1x640x128xf32, #tpu.memory_space<hbm>>
      %dma_start3A_696 = tpu.memref_squeeze %dma_start3A_695 : memref<1x640x128xf32, #tpu.memory_space<hbm>> -> memref<640x128xf32, #tpu.memory_space<hbm>>
      %dma_start3A_697 = arith.constant 0 : i32
      %dma_start3A_698 = tpu.memref_slice %arg10[%multiple_of3A, %dma_start3A_697] : memref<10240x128xf32, #tpu.memory_space<vmem_shared>> -> memref<640x128xf32, #tpu.memory_space<vmem_shared>>
      tpu.enqueue_dma source(%dma_start3A_698 : memref<640x128xf32, #tpu.memory_space<vmem_shared>>) target(%dma_start3A_696 : memref<640x128xf32, #tpu.memory_space<hbm>>) target_semaphore(%run_scoped3A_693 : memref<!tpu.dma_semaphore, #tpu.memory_space<semaphore_mem>>)
      %dma_wait3A_699 = arith.constant 0 : i32
      %dma_wait3A_700 = tpu.memref_slice %arg8[%arg0, %multiple_of3A, %dma_wait3A_699] : memref<2x10240x128xf32, #tpu.memory_space<hbm>> -> memref<1x640x128xf32, #tpu.memory_space<hbm>>
      %dma_wait3A_701 = tpu.memref_squeeze %dma_wait3A_700 : memref<1x640x128xf32, #tpu.memory_space<hbm>> -> memref<640x128xf32, #tpu.memory_space<hbm>>
      %dma_wait3A_702 = arith.constant 0 : i32
      %dma_wait3A_703 = tpu.memref_slice %arg10[%multiple_of3A, %dma_wait3A_702] : memref<10240x128xf32, #tpu.memory_space<vmem_shared>> -> memref<640x128xf32, #tpu.memory_space<vmem_shared>>
      tpu.wait_dma2 semaphore(%run_scoped3A_693 : memref<!tpu.dma_semaphore, #tpu.memory_space<semaphore_mem>>) src(%dma_wait3A_703 : memref<640x128xf32, #tpu.memory_space<vmem_shared>>) dst(%dma_wait3A_701 : memref<640x128xf32, #tpu.memory_space<hbm>>)
      tpu.yield
    }) : () -> ()
    "tpu.region"() ({
      %run_scoped3A_693 = tpu.sem_alloc : memref<!tpu.dma_semaphore, #tpu.memory_space<semaphore_mem>>
      %dma_start3A_694 = tpu.memref_slice %arg9[%arg0, %multiple_of3A] : memref<2x10240xf32, #tpu.memory_space<hbm>> -> memref<1x640xf32, #tpu.memory_space<hbm>>
      %dma_start3A_695 = tpu.memref_squeeze %dma_start3A_694 : memref<1x640xf32, #tpu.memory_space<hbm>> -> memref<640xf32, #tpu.memory_space<hbm>>
      %dma_start3A_696 = tpu.memref_slice %arg11[%multiple_of3A] : memref<10240xf32, #tpu.memory_space<vmem_shared>> -> memref<640xf32, #tpu.memory_space<vmem_shared>>
      tpu.enqueue_dma source(%dma_start3A_696 : memref<640xf32, #tpu.memory_space<vmem_shared>>) target(%dma_start3A_695 : memref<640xf32, #tpu.memory_space<hbm>>) target_semaphore(%run_scoped3A_693 : memref<!tpu.dma_semaphore, #tpu.memory_space<semaphore_mem>>)
      %dma_wait3A_697 = tpu.memref_slice %arg9[%arg0, %multiple_of3A] : memref<2x10240xf32, #tpu.memory_space<hbm>> -> memref<1x640xf32, #tpu.memory_space<hbm>>
      %dma_wait3A_698 = tpu.memref_squeeze %dma_wait3A_697 : memref<1x640xf32, #tpu.memory_space<hbm>> -> memref<640xf32, #tpu.memory_space<hbm>>
      %dma_wait3A_699 = tpu.memref_slice %arg11[%multiple_of3A] : memref<10240xf32, #tpu.memory_space<vmem_shared>> -> memref<640xf32, #tpu.memory_space<vmem_shared>>
      tpu.wait_dma2 semaphore(%run_scoped3A_693 : memref<!tpu.dma_semaphore, #tpu.memory_space<semaphore_mem>>) src(%dma_wait3A_699 : memref<640xf32, #tpu.memory_space<vmem_shared>>) dst(%dma_wait3A_698 : memref<640xf32, #tpu.memory_space<hbm>>)
      tpu.yield
    }) : () -> ()
    return
  }
}

module attributes {stable_mosaic.version = 14 : i64} {
  func.func @body(%arg0: i32, %arg1: memref<2000x128xf32, #tpu.memory_space<vmem>>, %arg2: memref<128x128xf32, #tpu.memory_space<vmem>>, %arg3: memref<2000x128xf32, #tpu.memory_space<vmem>>) attributes {dimension_semantics = [#tpu.dimension_semantics<arbitrary>], iteration_bounds = array<i64: 5>, scalar_prefetch = 0 : i64, scratch_operands = 0 : i64, tpu.core_type = #tpu.core_type<tc>, window_params = [{transform_indices = @transform_0, window_bounds = array<i64: 2000, 128>}, {pipeline_mode = #tpu.pipeline_mode<synchronous>, transform_indices = @transform_1, window_bounds = array<i64: 128, 128>}, {transform_indices = @transform_2, window_bounds = array<i64: 2000, 128>}]} {
    %get3A = arith.constant 0 : index
    %get3A_0 = arith.constant 0 : index
    %get3A_1 = vector.load %arg1[%get3A, %get3A_0] : memref<2000x128xf32, #tpu.memory_space<vmem>>, vector<2000x128xf32>
    %get3A_2 = arith.constant 0 : index
    %get3A_3 = arith.constant 0 : index
    %get3A_4 = vector.load %arg2[%get3A_2, %get3A_3] : memref<128x128xf32, #tpu.memory_space<vmem>>, vector<128x128xf32>
    %dot_general3A = arith.constant dense<0.000000e+00> : vector<2000x128xf32>
    %dot_general3A_5 = tpu.matmul %get3A_1, %get3A_4, %dot_general3A {dimension_numbers = #tpu.dot_dimension_numbers<[1], [0], [0], [1], [0, 0, 1, 1], [], []>, precision = #tpu.contract_precision<fp32>, transpose_lhs_hint = false} : vector<2000x128xf32>, vector<128x128xf32>, vector<2000x128xf32> -> vector<2000x128xf32>
    %swap3A = arith.constant 0 : index
    %swap3A_6 = arith.constant 0 : index
    %swap3A_7 = vector.load %arg3[%swap3A, %swap3A_6] : memref<2000x128xf32, #tpu.memory_space<vmem>>, vector<2000x128xf32>
    tpu.vector_store %arg3[%swap3A, %swap3A_6], %dot_general3A_5 {strides = array<i32>} : memref<2000x128xf32, #tpu.memory_space<vmem>>, vector<2000x128xf32>,
    return
  }
  func.func @transform_0(%arg0: i32) -> (i32, i32) {
    %c0_i32 = arith.constant 0 : i32
    %c0_i32_0 = arith.constant 0 : i32
    return %arg0, %c0_i32 : i32, i32
  }
  func.func @transform_1(%arg0: i32) -> (i32, i32) {
    %c0_i32 = arith.constant 0 : i32
    %c0_i32_0 = arith.constant 0 : i32
    %c0_i32_1 = arith.constant 0 : i32
    return %c0_i32, %c0_i32_0 : i32, i32
  }
  func.func @transform_2(%arg0: i32) -> (i32, i32) {
    %c0_i32 = arith.constant 0 : i32
    %c0_i32_0 = arith.constant 0 : i32
    return %arg0, %c0_i32 : i32, i32
  }
}

module attributes {stable_mosaic.version = 14 : i64} {
  func.func @body(%arg0: i32, %arg1: memref<2000x128xf32, #tpu.memory_space<vmem>>, %arg2: memref<2x2000x1xf32, #tpu.memory_space<vmem>>, %arg3: memref<2000x128xf32, #tpu.memory_space<vmem>>, %arg4: memref<2000x1xf32, #tpu.memory_space<vmem>>) attributes {dimension_semantics = [#tpu.dimension_semantics<arbitrary>], iteration_bounds = array<i64: 5>, scalar_prefetch = 0 : i64, scratch_operands = 0 : i64, tpu.core_type = #tpu.core_type<tc>, window_params = [{transform_indices = @transform_0, window_bounds = array<i64: 2000, 128>}, {transform_indices = @transform_1, window_bounds = array<i64: 2, 2000, 1>}, {transform_indices = @transform_2, window_bounds = array<i64: 2000, 128>}, {transform_indices = @transform_3, window_bounds = array<i64: 2000, 1>}]} {
    %get3A = arith.constant 0 : index
    %get3A_0 = arith.constant 0 : index
    %get3A_1 = arith.constant 0 : index
    %get3A_2 = vector.load %arg2[%get3A, %get3A_0, %get3A_1] : memref<2x2000x1xf32, #tpu.memory_space<vmem>>, vector<1x2000x1xf32>
    %get3A_3 = vector.shape_cast %get3A_2 : vector<1x2000x1xf32> to vector<2000x1xf32>
    %get3A_4 = arith.constant 1 : index
    %get3A_5 = arith.constant 0 : index
    %get3A_6 = arith.constant 0 : index
    %get3A_7 = vector.load %arg2[%get3A_4, %get3A_5, %get3A_6] : memref<2x2000x1xf32, #tpu.memory_space<vmem>>, vector<1x2000x1xf32>
    %get3A_8 = vector.shape_cast %get3A_7 : vector<1x2000x1xf32> to vector<2000x1xf32>
    %add3A = arith.addf %get3A_3, %get3A_8 : vector<2000x1xf32>
    %add3A_9 = arith.constant 1.000000e+00 : f32
    %add3A_10 = vector.broadcast %add3A_9 : f32 to vector<2000x1xf32>
    %add3A_11 = arith.addf %add3A, %add3A_10 : vector<2000x1xf32>
    %rsqrt3A = math.rsqrt %add3A_11 : vector<2000x1xf32>
    %get3A_12 = arith.constant 0 : index
    %get3A_13 = arith.constant 0 : index
    %get3A_14 = vector.load %arg1[%get3A_12, %get3A_13] : memref<2000x128xf32, #tpu.memory_space<vmem>>, vector<2000x128xf32>
    %mul3A = vector.broadcast %rsqrt3A : vector<2000x1xf32> to vector<2000x128xf32>
    %mul3A_15 = arith.mulf %get3A_14, %mul3A : vector<2000x128xf32>
    %swap3A = arith.constant 0 : index
    %swap3A_16 = arith.constant 0 : index
    %swap3A_17 = vector.load %arg3[%swap3A, %swap3A_16] : memref<2000x128xf32, #tpu.memory_space<vmem>>, vector<2000x128xf32>
    tpu.vector_store %arg3[%swap3A, %swap3A_16], %mul3A_15 {strides = array<i32>} : memref<2000x128xf32, #tpu.memory_space<vmem>>, vector<2000x128xf32>,
    %swap3A_18 = arith.constant 0 : index
    %swap3A_19 = arith.constant 0 : index
    %swap3A_20 = vector.load %arg4[%swap3A_18, %swap3A_19] : memref<2000x1xf32, #tpu.memory_space<vmem>>, vector<2000x1xf32>
    tpu.vector_store %arg4[%swap3A_18, %swap3A_19], %rsqrt3A {strides = array<i32>} : memref<2000x1xf32, #tpu.memory_space<vmem>>, vector<2000x1xf32>,
    return
  }
  func.func @transform_0(%arg0: i32) -> (i32, i32) {
    %c0_i32 = arith.constant 0 : i32
    %c0_i32_0 = arith.constant 0 : i32
    return %arg0, %c0_i32 : i32, i32
  }
  func.func @transform_1(%arg0: i32) -> (i32, i32, i32) {
    %c0_i32 = arith.constant 0 : i32
    %c0_i32_0 = arith.constant 0 : i32
    %c0_i32_1 = arith.constant 0 : i32
    return %c0_i32, %arg0, %c0_i32_0 : i32, i32, i32
  }
  func.func @transform_2(%arg0: i32) -> (i32, i32) {
    %c0_i32 = arith.constant 0 : i32
    %c0_i32_0 = arith.constant 0 : i32
    return %arg0, %c0_i32 : i32, i32
  }
  func.func @transform_3(%arg0: i32) -> (i32, i32) {
    %c0_i32 = arith.constant 0 : i32
    %c0_i32_0 = arith.constant 0 : i32
    return %arg0, %c0_i32 : i32, i32
  }
}

module attributes {stable_mosaic.version = 14 : i64} {
  func.func @body(%arg0: i32, %arg1: memref<2x2000x128xf32, #tpu.memory_space<vmem>>, %arg2: memref<2000x128xf32, #tpu.memory_space<vmem>>, %arg3: memref<2000x1xf32, #tpu.memory_space<vmem>>, %arg4: memref<2x2000x1xf32, #tpu.memory_space<vmem>>, %arg5: memref<1x128xf32, #tpu.memory_space<vmem>>, %arg6: memref<128x128xf32, #tpu.memory_space<vmem>>, %arg7: memref<1x128xf32, #tpu.memory_space<vmem>>, %arg8: memref<1x128xf32, #tpu.memory_space<vmem>>, %arg9: memref<1x128xf32, #tpu.memory_space<vmem>>) attributes {dimension_semantics = [#tpu.dimension_semantics<arbitrary>], iteration_bounds = array<i64: 5>, scalar_prefetch = 0 : i64, scratch_operands = 1 : i64, tpu.core_type = #tpu.core_type<tc>, window_params = [{transform_indices = @transform_0, window_bounds = array<i64: 2, 2000, 128>}, {transform_indices = @transform_1, window_bounds = array<i64: 2000, 128>}, {transform_indices = @transform_2, window_bounds = array<i64: 2000, 1>}, {transform_indices = @transform_3, window_bounds = array<i64: 2, 2000, 1>}, {pipeline_mode = #tpu.pipeline_mode<synchronous>, transform_indices = @transform_4, window_bounds = array<i64: 1, 128>}, {pipeline_mode = #tpu.pipeline_mode<synchronous>, transform_indices = @transform_5, window_bounds = array<i64: 128, 128>}, {pipeline_mode = #tpu.pipeline_mode<synchronous>, transform_indices = @transform_6, window_bounds = array<i64: 1, 128>}, {pipeline_mode = #tpu.pipeline_mode<synchronous>, transform_indices = @transform_7, window_bounds = array<i64: 1, 128>}]} {
    %eq3A = arith.constant 0 : i32
    %eq3A_0 = arith.cmpi eq, %arg0, %eq3A : i32
    %convert_element_type3A = arith.extui %eq3A_0 : i1 to i32
    %cond3A = arith.constant 0 : i32
    %cond3A_1 = arith.cmpi ne, %convert_element_type3A, %cond3A : i32
    scf.if %cond3A_1 {
      %broadcast_in_dim3A_53 = arith.constant 0.000000e+00 : f32
      %broadcast_in_dim3A_54 = vector.broadcast %broadcast_in_dim3A_53 : f32 to vector<1x128xf32>
      %swap3A_55 = arith.constant 0 : index
      %swap3A_56 = arith.constant 0 : index
      %swap3A_57 = vector.load %arg9[%swap3A_55, %swap3A_56] : memref<1x128xf32, #tpu.memory_space<vmem>>, vector<1x128xf32>
      tpu.vector_store %arg9[%swap3A_55, %swap3A_56], %broadcast_in_dim3A_54 {strides = array<i32>} : memref<1x128xf32, #tpu.memory_space<vmem>>, vector<1x128xf32>,
    } else {
    }
    %get3A = arith.constant 0 : index
    %get3A_2 = arith.constant 0 : index
    %get3A_3 = vector.load %arg3[%get3A, %get3A_2] : memref<2000x1xf32, #tpu.memory_space<vmem>>, vector<2000x1xf32>
    %get3A_4 = arith.constant 0 : index
    %get3A_5 = arith.constant 0 : index
    %get3A_6 = arith.constant 0 : index
    %get3A_7 = vector.load %arg1[%get3A_4, %get3A_5, %get3A_6] : memref<2x2000x128xf32, #tpu.memory_space<vmem>>, vector<1x2000x128xf32>
    %get3A_8 = vector.shape_cast %get3A_7 : vector<1x2000x128xf32> to vector<2000x128xf32>
    %get3A_9 = arith.constant 1 : index
    %get3A_10 = arith.constant 0 : index
    %get3A_11 = arith.constant 0 : index
    %get3A_12 = vector.load %arg1[%get3A_9, %get3A_10, %get3A_11] : memref<2x2000x128xf32, #tpu.memory_space<vmem>>, vector<1x2000x128xf32>
    %get3A_13 = vector.shape_cast %get3A_12 : vector<1x2000x128xf32> to vector<2000x128xf32>
    %add3A = arith.addf %get3A_8, %get3A_13 : vector<2000x128xf32>
    %get3A_14 = arith.constant 0 : index
    %get3A_15 = arith.constant 0 : index
    %get3A_16 = vector.load %arg2[%get3A_14, %get3A_15] : memref<2000x128xf32, #tpu.memory_space<vmem>>, vector<2000x128xf32>
    %add3A_17 = arith.addf %add3A, %get3A_16 : vector<2000x128xf32>
    %mul3A = vector.broadcast %get3A_3 : vector<2000x1xf32> to vector<2000x128xf32>
    %mul3A_18 = arith.mulf %mul3A, %add3A_17 : vector<2000x128xf32>
    %get3A_19 = arith.constant 0 : index
    %get3A_20 = arith.constant 0 : index
    %get3A_21 = vector.load %arg5[%get3A_19, %get3A_20] : memref<1x128xf32, #tpu.memory_space<vmem>>, vector<1x128xf32>
    %add3A_22 = vector.broadcast %get3A_21 : vector<1x128xf32> to vector<2000x128xf32>
    %add3A_23 = arith.addf %mul3A_18, %add3A_22 : vector<2000x128xf32>
    %max3A = arith.constant 0.000000e+00 : f32
    %max3A_24 = vector.broadcast %max3A : f32 to vector<2000x128xf32>
    %max3A_25 = arith.maximumf %add3A_23, %max3A_24 : vector<2000x128xf32>
    %get3A_26 = arith.constant 0 : index
    %get3A_27 = arith.constant 0 : index
    %get3A_28 = arith.constant 0 : index
    %get3A_29 = vector.load %arg4[%get3A_26, %get3A_27, %get3A_28] : memref<2x2000x1xf32, #tpu.memory_space<vmem>>, vector<1x2000x1xf32>
    %get3A_30 = vector.shape_cast %get3A_29 : vector<1x2000x1xf32> to vector<2000x1xf32>
    %get3A_31 = arith.constant 1 : index
    %get3A_32 = arith.constant 0 : index
    %get3A_33 = arith.constant 0 : index
    %get3A_34 = vector.load %arg4[%get3A_31, %get3A_32, %get3A_33] : memref<2x2000x1xf32, #tpu.memory_space<vmem>>, vector<1x2000x1xf32>
    %get3A_35 = vector.shape_cast %get3A_34 : vector<1x2000x1xf32> to vector<2000x1xf32>
    %add3A_36 = arith.addf %get3A_30, %get3A_35 : vector<2000x1xf32>
    %add3A_37 = arith.addf %add3A_36, %get3A_3 : vector<2000x1xf32>
    %mul3A_38 = arith.mulf %get3A_3, %add3A_37 : vector<2000x1xf32>
    %get3A_39 = arith.constant 0 : index
    %get3A_40 = arith.constant 0 : index
    %get3A_41 = vector.load %arg9[%get3A_39, %get3A_40] : memref<1x128xf32, #tpu.memory_space<vmem>>, vector<1x128xf32>
    %mul3A_42 = vector.broadcast %mul3A_38 : vector<2000x1xf32> to vector<2000x128xf32>
    %mul3A_43 = arith.mulf %mul3A_42, %max3A_25 : vector<2000x128xf32>
    %reduce_sum3A = arith.constant dense<0.000000e+00> : vector<128xf32>
    %reduce_sum3A_44 = vector.multi_reduction <add>, %mul3A_43, %reduce_sum3A [0] : vector<2000x128xf32> to vector<128xf32>
    %broadcast_in_dim3A = vector.shape_cast %reduce_sum3A_44 : vector<128xf32> to vector<1x128xf32>
    %add3A_45 = arith.addf %get3A_41, %broadcast_in_dim3A : vector<1x128xf32>
    %swap3A = arith.constant 0 : index
    %swap3A_46 = arith.constant 0 : index
    %swap3A_47 = vector.load %arg9[%swap3A, %swap3A_46] : memref<1x128xf32, #tpu.memory_space<vmem>>, vector<1x128xf32>
    tpu.vector_store %arg9[%swap3A, %swap3A_46], %add3A_45 {strides = array<i32>} : memref<1x128xf32, #tpu.memory_space<vmem>>, vector<1x128xf32>,
    %eq3A_48 = arith.constant 4 : i32
    %eq3A_49 = arith.cmpi eq, %arg0, %eq3A_48 : i32
    %convert_element_type3A_50 = arith.extui %eq3A_49 : i1 to i32
    %cond3A_51 = arith.constant 0 : i32
    %cond3A_52 = arith.cmpi ne, %convert_element_type3A_50, %cond3A_51 : i32
    scf.if %cond3A_52 {
      %get3A_53 = arith.constant 0 : index
      %get3A_54 = arith.constant 0 : index
      %get3A_55 = vector.load %arg9[%get3A_53, %get3A_54] : memref<1x128xf32, #tpu.memory_space<vmem>>, vector<1x128xf32>
      %get3A_56 = arith.constant 0 : index
      %get3A_57 = arith.constant 0 : index
      %get3A_58 = vector.load %arg6[%get3A_56, %get3A_57] : memref<128x128xf32, #tpu.memory_space<vmem>>, vector<128x128xf32>
      %dot_general3A = arith.constant dense<0.000000e+00> : vector<1x128xf32>
      %dot_general3A_59 = tpu.matmul %get3A_55, %get3A_58, %dot_general3A {dimension_numbers = #tpu.dot_dimension_numbers<[1], [0], [0], [1], [0, 0, 1, 1], [], []>, precision = #tpu.contract_precision<fp32>, transpose_lhs_hint = false} : vector<1x128xf32>, vector<128x128xf32>, vector<1x128xf32> -> vector<1x128xf32>
      %mul3A_60 = arith.constant 9.99999974E-5 : f32
      %mul3A_61 = vector.broadcast %mul3A_60 : f32 to vector<1x128xf32>
      %mul3A_62 = arith.mulf %dot_general3A_59, %mul3A_61 : vector<1x128xf32>
      %get3A_63 = arith.constant 0 : index
      %get3A_64 = arith.constant 0 : index
      %get3A_65 = vector.load %arg7[%get3A_63, %get3A_64] : memref<1x128xf32, #tpu.memory_space<vmem>>, vector<1x128xf32>
      %add3A_66 = arith.addf %mul3A_62, %get3A_65 : vector<1x128xf32>
      %swap3A_67 = arith.constant 0 : index
      %swap3A_68 = arith.constant 0 : index
      %swap3A_69 = vector.load %arg8[%swap3A_67, %swap3A_68] : memref<1x128xf32, #tpu.memory_space<vmem>>, vector<1x128xf32>
      tpu.vector_store %arg8[%swap3A_67, %swap3A_68], %add3A_66 {strides = array<i32>} : memref<1x128xf32, #tpu.memory_space<vmem>>, vector<1x128xf32>,
    } else {
    }
    return
  }
  func.func @transform_0(%arg0: i32) -> (i32, i32, i32) {
    %c0_i32 = arith.constant 0 : i32
    %c0_i32_0 = arith.constant 0 : i32
    %c0_i32_1 = arith.constant 0 : i32
    return %c0_i32, %arg0, %c0_i32_0 : i32, i32, i32
  }
  func.func @transform_1(%arg0: i32) -> (i32, i32) {
    %c0_i32 = arith.constant 0 : i32
    %c0_i32_0 = arith.constant 0 : i32
    return %arg0, %c0_i32 : i32, i32
  }
  func.func @transform_2(%arg0: i32) -> (i32, i32) {
    %c0_i32 = arith.constant 0 : i32
    %c0_i32_0 = arith.constant 0 : i32
    return %arg0, %c0_i32 : i32, i32
  }
  func.func @transform_3(%arg0: i32) -> (i32, i32, i32) {
    %c0_i32 = arith.constant 0 : i32
    %c0_i32_0 = arith.constant 0 : i32
    %c0_i32_1 = arith.constant 0 : i32
    return %c0_i32, %arg0, %c0_i32_0 : i32, i32, i32
  }
  func.func @transform_4(%arg0: i32) -> (i32, i32) {
    %c0_i32 = arith.constant 0 : i32
    %c0_i32_0 = arith.constant 0 : i32
    %c0_i32_1 = arith.constant 0 : i32
    return %c0_i32, %c0_i32_0 : i32, i32
  }
  func.func @transform_5(%arg0: i32) -> (i32, i32) {
    %c0_i32 = arith.constant 0 : i32
    %c0_i32_0 = arith.constant 0 : i32
    %c0_i32_1 = arith.constant 0 : i32
    return %c0_i32, %c0_i32_0 : i32, i32
  }
  func.func @transform_6(%arg0: i32) -> (i32, i32) {
    %c0_i32 = arith.constant 0 : i32
    %c0_i32_0 = arith.constant 0 : i32
    %c0_i32_1 = arith.constant 0 : i32
    return %c0_i32, %c0_i32_0 : i32, i32
  }
  func.func @transform_7(%arg0: i32) -> (i32, i32) {
    %c0_i32 = arith.constant 0 : i32
    %c0_i32_0 = arith.constant 0 : i32
    %c0_i32_1 = arith.constant 0 : i32
    return %c0_i32, %c0_i32_0 : i32, i32
  }
}

</mosaic_0001>

<sc_bundles>
// kernel: kernel.10.cloned.1.call-start
scs
__scs_entry_jumppad:
0x0: {  	(pc) =	sbr.rel $0x88, $3  }
0x1: {  	(tag) =	ssettag $0x0;
	lr =	simm.s32 $0x1  }
0x2: {  	[smem:$0x3F9B] =	sst lr;
	_ =	strace $0xD0000000  }
0x3: {  	_ = 	snop  }
0x4: {  	_ = 	snop  }
0x5: {  	_ = 	snop  }
0x6: {  	_ = 	snop  }
0x7: {  	_ = 	snop  }
__scs_overlays_trampoline_lowered:
0x8: {  	[smem:$0x3FAA] =	sst s0  }
0x9: {  	[smem:$0x3FAB] =	sst s1  }
0xa: {  	[smem:$0x3FAC] =	sst s2  }
0xb: {  	[smem:$0x3FAD] =	sst s3  }
0xc: {  	[smem:$0x3FAE] =	sst s4  }
0xd: {  	[smem:$0x3FAF] =	sst s5  }
0xe: {  	[smem:$0x3FB0] =	sst s6  }
0xf: {  	[smem:$0x3FB1] =	sst s7  }
0x10: {  	[smem:$0x3FB2] =	sst s8  }
0x11: {  	[smem:$0x3FB3] =	sst s9;
	s0 =	simm.s32 @!p0 $0x0  }
0x12: {  	s1 =	sld [smem:$0x3F99];
	s0 =	simm.s32 @p0 $0x1  }
0x13: {  	[smem:$0x3FB4] =	sst s0;
	s0 =	simm.s32 @!p1 $0x0  }
0x14: {  	s2 =	sld [smem:$0x3F98];
	s0 =	simm.s32 @p1 $0x1  }
0x15: {  	[smem:$0x3FB5] =	sst s0;
	s0 =	simm.s32 @!p2 $0x0  }
0x16: {  	s3 =	sld [smem:$0x3FDB];
	s0 =	simm.s32 @p2 $0x1  }
0x17: {  	s4 =	simm.s32 $0x1BF5;
	[smem:$0x3FB7] =	sst s0  }
0x18: {  	s0 =	sld [smem:$0x3F9A];
	_ =	swait.ge [sflag:s4], $0x0  }
0x19: {  	s7 =	sld [smem:$0x3F9B]  }
0x1a: {  	s8 =	sadd.s32 $0xFFFFE003, lr  }
0x1b: {  	s9 =	sadd.s32 $0xFFFFFEF7, lr;
	s5 =	simm.s32 $0xFFFFFFFF;
	p2 =	slt.u32 s8, $0xFFFFF086  }
0x1c: {  	p1 =	slt.u32 s9, $0xF7A;
	s5 =	simm.s32 @!p2 $0x0  }
0x1d: {  	s5 =	simm.s32 @p1 $0x1;
	p0 =	seq.s32 s7, s2  }
0x1e: {  	s7 =	smul.u32 @!p0 $0xF7A, s2;
	p2 =	seq.s32 @!p0 s5, $0x0  }
0x1f: {  	s9 =	smul.u32 $0xF7A, s1;
	s8 =	simm.s32 @!p0 $0x1BF5;
	p2 =	por !p2, p0  }
0x20: {  	[sflag:s8] =	ssyncset.s32 @!p0 $0xFFFFF086;
	s6 =	sadd.s32 @!p0 s3, s7;
	s7 =	simm.s32 @!p0 $0x108  }
0x21: {  	s3 =	sadd.s32 s3, s9;
	s6 =	sadd.s32 @!p0 $0x88, s6;
	s7 =	simm.s32 @p2 $0x1082  }
0x22: {  	[simem:s7], [sflag:s8] =	dma.local @!p0 [hbm:s6], $0xF7A  }
0x23: {  	s9 =	sor.u32 $0xD0000000, s2;
	s6 =	simm.s32 $0x108;
	_ =	swait.ge @!p0 [sflag:s8], $0x0  }
0x24: {  	s3 =	sadd.s32 $0x88, s3;
	s6 =	simm.s32 @!p1 $0x1082;
	[sflag:s4] =	ssyncset.s32 $0xFFFFF086  }
0x25: {  	[simem:s6], [sflag:s4] =	dma.local [hbm:s3], $0xF7A  }
0x26: {  	[smem:$0x3F9B] =	sst s1;
	(tag) =	ssettag s2;
	_ =	strace s9  }
0x27: {  	s1 =	sld [smem:$0x3FAB]  }
0x28: {  	s2 =	sld [smem:$0x3FAC]  }
0x29: {  	s4 =	sld [smem:$0x3FAE]  }
0x2a: {  	p0 =	seq.s32 s5, $0x0;
	s5 =	sld [smem:$0x3FAF]  }
0x2b: {  	s6 =	sld [smem:$0x3FB0]  }
0x2c: {  	s7 =	sld [smem:$0x3FB1]  }
0x2d: {  	s3 =	simm.s32 $0x108;
	s8 =	sld [smem:$0x3FB2]  }
0x2e: {  	s3 =	simm.s32 @!p0 $0x1082;
	s9 =	sld [smem:$0x3FB3]  }
0x2f: {  	lr =	sadd.s32 s0, s3;
	s0 =	sld [smem:$0x3FAA]  }
0x30: {  	s3 =	sld [smem:$0x3FAD]  }
0x31: {  	[smem:$0x3FB6] =	sst s10  }
0x32: {  	s10 =	sld [smem:$0x3FB4];
	_ =	sdelay $0x3  }
0x33: {  	p0 =	seq.s32 s10, $0x1;
	s10 =	sld [smem:$0x3FB6];
	_ =	sdelay $0x3  }
0x34: {  	[smem:$0x3FB6] =	sst s10  }
0x35: {  	s10 =	sld [smem:$0x3FB5];
	_ =	sdelay $0x3  }
0x36: {  	p1 =	seq.s32 s10, $0x1;
	s10 =	sld [smem:$0x3FB6];
	_ =	sdelay $0x3  }
0x37: {  	[smem:$0x3FB6] =	sst s10  }
0x38: {  	s10 =	sld [smem:$0x3FB7]  }
0x39: {  	_ = 	snop;
	(pc) =	sbr.ind lr, $3  }
0x3a: {  	_ = 	snop  }
0x3b: {  	_ = 	snop  }
0x3c: {  	p2 =	seq.s32 s10, $0x1;
	s10 =	sld [smem:$0x3FB6]  }
0x3d: {  	_ =	shalt  }
0x3e: {  	_ =	shalt  }
0x3f: {  	_ =	shalt  }
0x40: {  	_ =	shalt  }
0x41: {  	_ =	shalt  }
0x42: {  	_ =	shalt  }
0x43: {  	_ =	shalt  }
0x44: {  	_ =	shalt  }
0x45: {  	_ =	shalt  }
0x46: {  	_ =	shalt  }
0x47: {  	_ =	shalt  }
0x48: {  	_ =	shalt  }
0x49: {  	_ =	shalt  }
0x4a: {  	_ =	shalt  }
0x4b: {  	_ =	shalt  }
0x4c: {  	_ =	shalt  }
0x4d: {  	_ =	shalt  }
0x4e: {  	_ =	shalt  }
0x4f: {  	_ =	shalt  }
0x50: {  	_ =	shalt  }
0x51: {  	_ =	shalt  }
0x52: {  	_ =	shalt  }
0x53: {  	_ =	shalt  }
0x54: {  	_ =	shalt  }
0x55: {  	_ =	shalt  }
0x56: {  	_ =	shalt  }
0x57: {  	_ =	shalt  }
0x58: {  	_ =	shalt  }
0x59: {  	_ =	shalt  }
0x5a: {  	_ =	shalt  }
0x5b: {  	_ =	shalt  }
0x5c: {  	_ =	shalt  }
0x5d: {  	_ =	shalt  }
0x5e: {  	_ =	shalt  }
0x5f: {  	_ =	shalt  }
0x60: {  	_ =	shalt  }
0x61: {  	_ =	shalt  }
0x62: {  	_ =	shalt  }
0x63: {  	_ =	shalt  }
0x64: {  	_ =	shalt  }
0x65: {  	_ =	shalt  }
0x66: {  	_ =	shalt  }
0x67: {  	_ =	shalt  }
0x68: {  	_ =	shalt  }
0x69: {  	_ =	shalt  }
0x6a: {  	_ =	shalt  }
0x6b: {  	_ =	shalt  }
0x6c: {  	_ =	shalt  }
0x6d: {  	_ =	shalt  }
0x6e: {  	_ =	shalt  }
0x6f: {  	_ =	shalt  }
0x70: {  	_ =	shalt  }
0x71: {  	_ =	shalt  }
0x72: {  	_ =	shalt  }
0x73: {  	_ =	shalt  }
0x74: {  	_ =	shalt  }
0x75: {  	_ =	shalt  }
0x76: {  	_ =	shalt  }
0x77: {  	_ =	shalt  }
0x78: {  	_ =	shalt  }
0x79: {  	_ =	shalt  }
0x7a: {  	_ =	shalt  }
0x7b: {  	_ =	shalt  }
0x7c: {  	_ =	shalt  }
0x7d: {  	_ =	shalt  }
0x7e: {  	_ =	shalt  }
0x7f: {  	_ =	shalt  }
0x80: {  	_ =	shalt  }
0x81: {  	_ =	shalt  }
0x82: {  	_ =	shalt  }
0x83: {  	_ =	shalt  }
0x84: {  	_ =	shalt  }
0x85: {  	_ =	shalt  }
0x86: {  	_ =	shalt  }
0x87: {  	_ =	shalt  }
.Lfunc_end0:
.L_simem_size_0:
called_computation.1_lowered:
.L_overlay_start_0:
0x88: {  	s2 =	sld [smem:$0x3FD9]  }
0x89: {  	s3 =	sld [smem:$0x3FFE];
	_ =	sdelay $0x1  }
0x8a: {  	s1 =	srdreg.scid  }
0x8b: {  	s0 =	sand.u32 $0x1, s1  }
0x8c: {  	s16 =	sshll.u32 s0, $0xA;
	s2 =	sadd.s32 s3, s2  }
0x8d: {  	s2 =	sadd.s32 s2, s16  }
0x8e: {  	[smem:$0x3FC2] =	sst s2  }
0x8f: {  	_ = 	snop  }
0x90: {  	(tm) =	ssettm $0x1  }
0x91: {  	s17 =	sld [smem:$0x3FFB];
	_ =	sdelay $0x3  }
0x92: {  	_ =	strace s17  }
0x93: {  	s2 =	sld [smem:$0x3FFC];
	_ =	sdelay $0x3  }
0x94: {  	_ =	strace s2  }
0x95: {  	s2 =	sld [smem:$0x3FFD];
	_ =	sdelay $0x3  }
0x96: {  	_ =	strace s2  }
0x97: {  	_ =	strace $0x8FFFFFFF  }
0x98: {  	s18 =	sld [smem:$0x3FDB];
	_ =	sdelay $0x1  }
0x99: {  	s19 =	simm.s32 $_scs_section_size  }
0x9a: {  	s4 =	simm.s32 $_size__tile_overlayer_lowered;
	s5 =	simm.s32 $_tile_overlayer_lowered  }
0x9b: {  	s22 =	simm.s32 $0x1BFF;
	s21 =	sshll.u32 s5, $0x1;
	s2 =	sadd.s32 s19, s18  }
0x9c: {  	s6 =	simm.s32 $0x0;
	s20 =	sshll.u32 s4, $0x1;
	s4 =	sadd.s32 s21, s2  }
0x9d: {  	[timem:s6], [sflag:s22] =	dma.local [hbm:s4], s20  }
0x9e: {  	_ =	swait.ge [sflag:s22], s20  }
0x9f: {  	s3 =	ssub.s32 $0x0, s20;
	[sflag:s22] =	ssyncset.done $0x0  }
0xa0: {  	[sflag:s22] =	ssyncadd.s32 s3;
	_ =	sdelay $0x1  }
0xa1: {  	s23 =	simm.s32 $0x1B8B  }
0xa2: {  	_ =	swait.ge [sflag:s23], $0x1  }
0xa3: {  	[sflag:s23] =	ssyncset.done $0x0  }
0xa4: {  	s25 =	simm.s32 $0x1B8E;
	s24 =	sld [smem:$0x3FFE];
	[sflag:s23] =	ssyncadd.s32 $0xFFFFFFFF  }
0xa5: {  	s26 =	simm.s32 $execute0_lowered;
	[smem:$0x3FD2] =	sst s25  }
0xa6: {  	s4 =	sshll.u32 s26, $0x1;
	_ =	strace $0x80000049;
	[dreg:$0x1] =	wrdreg $0xFFFFFFFF  }
0xa7: {  	s28 =	simm.s32 $_size_execute0_lowered;
	s2 =	sadd.s32 s2, s4;
	[dreg:$0x0] =	wrdreg $0x0  }
0xa8: {  	s4 =	sshll.u32 s28, $0x1;
	[dreg:$0x2] =	wrdreg s2  }
0xa9: {  	[dreg:$0x3] =	wrdreg s4  }
0xaa: {  	[dreg:$0x4] =	wrdreg $0xC0  }
0xab: {  	_ =	task [dreg:s6], $0x5FFFF  }
0xac: {  	[dreg:$0x1] =	wrdreg $0xFFFFFFFF  }
0xad: {  	[dreg:$0x0] =	wrdreg $0x60  }
0xae: {  	[dreg:$0x2] =	wrdreg s24  }
0xaf: {  	[dreg:$0x3] =	wrdreg $0x0  }
0xb0: {  	[dreg:$0x4] =	wrdreg $0x140000  }
0xb1: {  	[dreg:$0x5] =	wrdreg $0x142800  }
0xb2: {  	[dreg:$0x6] =	wrdreg $0x9  }
0xb3: {  	_ =	task.clear_ibuf [dreg:s6], $0x7FFFF;
	_ =	strace $0x90000049  }
0xb4: {  	s29 =	simm.s32 $0x9;
	_ =	strace $0x8000004B  }
0xb5: {  	_ =	swait.ge [sflag:s29], $0x1  }
0xb6: {  	[sflag:s29] =	ssyncadd.s32 $0xFFFFFFFF  }
0xb7: {  	_ =	strace $0x9000004B  }
0xb8: {  	_ =	sfence  }
0xb9: {  	s30 =	sld [smem:$0x0];
	_ =	sdelay $0x2  }
0xba: {  	s31 =	sshll.u32 s1, $0xD;
	s1 =	sshrl.u32 s1, $0x2  }
0xbb: {  	s3 =	sand.u32 $0x4000, s31;
	s1 =	sadd.s32 s1, s30  }
0xbc: {  	s0 =	sor.u32 s3, s0;
	s1 =	sshll.u32 s1, $0x11  }
0xbd: {  	s0 =	sor.u32 s1, s0  }
0xbe: {  	s0 =	sadd.s32 $0x8F2B, s0  }
0xbf: {  	[sflag:s0] =	ssyncadd.remote.s32 $0x1  }
0xc0: {  	_ =	sfence.sel $0xFFFF  }
0xc1: {  	[dreg:$0x0] =	wrdreg $0xFFFFFFFF;
	(pc) =	sbr.abs _section_cstart, $3  }
0xc2: {  	[dreg:$0x1] =	wrdreg $0xFFFFFFFF  }
0xc3: {  	_ =	task.clear_ibuf [dreg:s6], $0x2FFFF;
	_ =	strace $0x9FFFFFFF  }
0xc4: {  	(tm) =	ssettm $0x7FFFFFFF  }
0xc5: {  	_ =	shalt  }
tec
execute0_lowered:
.L_overlay_start_1:
0x0: {  	(tag) =	ssettag $0x1  }
0x1: {  	s0 =	rddreg [dreg:$0x0]  }
0x2: {  	s1 =	rddreg [dreg:$0x1]  }
0x3: {  	s2 =	rddreg [dreg:$0x2]  }
0x4: {  	s3 =	rddreg [dreg:$0x3]  }
0x5: {  	s5 =	simm.s32 $0x0;
	s4 =	srdreg.scid;
	s15 =	stileid.u32  }
0x6: {  	s28 =	simm.s32 $0x80;
	[smem:$0x7FF] =	sst s5;
	s7 =	smul.u32 $0x14000, s15  }
0x7: {  	s4 =	sand.u32 $0x1, s4;
	s8 =	sadd.s32 $0xC600, s0;
	s22 =	smul.u32 $0x500, s15  }
0x8: {  	s9 =	sadd.s32 $0x16600, s0;
	s25 =	smul.u32 $0x50, s15;
	s10 =	sshll.u32 s4, $0x4  }
0x9: {  	s6 =	smul.u32 $0x140000, s4;
	s12 =	ssub.s32 $0x2, s4;
	s10 =	sor.u32 s15, s10  }
0xa: {  	_ =	strace $0x8000004A;
	s23 =	sshrl.u32 s12, $0x1;
	s10 =	smul.u32 $0x500, s10  }
0xb: {  	s11 =	sshll.u32 s4, $0x7;
	s13 =	smul.u32 $0x500, s4;
	s4 =	ssub.s32 s12, s23  }
0xc: {  	s6 =	sadd.s32 s7, s6;
	s4 =	smax.u32 s4, $0x1;
	s24 =	sor.u32 $0x10, s10  }
0xd: {  	s7 =	sor.u32 s11, s22;
	[smem:$0x7FB] =	sst s4;
	s14 =	sadd.s32 s8, s24  }
0xe: {  	s26 =	sor.u32 $0x20, s10;
	s11 =	sadd.s32 s9, s24;
	[dreg:$0xf] =	wrdreg s14  }
0xf: {  	s17 =	sor.u32 $0x30, s10;
	s16 =	sadd.s32 s8, s26;
	[dreg:$0x10] =	wrdreg s11  }
0x10: {  	s6 =	sshrl.u32 s6, $0x3;
	s18 =	sadd.s32 s8, s17;
	[dreg:$0x11] =	wrdreg s16  }
0x11: {  	s6 =	sadd.s32 s6, s0;
	s19 =	sadd.s32 s9, s17;
	[dreg:$0x13] =	wrdreg s18  }
0x12: {  	s12 =	sadd.s32 s25, s13;
	s6 =	sadd.s32 $0x47800, s6;
	[dreg:$0x14] =	wrdreg s19  }
0x13: {  	s20 =	sor.u32 $0x40, s10;
	s11 =	sadd.s32 s9, s26;
	[smem:$0x7F9] =	sst s6  }
0x14: {  	s17 =	sor.u32 $0x50, s10;
	s16 =	sadd.s32 s8, s20;
	[dreg:$0x12] =	wrdreg s11  }
0x15: {  	s11 =	sshll.u32 s12, $0x4;
	[dreg:$0x15] =	wrdreg s16;
	s12 =	sadd.s32 s9, s20  }
0x16: {  	s29 =	simm.s32 $0x14D00;
	s20 =	sadd.s32 s8, s17;
	[dreg:$0x16] =	wrdreg s12  }
0x17: {  	s30 =	simm.s32 $0x1CD00;
	s21 =	sadd.s32 s11, s8;
	[dreg:$0x17] =	wrdreg s20  }
0x18: {  	s31 =	simm.s32 $0x2;
	s22 =	sadd.s32 s11, s9;
	[dreg:$0x5] =	wrdreg s21  }
0x19: {  	s23 =	sor.u32 $0xE0, s11;
	s20 =	sadd.s32 $0x1800, s0;
	[dreg:$0x6] =	wrdreg s22  }
0x1a: {  	s7 =	sshrl.u32 s7, $0x3;
	s24 =	sadd.s32 s23, s8;
	[dreg:$0x1f] =	wrdreg s20  }
0x1b: {  	s26 =	sor.u32 $0xC0, s11;
	s25 =	sadd.s32 s23, s9;
	[dreg:$0x7] =	wrdreg s24  }
0x1c: {  	s7 =	sadd.s32 s7, s0;
	s13 =	sadd.s32 s26, s8;
	[dreg:$0x8] =	wrdreg s25  }
0x1d: {  	s16 =	sor.u32 $0xA0, s11;
	s14 =	sadd.s32 s26, s9;
	[dreg:$0x9] =	wrdreg s13  }
0x1e: {  	s4 =	simm.s32 $0x18D00;
	s18 =	sadd.s32 s16, s8;
	[dreg:$0xa] =	wrdreg s14  }
0x1f: {  	s6 =	simm.s32 $0x11;
	s19 =	sadd.s32 s16, s9;
	[dreg:$0xb] =	wrdreg s18  }
0x20: {  	s11 =	sor.u32 $0x80, s11;
	s22 =	sadd.s32 s9, s17;
	[dreg:$0xc] =	wrdreg s19  }
0x21: {  	s21 =	sadd.s32 s11, s8;
	s23 =	sor.u32 $0x60, s10;
	[dreg:$0x18] =	wrdreg s22  }
0x22: {  	s26 =	sadd.s32 s8, s10;
	s17 =	sadd.s32 s11, s9;
	[dreg:$0xd] =	wrdreg s21  }
0x23: {  	s11 =	simm.s32 $0x14;
	s20 =	simm.s32 $0x8;
	[dreg:$0x1b] =	wrdreg s26  }
0x24: {  	s24 =	sadd.s32 s8, s23;
	s25 =	sadd.s32 s9, s23;
	[dreg:$0xe] =	wrdreg s17  }
0x25: {  	s13 =	sadd.s32 s9, s10;
	s14 =	smul.u32 $0x280, s15;
	[dreg:$0x19] =	wrdreg s24  }
0x26: {  	s10 =	sor.u32 $0x70, s10;
	s19 =	smul.u32 $0x50000, s15;
	[dreg:$0x1a] =	wrdreg s25  }
0x27: {  	s22 =	sadd.s32 $0x20600, s0;
	s26 =	sadd.s32 $0x4000, s7;
	[dreg:$0x1c] =	wrdreg s13  }
0x28: {  	s21 =	sshll.u32 s15, $0x6;
	s8 =	sadd.s32 s8, s10;
	[smem:$0x7FA] =	sst s26  }
0x29: {  	s7 =	simm.s32 $0x13;
	s16 =	sadd.s32 s9, s10;
	[dreg:$0x1d] =	wrdreg s8  }
0x2a: {  	s26 =	simm.s32 $0x1CD80;
	s10 =	simm.s32 $0x12;
	[dreg:$0x1e] =	wrdreg s16  }
0x2b: {  	s18 =	sshrl.u32 s14, $0x3;
	s9 =	sshrl.u32 s19, $0x2;
	s24 =	sadd.s32 s14, s2  }
0x2c: {  	s8 =	sadd.s32 s18, s0;
	s0 =	sadd.s32 $0xB800, s0;
	[smem:$0x7F7] =	sst s24  }
0x2d: {  	s25 =	sadd.s32 s14, s3;
	s23 =	sadd.s32 s9, s1;
	[smem:$0x7F5] =	sst s0  }
0x2e: {  	s19 =	simm.s32 $0xA;
	s9 =	sor.u32 $0x1C15, s21;
	[smem:$0x7F6] =	sst s23  }
0x2f: {  	s21 =	simm.s32 $0x10;
	s8 =	sadd.s32 $0xBA00, s8;
	[smem:$0x7FD] =	sst s9  }
0x30: {  	s0 =	sshrl.u32 s25, $0x3;
	s23 =	simm.s32 $0x15;
	[smem:$0x7F8] =	sst s8  }
0x31: {  	s25 =	simm.s32 $0x9;
	[smem:$0x7FC] =	sst s0;
	s8 =	simm.s32 $0x0  }
.LBB2_1:
0x32: {  	[smem:$0x7F2] =	sst s8  }
0x33: {  	s0 =	rddreg [dreg:$0x1b];
	s24 =	simm.s32 $0x14500  }
0x34: {  	[tilespmem:s24], [sflag:$0x1] =	stream.linear.gather [hbm4b:s0+s5], $0x80, $0x38;
	[tilespmem:$0x1CE00] =	vst v63  }
0x35: {  	s17 =	rddreg [dreg:$0x1c];
	s18 =	simm.s32 $0x14900  }
0x36: {  	[tilespmem:s18], [sflag:$0x9] =	stream.linear.gather [hbm4b:s17+s5], $0x80, $0x38;
	[tilespmem:$0x1CE00] =	vst v63  }
0x37: {  	s12 =	rddreg [dreg:$0xf];
	s13 =	simm.s32 $0x14580  }
0x38: {  	[tilespmem:s13], [sflag:$0x2] =	stream.linear.gather [hbm4b:s12+s5], $0x80, $0x38;
	[tilespmem:$0x1CE00] =	vst v63  }
0x39: {  	s14 =	rddreg [dreg:$0x10];
	s15 =	simm.s32 $0x14980  }
0x3a: {  	[tilespmem:s15], [sflag:$0xA] =	stream.linear.gather [hbm4b:s14+s5], $0x80, $0x38;
	[tilespmem:$0x1CE00] =	vst v63  }
0x3b: {  	s16 =	rddreg [dreg:$0x11];
	s12 =	simm.s32 $0x14600  }
0x3c: {  	[tilespmem:s12], [sflag:$0x3] =	stream.linear.gather [hbm4b:s16+s5], $0x80, $0x38;
	[tilespmem:$0x1CE00] =	vst v63  }
0x3d: {  	s17 =	rddreg [dreg:$0x12];
	s16 =	simm.s32 $0x14A00  }
0x3e: {  	[tilespmem:s16], [sflag:$0xB] =	stream.linear.gather [hbm4b:s17+s5], $0x80, $0x38;
	[tilespmem:$0x1CE00] =	vst v63  }
0x3f: {  	s18 =	rddreg [dreg:$0x13];
	s17 =	simm.s32 $0x14680  }
0x40: {  	[tilespmem:s17], [sflag:$0x4] =	stream.linear.gather [hbm4b:s18+s5], $0x80, $0x38;
	[tilespmem:$0x1CE00] =	vst v63  }
0x41: {  	s8 =	rddreg [dreg:$0x14];
	s13 =	simm.s32 $0x14A80  }
0x42: {  	[tilespmem:s13], [sflag:$0xC] =	stream.linear.gather [hbm4b:s8+s5], $0x80, $0x38;
	[tilespmem:$0x1CE00] =	vst v63  }
0x43: {  	s14 =	rddreg [dreg:$0x15];
	s18 =	simm.s32 $0x14700  }
0x44: {  	[tilespmem:s18], [sflag:$0x5] =	stream.linear.gather [hbm4b:s14+s5], $0x80, $0x38;
	[tilespmem:$0x1CE00] =	vst v63  }
0x45: {  	s8 =	rddreg [dreg:$0x16];
	s14 =	simm.s32 $0x14B00  }
0x46: {  	[tilespmem:s14], [sflag:$0xD] =	stream.linear.gather [hbm4b:s8+s5], $0x80, $0x38;
	[tilespmem:$0x1CE00] =	vst v63  }
0x47: {  	s0 =	rddreg [dreg:$0x17];
	s8 =	simm.s32 $0x14780  }
0x48: {  	[tilespmem:s8], [sflag:$0x6] =	stream.linear.gather [hbm4b:s0+s5], $0x80, $0x38;
	[tilespmem:$0x1CE00] =	vst v63  }
0x49: {  	s0 =	rddreg [dreg:$0x18];
	s8 =	simm.s32 $0x14B80  }
0x4a: {  	[tilespmem:s8], [sflag:$0xE] =	stream.linear.gather [hbm4b:s0+s5], $0x80, $0x38;
	[tilespmem:$0x1CE00] =	vst v63  }
0x4b: {  	s0 =	rddreg [dreg:$0x19];
	s8 =	simm.s32 $0x14800  }
0x4c: {  	[tilespmem:s8], [sflag:$0x7] =	stream.linear.gather [hbm4b:s0+s5], $0x80, $0x38;
	[tilespmem:$0x1CE00] =	vst v63  }
0x4d: {  	s0 =	rddreg [dreg:$0x1a];
	s8 =	simm.s32 $0x14C00  }
0x4e: {  	[tilespmem:s8], [sflag:$0xF] =	stream.linear.gather [hbm4b:s0+s5], $0x80, $0x38;
	[tilespmem:$0x1CE00] =	vst v63  }
0x4f: {  	s0 =	rddreg [dreg:$0x1d];
	s8 =	simm.s32 $0x14880  }
0x50: {  	[tilespmem:s8], [sflag:$0x8] =	stream.linear.gather [hbm4b:s0+s5], $0x80, $0x38;
	[tilespmem:$0x1CE00] =	vst v63  }
0x51: {  	s0 =	rddreg [dreg:$0x1e];
	s8 =	simm.s32 $0x14C80  }
0x52: {  	[tilespmem:s8], [sflag:$0x10] =	stream.linear.gather [hbm4b:s0+s5], $0x80, $0x38;
	[tilespmem:$0x1CE00] =	vst v63  }
0x53: {  	s8 =	sld [smem:$0x7F6];
	_ =	sdelay $0x2  }
0x54: {  	s0 =	rddreg [dreg:$0x1f];
	s8 =	sshrl.u32 s8, $0x3  }
0x55: {  	[smem:$0x7F3] =	sst s8  }
0x56: {  	[spmem:s8], [sflag:s9] =	dma.local [hbm:s0], $0x2800  }
0x57: {  	_ =	swait.ge [sflag:s23], $0x2800  }
0x58: {  	s8 =	sld [smem:$0x7F7];
	_ =	sdelay $0x1  }
0x59: {  	s0 =	sld [smem:$0x7F5]  }
0x5a: {  	[sflag:s23] =	ssyncset.done $0x0;
	s8 =	sshrl.u32 s8, $0x3  }
0x5b: {  	[sflag:s23] =	ssyncadd.s32 $0xFFFFD800;
	[smem:$0x7F4] =	sst s8  }
0x5c: {  	[spmem:s8], [sflag:s9] =	dma.local [hbm:s0], $0x50  }
0x5d: {  	_ =	swait.ge [sflag:s23], $0x50  }
0x5e: {  	s0 =	sld [smem:$0x7F8]  }
0x5f: {  	s8 =	sld [smem:$0x7FC]  }
0x60: {  	[sflag:s23] =	ssyncset.done $0x0  }
0x61: {  	[sflag:s23] =	ssyncadd.s32 $0xFFFFFFB0  }
0x62: {  	[spmem:s8], [sflag:s9] =	dma.local [hbm:s0], $0x50  }
0x63: {  	_ =	swait.ge [sflag:s23], $0x50  }
0x64: {  	[sflag:s23] =	ssyncset.done $0x0  }
0x65: {  	[sflag:s23] =	ssyncadd.s32 $0xFFFFFFB0  }
0x66: {  	s8 =	simm.s32 $0x1;
	[bflag:$0x0] =	sbarrier.arrive $0xFFFF  }
0x67: {  	_ =	swait.ge [sflag:s8], $0x80  }
0x68: {  	[sflag:s8] =	ssyncset.done $0x0  }
0x69: {  	[sflag:s8] =	ssyncadd.s32 $0xFFFFFF80  }
0x6a: {  	_ =	swait.ge [sflag:s25], $0x80  }
0x6b: {  	[sflag:s25] =	ssyncset.done $0x0  }
0x6c: {  	[sflag:s25] =	ssyncadd.s32 $0xFFFFFF80  }
0x6d: {  	[tilespmem:s29], [sflag:$0x11] =	stream.indirect.gather [hbm4b:s22+s28], $0x80, s24, s28, $0xb8;
	[tilespmem:$0x1CE00] =	vst v63  }
0x6e: {  	s25 =	simm.s32 $0x14900  }
0x6f: {  	[tilespmem:s30], [sflag:$0x13] =	stream.indirect.gather [spmem:s3], $0x1, s25, s28, $0xb8;
	[tilespmem:$0x1CE00] =	vst v63  }
0x70: {  	_ =	swait.ge [sflag:s31], $0x80  }
0x71: {  	[sflag:s31] =	ssyncset.done $0x0  }
0x72: {  	[sflag:s31] =	ssyncadd.s32 $0xFFFFFF80  }
0x73: {  	_ =	swait.ge [sflag:s19], $0x80  }
0x74: {  	[sflag:s19] =	ssyncset.done $0x0  }
0x75: {  	s9 =	simm.s32 $0x14580;
	[sflag:s19] =	ssyncadd.s32 $0xFFFFFF80  }
0x76: {  	[tilespmem:s4], [sflag:$0x12] =	stream.indirect.gather [hbm4b:s22+s28], $0x80, s9, s28, $0xb8;
	[tilespmem:$0x1CE00] =	vst v63  }
0x77: {  	_ = 	snop  }
0x78: {  	[tilespmem:s26], [sflag:$0x14] =	stream.indirect.gather [spmem:s3], $0x1, s15, s28, $0xb8;
	[tilespmem:$0x1CE00] =	vst v63  }
0x79: {  	_ =	swait.ge [sflag:s6], $0x4000  }
0x7a: {  	[sflag:s6] =	ssyncset.done $0x0  }
0x7b: {  	[sflag:s6] =	ssyncadd.s32 $0xFFFFC000  }
0x7c: {  	[spmem:s1] =	stream.indirect.scatter.add.f32 [tilespmem:s29], [sflag:$0x15], $0x80, s25, s28, $0xb8;
	[tilespmem:$0x1CE00] =	vst v63  }
0x7d: {  	_ =	swait.ge [sflag:s23], $0x4000  }
0x7e: {  	[sflag:s23] =	ssyncset.done $0x0  }
0x7f: {  	[sflag:s23] =	ssyncadd.s32 $0xFFFFC000  }
0x80: {  	_ =	swait.ge [sflag:s7], $0x80  }
0x81: {  	[sflag:s7] =	ssyncset.done $0x0  }
0x82: {  	s25 =	simm.s32 $0x14500;
	[sflag:s7] =	ssyncadd.s32 $0xFFFFFF80  }
0x83: {  	[spmem:s2] =	stream.indirect.scatter.add.f32 [tilespmem:s30], [sflag:$0x15], $0x1, s25, s28, $0xb8;
	[tilespmem:$0x1CE00] =	vst v63  }
0x84: {  	_ =	swait.ge [sflag:s23], $0x80  }
0x85: {  	s0 =	rddreg [dreg:$0xd];
	[sflag:s23] =	ssyncset.done $0x0  }
0x86: {  	s24 =	rddreg [dreg:$0xe];
	[sflag:s23] =	ssyncadd.s32 $0xFFFFFF80;
	s0 =	sadd.s32 $0x0, s0  }
0x87: {  	[tilespmem:s25], [sflag:$0x1] =	stream.linear.gather [hbm4b:s0+s5], $0x80, $0x38;
	[tilespmem:$0x1CE00] =	vst v63  }
0x88: {  	s31 =	simm.s32 $0x14900;
	s24 =	sadd.s32 $0x0, s24;
	s25 =	simm.s32 $0x3  }
0x89: {  	[tilespmem:s31], [sflag:$0x9] =	stream.linear.gather [hbm4b:s24+s5], $0x80, $0x38;
	[tilespmem:$0x1CE00] =	vst v63  }
0x8a: {  	_ =	swait.ge [sflag:s25], $0x80  }
0x8b: {  	[sflag:s25] =	ssyncset.done $0x0  }
0x8c: {  	s31 =	simm.s32 $0xB;
	[sflag:s25] =	ssyncadd.s32 $0xFFFFFF80  }
0x8d: {  	_ =	swait.ge [sflag:s31], $0x80  }
0x8e: {  	[sflag:s31] =	ssyncset.done $0x0  }
0x8f: {  	[sflag:s31] =	ssyncadd.s32 $0xFFFFFF80  }
0x90: {  	[tilespmem:s29], [sflag:$0x11] =	stream.indirect.gather [hbm4b:s22+s28], $0x80, s12, s28, $0xb8;
	[tilespmem:$0x1CE00] =	vst v63  }
0x91: {  	_ = 	snop  }
0x92: {  	[tilespmem:s30], [sflag:$0x13] =	stream.indirect.gather [spmem:s3], $0x1, s16, s28, $0xb8;
	[tilespmem:$0x1CE00] =	vst v63  }
0x93: {  	_ =	swait.ge [sflag:s10], $0x4000  }
0x94: {  	[sflag:s10] =	ssyncset.done $0x0  }
0x95: {  	[sflag:s10] =	ssyncadd.s32 $0xFFFFC000  }
0x96: {  	[spmem:s1] =	stream.indirect.scatter.add.f32 [tilespmem:s4], [sflag:$0x15], $0x80, s15, s28, $0xb8;
	[tilespmem:$0x1CE00] =	vst v63  }
0x97: {  	_ =	swait.ge [sflag:s23], $0x4000  }
0x98: {  	[sflag:s23] =	ssyncset.done $0x0  }
0x99: {  	[sflag:s23] =	ssyncadd.s32 $0xFFFFC000  }
0x9a: {  	_ =	swait.ge [sflag:s11], $0x80  }
0x9b: {  	[sflag:s11] =	ssyncset.done $0x0  }
0x9c: {  	[sflag:s11] =	ssyncadd.s32 $0xFFFFFF80  }
0x9d: {  	[spmem:s2] =	stream.indirect.scatter.add.f32 [tilespmem:s26], [sflag:$0x15], $0x1, s9, s28, $0xb8;
	[tilespmem:$0x1CE00] =	vst v63  }
0x9e: {  	_ =	swait.ge [sflag:s23], $0x80  }
0x9f: {  	s24 =	rddreg [dreg:$0x5]  }
0xa0: {  	s25 =	rddreg [dreg:$0x6];
	[sflag:s23] =	ssyncset.done $0x0;
	s0 =	sadd.s32 $0x0, s24  }
0xa1: {  	[sflag:s23] =	ssyncadd.s32 $0xFFFFFF80;
	s24 =	sadd.s32 $0x0, s25;
	s31 =	sadd.s32 $0x90, s0  }
0xa2: {  	[tilespmem:s9], [sflag:$0x2] =	stream.linear.gather [hbm4b:s31+s5], $0x80, $0x38;
	[tilespmem:$0x1CE00] =	vst v63  }
0xa3: {  	s25 =	simm.s32 $0x4;
	s9 =	sadd.s32 $0x90, s24  }
0xa4: {  	[tilespmem:s15], [sflag:$0xA] =	stream.linear.gather [hbm4b:s9+s5], $0x80, $0x38;
	[tilespmem:$0x1CE00] =	vst v63  }
0xa5: {  	_ =	swait.ge [sflag:s25], $0x80  }
0xa6: {  	[sflag:s25] =	ssyncset.done $0x0  }
0xa7: {  	s31 =	simm.s32 $0xC;
	[sflag:s25] =	ssyncadd.s32 $0xFFFFFF80  }
0xa8: {  	_ =	swait.ge [sflag:s31], $0x80  }
0xa9: {  	[sflag:s31] =	ssyncset.done $0x0  }
0xaa: {  	[sflag:s31] =	ssyncadd.s32 $0xFFFFFF80  }
0xab: {  	[tilespmem:s4], [sflag:$0x12] =	stream.indirect.gather [hbm4b:s22+s28], $0x80, s17, s28, $0xb8;
	[tilespmem:$0x1CE00] =	vst v63  }
0xac: {  	_ = 	snop  }
0xad: {  	[tilespmem:s26], [sflag:$0x14] =	stream.indirect.gather [spmem:s3], $0x1, s13, s28, $0xb8;
	[tilespmem:$0x1CE00] =	vst v63  }
0xae: {  	_ =	swait.ge [sflag:s6], $0x4000  }
0xaf: {  	[sflag:s6] =	ssyncset.done $0x0  }
0xb0: {  	[sflag:s6] =	ssyncadd.s32 $0xFFFFC000  }
0xb1: {  	[spmem:s1] =	stream.indirect.scatter.add.f32 [tilespmem:s29], [sflag:$0x15], $0x80, s16, s28, $0xb8;
	[tilespmem:$0x1CE00] =	vst v63  }
0xb2: {  	_ =	swait.ge [sflag:s23], $0x4000  }
0xb3: {  	[sflag:s23] =	ssyncset.done $0x0  }
0xb4: {  	[sflag:s23] =	ssyncadd.s32 $0xFFFFC000  }
0xb5: {  	_ =	swait.ge [sflag:s7], $0x80  }
0xb6: {  	[sflag:s7] =	ssyncset.done $0x0  }
0xb7: {  	[sflag:s7] =	ssyncadd.s32 $0xFFFFFF80  }
0xb8: {  	[spmem:s2] =	stream.indirect.scatter.add.f32 [tilespmem:s30], [sflag:$0x15], $0x1, s12, s28, $0xb8;
	[tilespmem:$0x1CE00] =	vst v63  }
0xb9: {  	_ =	swait.ge [sflag:s23], $0x80  }
0xba: {  	s15 =	rddreg [dreg:$0xb];
	[sflag:s23] =	ssyncset.done $0x0  }
0xbb: {  	s9 =	rddreg [dreg:$0xc];
	[sflag:s23] =	ssyncadd.s32 $0xFFFFFF80;
	s25 =	sadd.s32 $0x0, s15  }
0xbc: {  	[tilespmem:s12], [sflag:$0x3] =	stream.linear.gather [hbm4b:s25+s5], $0x80, $0x38;
	[tilespmem:$0x1CE00] =	vst v63  }
0xbd: {  	s15 =	sadd.s32 $0x0, s9  }
0xbe: {  	[tilespmem:s16], [sflag:$0xB] =	stream.linear.gather [hbm4b:s15+s5], $0x80, $0x38;
	[tilespmem:$0x1CE00] =	vst v63  }
0xbf: {  	s16 =	simm.s32 $0x5  }
0xc0: {  	_ =	swait.ge [sflag:s16], $0x80  }
0xc1: {  	[sflag:s16] =	ssyncset.done $0x0  }
0xc2: {  	s25 =	simm.s32 $0xD;
	[sflag:s16] =	ssyncadd.s32 $0xFFFFFF80  }
0xc3: {  	_ =	swait.ge [sflag:s25], $0x80  }
0xc4: {  	[sflag:s25] =	ssyncset.done $0x0  }
0xc5: {  	[sflag:s25] =	ssyncadd.s32 $0xFFFFFF80  }
0xc6: {  	[tilespmem:s29], [sflag:$0x11] =	stream.indirect.gather [hbm4b:s22+s28], $0x80, s18, s28, $0xb8;
	[tilespmem:$0x1CE00] =	vst v63  }
0xc7: {  	_ = 	snop  }
0xc8: {  	[tilespmem:s30], [sflag:$0x13] =	stream.indirect.gather [spmem:s3], $0x1, s14, s28, $0xb8;
	[tilespmem:$0x1CE00] =	vst v63  }
0xc9: {  	_ =	swait.ge [sflag:s10], $0x4000  }
0xca: {  	[sflag:s10] =	ssyncset.done $0x0  }
0xcb: {  	[sflag:s10] =	ssyncadd.s32 $0xFFFFC000  }
0xcc: {  	[spmem:s1] =	stream.indirect.scatter.add.f32 [tilespmem:s4], [sflag:$0x15], $0x80, s13, s28, $0xb8;
	[tilespmem:$0x1CE00] =	vst v63  }
0xcd: {  	_ =	swait.ge [sflag:s23], $0x4000  }
0xce: {  	[sflag:s23] =	ssyncset.done $0x0  }
0xcf: {  	[sflag:s23] =	ssyncadd.s32 $0xFFFFC000  }
0xd0: {  	_ =	swait.ge [sflag:s11], $0x80  }
0xd1: {  	[sflag:s11] =	ssyncset.done $0x0  }
0xd2: {  	[sflag:s11] =	ssyncadd.s32 $0xFFFFFF80  }
0xd3: {  	[spmem:s2] =	stream.indirect.scatter.add.f32 [tilespmem:s26], [sflag:$0x15], $0x1, s17, s28, $0xb8;
	[tilespmem:$0x1CE00] =	vst v63  }
0xd4: {  	_ =	swait.ge [sflag:s23], $0x80  }
0xd5: {  	[sflag:s23] =	ssyncset.done $0x0  }
0xd6: {  	s31 =	sadd.s32 $0xB0, s0;
	[sflag:s23] =	ssyncadd.s32 $0xFFFFFF80  }
0xd7: {  	[tilespmem:s17], [sflag:$0x4] =	stream.linear.gather [hbm4b:s31+s5], $0x80, $0x38;
	[tilespmem:$0x1CE00] =	vst v63  }
0xd8: {  	s9 =	sadd.s32 $0xB0, s24;
	s12 =	simm.s32 $0x6  }
0xd9: {  	[tilespmem:s13], [sflag:$0xC] =	stream.linear.gather [hbm4b:s9+s5], $0x80, $0x38;
	[tilespmem:$0x1CE00] =	vst v63  }
0xda: {  	_ =	swait.ge [sflag:s12], $0x80  }
0xdb: {  	[sflag:s12] =	ssyncset.done $0x0  }
0xdc: {  	s13 =	simm.s32 $0xE;
	[sflag:s12] =	ssyncadd.s32 $0xFFFFFF80  }
0xdd: {  	_ =	swait.ge [sflag:s13], $0x80  }
0xde: {  	[sflag:s13] =	ssyncset.done $0x0  }
0xdf: {  	s15 =	simm.s32 $0x14780;
	[sflag:s13] =	ssyncadd.s32 $0xFFFFFF80  }
0xe0: {  	[tilespmem:s4], [sflag:$0x12] =	stream.indirect.gather [hbm4b:s22+s28], $0x80, s15, s28, $0xb8;
	[tilespmem:$0x1CE00] =	vst v63  }
0xe1: {  	s16 =	simm.s32 $0x14B80  }
0xe2: {  	[tilespmem:s26], [sflag:$0x14] =	stream.indirect.gather [spmem:s3], $0x1, s16, s28, $0xb8;
	[tilespmem:$0x1CE00] =	vst v63  }
0xe3: {  	_ =	swait.ge [sflag:s6], $0x4000  }
0xe4: {  	[sflag:s6] =	ssyncset.done $0x0  }
0xe5: {  	[sflag:s6] =	ssyncadd.s32 $0xFFFFC000  }
0xe6: {  	[spmem:s1] =	stream.indirect.scatter.add.f32 [tilespmem:s29], [sflag:$0x15], $0x80, s14, s28, $0xb8;
	[tilespmem:$0x1CE00] =	vst v63  }
0xe7: {  	_ =	swait.ge [sflag:s23], $0x4000  }
0xe8: {  	[sflag:s23] =	ssyncset.done $0x0  }
0xe9: {  	[sflag:s23] =	ssyncadd.s32 $0xFFFFC000  }
0xea: {  	_ =	swait.ge [sflag:s7], $0x80  }
0xeb: {  	[sflag:s7] =	ssyncset.done $0x0  }
0xec: {  	[sflag:s7] =	ssyncadd.s32 $0xFFFFFF80  }
0xed: {  	[spmem:s2] =	stream.indirect.scatter.add.f32 [tilespmem:s30], [sflag:$0x15], $0x1, s18, s28, $0xb8;
	[tilespmem:$0x1CE00] =	vst v63  }
0xee: {  	_ =	swait.ge [sflag:s23], $0x80  }
0xef: {  	s17 =	rddreg [dreg:$0x9];
	[sflag:s23] =	ssyncset.done $0x0  }
0xf0: {  	s9 =	rddreg [dreg:$0xa];
	[sflag:s23] =	ssyncadd.s32 $0xFFFFFF80;
	s25 =	sadd.s32 $0x0, s17  }
0xf1: {  	[tilespmem:s18], [sflag:$0x5] =	stream.linear.gather [hbm4b:s25+s5], $0x80, $0x38;
	[tilespmem:$0x1CE00] =	vst v63  }
0xf2: {  	s13 =	simm.s32 $0x7;
	s12 =	sadd.s32 $0x0, s9  }
0xf3: {  	[tilespmem:s14], [sflag:$0xD] =	stream.linear.gather [hbm4b:s12+s5], $0x80, $0x38;
	[tilespmem:$0x1CE00] =	vst v63  }
0xf4: {  	_ =	swait.ge [sflag:s13], $0x80  }
0xf5: {  	[sflag:s13] =	ssyncset.done $0x0  }
0xf6: {  	s14 =	simm.s32 $0xF;
	[sflag:s13] =	ssyncadd.s32 $0xFFFFFF80  }
0xf7: {  	_ =	swait.ge [sflag:s14], $0x80  }
0xf8: {  	[sflag:s14] =	ssyncset.done $0x0  }
0xf9: {  	s12 =	simm.s32 $0x14800;
	[sflag:s14] =	ssyncadd.s32 $0xFFFFFF80  }
0xfa: {  	[tilespmem:s29], [sflag:$0x11] =	stream.indirect.gather [hbm4b:s22+s28], $0x80, s12, s28, $0xb8;
	[tilespmem:$0x1CE00] =	vst v63  }
0xfb: {  	s9 =	simm.s32 $0x14C00  }
0xfc: {  	[tilespmem:s30], [sflag:$0x13] =	stream.indirect.gather [spmem:s3], $0x1, s9, s28, $0xb8;
	[tilespmem:$0x1CE00] =	vst v63  }
0xfd: {  	_ =	swait.ge [sflag:s10], $0x4000  }
0xfe: {  	[sflag:s10] =	ssyncset.done $0x0  }
0xff: {  	s15 =	simm.s32 $0x14B80;
	[sflag:s10] =	ssyncadd.s32 $0xFFFFC000  }
0x100: {  	[spmem:s1] =	stream.indirect.scatter.add.f32 [tilespmem:s4], [sflag:$0x15], $0x80, s15, s28, $0xb8;
	[tilespmem:$0x1CE00] =	vst v63  }
0x101: {  	_ =	swait.ge [sflag:s23], $0x4000  }
0x102: {  	[sflag:s23] =	ssyncset.done $0x0  }
0x103: {  	[sflag:s23] =	ssyncadd.s32 $0xFFFFC000  }
0x104: {  	_ =	swait.ge [sflag:s11], $0x80  }
0x105: {  	[sflag:s11] =	ssyncset.done $0x0  }
0x106: {  	s16 =	simm.s32 $0x14780;
	[sflag:s11] =	ssyncadd.s32 $0xFFFFFF80  }
0x107: {  	[spmem:s2] =	stream.indirect.scatter.add.f32 [tilespmem:s26], [sflag:$0x15], $0x1, s16, s28, $0xb8;
	[tilespmem:$0x1CE00] =	vst v63  }
0x108: {  	_ =	swait.ge [sflag:s23], $0x80  }
0x109: {  	[sflag:s23] =	ssyncset.done $0x0  }
0x10a: {  	s17 =	sadd.s32 $0xD0, s0;
	[sflag:s23] =	ssyncadd.s32 $0xFFFFFF80  }
0x10b: {  	[tilespmem:s16], [sflag:$0x6] =	stream.linear.gather [hbm4b:s17+s5], $0x80, $0x38;
	[tilespmem:$0x1CE00] =	vst v63  }
0x10c: {  	s18 =	sadd.s32 $0xD0, s24  }
0x10d: {  	[tilespmem:s15], [sflag:$0xE] =	stream.linear.gather [hbm4b:s18+s5], $0x80, $0x38;
	[tilespmem:$0x1CE00] =	vst v63  }
0x10e: {  	_ =	swait.ge [sflag:s20], $0x80  }
0x10f: {  	[sflag:s20] =	ssyncset.done $0x0  }
0x110: {  	[sflag:s20] =	ssyncadd.s32 $0xFFFFFF80  }
0x111: {  	_ =	swait.ge [sflag:s21], $0x80  }
0x112: {  	[sflag:s21] =	ssyncset.done $0x0  }
0x113: {  	s31 =	simm.s32 $0x14880;
	[sflag:s21] =	ssyncadd.s32 $0xFFFFFF80  }
0x114: {  	[tilespmem:s4], [sflag:$0x12] =	stream.indirect.gather [hbm4b:s22+s28], $0x80, s31, s28, $0xb8;
	[tilespmem:$0x1CE00] =	vst v63  }
0x115: {  	s14 =	simm.s32 $0x14C80  }
0x116: {  	[tilespmem:s26], [sflag:$0x14] =	stream.indirect.gather [spmem:s3], $0x1, s14, s28, $0xb8;
	[tilespmem:$0x1CE00] =	vst v63  }
0x117: {  	_ =	swait.ge [sflag:s6], $0x4000  }
0x118: {  	[sflag:s6] =	ssyncset.done $0x0  }
0x119: {  	[sflag:s6] =	ssyncadd.s32 $0xFFFFC000  }
0x11a: {  	[spmem:s1] =	stream.indirect.scatter.add.f32 [tilespmem:s29], [sflag:$0x15], $0x80, s9, s28, $0xb8;
	[tilespmem:$0x1CE00] =	vst v63  }
0x11b: {  	_ =	swait.ge [sflag:s23], $0x4000  }
0x11c: {  	[sflag:s23] =	ssyncset.done $0x0  }
0x11d: {  	[sflag:s23] =	ssyncadd.s32 $0xFFFFC000  }
0x11e: {  	_ =	swait.ge [sflag:s7], $0x80  }
0x11f: {  	[sflag:s7] =	ssyncset.done $0x0  }
0x120: {  	[sflag:s7] =	ssyncadd.s32 $0xFFFFFF80  }
0x121: {  	[spmem:s2] =	stream.indirect.scatter.add.f32 [tilespmem:s30], [sflag:$0x15], $0x1, s12, s28, $0xb8;
	[tilespmem:$0x1CE00] =	vst v63  }
0x122: {  	_ =	swait.ge [sflag:s23], $0x80  }
0x123: {  	s16 =	simm.s32 $0x14800;
	s17 =	rddreg [dreg:$0x7];
	[sflag:s23] =	ssyncset.done $0x0  }
0x124: {  	s18 =	rddreg [dreg:$0x8];
	[sflag:s23] =	ssyncadd.s32 $0xFFFFFF80;
	s25 =	sadd.s32 $0x0, s17  }
0x125: {  	[tilespmem:s16], [sflag:$0x7] =	stream.linear.gather [hbm4b:s25+s5], $0x80, $0x38;
	[tilespmem:$0x1CE00] =	vst v63  }
0x126: {  	s15 =	simm.s32 $0x14C00;
	s12 =	sadd.s32 $0x0, s18  }
0x127: {  	[tilespmem:s15], [sflag:$0xF] =	stream.linear.gather [hbm4b:s12+s5], $0x80, $0x38;
	[tilespmem:$0x1CE00] =	vst v63  }
0x128: {  	_ =	swait.ge [sflag:s8], $0x80  }
0x129: {  	[sflag:s8] =	ssyncset.done $0x0  }
0x12a: {  	s14 =	simm.s32 $0x9;
	[sflag:s8] =	ssyncadd.s32 $0xFFFFFF80  }
0x12b: {  	_ =	swait.ge [sflag:s14], $0x80  }
0x12c: {  	[sflag:s14] =	ssyncset.done $0x0  }
0x12d: {  	s15 =	simm.s32 $0x14500;
	[sflag:s14] =	ssyncadd.s32 $0xFFFFFF80  }
0x12e: {  	[tilespmem:s29], [sflag:$0x11] =	stream.indirect.gather [hbm4b:s22+s28], $0x80, s15, s28, $0xb8;
	[tilespmem:$0x1CE00] =	vst v63  }
0x12f: {  	s16 =	simm.s32 $0x14900  }
0x130: {  	[tilespmem:s30], [sflag:$0x13] =	stream.indirect.gather [spmem:s3], $0x1, s16, s28, $0xb8;
	[tilespmem:$0x1CE00] =	vst v63  }
0x131: {  	_ =	swait.ge [sflag:s10], $0x4000  }
0x132: {  	[sflag:s10] =	ssyncset.done $0x0  }
0x133: {  	s17 =	simm.s32 $0x14C80;
	[sflag:s10] =	ssyncadd.s32 $0xFFFFC000  }
0x134: {  	[spmem:s1] =	stream.indirect.scatter.add.f32 [tilespmem:s4], [sflag:$0x15], $0x80, s17, s28, $0xb8;
	[tilespmem:$0x1CE00] =	vst v63  }
0x135: {  	_ =	swait.ge [sflag:s23], $0x4000  }
0x136: {  	[sflag:s23] =	ssyncset.done $0x0  }
0x137: {  	[sflag:s23] =	ssyncadd.s32 $0xFFFFC000  }
0x138: {  	_ =	swait.ge [sflag:s11], $0x80  }
0x139: {  	[sflag:s11] =	ssyncset.done $0x0  }
0x13a: {  	s18 =	simm.s32 $0x14880;
	[sflag:s11] =	ssyncadd.s32 $0xFFFFFF80  }
0x13b: {  	[spmem:s2] =	stream.indirect.scatter.add.f32 [tilespmem:s26], [sflag:$0x15], $0x1, s18, s28, $0xb8;
	[tilespmem:$0x1CE00] =	vst v63  }
0x13c: {  	_ =	swait.ge [sflag:s23], $0x80  }
0x13d: {  	[sflag:s23] =	ssyncset.done $0x0  }
0x13e: {  	s0 =	sadd.s32 $0xF0, s0;
	[sflag:s23] =	ssyncadd.s32 $0xFFFFFF80  }
0x13f: {  	[tilespmem:s18], [sflag:$0x8] =	stream.linear.gather [hbm4b:s0+s5], $0x80, $0x38;
	[tilespmem:$0x1CE00] =	vst v63  }
0x140: {  	s13 =	simm.s32 $0x2;
	s25 =	sadd.s32 $0xF0, s24  }
0x141: {  	[tilespmem:s17], [sflag:$0x10] =	stream.linear.gather [hbm4b:s25+s5], $0x80, $0x38;
	[tilespmem:$0x1CE00] =	vst v63  }
0x142: {  	_ =	swait.ge [sflag:s13], $0x80  }
0x143: {  	[sflag:s13] =	ssyncset.done $0x0  }
0x144: {  	s19 =	simm.s32 $0xA;
	[sflag:s13] =	ssyncadd.s32 $0xFFFFFF80  }
0x145: {  	_ =	swait.ge [sflag:s19], $0x80  }
0x146: {  	[sflag:s19] =	ssyncset.done $0x0  }
0x147: {  	s31 =	simm.s32 $0x14580;
	s24 =	simm.s32 $0x80;
	[sflag:s19] =	ssyncadd.s32 $0xFFFFFF80  }
0x148: {  	[tilespmem:s4], [sflag:$0x12] =	stream.indirect.gather [hbm4b:s22+s28], $0x80, s31, s28, $0xb8;
	[tilespmem:$0x1CE00] =	vst v63  }
.LBB2_2:
0x149: {  	s15 =	simm.s32 $0x14980  }
0x14a: {  	[tilespmem:s26], [sflag:$0x14] =	stream.indirect.gather [spmem:s3], $0x1, s15, s28, $0xb8;
	[tilespmem:$0x1CE00] =	vst v63  }
0x14b: {  	_ =	swait.ge [sflag:s6], $0x4000  }
0x14c: {  	[sflag:s6] =	ssyncset.done $0x0  }
0x14d: {  	s13 =	simm.s32 $0x14900;
	[sflag:s6] =	ssyncadd.s32 $0xFFFFC000  }
0x14e: {  	[spmem:s1] =	stream.indirect.scatter.add.f32 [tilespmem:s29], [sflag:$0x15], $0x80, s13, s28, $0xb8;
	[tilespmem:$0x1CE00] =	vst v63  }
0x14f: {  	_ =	swait.ge [sflag:s23], $0x4000  }
0x150: {  	[sflag:s23] =	ssyncset.done $0x0  }
0x151: {  	[sflag:s23] =	ssyncadd.s32 $0xFFFFC000  }
0x152: {  	_ =	swait.ge [sflag:s7], $0x80  }
0x153: {  	[sflag:s7] =	ssyncset.done $0x0  }
0x154: {  	s12 =	simm.s32 $0x14500;
	[sflag:s7] =	ssyncadd.s32 $0xFFFFFF80  }
0x155: {  	[spmem:s2] =	stream.indirect.scatter.add.f32 [tilespmem:s30], [sflag:$0x15], $0x1, s12, s28, $0xb8;
	[tilespmem:$0x1CE00] =	vst v63  }
0x156: {  	_ =	swait.ge [sflag:s23], $0x80  }
0x157: {  	s25 =	smov.u32 s24;
	s0 =	rddreg [dreg:$0xd];
	[sflag:s23] =	ssyncset.done $0x0  }
0x158: {  	s31 =	rddreg [dreg:$0xe];
	[sflag:s23] =	ssyncadd.s32 $0xFFFFFF80;
	s0 =	sadd.s32 s25, s0  }
0x159: {  	[tilespmem:s12], [sflag:$0x1] =	stream.linear.gather [hbm4b:s0+s5], $0x80, $0x38;
	[tilespmem:$0x1CE00] =	vst v63  }
0x15a: {  	s18 =	simm.s32 $0x3;
	s17 =	sadd.s32 s25, s31  }
0x15b: {  	[tilespmem:s13], [sflag:$0x9] =	stream.linear.gather [hbm4b:s17+s5], $0x80, $0x38;
	[tilespmem:$0x1CE00] =	vst v63  }
0x15c: {  	_ =	swait.ge [sflag:s18], $0x80  }
0x15d: {  	[sflag:s18] =	ssyncset.done $0x0  }
0x15e: {  	s8 =	simm.s32 $0xB;
	[sflag:s18] =	ssyncadd.s32 $0xFFFFFF80  }
0x15f: {  	_ =	swait.ge [sflag:s8], $0x80  }
0x160: {  	[sflag:s8] =	ssyncset.done $0x0  }
0x161: {  	s16 =	simm.s32 $0x14600;
	[sflag:s8] =	ssyncadd.s32 $0xFFFFFF80  }
0x162: {  	[tilespmem:s29], [sflag:$0x11] =	stream.indirect.gather [hbm4b:s22+s28], $0x80, s16, s28, $0xb8;
	[tilespmem:$0x1CE00] =	vst v63  }
0x163: {  	s17 =	simm.s32 $0x14A00  }
0x164: {  	[tilespmem:s30], [sflag:$0x13] =	stream.indirect.gather [spmem:s3], $0x1, s17, s28, $0xb8;
	[tilespmem:$0x1CE00] =	vst v63  }
0x165: {  	_ =	swait.ge [sflag:s10], $0x4000  }
0x166: {  	[sflag:s10] =	ssyncset.done $0x0  }
0x167: {  	[sflag:s10] =	ssyncadd.s32 $0xFFFFC000  }
0x168: {  	[spmem:s1] =	stream.indirect.scatter.add.f32 [tilespmem:s4], [sflag:$0x15], $0x80, s15, s28, $0xb8;
	[tilespmem:$0x1CE00] =	vst v63  }
0x169: {  	_ =	swait.ge [sflag:s23], $0x4000  }
0x16a: {  	[sflag:s23] =	ssyncset.done $0x0  }
0x16b: {  	[sflag:s23] =	ssyncadd.s32 $0xFFFFC000  }
0x16c: {  	_ =	swait.ge [sflag:s11], $0x80  }
0x16d: {  	[sflag:s11] =	ssyncset.done $0x0  }
0x16e: {  	s14 =	simm.s32 $0x14580;
	[sflag:s11] =	ssyncadd.s32 $0xFFFFFF80  }
0x16f: {  	[spmem:s2] =	stream.indirect.scatter.add.f32 [tilespmem:s26], [sflag:$0x15], $0x1, s14, s28, $0xb8;
	[tilespmem:$0x1CE00] =	vst v63  }
0x170: {  	_ =	swait.ge [sflag:s23], $0x80  }
0x171: {  	s9 =	rddreg [dreg:$0x5]  }
0x172: {  	s8 =	rddreg [dreg:$0x6];
	[sflag:s23] =	ssyncset.done $0x0;
	s31 =	sadd.s32 s25, s9  }
0x173: {  	[sflag:s23] =	ssyncadd.s32 $0xFFFFFF80;
	s0 =	sadd.s32 s25, s8;
	s9 =	sadd.s32 $0x90, s31  }
0x174: {  	[tilespmem:s14], [sflag:$0x2] =	stream.linear.gather [hbm4b:s9+s5], $0x80, $0x38;
	[tilespmem:$0x1CE00] =	vst v63  }
0x175: {  	s8 =	sadd.s32 $0x90, s0  }
0x176: {  	[tilespmem:s15], [sflag:$0xA] =	stream.linear.gather [hbm4b:s8+s5], $0x80, $0x38;
	[tilespmem:$0x1CE00] =	vst v63  }
0x177: {  	s15 =	simm.s32 $0x4  }
0x178: {  	_ =	swait.ge [sflag:s15], $0x80  }
0x179: {  	[sflag:s15] =	ssyncset.done $0x0  }
0x17a: {  	s18 =	simm.s32 $0xC;
	[sflag:s15] =	ssyncadd.s32 $0xFFFFFF80  }
0x17b: {  	_ =	swait.ge [sflag:s18], $0x80  }
0x17c: {  	[sflag:s18] =	ssyncset.done $0x0  }
0x17d: {  	s15 =	simm.s32 $0x14680;
	[sflag:s18] =	ssyncadd.s32 $0xFFFFFF80  }
0x17e: {  	[tilespmem:s4], [sflag:$0x12] =	stream.indirect.gather [hbm4b:s22+s28], $0x80, s15, s28, $0xb8;
	[tilespmem:$0x1CE00] =	vst v63  }
0x17f: {  	s18 =	simm.s32 $0x14A80  }
0x180: {  	[tilespmem:s26], [sflag:$0x14] =	stream.indirect.gather [spmem:s3], $0x1, s18, s28, $0xb8;
	[tilespmem:$0x1CE00] =	vst v63  }
0x181: {  	_ =	swait.ge [sflag:s6], $0x4000  }
0x182: {  	[sflag:s6] =	ssyncset.done $0x0  }
0x183: {  	[sflag:s6] =	ssyncadd.s32 $0xFFFFC000  }
0x184: {  	[spmem:s1] =	stream.indirect.scatter.add.f32 [tilespmem:s29], [sflag:$0x15], $0x80, s17, s28, $0xb8;
	[tilespmem:$0x1CE00] =	vst v63  }
0x185: {  	_ =	swait.ge [sflag:s23], $0x4000  }
0x186: {  	[sflag:s23] =	ssyncset.done $0x0  }
0x187: {  	[sflag:s23] =	ssyncadd.s32 $0xFFFFC000  }
0x188: {  	_ =	swait.ge [sflag:s7], $0x80  }
0x189: {  	[sflag:s7] =	ssyncset.done $0x0  }
0x18a: {  	[sflag:s7] =	ssyncadd.s32 $0xFFFFFF80  }
0x18b: {  	[spmem:s2] =	stream.indirect.scatter.add.f32 [tilespmem:s30], [sflag:$0x15], $0x1, s16, s28, $0xb8;
	[tilespmem:$0x1CE00] =	vst v63  }
0x18c: {  	_ =	swait.ge [sflag:s23], $0x80  }
0x18d: {  	s8 =	rddreg [dreg:$0xb];
	[sflag:s23] =	ssyncset.done $0x0  }
0x18e: {  	s9 =	rddreg [dreg:$0xc];
	[sflag:s23] =	ssyncadd.s32 $0xFFFFFF80;
	s8 =	sadd.s32 s25, s8  }
0x18f: {  	[tilespmem:s16], [sflag:$0x3] =	stream.linear.gather [hbm4b:s8+s5], $0x80, $0x38;
	[tilespmem:$0x1CE00] =	vst v63  }
0x190: {  	s9 =	sadd.s32 s25, s9;
	s16 =	simm.s32 $0x5  }
0x191: {  	[tilespmem:s17], [sflag:$0xB] =	stream.linear.gather [hbm4b:s9+s5], $0x80, $0x38;
	[tilespmem:$0x1CE00] =	vst v63  }
0x192: {  	_ =	swait.ge [sflag:s16], $0x80  }
0x193: {  	[sflag:s16] =	ssyncset.done $0x0  }
0x194: {  	s17 =	simm.s32 $0xD;
	[sflag:s16] =	ssyncadd.s32 $0xFFFFFF80  }
0x195: {  	_ =	swait.ge [sflag:s17], $0x80  }
0x196: {  	[sflag:s17] =	ssyncset.done $0x0  }
0x197: {  	s16 =	simm.s32 $0x14700;
	[sflag:s17] =	ssyncadd.s32 $0xFFFFFF80  }
0x198: {  	[tilespmem:s29], [sflag:$0x11] =	stream.indirect.gather [hbm4b:s22+s28], $0x80, s16, s28, $0xb8;
	[tilespmem:$0x1CE00] =	vst v63  }
0x199: {  	s17 =	simm.s32 $0x14B00  }
0x19a: {  	[tilespmem:s30], [sflag:$0x13] =	stream.indirect.gather [spmem:s3], $0x1, s17, s28, $0xb8;
	[tilespmem:$0x1CE00] =	vst v63  }
0x19b: {  	_ =	swait.ge [sflag:s10], $0x4000  }
0x19c: {  	[sflag:s10] =	ssyncset.done $0x0  }
0x19d: {  	[sflag:s10] =	ssyncadd.s32 $0xFFFFC000  }
0x19e: {  	[spmem:s1] =	stream.indirect.scatter.add.f32 [tilespmem:s4], [sflag:$0x15], $0x80, s18, s28, $0xb8;
	[tilespmem:$0x1CE00] =	vst v63  }
0x19f: {  	_ =	swait.ge [sflag:s23], $0x4000  }
0x1a0: {  	[sflag:s23] =	ssyncset.done $0x0  }
0x1a1: {  	[sflag:s23] =	ssyncadd.s32 $0xFFFFC000  }
0x1a2: {  	_ =	swait.ge [sflag:s11], $0x80  }
0x1a3: {  	[sflag:s11] =	ssyncset.done $0x0  }
0x1a4: {  	[sflag:s11] =	ssyncadd.s32 $0xFFFFFF80  }
0x1a5: {  	[spmem:s2] =	stream.indirect.scatter.add.f32 [tilespmem:s26], [sflag:$0x15], $0x1, s15, s28, $0xb8;
	[tilespmem:$0x1CE00] =	vst v63  }
0x1a6: {  	_ =	swait.ge [sflag:s23], $0x80  }
0x1a7: {  	[sflag:s23] =	ssyncset.done $0x0  }
0x1a8: {  	s8 =	sadd.s32 $0xB0, s31;
	[sflag:s23] =	ssyncadd.s32 $0xFFFFFF80  }
0x1a9: {  	[tilespmem:s15], [sflag:$0x4] =	stream.linear.gather [hbm4b:s8+s5], $0x80, $0x38;
	[tilespmem:$0x1CE00] =	vst v63  }
0x1aa: {  	s9 =	sadd.s32 $0xB0, s0  }
0x1ab: {  	[tilespmem:s18], [sflag:$0xC] =	stream.linear.gather [hbm4b:s9+s5], $0x80, $0x38;
	[tilespmem:$0x1CE00] =	vst v63  }
0x1ac: {  	s9 =	simm.s32 $0x6  }
0x1ad: {  	_ =	swait.ge [sflag:s9], $0x80  }
0x1ae: {  	[sflag:s9] =	ssyncset.done $0x0  }
0x1af: {  	s15 =	simm.s32 $0xE;
	[sflag:s9] =	ssyncadd.s32 $0xFFFFFF80  }
0x1b0: {  	_ =	swait.ge [sflag:s15], $0x80  }
0x1b1: {  	[sflag:s15] =	ssyncset.done $0x0  }
0x1b2: {  	[sflag:s15] =	ssyncadd.s32 $0xFFFFFF80;
	s15 =	simm.s32 $0x14780  }
0x1b3: {  	[tilespmem:s4], [sflag:$0x12] =	stream.indirect.gather [hbm4b:s22+s28], $0x80, s15, s28, $0xb8;
	[tilespmem:$0x1CE00] =	vst v63  }
0x1b4: {  	s18 =	simm.s32 $0x14B80  }
0x1b5: {  	[tilespmem:s26], [sflag:$0x14] =	stream.indirect.gather [spmem:s3], $0x1, s18, s28, $0xb8;
	[tilespmem:$0x1CE00] =	vst v63  }
0x1b6: {  	_ =	swait.ge [sflag:s6], $0x4000  }
0x1b7: {  	[sflag:s6] =	ssyncset.done $0x0  }
0x1b8: {  	[sflag:s6] =	ssyncadd.s32 $0xFFFFC000  }
0x1b9: {  	[spmem:s1] =	stream.indirect.scatter.add.f32 [tilespmem:s29], [sflag:$0x15], $0x80, s17, s28, $0xb8;
	[tilespmem:$0x1CE00] =	vst v63  }
0x1ba: {  	_ =	swait.ge [sflag:s23], $0x4000  }
0x1bb: {  	[sflag:s23] =	ssyncset.done $0x0  }
0x1bc: {  	[sflag:s23] =	ssyncadd.s32 $0xFFFFC000  }
0x1bd: {  	_ =	swait.ge [sflag:s7], $0x80  }
0x1be: {  	[sflag:s7] =	ssyncset.done $0x0  }
0x1bf: {  	[sflag:s7] =	ssyncadd.s32 $0xFFFFFF80  }
0x1c0: {  	[spmem:s2] =	stream.indirect.scatter.add.f32 [tilespmem:s30], [sflag:$0x15], $0x1, s16, s28, $0xb8;
	[tilespmem:$0x1CE00] =	vst v63  }
0x1c1: {  	_ =	swait.ge [sflag:s23], $0x80  }
0x1c2: {  	s8 =	rddreg [dreg:$0x9];
	[sflag:s23] =	ssyncset.done $0x0  }
0x1c3: {  	s9 =	rddreg [dreg:$0xa];
	[sflag:s23] =	ssyncadd.s32 $0xFFFFFF80;
	s8 =	sadd.s32 s25, s8  }
0x1c4: {  	[tilespmem:s16], [sflag:$0x5] =	stream.linear.gather [hbm4b:s8+s5], $0x80, $0x38;
	[tilespmem:$0x1CE00] =	vst v63  }
0x1c5: {  	s16 =	sadd.s32 s25, s9  }
0x1c6: {  	[tilespmem:s17], [sflag:$0xD] =	stream.linear.gather [hbm4b:s16+s5], $0x80, $0x38;
	[tilespmem:$0x1CE00] =	vst v63  }
0x1c7: {  	s17 =	simm.s32 $0x7  }
0x1c8: {  	_ =	swait.ge [sflag:s17], $0x80  }
0x1c9: {  	[sflag:s17] =	ssyncset.done $0x0  }
0x1ca: {  	s9 =	simm.s32 $0xF;
	[sflag:s17] =	ssyncadd.s32 $0xFFFFFF80  }
0x1cb: {  	_ =	swait.ge [sflag:s9], $0x80  }
0x1cc: {  	[sflag:s9] =	ssyncset.done $0x0  }
0x1cd: {  	s16 =	simm.s32 $0x14800;
	[sflag:s9] =	ssyncadd.s32 $0xFFFFFF80  }
0x1ce: {  	[tilespmem:s29], [sflag:$0x11] =	stream.indirect.gather [hbm4b:s22+s28], $0x80, s16, s28, $0xb8;
	[tilespmem:$0x1CE00] =	vst v63  }
0x1cf: {  	s17 =	simm.s32 $0x14C00  }
0x1d0: {  	[tilespmem:s30], [sflag:$0x13] =	stream.indirect.gather [spmem:s3], $0x1, s17, s28, $0xb8;
	[tilespmem:$0x1CE00] =	vst v63  }
0x1d1: {  	_ =	swait.ge [sflag:s10], $0x4000  }
0x1d2: {  	[sflag:s10] =	ssyncset.done $0x0  }
0x1d3: {  	[sflag:s10] =	ssyncadd.s32 $0xFFFFC000  }
0x1d4: {  	[spmem:s1] =	stream.indirect.scatter.add.f32 [tilespmem:s4], [sflag:$0x15], $0x80, s18, s28, $0xb8;
	[tilespmem:$0x1CE00] =	vst v63  }
0x1d5: {  	_ =	swait.ge [sflag:s23], $0x4000  }
0x1d6: {  	[sflag:s23] =	ssyncset.done $0x0  }
0x1d7: {  	[sflag:s23] =	ssyncadd.s32 $0xFFFFC000  }
0x1d8: {  	_ =	swait.ge [sflag:s11], $0x80  }
0x1d9: {  	[sflag:s11] =	ssyncset.done $0x0  }
0x1da: {  	[sflag:s11] =	ssyncadd.s32 $0xFFFFFF80  }
0x1db: {  	[spmem:s2] =	stream.indirect.scatter.add.f32 [tilespmem:s26], [sflag:$0x15], $0x1, s15, s28, $0xb8;
	[tilespmem:$0x1CE00] =	vst v63  }
0x1dc: {  	_ =	swait.ge [sflag:s23], $0x80  }
0x1dd: {  	[sflag:s23] =	ssyncset.done $0x0  }
0x1de: {  	s8 =	sadd.s32 $0xD0, s31;
	[sflag:s23] =	ssyncadd.s32 $0xFFFFFF80  }
0x1df: {  	[tilespmem:s15], [sflag:$0x6] =	stream.linear.gather [hbm4b:s8+s5], $0x80, $0x38;
	[tilespmem:$0x1CE00] =	vst v63  }
0x1e0: {  	s9 =	sadd.s32 $0xD0, s0  }
0x1e1: {  	[tilespmem:s18], [sflag:$0xE] =	stream.linear.gather [hbm4b:s9+s5], $0x80, $0x38;
	[tilespmem:$0x1CE00] =	vst v63  }
0x1e2: {  	_ =	swait.ge [sflag:s20], $0x80  }
0x1e3: {  	[sflag:s20] =	ssyncset.done $0x0  }
0x1e4: {  	[sflag:s20] =	ssyncadd.s32 $0xFFFFFF80  }
0x1e5: {  	_ =	swait.ge [sflag:s21], $0x80  }
0x1e6: {  	[sflag:s21] =	ssyncset.done $0x0  }
0x1e7: {  	s15 =	simm.s32 $0x14880;
	[sflag:s21] =	ssyncadd.s32 $0xFFFFFF80  }
0x1e8: {  	[tilespmem:s4], [sflag:$0x12] =	stream.indirect.gather [hbm4b:s22+s28], $0x80, s15, s28, $0xb8;
	[tilespmem:$0x1CE00] =	vst v63  }
0x1e9: {  	s18 =	simm.s32 $0x14C80  }
0x1ea: {  	[tilespmem:s26], [sflag:$0x14] =	stream.indirect.gather [spmem:s3], $0x1, s18, s28, $0xb8;
	[tilespmem:$0x1CE00] =	vst v63  }
0x1eb: {  	_ =	swait.ge [sflag:s6], $0x4000  }
0x1ec: {  	[sflag:s6] =	ssyncset.done $0x0  }
0x1ed: {  	[sflag:s6] =	ssyncadd.s32 $0xFFFFC000  }
0x1ee: {  	[spmem:s1] =	stream.indirect.scatter.add.f32 [tilespmem:s29], [sflag:$0x15], $0x80, s17, s28, $0xb8;
	[tilespmem:$0x1CE00] =	vst v63  }
0x1ef: {  	_ =	swait.ge [sflag:s23], $0x4000  }
0x1f0: {  	[sflag:s23] =	ssyncset.done $0x0  }
0x1f1: {  	[sflag:s23] =	ssyncadd.s32 $0xFFFFC000  }
0x1f2: {  	_ =	swait.ge [sflag:s7], $0x80  }
0x1f3: {  	[sflag:s7] =	ssyncset.done $0x0  }
0x1f4: {  	[sflag:s7] =	ssyncadd.s32 $0xFFFFFF80  }
0x1f5: {  	[spmem:s2] =	stream.indirect.scatter.add.f32 [tilespmem:s30], [sflag:$0x15], $0x1, s16, s28, $0xb8;
	[tilespmem:$0x1CE00] =	vst v63  }
0x1f6: {  	_ =	swait.ge [sflag:s23], $0x80  }
0x1f7: {  	s8 =	rddreg [dreg:$0x7];
	[sflag:s23] =	ssyncset.done $0x0  }
0x1f8: {  	s9 =	rddreg [dreg:$0x8];
	[sflag:s23] =	ssyncadd.s32 $0xFFFFFF80;
	s8 =	sadd.s32 s25, s8  }
0x1f9: {  	[tilespmem:s16], [sflag:$0x7] =	stream.linear.gather [hbm4b:s8+s5], $0x80, $0x38;
	[tilespmem:$0x1CE00] =	vst v63  }
0x1fa: {  	s16 =	sadd.s32 s25, s9;
	s9 =	simm.s32 $0x1  }
0x1fb: {  	[tilespmem:s17], [sflag:$0xF] =	stream.linear.gather [hbm4b:s16+s5], $0x80, $0x38;
	[tilespmem:$0x1CE00] =	vst v63  }
0x1fc: {  	_ =	swait.ge [sflag:s9], $0x80  }
0x1fd: {  	[sflag:s9] =	ssyncset.done $0x0  }
0x1fe: {  	s25 =	simm.s32 $0x9;
	[sflag:s9] =	ssyncadd.s32 $0xFFFFFF80  }
0x1ff: {  	_ =	swait.ge [sflag:s25], $0x80  }
0x200: {  	[sflag:s25] =	ssyncset.done $0x0  }
0x201: {  	[sflag:s25] =	ssyncadd.s32 $0xFFFFFF80  }
0x202: {  	[tilespmem:s29], [sflag:$0x11] =	stream.indirect.gather [hbm4b:s22+s28], $0x80, s12, s28, $0xb8;
	[tilespmem:$0x1CE00] =	vst v63  }
0x203: {  	_ = 	snop  }
0x204: {  	[tilespmem:s30], [sflag:$0x13] =	stream.indirect.gather [spmem:s3], $0x1, s13, s28, $0xb8;
	[tilespmem:$0x1CE00] =	vst v63  }
0x205: {  	_ =	swait.ge [sflag:s10], $0x4000  }
0x206: {  	[sflag:s10] =	ssyncset.done $0x0  }
0x207: {  	[sflag:s10] =	ssyncadd.s32 $0xFFFFC000  }
0x208: {  	[spmem:s1] =	stream.indirect.scatter.add.f32 [tilespmem:s4], [sflag:$0x15], $0x80, s18, s28, $0xb8;
	[tilespmem:$0x1CE00] =	vst v63  }
0x209: {  	_ =	swait.ge [sflag:s23], $0x4000  }
0x20a: {  	[sflag:s23] =	ssyncset.done $0x0  }
0x20b: {  	[sflag:s23] =	ssyncadd.s32 $0xFFFFC000  }
0x20c: {  	_ =	swait.ge [sflag:s11], $0x80  }
0x20d: {  	[sflag:s11] =	ssyncset.done $0x0  }
0x20e: {  	[sflag:s11] =	ssyncadd.s32 $0xFFFFFF80  }
0x20f: {  	[spmem:s2] =	stream.indirect.scatter.add.f32 [tilespmem:s26], [sflag:$0x15], $0x1, s15, s28, $0xb8;
	[tilespmem:$0x1CE00] =	vst v63  }
0x210: {  	_ =	swait.ge [sflag:s23], $0x80  }
0x211: {  	[sflag:s23] =	ssyncset.done $0x0  }
0x212: {  	s17 =	sadd.s32 $0xF0, s31;
	[sflag:s23] =	ssyncadd.s32 $0xFFFFFF80  }
0x213: {  	[tilespmem:s15], [sflag:$0x8] =	stream.linear.gather [hbm4b:s17+s5], $0x80, $0x38;
	[tilespmem:$0x1CE00] =	vst v63  }
0x214: {  	s0 =	sadd.s32 $0xF0, s0;
	s31 =	simm.s32 $0x2  }
0x215: {  	[tilespmem:s18], [sflag:$0x10] =	stream.linear.gather [hbm4b:s0+s5], $0x80, $0x38;
	[tilespmem:$0x1CE00] =	vst v63  }
0x216: {  	_ =	swait.ge [sflag:s31], $0x80  }
0x217: {  	p0 =	sne.s32 s24, $0x400;
	[sflag:s31] =	ssyncset.done $0x0  }
.Ltmp0:
0x218: {  	[sflag:s31] =	ssyncadd.s32 $0xFFFFFF80;
	(pc) =	sbr.rel @p0 .LBB2_2-.Ltmp0, $4  }
0x219: {  	s24 =	sadd.s32 $0x80, s24;
	_ =	swait.ge [sflag:s19], $0x80  }
0x21a: {  	s16 =	simm.s32 $0x1;
	s9 =	simm.s32 $0x14500;
	[sflag:s19] =	ssyncset.done $0x0  }
0x21b: {  	s12 =	simm.s32 $0x14900;
	s0 =	simm.s32 $0x14580;
	[sflag:s19] =	ssyncadd.s32 $0xFFFFFF80  }
0x21c: {  	[tilespmem:s4], [sflag:$0x12] =	stream.indirect.gather [hbm4b:s22+s28], $0x80, s14, s28, $0xb8;
	[tilespmem:$0x1CE00] =	vst v63  }
0x21d: {  	s8 =	simm.s32 $0x14980  }
0x21e: {  	[tilespmem:s26], [sflag:$0x14] =	stream.indirect.gather [spmem:s3], $0x1, s8, s28, $0xb8;
	[tilespmem:$0x1CE00] =	vst v63  }
0x21f: {  	_ =	swait.ge [sflag:s6], $0x4000  }
0x220: {  	[sflag:s6] =	ssyncset.done $0x0  }
0x221: {  	[sflag:s6] =	ssyncadd.s32 $0xFFFFC000  }
0x222: {  	[spmem:s1] =	stream.indirect.scatter.add.f32 [tilespmem:s29], [sflag:$0x15], $0x80, s12, s28, $0xb8;
	[tilespmem:$0x1CE00] =	vst v63  }
0x223: {  	_ =	swait.ge [sflag:s23], $0x4000  }
0x224: {  	[sflag:s23] =	ssyncset.done $0x0  }
0x225: {  	[sflag:s23] =	ssyncadd.s32 $0xFFFFC000  }
0x226: {  	_ =	swait.ge [sflag:s7], $0x80  }
0x227: {  	[sflag:s7] =	ssyncset.done $0x0  }
0x228: {  	[sflag:s7] =	ssyncadd.s32 $0xFFFFFF80  }
0x229: {  	[spmem:s2] =	stream.indirect.scatter.add.f32 [tilespmem:s30], [sflag:$0x15], $0x1, s9, s28, $0xb8;
	[tilespmem:$0x1CE00] =	vst v63  }
0x22a: {  	_ =	swait.ge [sflag:s23], $0x80  }
0x22b: {  	[sflag:s23] =	ssyncset.done $0x0  }
0x22c: {  	s12 =	simm.s32 $0x3;
	[sflag:s23] =	ssyncadd.s32 $0xFFFFFF80  }
0x22d: {  	_ =	swait.ge [sflag:s12], $0x80  }
0x22e: {  	[sflag:s12] =	ssyncset.done $0x0  }
0x22f: {  	s13 =	simm.s32 $0xB;
	[sflag:s12] =	ssyncadd.s32 $0xFFFFFF80  }
0x230: {  	_ =	swait.ge [sflag:s13], $0x80  }
0x231: {  	[sflag:s13] =	ssyncset.done $0x0  }
0x232: {  	s14 =	simm.s32 $0x14600;
	[sflag:s13] =	ssyncadd.s32 $0xFFFFFF80  }
0x233: {  	[tilespmem:s29], [sflag:$0x11] =	stream.indirect.gather [hbm4b:s22+s28], $0x80, s14, s28, $0xb8;
	[tilespmem:$0x1CE00] =	vst v63  }
0x234: {  	s15 =	simm.s32 $0x14A00  }
0x235: {  	[tilespmem:s30], [sflag:$0x13] =	stream.indirect.gather [spmem:s3], $0x1, s15, s28, $0xb8;
	[tilespmem:$0x1CE00] =	vst v63  }
0x236: {  	_ =	swait.ge [sflag:s10], $0x4000  }
0x237: {  	[sflag:s10] =	ssyncset.done $0x0  }
0x238: {  	[sflag:s10] =	ssyncadd.s32 $0xFFFFC000  }
0x239: {  	[spmem:s1] =	stream.indirect.scatter.add.f32 [tilespmem:s4], [sflag:$0x15], $0x80, s8, s28, $0xb8;
	[tilespmem:$0x1CE00] =	vst v63  }
0x23a: {  	_ =	swait.ge [sflag:s23], $0x4000  }
0x23b: {  	[sflag:s23] =	ssyncset.done $0x0  }
0x23c: {  	[sflag:s23] =	ssyncadd.s32 $0xFFFFC000  }
0x23d: {  	_ =	swait.ge [sflag:s11], $0x80  }
0x23e: {  	[sflag:s11] =	ssyncset.done $0x0  }
0x23f: {  	[sflag:s11] =	ssyncadd.s32 $0xFFFFFF80  }
0x240: {  	[spmem:s2] =	stream.indirect.scatter.add.f32 [tilespmem:s26], [sflag:$0x15], $0x1, s0, s28, $0xb8;
	[tilespmem:$0x1CE00] =	vst v63  }
0x241: {  	_ =	swait.ge [sflag:s23], $0x80  }
0x242: {  	[sflag:s23] =	ssyncset.done $0x0  }
0x243: {  	s17 =	simm.s32 $0x4;
	[sflag:s23] =	ssyncadd.s32 $0xFFFFFF80  }
0x244: {  	_ =	swait.ge [sflag:s17], $0x80  }
0x245: {  	[sflag:s17] =	ssyncset.done $0x0  }
0x246: {  	s18 =	simm.s32 $0xC;
	[sflag:s17] =	ssyncadd.s32 $0xFFFFFF80  }
0x247: {  	_ =	swait.ge [sflag:s18], $0x80  }
0x248: {  	[sflag:s18] =	ssyncset.done $0x0  }
0x249: {  	s19 =	simm.s32 $0x14680;
	[sflag:s18] =	ssyncadd.s32 $0xFFFFFF80  }
0x24a: {  	[tilespmem:s4], [sflag:$0x12] =	stream.indirect.gather [hbm4b:s22+s28], $0x80, s19, s28, $0xb8;
	[tilespmem:$0x1CE00] =	vst v63  }
0x24b: {  	s24 =	simm.s32 $0x14A80  }
0x24c: {  	[tilespmem:s26], [sflag:$0x14] =	stream.indirect.gather [spmem:s3], $0x1, s24, s28, $0xb8;
	[tilespmem:$0x1CE00] =	vst v63  }
0x24d: {  	_ =	swait.ge [sflag:s6], $0x4000  }
0x24e: {  	[sflag:s6] =	ssyncset.done $0x0  }
0x24f: {  	[sflag:s6] =	ssyncadd.s32 $0xFFFFC000  }
0x250: {  	[spmem:s1] =	stream.indirect.scatter.add.f32 [tilespmem:s29], [sflag:$0x15], $0x80, s15, s28, $0xb8;
	[tilespmem:$0x1CE00] =	vst v63  }
0x251: {  	_ =	swait.ge [sflag:s23], $0x4000  }
0x252: {  	[sflag:s23] =	ssyncset.done $0x0  }
0x253: {  	[sflag:s23] =	ssyncadd.s32 $0xFFFFC000  }
0x254: {  	_ =	swait.ge [sflag:s7], $0x80  }
0x255: {  	[sflag:s7] =	ssyncset.done $0x0  }
0x256: {  	[sflag:s7] =	ssyncadd.s32 $0xFFFFFF80  }
0x257: {  	[spmem:s2] =	stream.indirect.scatter.add.f32 [tilespmem:s30], [sflag:$0x15], $0x1, s14, s28, $0xb8;
	[tilespmem:$0x1CE00] =	vst v63  }
0x258: {  	_ =	swait.ge [sflag:s23], $0x80  }
0x259: {  	[sflag:s23] =	ssyncset.done $0x0  }
0x25a: {  	s13 =	simm.s32 $0x5;
	[sflag:s23] =	ssyncadd.s32 $0xFFFFFF80  }
0x25b: {  	_ =	swait.ge [sflag:s13], $0x80  }
0x25c: {  	[sflag:s13] =	ssyncset.done $0x0  }
0x25d: {  	s14 =	simm.s32 $0xD;
	[sflag:s13] =	ssyncadd.s32 $0xFFFFFF80  }
0x25e: {  	_ =	swait.ge [sflag:s14], $0x80  }
0x25f: {  	[sflag:s14] =	ssyncset.done $0x0  }
0x260: {  	s15 =	simm.s32 $0x14700;
	[sflag:s14] =	ssyncadd.s32 $0xFFFFFF80  }
0x261: {  	[tilespmem:s29], [sflag:$0x11] =	stream.indirect.gather [hbm4b:s22+s28], $0x80, s15, s28, $0xb8;
	[tilespmem:$0x1CE00] =	vst v63  }
0x262: {  	s17 =	simm.s32 $0x14B00  }
0x263: {  	[tilespmem:s30], [sflag:$0x13] =	stream.indirect.gather [spmem:s3], $0x1, s17, s28, $0xb8;
	[tilespmem:$0x1CE00] =	vst v63  }
0x264: {  	_ =	swait.ge [sflag:s10], $0x4000  }
0x265: {  	[sflag:s10] =	ssyncset.done $0x0  }
0x266: {  	[sflag:s10] =	ssyncadd.s32 $0xFFFFC000  }
0x267: {  	[spmem:s1] =	stream.indirect.scatter.add.f32 [tilespmem:s4], [sflag:$0x15], $0x80, s24, s28, $0xb8;
	[tilespmem:$0x1CE00] =	vst v63  }
0x268: {  	_ =	swait.ge [sflag:s23], $0x4000  }
0x269: {  	[sflag:s23] =	ssyncset.done $0x0  }
0x26a: {  	[sflag:s23] =	ssyncadd.s32 $0xFFFFC000  }
0x26b: {  	_ =	swait.ge [sflag:s11], $0x80  }
0x26c: {  	[sflag:s11] =	ssyncset.done $0x0  }
0x26d: {  	[sflag:s11] =	ssyncadd.s32 $0xFFFFFF80  }
0x26e: {  	[spmem:s2] =	stream.indirect.scatter.add.f32 [tilespmem:s26], [sflag:$0x15], $0x1, s19, s28, $0xb8;
	[tilespmem:$0x1CE00] =	vst v63  }
0x26f: {  	_ =	swait.ge [sflag:s23], $0x80  }
0x270: {  	[sflag:s23] =	ssyncset.done $0x0  }
0x271: {  	s18 =	simm.s32 $0x6;
	[sflag:s23] =	ssyncadd.s32 $0xFFFFFF80  }
0x272: {  	_ =	swait.ge [sflag:s18], $0x80  }
0x273: {  	[sflag:s18] =	ssyncset.done $0x0  }
0x274: {  	s19 =	simm.s32 $0xE;
	[sflag:s18] =	ssyncadd.s32 $0xFFFFFF80  }
0x275: {  	_ =	swait.ge [sflag:s19], $0x80  }
0x276: {  	[sflag:s19] =	ssyncset.done $0x0  }
0x277: {  	s24 =	simm.s32 $0x14780;
	[sflag:s19] =	ssyncadd.s32 $0xFFFFFF80  }
0x278: {  	[tilespmem:s4], [sflag:$0x12] =	stream.indirect.gather [hbm4b:s22+s28], $0x80, s24, s28, $0xb8;
	[tilespmem:$0x1CE00] =	vst v63  }
0x279: {  	s13 =	simm.s32 $0x14B80  }
0x27a: {  	[tilespmem:s26], [sflag:$0x14] =	stream.indirect.gather [spmem:s3], $0x1, s13, s28, $0xb8;
	[tilespmem:$0x1CE00] =	vst v63  }
0x27b: {  	_ =	swait.ge [sflag:s6], $0x4000  }
0x27c: {  	[sflag:s6] =	ssyncset.done $0x0  }
0x27d: {  	[sflag:s6] =	ssyncadd.s32 $0xFFFFC000  }
0x27e: {  	[spmem:s1] =	stream.indirect.scatter.add.f32 [tilespmem:s29], [sflag:$0x15], $0x80, s17, s28, $0xb8;
	[tilespmem:$0x1CE00] =	vst v63  }
0x27f: {  	_ =	swait.ge [sflag:s23], $0x4000  }
0x280: {  	[sflag:s23] =	ssyncset.done $0x0  }
0x281: {  	[sflag:s23] =	ssyncadd.s32 $0xFFFFC000  }
0x282: {  	_ =	swait.ge [sflag:s7], $0x80  }
0x283: {  	[sflag:s7] =	ssyncset.done $0x0  }
0x284: {  	[sflag:s7] =	ssyncadd.s32 $0xFFFFFF80  }
0x285: {  	[spmem:s2] =	stream.indirect.scatter.add.f32 [tilespmem:s30], [sflag:$0x15], $0x1, s15, s28, $0xb8;
	[tilespmem:$0x1CE00] =	vst v63  }
0x286: {  	_ =	swait.ge [sflag:s23], $0x80  }
0x287: {  	[sflag:s23] =	ssyncset.done $0x0  }
0x288: {  	s14 =	simm.s32 $0x7;
	[sflag:s23] =	ssyncadd.s32 $0xFFFFFF80  }
0x289: {  	_ =	swait.ge [sflag:s14], $0x80  }
0x28a: {  	[sflag:s14] =	ssyncset.done $0x0  }
0x28b: {  	s15 =	simm.s32 $0xF;
	[sflag:s14] =	ssyncadd.s32 $0xFFFFFF80  }
0x28c: {  	_ =	swait.ge [sflag:s15], $0x80  }
0x28d: {  	[sflag:s15] =	ssyncset.done $0x0  }
0x28e: {  	s17 =	simm.s32 $0x14800;
	[sflag:s15] =	ssyncadd.s32 $0xFFFFFF80  }
0x28f: {  	[tilespmem:s29], [sflag:$0x11] =	stream.indirect.gather [hbm4b:s22+s28], $0x80, s17, s28, $0xb8;
	[tilespmem:$0x1CE00] =	vst v63  }
0x290: {  	s18 =	simm.s32 $0x14C00  }
0x291: {  	[tilespmem:s30], [sflag:$0x13] =	stream.indirect.gather [spmem:s3], $0x1, s18, s28, $0xb8;
	[tilespmem:$0x1CE00] =	vst v63  }
0x292: {  	_ =	swait.ge [sflag:s10], $0x4000  }
0x293: {  	[sflag:s10] =	ssyncset.done $0x0  }
0x294: {  	[sflag:s10] =	ssyncadd.s32 $0xFFFFC000  }
0x295: {  	[spmem:s1] =	stream.indirect.scatter.add.f32 [tilespmem:s4], [sflag:$0x15], $0x80, s13, s28, $0xb8;
	[tilespmem:$0x1CE00] =	vst v63  }
0x296: {  	_ =	swait.ge [sflag:s23], $0x4000  }
0x297: {  	[sflag:s23] =	ssyncset.done $0x0  }
0x298: {  	[sflag:s23] =	ssyncadd.s32 $0xFFFFC000  }
0x299: {  	_ =	swait.ge [sflag:s11], $0x80  }
0x29a: {  	[sflag:s11] =	ssyncset.done $0x0  }
0x29b: {  	[sflag:s11] =	ssyncadd.s32 $0xFFFFFF80  }
0x29c: {  	[spmem:s2] =	stream.indirect.scatter.add.f32 [tilespmem:s26], [sflag:$0x15], $0x1, s24, s28, $0xb8;
	[tilespmem:$0x1CE00] =	vst v63  }
0x29d: {  	_ =	swait.ge [sflag:s23], $0x80  }
0x29e: {  	[sflag:s23] =	ssyncset.done $0x0  }
0x29f: {  	[sflag:s23] =	ssyncadd.s32 $0xFFFFFF80  }
0x2a0: {  	_ =	swait.ge [sflag:s20], $0x80  }
0x2a1: {  	[sflag:s20] =	ssyncset.done $0x0  }
0x2a2: {  	[sflag:s20] =	ssyncadd.s32 $0xFFFFFF80  }
0x2a3: {  	_ =	swait.ge [sflag:s21], $0x80  }
0x2a4: {  	[sflag:s21] =	ssyncset.done $0x0  }
0x2a5: {  	s19 =	simm.s32 $0x14880;
	[sflag:s21] =	ssyncadd.s32 $0xFFFFFF80  }
0x2a6: {  	[tilespmem:s4], [sflag:$0x12] =	stream.indirect.gather [hbm4b:s22+s28], $0x80, s19, s28, $0xb8;
	[tilespmem:$0x1CE00] =	vst v63  }
0x2a7: {  	s24 =	simm.s32 $0x14C80  }
0x2a8: {  	[tilespmem:s26], [sflag:$0x14] =	stream.indirect.gather [spmem:s3], $0x1, s24, s28, $0xb8;
	[tilespmem:$0x1CE00] =	vst v63  }
0x2a9: {  	_ =	swait.ge [sflag:s6], $0x4000  }
0x2aa: {  	[sflag:s6] =	ssyncset.done $0x0  }
0x2ab: {  	[sflag:s6] =	ssyncadd.s32 $0xFFFFC000  }
0x2ac: {  	[spmem:s1] =	stream.indirect.scatter.add.f32 [tilespmem:s29], [sflag:$0x15], $0x80, s18, s28, $0xb8;
	[tilespmem:$0x1CE00] =	vst v63  }
0x2ad: {  	_ =	swait.ge [sflag:s23], $0x4000  }
0x2ae: {  	[sflag:s23] =	ssyncset.done $0x0  }
0x2af: {  	[sflag:s23] =	ssyncadd.s32 $0xFFFFC000  }
0x2b0: {  	_ =	swait.ge [sflag:s7], $0x80  }
0x2b1: {  	[sflag:s7] =	ssyncset.done $0x0  }
0x2b2: {  	[sflag:s7] =	ssyncadd.s32 $0xFFFFFF80  }
0x2b3: {  	[spmem:s2] =	stream.indirect.scatter.add.f32 [tilespmem:s30], [sflag:$0x15], $0x1, s17, s28, $0xb8;
	[tilespmem:$0x1CE00] =	vst v63  }
0x2b4: {  	_ =	swait.ge [sflag:s23], $0x80  }
0x2b5: {  	[sflag:s23] =	ssyncset.done $0x0  }
0x2b6: {  	[sflag:s23] =	ssyncadd.s32 $0xFFFFFF80  }
0x2b7: {  	_ =	swait.ge [sflag:s10], $0x4000  }
0x2b8: {  	[sflag:s10] =	ssyncset.done $0x0  }
0x2b9: {  	[sflag:s10] =	ssyncadd.s32 $0xFFFFC000  }
0x2ba: {  	[spmem:s1] =	stream.indirect.scatter.add.f32 [tilespmem:s4], [sflag:$0x15], $0x80, s24, s28, $0xb8;
	[tilespmem:$0x1CE00] =	vst v63  }
0x2bb: {  	_ =	swait.ge [sflag:s23], $0x4000  }
0x2bc: {  	[sflag:s23] =	ssyncset.done $0x0  }
0x2bd: {  	[sflag:s23] =	ssyncadd.s32 $0xFFFFC000  }
0x2be: {  	_ =	swait.ge [sflag:s11], $0x80  }
0x2bf: {  	[sflag:s11] =	ssyncset.done $0x0  }
0x2c0: {  	[sflag:s11] =	ssyncadd.s32 $0xFFFFFF80  }
0x2c1: {  	[spmem:s2] =	stream.indirect.scatter.add.f32 [tilespmem:s26], [sflag:$0x15], $0x1, s19, s28, $0xb8;
	[tilespmem:$0x1CE00] =	vst v63  }
0x2c2: {  	_ =	swait.ge [sflag:s23], $0x80  }
0x2c3: {  	[sflag:s23] =	ssyncset.done $0x0  }
0x2c4: {  	[sflag:s23] =	ssyncadd.s32 $0xFFFFFF80  }
0x2c5: {  	[bflag:$0x0] =	sbarrier.arrive $0xFFFF  }
0x2c6: {  	s9 =	sld [smem:$0x7FD]  }
0x2c7: {  	s13 =	sld [smem:$0x7F9]  }
0x2c8: {  	s14 =	sld [smem:$0x7F3];
	_ =	sdelay $0x2  }
0x2c9: {  	[hbm:s13], [sflag:s9] =	dma.local [spmem:s14], $0x2800  }
0x2ca: {  	_ =	swait.ge [sflag:s23], $0x2800  }
0x2cb: {  	s15 =	sld [smem:$0x7FA]  }
0x2cc: {  	s18 =	sld [smem:$0x7F4]  }
0x2cd: {  	[sflag:s23] =	ssyncset.done $0x0  }
0x2ce: {  	s17 =	simm.s32 $0x20;
	[sflag:s23] =	ssyncadd.s32 $0xFFFFD800  }
0x2cf: {  	[hbm:s15@s17], [sflag:s9] =	dma.strided [spmem:s18@s21], $0x50, s16, $0x10   }
0x2d0: {  	_ =	swait.ge [sflag:s23], $0x50  }
0x2d1: {  	s19 =	sld [smem:$0x7F2]  }
0x2d2: {  	s24 =	sld [smem:$0x7FB];
	_ =	sdelay $0x1  }
0x2d3: {  	s8 =	sadd.s32 $0x1, s19  }
0x2d4: {  	p0 =	sne.s32 s8, s24  }
.Ltmp1:
0x2d5: {  	_ = 	snop;
	(pc) =	sbr.rel @p0 .LBB2_1-.Ltmp1, $3  }
0x2d6: {  	_ =	sdelay $0x1  }
0x2d7: {  	[sflag:s23] =	ssyncset.done $0x0  }
0x2d8: {  	[sflag:s23] =	ssyncadd.s32 $0xFFFFFFB0;
	s19 =	simm.s32 $0xA  }
0x2d9: {  	_ =	sfence.sel $0x180000  }
0x2da: {  	[bflag:$0x0] =	sbarrier.arrive $0xFFFF  }
0x2db: {  	_ =	strace $0x9000004A  }
0x2dc: {  	s0 =	stileid.u32;
	[bflag:$0x2] =	sbarrier.arrive $0xFFFF  }
0x2dd: {  	p0 =	sne.s32 s0, $0x0;
	s0 =	rddreg [dreg:$0x4]  }
0x2de: {  	s0 =	sadd.s32 @!p0 $0x100000, s0  }
0x2df: {  	[sflag:s0] =	ssyncadd.tile.s32 @!p0 $0x1;
	_ =	shalt  }
.Lfunc_end2:
_tile_overlayer_lowered:
.L_overlay_start_2:
0x2e0: {  	(tag) =	ssettag $0x2  }
0x2e1: {  	s0 =	rddreg [dreg:$0x0];
	s2 =	stileid.u32  }
0x2e2: {  	s1 =	rddreg [dreg:$0x1];
	p0 =	sne.s32 s2, $0x0  }
0x2e3: {  	s3 =	rddreg [dreg:$0x2];
	[bflag:$0x3] =	sbarrier.arrive $0xFFFF;
	s2 =	simm.s32 @!p0 $0x1C15  }
0x2e4: {  	[timem:s3], [sflag:s2] =	dma.local @!p0 [hbm:s0], s1  }
0x2e5: {  	s0 =	simm.s32 @!p0 $0x15  }
0x2e6: {  	_ =	swait.ge @!p0 [sflag:s0], s1  }
0x2e7: {  	s1 =	ssub.s32 @!p0 $0x0, s1;
	[sflag:s0] =	ssyncset.done @!p0 $0x0  }
0x2e8: {  	[sflag:s0] =	ssyncadd.s32 @!p0 s1  }
0x2e9: {  	[bflag:$0x3] =	sbarrier.arrive $0xFFFF  }
0x2ea: {  	_ =	shalt  }

// kernel: kernel.7.cloned.1.call-start
scs
__scs_entry_jumppad:
0x0: {  	(pc) =	sbr.rel $0x88, $3  }
0x1: {  	(tag) =	ssettag $0x0;
	lr =	simm.s32 $0x1  }
0x2: {  	[smem:$0x3F9B] =	sst lr;
	_ =	strace $0xD0000000  }
0x3: {  	_ = 	snop  }
0x4: {  	_ = 	snop  }
0x5: {  	_ = 	snop  }
0x6: {  	_ = 	snop  }
0x7: {  	_ = 	snop  }
__scs_overlays_trampoline_lowered:
0x8: {  	[smem:$0x3FAA] =	sst s0  }
0x9: {  	[smem:$0x3FAB] =	sst s1  }
0xa: {  	[smem:$0x3FAC] =	sst s2  }
0xb: {  	[smem:$0x3FAD] =	sst s3  }
0xc: {  	[smem:$0x3FAE] =	sst s4  }
0xd: {  	[smem:$0x3FAF] =	sst s5  }
0xe: {  	[smem:$0x3FB0] =	sst s6  }
0xf: {  	[smem:$0x3FB1] =	sst s7  }
0x10: {  	[smem:$0x3FB2] =	sst s8  }
0x11: {  	[smem:$0x3FB3] =	sst s9;
	s0 =	simm.s32 @!p0 $0x0  }
0x12: {  	s1 =	sld [smem:$0x3F99];
	s0 =	simm.s32 @p0 $0x1  }
0x13: {  	[smem:$0x3FB4] =	sst s0;
	s0 =	simm.s32 @!p1 $0x0  }
0x14: {  	s2 =	sld [smem:$0x3F98];
	s0 =	simm.s32 @p1 $0x1  }
0x15: {  	[smem:$0x3FB5] =	sst s0;
	s0 =	simm.s32 @!p2 $0x0  }
0x16: {  	s3 =	sld [smem:$0x3FDB];
	s0 =	simm.s32 @p2 $0x1  }
0x17: {  	s4 =	simm.s32 $0x1BF5;
	[smem:$0x3FB7] =	sst s0  }
0x18: {  	s0 =	sld [smem:$0x3F9A];
	_ =	swait.ge [sflag:s4], $0x0  }
0x19: {  	s7 =	sld [smem:$0x3F9B]  }
0x1a: {  	s8 =	sadd.s32 $0xFFFFE003, lr  }
0x1b: {  	s9 =	sadd.s32 $0xFFFFFEF7, lr;
	s5 =	simm.s32 $0xFFFFFFFF;
	p2 =	slt.u32 s8, $0xFFFFF086  }
0x1c: {  	p1 =	slt.u32 s9, $0xF7A;
	s5 =	simm.s32 @!p2 $0x0  }
0x1d: {  	s5 =	simm.s32 @p1 $0x1;
	p0 =	seq.s32 s7, s2  }
0x1e: {  	s7 =	smul.u32 @!p0 $0xF7A, s2;
	p2 =	seq.s32 @!p0 s5, $0x0  }
0x1f: {  	s9 =	smul.u32 $0xF7A, s1;
	s8 =	simm.s32 @!p0 $0x1BF5;
	p2 =	por !p2, p0  }
0x20: {  	[sflag:s8] =	ssyncset.s32 @!p0 $0xFFFFF086;
	s6 =	sadd.s32 @!p0 s3, s7;
	s7 =	simm.s32 @!p0 $0x108  }
0x21: {  	s3 =	sadd.s32 s3, s9;
	s6 =	sadd.s32 @!p0 $0x88, s6;
	s7 =	simm.s32 @p2 $0x1082  }
0x22: {  	[simem:s7], [sflag:s8] =	dma.local @!p0 [hbm:s6], $0xF7A  }
0x23: {  	s9 =	sor.u32 $0xD0000000, s2;
	s6 =	simm.s32 $0x108;
	_ =	swait.ge @!p0 [sflag:s8], $0x0  }
0x24: {  	s3 =	sadd.s32 $0x88, s3;
	s6 =	simm.s32 @!p1 $0x1082;
	[sflag:s4] =	ssyncset.s32 $0xFFFFF086  }
0x25: {  	[simem:s6], [sflag:s4] =	dma.local [hbm:s3], $0xF7A  }
0x26: {  	[smem:$0x3F9B] =	sst s1;
	(tag) =	ssettag s2;
	_ =	strace s9  }
0x27: {  	s1 =	sld [smem:$0x3FAB]  }
0x28: {  	s2 =	sld [smem:$0x3FAC]  }
0x29: {  	s4 =	sld [smem:$0x3FAE]  }
0x2a: {  	p0 =	seq.s32 s5, $0x0;
	s5 =	sld [smem:$0x3FAF]  }
0x2b: {  	s6 =	sld [smem:$0x3FB0]  }
0x2c: {  	s7 =	sld [smem:$0x3FB1]  }
0x2d: {  	s3 =	simm.s32 $0x108;
	s8 =	sld [smem:$0x3FB2]  }
0x2e: {  	s3 =	simm.s32 @!p0 $0x1082;
	s9 =	sld [smem:$0x3FB3]  }
0x2f: {  	lr =	sadd.s32 s0, s3;
	s0 =	sld [smem:$0x3FAA]  }
0x30: {  	s3 =	sld [smem:$0x3FAD]  }
0x31: {  	[smem:$0x3FB6] =	sst s10  }
0x32: {  	s10 =	sld [smem:$0x3FB4];
	_ =	sdelay $0x3  }
0x33: {  	p0 =	seq.s32 s10, $0x1;
	s10 =	sld [smem:$0x3FB6];
	_ =	sdelay $0x3  }
0x34: {  	[smem:$0x3FB6] =	sst s10  }
0x35: {  	s10 =	sld [smem:$0x3FB5];
	_ =	sdelay $0x3  }
0x36: {  	p1 =	seq.s32 s10, $0x1;
	s10 =	sld [smem:$0x3FB6];
	_ =	sdelay $0x3  }
0x37: {  	[smem:$0x3FB6] =	sst s10  }
0x38: {  	s10 =	sld [smem:$0x3FB7]  }
0x39: {  	_ = 	snop;
	(pc) =	sbr.ind lr, $3  }
0x3a: {  	_ = 	snop  }
0x3b: {  	_ = 	snop  }
0x3c: {  	p2 =	seq.s32 s10, $0x1;
	s10 =	sld [smem:$0x3FB6]  }
0x3d: {  	_ =	shalt  }
0x3e: {  	_ =	shalt  }
0x3f: {  	_ =	shalt  }
0x40: {  	_ =	shalt  }
0x41: {  	_ =	shalt  }
0x42: {  	_ =	shalt  }
0x43: {  	_ =	shalt  }
0x44: {  	_ =	shalt  }
0x45: {  	_ =	shalt  }
0x46: {  	_ =	shalt  }
0x47: {  	_ =	shalt  }
0x48: {  	_ =	shalt  }
0x49: {  	_ =	shalt  }
0x4a: {  	_ =	shalt  }
0x4b: {  	_ =	shalt  }
0x4c: {  	_ =	shalt  }
0x4d: {  	_ =	shalt  }
0x4e: {  	_ =	shalt  }
0x4f: {  	_ =	shalt  }
0x50: {  	_ =	shalt  }
0x51: {  	_ =	shalt  }
0x52: {  	_ =	shalt  }
0x53: {  	_ =	shalt  }
0x54: {  	_ =	shalt  }
0x55: {  	_ =	shalt  }
0x56: {  	_ =	shalt  }
0x57: {  	_ =	shalt  }
0x58: {  	_ =	shalt  }
0x59: {  	_ =	shalt  }
0x5a: {  	_ =	shalt  }
0x5b: {  	_ =	shalt  }
0x5c: {  	_ =	shalt  }
0x5d: {  	_ =	shalt  }
0x5e: {  	_ =	shalt  }
0x5f: {  	_ =	shalt  }
0x60: {  	_ =	shalt  }
0x61: {  	_ =	shalt  }
0x62: {  	_ =	shalt  }
0x63: {  	_ =	shalt  }
0x64: {  	_ =	shalt  }
0x65: {  	_ =	shalt  }
0x66: {  	_ =	shalt  }
0x67: {  	_ =	shalt  }
0x68: {  	_ =	shalt  }
0x69: {  	_ =	shalt  }
0x6a: {  	_ =	shalt  }
0x6b: {  	_ =	shalt  }
0x6c: {  	_ =	shalt  }
0x6d: {  	_ =	shalt  }
0x6e: {  	_ =	shalt  }
0x6f: {  	_ =	shalt  }
0x70: {  	_ =	shalt  }
0x71: {  	_ =	shalt  }
0x72: {  	_ =	shalt  }
0x73: {  	_ =	shalt  }
0x74: {  	_ =	shalt  }
0x75: {  	_ =	shalt  }
0x76: {  	_ =	shalt  }
0x77: {  	_ =	shalt  }
0x78: {  	_ =	shalt  }
0x79: {  	_ =	shalt  }
0x7a: {  	_ =	shalt  }
0x7b: {  	_ =	shalt  }
0x7c: {  	_ =	shalt  }
0x7d: {  	_ =	shalt  }
0x7e: {  	_ =	shalt  }
0x7f: {  	_ =	shalt  }
0x80: {  	_ =	shalt  }
0x81: {  	_ =	shalt  }
0x82: {  	_ =	shalt  }
0x83: {  	_ =	shalt  }
0x84: {  	_ =	shalt  }
0x85: {  	_ =	shalt  }
0x86: {  	_ =	shalt  }
0x87: {  	_ =	shalt  }
.Lfunc_end0:
.L_simem_size_0:
called_computation_lowered:
.L_overlay_start_0:
0x88: {  	s2 =	sld [smem:$0x3FD9]  }
0x89: {  	s3 =	sld [smem:$0x3FFE];
	_ =	sdelay $0x1  }
0x8a: {  	s1 =	srdreg.scid  }
0x8b: {  	s0 =	sand.u32 $0x1, s1  }
0x8c: {  	s16 =	sshll.u32 s0, $0xA;
	s2 =	sadd.s32 s3, s2  }
0x8d: {  	s2 =	sadd.s32 s2, s16  }
0x8e: {  	[smem:$0x3FC2] =	sst s2  }
0x8f: {  	_ = 	snop  }
0x90: {  	(tm) =	ssettm $0x1  }
0x91: {  	s17 =	sld [smem:$0x3FFB];
	_ =	sdelay $0x3  }
0x92: {  	_ =	strace s17  }
0x93: {  	s2 =	sld [smem:$0x3FFC];
	_ =	sdelay $0x3  }
0x94: {  	_ =	strace s2  }
0x95: {  	s2 =	sld [smem:$0x3FFD];
	_ =	sdelay $0x3  }
0x96: {  	_ =	strace s2  }
0x97: {  	_ =	strace $0x8FFFFFFF  }
0x98: {  	s18 =	sld [smem:$0x3FDB];
	_ =	sdelay $0x1  }
0x99: {  	s19 =	simm.s32 $_scs_section_size  }
0x9a: {  	s4 =	simm.s32 $_size__tile_overlayer_lowered;
	s5 =	simm.s32 $_tile_overlayer_lowered  }
0x9b: {  	s22 =	simm.s32 $0x1BFF;
	s21 =	sshll.u32 s5, $0x1;
	s2 =	sadd.s32 s19, s18  }
0x9c: {  	s6 =	simm.s32 $0x0;
	s20 =	sshll.u32 s4, $0x1;
	s4 =	sadd.s32 s21, s2  }
0x9d: {  	[timem:s6], [sflag:s22] =	dma.local [hbm:s4], s20  }
0x9e: {  	_ =	swait.ge [sflag:s22], s20  }
0x9f: {  	s3 =	ssub.s32 $0x0, s20;
	[sflag:s22] =	ssyncset.done $0x0  }
0xa0: {  	[sflag:s22] =	ssyncadd.s32 s3;
	_ =	sdelay $0x1  }
0xa1: {  	s23 =	simm.s32 $0x1B8B  }
0xa2: {  	_ =	swait.ge [sflag:s23], $0x1  }
0xa3: {  	[sflag:s23] =	ssyncset.done $0x0  }
0xa4: {  	s25 =	simm.s32 $0x1B8E;
	s24 =	sld [smem:$0x3FFE];
	[sflag:s23] =	ssyncadd.s32 $0xFFFFFFFF  }
0xa5: {  	s26 =	simm.s32 $execute0_lowered;
	[smem:$0x3FD2] =	sst s25  }
0xa6: {  	s4 =	sshll.u32 s26, $0x1;
	_ =	strace $0x80000046;
	[dreg:$0x1] =	wrdreg $0xFFFFFFFF  }
0xa7: {  	s28 =	simm.s32 $_size_execute0_lowered;
	s2 =	sadd.s32 s2, s4;
	[dreg:$0x0] =	wrdreg $0x0  }
0xa8: {  	s4 =	sshll.u32 s28, $0x1;
	[dreg:$0x2] =	wrdreg s2  }
0xa9: {  	[dreg:$0x3] =	wrdreg s4  }
0xaa: {  	[dreg:$0x4] =	wrdreg $0xC0  }
0xab: {  	_ =	task [dreg:s6], $0x5FFFF  }
0xac: {  	[dreg:$0x1] =	wrdreg $0xFFFFFFFF  }
0xad: {  	[dreg:$0x0] =	wrdreg $0x60  }
0xae: {  	[dreg:$0x2] =	wrdreg s24  }
0xaf: {  	[dreg:$0x3] =	wrdreg $0x0  }
0xb0: {  	[dreg:$0x4] =	wrdreg $0x9  }
0xb1: {  	_ =	task.clear_ibuf [dreg:s6], $0x5FFFF;
	_ =	strace $0x90000046  }
0xb2: {  	s29 =	simm.s32 $0x9;
	_ =	strace $0x80000048  }
0xb3: {  	_ =	swait.ge [sflag:s29], $0x1  }
0xb4: {  	[sflag:s29] =	ssyncadd.s32 $0xFFFFFFFF  }
0xb5: {  	_ =	strace $0x90000048  }
0xb6: {  	_ =	sfence  }
0xb7: {  	s30 =	sld [smem:$0x0];
	_ =	sdelay $0x2  }
0xb8: {  	s31 =	sshll.u32 s1, $0xD;
	s1 =	sshrl.u32 s1, $0x2  }
0xb9: {  	s3 =	sand.u32 $0x4000, s31;
	s1 =	sadd.s32 s1, s30  }
0xba: {  	s0 =	sor.u32 s3, s0;
	s1 =	sshll.u32 s1, $0x11  }
0xbb: {  	s0 =	sor.u32 s1, s0  }
0xbc: {  	s0 =	sadd.s32 $0x8F2B, s0  }
0xbd: {  	[sflag:s0] =	ssyncadd.remote.s32 $0x1  }
0xbe: {  	_ =	sfence.sel $0xFFFF  }
0xbf: {  	[dreg:$0x0] =	wrdreg $0xFFFFFFFF;
	(pc) =	sbr.abs _section_cstart, $3  }
0xc0: {  	[dreg:$0x1] =	wrdreg $0xFFFFFFFF  }
0xc1: {  	_ =	task.clear_ibuf [dreg:s6], $0x2FFFF;
	_ =	strace $0x9FFFFFFF  }
0xc2: {  	(tm) =	ssettm $0x7FFFFFFF  }
0xc3: {  	_ =	shalt  }
tec
execute0_lowered:
.L_overlay_start_1:
0x0: {  	(tag) =	ssettag $0x1  }
0x1: {  	s0 =	srdreg.scid;
	s1 =	rddreg [dreg:$0x0]  }
0x2: {  	s3 =	simm.s32 $0x0;
	s16 =	sand.u32 $0x1, s0;
	s0 =	stileid.u32  }
0x3: {  	[smem:$0x7FF] =	sst s3;
	s7 =	sadd.s32 $0xBA00, s1;
	s2 =	sshll.u32 s16, $0x4  }
0x4: {  	s8 =	sadd.s32 $0xB800, s1;
	s20 =	smul.u32 $0x500, s0;
	s4 =	sor.u32 s0, s2  }
0x5: {  	s6 =	sshll.u32 s0, $0x8;
	s2 =	rddreg [dreg:$0x1];
	s5 =	smul.u32 $0x2800, s4  }
0x6: {  	_ =	strace $0x80000047;
	[dreg:$0x3] =	wrdreg s7;
	s9 =	smul.u32 $0xA, s4  }
0x7: {  	s22 =	sshll.u32 s16, $0x7;
	[dreg:$0x4] =	wrdreg s8;
	s5 =	sor.u32 s6, s5  }
0x8: {  	s15 =	sadd.s32 $0x2, s9;
	s10 =	sadd.s32 $0x3, s9;
	s23 =	sadd.s32 $0x4, s9  }
0x9: {  	s12 =	sadd.s32 $0x5, s9;
	s6 =	sand.u32 $0x7E300, s5;
	s5 =	sadd.s32 $0x1800, s1  }
0xa: {  	s17 =	sshll.u32 s15, $0x7;
	s11 =	sshll.u32 s10, $0x4;
	s10 =	sshll.u32 s10, $0x7  }
0xb: {  	s24 =	sshll.u32 s23, $0x7;
	s13 =	sshll.u32 s12, $0x4;
	s12 =	sshll.u32 s12, $0x7  }
0xc: {  	s14 =	sshrl.u32 s6, $0x3;
	s8 =	sand.u32 $0x1FC00, s17;
	s11 =	sand.u32 $0x70, s11  }
0xd: {  	s18 =	sand.u32 $0x1FC00, s10;
	s10 =	sand.u32 $0x1FC00, s24;
	s13 =	sand.u32 $0x70, s13  }
0xe: {  	s25 =	sand.u32 $0x1FC00, s12;
	s12 =	sadd.s32 $0x6, s9;
	s6 =	sadd.s32 $0x2000, s6  }
0xf: {  	s4 =	sadd.s32 s5, s14;
	s19 =	sadd.s32 s5, s11;
	s26 =	sadd.s32 s5, s13  }
0x10: {  	s13 =	sshll.u32 s12, $0x7;
	s7 =	sadd.s32 $0x10, s4;
	[dreg:$0x11] =	wrdreg s4  }
0x11: {  	s6 =	sshrl.u32 s6, $0x3;
	s21 =	sadd.s32 s18, s19;
	[dreg:$0x5] =	wrdreg s7  }
0x12: {  	s11 =	sadd.s32 s25, s26;
	s7 =	sshll.u32 s15, $0x4;
	[dreg:$0x7] =	wrdreg s21  }
0x13: {  	s6 =	sadd.s32 s5, s6;
	[dreg:$0x9] =	wrdreg s11;
	s7 =	sand.u32 $0x60, s7  }
0x14: {  	[dreg:$0xc] =	wrdreg s6;
	s21 =	simm.s32 $0x20;
	s7 =	sadd.s32 s5, s7  }
0x15: {  	s14 =	sadd.s32 $0x7, s9;
	[dreg:$0xf] =	wrdreg s21;
	s7 =	sadd.s32 s8, s7  }
0x16: {  	s9 =	sadd.s32 $0x9, s9;
	[dreg:$0x6] =	wrdreg s7;
	s7 =	sshll.u32 s23, $0x4  }
0x17: {  	s15 =	sshll.u32 s14, $0x4;
	s25 =	rddreg [dreg:$0x7];
	s7 =	sand.u32 $0x60, s7  }
0x18: {  	s11 =	sshll.u32 s14, $0x7;
	s14 =	rddreg [dreg:$0x9];
	s7 =	sadd.s32 s5, s7  }
0x19: {  	s8 =	sor.u32 s22, s20;
	s20 =	sshll.u32 s9, $0x4;
	s7 =	sadd.s32 s10, s7  }
0x1a: {  	s9 =	sshll.u32 s9, $0x7;
	[dreg:$0x8] =	wrdreg s7;
	s7 =	sshll.u32 s12, $0x4  }
0x1b: {  	s22 =	rddreg [dreg:$0x5];
	s8 =	sshrl.u32 s8, $0x3;
	s7 =	sand.u32 $0x60, s7  }
0x1c: {  	s9 =	sand.u32 $0x1FC00, s9;
	s10 =	sand.u32 $0x1FC00, s13;
	s7 =	sadd.s32 s5, s7  }
0x1d: {  	s1 =	sadd.s32 s8, s1;
	s23 =	rddreg [dreg:$0x6];
	s7 =	sadd.s32 s10, s7  }
0x1e: {  	s12 =	sand.u32 $0x70, s15;
	[dreg:$0xa] =	wrdreg s7;
	s7 =	sand.u32 $0x70, s20  }
0x1f: {  	s1 =	sadd.s32 $0xBC00, s1;
	s18 =	sadd.s32 s5, s12;
	s5 =	sadd.s32 s5, s7  }
0x20: {  	s6 =	simm.s32 $0x400;
	[dreg:$0xe] =	wrdreg s1;
	s5 =	sadd.s32 s9, s5  }
0x21: {  	s7 =	simm.s32 $0x280;
	[dreg:$0xd] =	wrdreg s5;
	s5 =	simm.s32 $0x80  }
0x22: {  	[tilespmem:s7], [sflag:$0x1] =	stream.strided.gather [hbm4b:s4+s5], $0x400, s6, s5, $0x38;
	[tilespmem:$0x2E80] =	vst v63  }
0x23: {  	s17 =	sand.u32 $0x1FC00, s11;
	s1 =	rddreg [dreg:$0x4];
	s4 =	simm.s32 $0x680  }
0x24: {  	[tilespmem:s4], [sflag:$0x2] =	stream.strided.gather [hbm4b:s22+s5], $0x400, s6, s5, $0x38;
	[tilespmem:$0x2E80] =	vst v63  }
0x25: {  	s8 =	simm.s32 $0xA80;
	s26 =	rddreg [dreg:$0x8];
	s19 =	sadd.s32 s17, s18  }
0x26: {  	[tilespmem:s8], [sflag:$0x3] =	stream.strided.gather [hbm4b:s23+s5], $0x400, s6, s5, $0x38;
	[tilespmem:$0x2E80] =	vst v63  }
0x27: {  	s24 =	smul.u32 $0xA00, s0;
	[dreg:$0xb] =	wrdreg s19;
	s9 =	simm.s32 $0xE80  }
0x28: {  	[tilespmem:s9], [sflag:$0x4] =	stream.strided.gather [hbm4b:s25+s5], $0x400, s6, s5, $0x38;
	[tilespmem:$0x2E80] =	vst v63  }
0x29: {  	s11 =	sshrl.u32 s24, $0x2;
	s10 =	simm.s32 $0x1280;
	s19 =	rddreg [dreg:$0xc]  }
0x2a: {  	[tilespmem:s10], [sflag:$0x5] =	stream.strided.gather [hbm4b:s26+s5], $0x400, s6, s5, $0x38;
	[tilespmem:$0x2E80] =	vst v63  }
0x2b: {  	s18 =	sadd.s32 s11, s2;
	s11 =	simm.s32 $0x1680;
	s17 =	rddreg [dreg:$0xb]  }
0x2c: {  	[tilespmem:s11], [sflag:$0x6] =	stream.strided.gather [hbm4b:s14+s5], $0x400, s6, s5, $0x38;
	[tilespmem:$0x2E80] =	vst v63  }
0x2d: {  	s12 =	simm.s32 $0x1A80;
	s20 =	simm.s32 $0x10;
	s15 =	rddreg [dreg:$0xa]  }
0x2e: {  	[tilespmem:s12], [sflag:$0x7] =	stream.strided.gather [hbm4b:s15+s5], $0x400, s6, s5, $0x38;
	[tilespmem:$0x2E80] =	vst v63  }
0x2f: {  	s0 =	sshll.u32 s0, $0x6;
	[dreg:$0x10] =	wrdreg s20;
	s14 =	simm.s32 $0x1E80  }
0x30: {  	[tilespmem:s14], [sflag:$0x8] =	stream.strided.gather [hbm4b:s17+s5], $0x400, s6, s5, $0x38;
	[tilespmem:$0x2E80] =	vst v63  }
0x31: {  	s13 =	sor.u32 $0x1C0B, s0;
	s21 =	rddreg [dreg:$0xd];
	s15 =	simm.s32 $0x2280  }
0x32: {  	[tilespmem:s15], [sflag:$0x9] =	stream.strided.gather [hbm4b:s19+s5], $0x400, s6, s5, $0x38;
	[tilespmem:$0x2E80] =	vst v63  }
0x33: {  	s17 =	simm.s32 $0x2680;
	s19 =	sshrl.u32 s18, $0x3;
	s18 =	simm.s32 $0xB  }
0x34: {  	[tilespmem:s17], [sflag:$0xA] =	stream.strided.gather [hbm4b:s21+s5], $0x400, s6, s5, $0x38;
	[tilespmem:$0x2E80] =	vst v63  }
0x35: {  	[spmem:s19], [sflag:s13] =	dma.local [hbm:s1], $0x50  }
0x36: {  	_ =	swait.ge [sflag:s18], $0x50  }
0x37: {  	[sflag:s18] =	ssyncset.done $0x0  }
0x38: {  	s20 =	simm.s32 $0x2A80;
	s26 =	rddreg [dreg:$0x3];
	[sflag:s18] =	ssyncadd.s32 $0xFFFFFFB0  }
0x39: {  	[tilespmem:s20], [sflag:$0xB] =	stream.linear.gather [hbm4b:s26+s3], $0x400, $0x38;
	[tilespmem:$0x2E80] =	vst v63  }
0x3a: {  	_ =	swait.ge [sflag:s18], $0x400  }
0x3b: {  	[sflag:s18] =	ssyncset.done $0x0  }
0x3c: {  	[sflag:s18] =	ssyncadd.s32 $0xFFFFFC00  }
0x3d: {  	s21 =	simm.s32 $0x1;
	[bflag:$0x0] =	sbarrier.arrive $0xFFFF  }
0x3e: {  	_ =	swait.ge [sflag:s21], $0x400  }
0x3f: {  	[sflag:s21] =	ssyncset.done $0x0  }
0x40: {  	s22 =	simm.s32 $0x3E8;
	[sflag:s21] =	ssyncadd.s32 $0xFFFFFC00  }
0x41: {  	[spmem:s2] =	stream.indirect.scatter.add.f32 [tilespmem:s20], [sflag:$0xB], $0x1, s7, s22, $0xb8;
	[tilespmem:$0x2E80] =	vst v63  }
0x42: {  	_ =	swait.ge [sflag:s18], $0x3E8  }
0x43: {  	[sflag:s18] =	ssyncset.done $0x0  }
0x44: {  	s23 =	simm.s32 $0x2;
	[sflag:s18] =	ssyncadd.s32 $0xFFFFFC18  }
0x45: {  	_ =	swait.ge [sflag:s23], $0x400  }
0x46: {  	[sflag:s23] =	ssyncset.done $0x0  }
0x47: {  	[sflag:s23] =	ssyncadd.s32 $0xFFFFFC00  }
0x48: {  	[spmem:s2] =	stream.indirect.scatter.add.f32 [tilespmem:s20], [sflag:$0xB], $0x1, s4, s22, $0xb8;
	[tilespmem:$0x2E80] =	vst v63  }
0x49: {  	_ =	swait.ge [sflag:s18], $0x3E8  }
0x4a: {  	[sflag:s18] =	ssyncset.done $0x0  }
0x4b: {  	s24 =	simm.s32 $0x3;
	[sflag:s18] =	ssyncadd.s32 $0xFFFFFC18  }
0x4c: {  	_ =	swait.ge [sflag:s24], $0x400  }
0x4d: {  	[sflag:s24] =	ssyncset.done $0x0  }
0x4e: {  	[sflag:s24] =	ssyncadd.s32 $0xFFFFFC00  }
0x4f: {  	[spmem:s2] =	stream.indirect.scatter.add.f32 [tilespmem:s20], [sflag:$0xB], $0x1, s8, s22, $0xb8;
	[tilespmem:$0x2E80] =	vst v63  }
0x50: {  	_ =	swait.ge [sflag:s18], $0x3E8  }
0x51: {  	[sflag:s18] =	ssyncset.done $0x0  }
0x52: {  	s25 =	simm.s32 $0x4;
	[sflag:s18] =	ssyncadd.s32 $0xFFFFFC18  }
0x53: {  	_ =	swait.ge [sflag:s25], $0x400  }
0x54: {  	[sflag:s25] =	ssyncset.done $0x0  }
0x55: {  	[sflag:s25] =	ssyncadd.s32 $0xFFFFFC00  }
0x56: {  	[spmem:s2] =	stream.indirect.scatter.add.f32 [tilespmem:s20], [sflag:$0xB], $0x1, s9, s22, $0xb8;
	[tilespmem:$0x2E80] =	vst v63  }
0x57: {  	_ =	swait.ge [sflag:s18], $0x3E8  }
0x58: {  	[sflag:s18] =	ssyncset.done $0x0  }
0x59: {  	s26 =	simm.s32 $0x5;
	[sflag:s18] =	ssyncadd.s32 $0xFFFFFC18  }
0x5a: {  	_ =	swait.ge [sflag:s26], $0x400  }
0x5b: {  	[sflag:s26] =	ssyncset.done $0x0  }
0x5c: {  	[sflag:s26] =	ssyncadd.s32 $0xFFFFFC00  }
0x5d: {  	[spmem:s2] =	stream.indirect.scatter.add.f32 [tilespmem:s20], [sflag:$0xB], $0x1, s10, s22, $0xb8;
	[tilespmem:$0x2E80] =	vst v63  }
0x5e: {  	_ =	swait.ge [sflag:s18], $0x3E8  }
0x5f: {  	[sflag:s18] =	ssyncset.done $0x0  }
0x60: {  	s28 =	simm.s32 $0x6;
	[sflag:s18] =	ssyncadd.s32 $0xFFFFFC18  }
0x61: {  	_ =	swait.ge [sflag:s28], $0x400  }
0x62: {  	[sflag:s28] =	ssyncset.done $0x0  }
0x63: {  	[sflag:s28] =	ssyncadd.s32 $0xFFFFFC00  }
0x64: {  	[spmem:s2] =	stream.indirect.scatter.add.f32 [tilespmem:s20], [sflag:$0xB], $0x1, s11, s22, $0xb8;
	[tilespmem:$0x2E80] =	vst v63  }
0x65: {  	_ =	swait.ge [sflag:s18], $0x3E8  }
0x66: {  	[sflag:s18] =	ssyncset.done $0x0  }
0x67: {  	s29 =	simm.s32 $0x7;
	[sflag:s18] =	ssyncadd.s32 $0xFFFFFC18  }
0x68: {  	_ =	swait.ge [sflag:s29], $0x400  }
0x69: {  	[sflag:s29] =	ssyncset.done $0x0  }
0x6a: {  	[sflag:s29] =	ssyncadd.s32 $0xFFFFFC00  }
0x6b: {  	[spmem:s2] =	stream.indirect.scatter.add.f32 [tilespmem:s20], [sflag:$0xB], $0x1, s12, s22, $0xb8;
	[tilespmem:$0x2E80] =	vst v63  }
0x6c: {  	_ =	swait.ge [sflag:s18], $0x3E8  }
0x6d: {  	[sflag:s18] =	ssyncset.done $0x0  }
0x6e: {  	s30 =	simm.s32 $0x8;
	[sflag:s18] =	ssyncadd.s32 $0xFFFFFC18  }
0x6f: {  	_ =	swait.ge [sflag:s30], $0x400  }
0x70: {  	[sflag:s30] =	ssyncset.done $0x0  }
0x71: {  	[sflag:s30] =	ssyncadd.s32 $0xFFFFFC00  }
0x72: {  	[spmem:s2] =	stream.indirect.scatter.add.f32 [tilespmem:s20], [sflag:$0xB], $0x1, s14, s22, $0xb8;
	[tilespmem:$0x2E80] =	vst v63  }
0x73: {  	_ =	swait.ge [sflag:s18], $0x3E8  }
0x74: {  	[sflag:s18] =	ssyncset.done $0x0  }
0x75: {  	s31 =	simm.s32 $0x9;
	[sflag:s18] =	ssyncadd.s32 $0xFFFFFC18  }
0x76: {  	_ =	swait.ge [sflag:s31], $0x400  }
0x77: {  	[sflag:s31] =	ssyncset.done $0x0  }
0x78: {  	[sflag:s31] =	ssyncadd.s32 $0xFFFFFC00  }
0x79: {  	[spmem:s2] =	stream.indirect.scatter.add.f32 [tilespmem:s20], [sflag:$0xB], $0x1, s15, s22, $0xb8;
	[tilespmem:$0x2E80] =	vst v63  }
0x7a: {  	_ =	swait.ge [sflag:s18], $0x3E8  }
0x7b: {  	[sflag:s18] =	ssyncset.done $0x0  }
0x7c: {  	s1 =	simm.s32 $0xA;
	[sflag:s18] =	ssyncadd.s32 $0xFFFFFC18  }
0x7d: {  	_ =	swait.ge [sflag:s1], $0x400  }
0x7e: {  	[sflag:s1] =	ssyncset.done $0x0  }
0x7f: {  	s16 =	ssub.s32 $0x2, s16;
	[sflag:s1] =	ssyncadd.s32 $0xFFFFFC00  }
0x80: {  	[spmem:s2] =	stream.indirect.scatter.add.f32 [tilespmem:s20], [sflag:$0xB], $0x1, s17, s22, $0xb8;
	[tilespmem:$0x2E80] =	vst v63  }
0x81: {  	s17 =	sshrl.u32 s16, $0x1  }
0x82: {  	_ =	swait.ge [sflag:s18], $0x3E8;
	s0 =	ssub.s32 s16, s17  }
0x83: {  	[sflag:s18] =	ssyncset.done $0x0;
	s0 =	smax.u32 s0, $0x1  }
0x84: {  	[sflag:s18] =	ssyncadd.s32 $0xFFFFFC18;
	p0 =	sne.s32 s0, $0x1  }
.Ltmp0:
0x85: {  	[bflag:$0x0] =	sbarrier.arrive $0xFFFF;
	(pc) =	sbr.rel @!p0 .LBB2_3-.Ltmp0, $4  }
0x86: {  	s12 =	rddreg [dreg:$0x10]  }
0x87: {  	s14 =	rddreg [dreg:$0xe]  }
0x88: {  	s0 =	sadd.s32 $0xFFFFFFFF, s0;
	s15 =	rddreg [dreg:$0xf]  }
0x89: {  	[hbm:s14@s15], [sflag:s13] =	dma.strided [spmem:s19@s12], $0x50, s21, $0x10   }
0x8a: {  	s8 =	simm.s32 $0x280;
	s9 =	simm.s32 $0x680;
	s10 =	simm.s32 $0xA80  }
0x8b: {  	s11 =	simm.s32 $0xE80;
	s12 =	simm.s32 $0x1280;
	s14 =	simm.s32 $0x1680  }
0x8c: {  	s15 =	simm.s32 $0x1A80;
	s16 =	simm.s32 $0x1E80;
	s17 =	simm.s32 $0x2280  }
.LBB2_2:
0x8d: {  	_ =	swait.ge [sflag:s18], $0x50  }
0x8e: {  	s3 =	rddreg [dreg:$0x4];
	[sflag:s18] =	ssyncset.done $0x0  }
0x8f: {  	s7 =	rddreg [dreg:$0x11];
	[sflag:s18] =	ssyncadd.s32 $0xFFFFFFB0  }
0x90: {  	[tilespmem:s8], [sflag:$0x1] =	stream.strided.gather [hbm4b:s7+s5], $0x400, s6, s5, $0x38;
	[tilespmem:$0x2E80] =	vst v63  }
0x91: {  	s4 =	rddreg [dreg:$0x5]  }
0x92: {  	[tilespmem:s9], [sflag:$0x2] =	stream.strided.gather [hbm4b:s4+s5], $0x400, s6, s5, $0x38;
	[tilespmem:$0x2E80] =	vst v63  }
0x93: {  	s7 =	rddreg [dreg:$0x6]  }
0x94: {  	[tilespmem:s10], [sflag:$0x3] =	stream.strided.gather [hbm4b:s7+s5], $0x400, s6, s5, $0x38;
	[tilespmem:$0x2E80] =	vst v63  }
0x95: {  	s4 =	rddreg [dreg:$0x7]  }
0x96: {  	[tilespmem:s11], [sflag:$0x4] =	stream.strided.gather [hbm4b:s4+s5], $0x400, s6, s5, $0x38;
	[tilespmem:$0x2E80] =	vst v63  }
0x97: {  	s7 =	rddreg [dreg:$0x8]  }
0x98: {  	[tilespmem:s12], [sflag:$0x5] =	stream.strided.gather [hbm4b:s7+s5], $0x400, s6, s5, $0x38;
	[tilespmem:$0x2E80] =	vst v63  }
0x99: {  	s4 =	rddreg [dreg:$0x9]  }
0x9a: {  	[tilespmem:s14], [sflag:$0x6] =	stream.strided.gather [hbm4b:s4+s5], $0x400, s6, s5, $0x38;
	[tilespmem:$0x2E80] =	vst v63  }
0x9b: {  	s7 =	rddreg [dreg:$0xa]  }
0x9c: {  	[tilespmem:s15], [sflag:$0x7] =	stream.strided.gather [hbm4b:s7+s5], $0x400, s6, s5, $0x38;
	[tilespmem:$0x2E80] =	vst v63  }
0x9d: {  	s4 =	rddreg [dreg:$0xb]  }
0x9e: {  	[tilespmem:s16], [sflag:$0x8] =	stream.strided.gather [hbm4b:s4+s5], $0x400, s6, s5, $0x38;
	[tilespmem:$0x2E80] =	vst v63  }
0x9f: {  	s7 =	rddreg [dreg:$0xc]  }
0xa0: {  	[tilespmem:s17], [sflag:$0x9] =	stream.strided.gather [hbm4b:s7+s5], $0x400, s6, s5, $0x38;
	[tilespmem:$0x2E80] =	vst v63  }
0xa1: {  	s4 =	rddreg [dreg:$0xd];
	s7 =	simm.s32 $0x2680  }
0xa2: {  	[tilespmem:s7], [sflag:$0xA] =	stream.strided.gather [hbm4b:s4+s5], $0x400, s6, s5, $0x38;
	[tilespmem:$0x2E80] =	vst v63  }
0xa3: {  	[spmem:s19], [sflag:s13] =	dma.local [hbm:s3], $0x50  }
0xa4: {  	_ =	swait.ge [sflag:s18], $0x50  }
0xa5: {  	[sflag:s18] =	ssyncset.done $0x0  }
0xa6: {  	s4 =	simm.s32 $0x0;
	s3 =	rddreg [dreg:$0x3];
	[sflag:s18] =	ssyncadd.s32 $0xFFFFFFB0  }
0xa7: {  	[tilespmem:s20], [sflag:$0xB] =	stream.linear.gather [hbm4b:s3+s4], $0x400, $0x38;
	[tilespmem:$0x2E80] =	vst v63  }
0xa8: {  	_ =	swait.ge [sflag:s18], $0x400  }
0xa9: {  	[sflag:s18] =	ssyncset.done $0x0  }
0xaa: {  	[sflag:s18] =	ssyncadd.s32 $0xFFFFFC00  }
0xab: {  	[bflag:$0x0] =	sbarrier.arrive $0xFFFF  }
0xac: {  	_ =	swait.ge [sflag:s21], $0x400  }
0xad: {  	[sflag:s21] =	ssyncset.done $0x0  }
0xae: {  	[sflag:s21] =	ssyncadd.s32 $0xFFFFFC00  }
0xaf: {  	[spmem:s2] =	stream.indirect.scatter.add.f32 [tilespmem:s20], [sflag:$0xB], $0x1, s8, s22, $0xb8;
	[tilespmem:$0x2E80] =	vst v63  }
0xb0: {  	_ =	swait.ge [sflag:s18], $0x3E8  }
0xb1: {  	[sflag:s18] =	ssyncset.done $0x0  }
0xb2: {  	[sflag:s18] =	ssyncadd.s32 $0xFFFFFC18  }
0xb3: {  	_ =	swait.ge [sflag:s23], $0x400  }
0xb4: {  	[sflag:s23] =	ssyncset.done $0x0  }
0xb5: {  	[sflag:s23] =	ssyncadd.s32 $0xFFFFFC00  }
0xb6: {  	[spmem:s2] =	stream.indirect.scatter.add.f32 [tilespmem:s20], [sflag:$0xB], $0x1, s9, s22, $0xb8;
	[tilespmem:$0x2E80] =	vst v63  }
0xb7: {  	_ =	swait.ge [sflag:s18], $0x3E8  }
0xb8: {  	[sflag:s18] =	ssyncset.done $0x0  }
0xb9: {  	[sflag:s18] =	ssyncadd.s32 $0xFFFFFC18  }
0xba: {  	_ =	swait.ge [sflag:s24], $0x400  }
0xbb: {  	[sflag:s24] =	ssyncset.done $0x0  }
0xbc: {  	[sflag:s24] =	ssyncadd.s32 $0xFFFFFC00  }
0xbd: {  	[spmem:s2] =	stream.indirect.scatter.add.f32 [tilespmem:s20], [sflag:$0xB], $0x1, s10, s22, $0xb8;
	[tilespmem:$0x2E80] =	vst v63  }
0xbe: {  	_ =	swait.ge [sflag:s18], $0x3E8  }
0xbf: {  	[sflag:s18] =	ssyncset.done $0x0  }
0xc0: {  	[sflag:s18] =	ssyncadd.s32 $0xFFFFFC18  }
0xc1: {  	_ =	swait.ge [sflag:s25], $0x400  }
0xc2: {  	[sflag:s25] =	ssyncset.done $0x0  }
0xc3: {  	[sflag:s25] =	ssyncadd.s32 $0xFFFFFC00  }
0xc4: {  	[spmem:s2] =	stream.indirect.scatter.add.f32 [tilespmem:s20], [sflag:$0xB], $0x1, s11, s22, $0xb8;
	[tilespmem:$0x2E80] =	vst v63  }
0xc5: {  	_ =	swait.ge [sflag:s18], $0x3E8  }
0xc6: {  	[sflag:s18] =	ssyncset.done $0x0  }
0xc7: {  	[sflag:s18] =	ssyncadd.s32 $0xFFFFFC18  }
0xc8: {  	_ =	swait.ge [sflag:s26], $0x400  }
0xc9: {  	[sflag:s26] =	ssyncset.done $0x0  }
0xca: {  	[sflag:s26] =	ssyncadd.s32 $0xFFFFFC00  }
0xcb: {  	[spmem:s2] =	stream.indirect.scatter.add.f32 [tilespmem:s20], [sflag:$0xB], $0x1, s12, s22, $0xb8;
	[tilespmem:$0x2E80] =	vst v63  }
0xcc: {  	_ =	swait.ge [sflag:s18], $0x3E8  }
0xcd: {  	[sflag:s18] =	ssyncset.done $0x0  }
0xce: {  	[sflag:s18] =	ssyncadd.s32 $0xFFFFFC18  }
0xcf: {  	_ =	swait.ge [sflag:s28], $0x400  }
0xd0: {  	[sflag:s28] =	ssyncset.done $0x0  }
0xd1: {  	[sflag:s28] =	ssyncadd.s32 $0xFFFFFC00  }
0xd2: {  	[spmem:s2] =	stream.indirect.scatter.add.f32 [tilespmem:s20], [sflag:$0xB], $0x1, s14, s22, $0xb8;
	[tilespmem:$0x2E80] =	vst v63  }
0xd3: {  	_ =	swait.ge [sflag:s18], $0x3E8  }
0xd4: {  	[sflag:s18] =	ssyncset.done $0x0  }
0xd5: {  	[sflag:s18] =	ssyncadd.s32 $0xFFFFFC18  }
0xd6: {  	_ =	swait.ge [sflag:s29], $0x400  }
0xd7: {  	[sflag:s29] =	ssyncset.done $0x0  }
0xd8: {  	[sflag:s29] =	ssyncadd.s32 $0xFFFFFC00  }
0xd9: {  	[spmem:s2] =	stream.indirect.scatter.add.f32 [tilespmem:s20], [sflag:$0xB], $0x1, s15, s22, $0xb8;
	[tilespmem:$0x2E80] =	vst v63  }
0xda: {  	_ =	swait.ge [sflag:s18], $0x3E8  }
0xdb: {  	[sflag:s18] =	ssyncset.done $0x0  }
0xdc: {  	[sflag:s18] =	ssyncadd.s32 $0xFFFFFC18  }
0xdd: {  	_ =	swait.ge [sflag:s30], $0x400  }
0xde: {  	[sflag:s30] =	ssyncset.done $0x0  }
0xdf: {  	[sflag:s30] =	ssyncadd.s32 $0xFFFFFC00  }
0xe0: {  	[spmem:s2] =	stream.indirect.scatter.add.f32 [tilespmem:s20], [sflag:$0xB], $0x1, s16, s22, $0xb8;
	[tilespmem:$0x2E80] =	vst v63  }
0xe1: {  	_ =	swait.ge [sflag:s18], $0x3E8  }
0xe2: {  	[sflag:s18] =	ssyncset.done $0x0  }
0xe3: {  	[sflag:s18] =	ssyncadd.s32 $0xFFFFFC18  }
0xe4: {  	_ =	swait.ge [sflag:s31], $0x400  }
0xe5: {  	[sflag:s31] =	ssyncset.done $0x0  }
0xe6: {  	[sflag:s31] =	ssyncadd.s32 $0xFFFFFC00  }
0xe7: {  	[spmem:s2] =	stream.indirect.scatter.add.f32 [tilespmem:s20], [sflag:$0xB], $0x1, s17, s22, $0xb8;
	[tilespmem:$0x2E80] =	vst v63  }
0xe8: {  	_ =	swait.ge [sflag:s18], $0x3E8  }
0xe9: {  	[sflag:s18] =	ssyncset.done $0x0  }
0xea: {  	[sflag:s18] =	ssyncadd.s32 $0xFFFFFC18  }
0xeb: {  	_ =	swait.ge [sflag:s1], $0x400  }
0xec: {  	[sflag:s1] =	ssyncset.done $0x0  }
0xed: {  	[sflag:s1] =	ssyncadd.s32 $0xFFFFFC00  }
0xee: {  	[spmem:s2] =	stream.indirect.scatter.add.f32 [tilespmem:s20], [sflag:$0xB], $0x1, s7, s22, $0xb8;
	[tilespmem:$0x2E80] =	vst v63  }
0xef: {  	_ =	swait.ge [sflag:s18], $0x3E8  }
0xf0: {  	[sflag:s18] =	ssyncset.done $0x0  }
0xf1: {  	p0 =	sne.s32 s0, $0x1;
	[sflag:s18] =	ssyncadd.s32 $0xFFFFFC18  }
.Ltmp1:
0xf2: {  	[bflag:$0x0] =	sbarrier.arrive $0xFFFF;
	(pc) =	sbr.rel @p0 .LBB2_2-.Ltmp1, $4  }
0xf3: {  	s3 =	rddreg [dreg:$0x10]  }
0xf4: {  	s4 =	rddreg [dreg:$0xe]  }
0xf5: {  	s0 =	sadd.s32 $0xFFFFFFFF, s0;
	s7 =	rddreg [dreg:$0xf]  }
0xf6: {  	[hbm:s4@s7], [sflag:s13] =	dma.strided [spmem:s19@s3], $0x50, s21, $0x10   }
.LBB2_3:
0xf7: {  	_ =	swait.ge [sflag:s18], $0x50  }
0xf8: {  	[sflag:s18] =	ssyncset.done $0x0  }
0xf9: {  	[sflag:s18] =	ssyncadd.s32 $0xFFFFFFB0  }
0xfa: {  	_ =	sfence.sel $0x180000  }
0xfb: {  	[bflag:$0x0] =	sbarrier.arrive $0xFFFF  }
0xfc: {  	_ =	strace $0x90000047  }
0xfd: {  	s0 =	stileid.u32;
	[bflag:$0x2] =	sbarrier.arrive $0xFFFF  }
0xfe: {  	p0 =	sne.s32 s0, $0x0;
	s0 =	rddreg [dreg:$0x2]  }
0xff: {  	s0 =	sadd.s32 @!p0 $0x100000, s0  }
0x100: {  	[sflag:s0] =	ssyncadd.tile.s32 @!p0 $0x1;
	_ =	shalt  }
.Lfunc_end2:
_tile_overlayer_lowered:
.L_overlay_start_2:
0x101: {  	(tag) =	ssettag $0x2  }
0x102: {  	s0 =	rddreg [dreg:$0x0];
	s2 =	stileid.u32  }
0x103: {  	s1 =	rddreg [dreg:$0x1];
	p0 =	sne.s32 s2, $0x0  }
0x104: {  	s3 =	rddreg [dreg:$0x2];
	[bflag:$0x3] =	sbarrier.arrive $0xFFFF;
	s2 =	simm.s32 @!p0 $0x1C0B  }
0x105: {  	[timem:s3], [sflag:s2] =	dma.local @!p0 [hbm:s0], s1  }
0x106: {  	s0 =	simm.s32 @!p0 $0xB  }
0x107: {  	_ =	swait.ge @!p0 [sflag:s0], s1  }
0x108: {  	s1 =	ssub.s32 @!p0 $0x0, s1;
	[sflag:s0] =	ssyncset.done @!p0 $0x0  }
0x109: {  	[sflag:s0] =	ssyncadd.s32 @!p0 s1  }
0x10a: {  	[bflag:$0x3] =	sbarrier.arrive $0xFFFF  }
0x10b: {  	_ =	shalt  }

</sc_bundles>
